<compile_context>
chip_gen: v7x
topology: tpu7x:2x2x1
jax: 0.10.2.dev20260603
libtpu: 0.0.44.dev20260713+nightly
codegen_flags: <defaults>
</compile_context>

<pallas_src>
import functools

import jax
import jax.numpy as jnp
from jax import lax
from jax.experimental import pallas as pl
from jax.experimental.pallas import tpu as pltpu
from jax.experimental.pallas import tpu_sc as plsc

_THRESHOLD = 64.0
_NEG = -1e30
_LANES = 128
_ROWS = 8
_B = 128
_V = 100000

_NC = 2
_NS = 16
_QCOLS = 49920
_SCV = 2 * _QCOLS
_CH = 4992
_NSEC = _QCOLS // _CH


def _panel_top2_sumexp(x):
    m1 = jnp.max(x, axis=1, keepdims=True)
    eq = x == m1
    runner = jnp.max(jnp.where(eq, _NEG, x), axis=1, keepdims=True)
    cnt = jnp.sum(eq.astype(jnp.float32), axis=1, keepdims=True)
    m2 = jnp.where(cnt > 1.0, m1, runner)
    s = jnp.sum(jnp.exp(x - m1), axis=1, keepdims=True)
    return m1, m2, s


def _merge_top2(a1, a2, b1, b2):
    m1 = jnp.maximum(a1, b1)
    m2 = jnp.maximum(jnp.minimum(a1, b1), jnp.where(a1 >= b1, a2, b2))
    return m1, m2


def _sc_kernel(x_hbm, out_hbm, buf_a, buf_b, m1s, m2s, ss, stage, sem_a,
               sem_b):
    wid = lax.axis_index("s") * _NC + lax.axis_index("c")
    g = wid // 2
    q = wid % 2
    row0 = g * 8
    base = q * _QCOLS
    bufs = (buf_a, buf_b)
    sems = (sem_a, sem_b)
    negv = jnp.full((16,), _NEG, jnp.float32)

    def _start(sec):
        return pltpu.async_copy(
            x_hbm.at[pl.ds(row0, 8), pl.ds(base + sec * _CH, _CH)],
            bufs[sec % 2], sems[sec % 2])

    def _init(r, _):
        m1s[r, :] = negv
        m2s[r, :] = negv
        ss[r, :] = jnp.zeros((16,), jnp.float32)
        return 0

    lax.fori_loop(0, 8, _init, 0)

    handle = _start(0)
    for sec in range(_NSEC):
        handle.wait()
        if sec + 1 < _NSEC:
            handle = _start(sec + 1)
        buf = bufs[sec % 2]

        def _row(r, _):
            def _top2(i, c):
                a10, a20, a11, a21, a12, a22, a13, a23 = c
                o = i * 128
                v0 = buf[r, pl.ds(o, 16)]
                v1 = buf[r, pl.ds(o + 16, 16)]
                v2 = buf[r, pl.ds(o + 32, 16)]
                v3 = buf[r, pl.ds(o + 48, 16)]
                v4 = buf[r, pl.ds(o + 64, 16)]
                v5 = buf[r, pl.ds(o + 80, 16)]
                v6 = buf[r, pl.ds(o + 96, 16)]
                v7 = buf[r, pl.ds(o + 112, 16)]
                a20 = jnp.maximum(a20, jnp.minimum(a10, v0))
                a10 = jnp.maximum(a10, v0)
                a21 = jnp.maximum(a21, jnp.minimum(a11, v1))
                a11 = jnp.maximum(a11, v1)
                a22 = jnp.maximum(a22, jnp.minimum(a12, v2))
                a12 = jnp.maximum(a12, v2)
                a23 = jnp.maximum(a23, jnp.minimum(a13, v3))
                a13 = jnp.maximum(a13, v3)
                a20 = jnp.maximum(a20, jnp.minimum(a10, v4))
                a10 = jnp.maximum(a10, v4)
                a21 = jnp.maximum(a21, jnp.minimum(a11, v5))
                a11 = jnp.maximum(a11, v5)
                a22 = jnp.maximum(a22, jnp.minimum(a12, v6))
                a12 = jnp.maximum(a12, v6)
                a23 = jnp.maximum(a23, jnp.minimum(a13, v7))
                a13 = jnp.maximum(a13, v7)
                return (a10, a20, a11, a21, a12, a22, a13, a23)

            cpairs = lax.fori_loop(0, _CH // 128, _top2, (negv,) * 8)
            b1, b2 = cpairs[0], cpairs[1]
            for u in range(1, 4):
                b1, b2 = _merge_top2(b1, b2, cpairs[2 * u], cpairs[2 * u + 1])
            m1v = m1s[r, :]
            m1n, m2n = _merge_top2(m1v, m2s[r, :], b1, b2)
            m1s[r, :] = m1n
            m2s[r, :] = m2n
            sv = ss[r, :] * jnp.exp(m1v - m1n)

            def _esum(i, c):
                s0, s1, s2, s3 = c
                o = i * 128
                s0 = s0 + jnp.exp(buf[r, pl.ds(o, 16)] - m1n)
                s1 = s1 + jnp.exp(buf[r, pl.ds(o + 16, 16)] - m1n)
                s2 = s2 + jnp.exp(buf[r, pl.ds(o + 32, 16)] - m1n)
                s3 = s3 + jnp.exp(buf[r, pl.ds(o + 48, 16)] - m1n)
                s0 = s0 + jnp.exp(buf[r, pl.ds(o + 64, 16)] - m1n)
                s1 = s1 + jnp.exp(buf[r, pl.ds(o + 80, 16)] - m1n)
                s2 = s2 + jnp.exp(buf[r, pl.ds(o + 96, 16)] - m1n)
                s3 = s3 + jnp.exp(buf[r, pl.ds(o + 112, 16)] - m1n)
                return (s0, s1, s2, s3)

            zs = jnp.zeros((16,), jnp.float32)
            s0, s1, s2, s3 = lax.fori_loop(0, _CH // 128, _esum,
                                           (zs, zs, zs, zs))
            ss[r, :] = sv + (s0 + s1) + (s2 + s3)
            return 0

        lax.fori_loop(0, 8, _row, 0)

    iv = lax.iota(jnp.int32, 16)

    def _fold(r, _):
        m1v = m1s[r, :]
        m2v = m2s[r, :]
        sv = ss[r, :]
        g1 = jnp.max(m1v)
        eq = m1v == g1
        cnt = plsc.all_reduce_population_count(eq)
        runner = jnp.max(jnp.where(eq, _NEG, m1v))
        g2v = jnp.where(cnt > 1, g1, jnp.maximum(runner, jnp.max(m2v)))
        sg = jnp.sum(sv * jnp.exp(m1v - g1))
        ov = jnp.where(iv == 0, g1, jnp.where(iv == 1, g2v,
                                              jnp.where(iv == 2, sg, 0.0)))
        stage[r, :] = ov
        return 0

    lax.fori_loop(0, 8, _fold, 0)
    pltpu.sync_copy(stage, out_hbm.at[q, pl.ds(g * 8, 8), :])


def _tc_tail_kernel(scp_ref, strip_ref, true_ref, res_ref):
    m1, m2, s = _panel_top2_sumexp(strip_ref[...])
    for p in range(2):
        p1 = scp_ref[p, :, 0:1]
        p2 = scp_ref[p, :, 1:2]
        ps = scp_ref[p, :, 2:3]
        n1, n2 = _merge_top2(m1, m2, p1, p2)
        s = s * jnp.exp(m1 - n1) + ps * jnp.exp(p1 - n1)
        m1, m2 = n1, n2

    true = true_ref[...]
    masked_max = jnp.where(true == m1, m2, m1)
    margin = true - masked_max
    lse = m1 + jnp.log(s)
    l = jnp.where(margin >= 0.0, 1.0 - margin, 1.0 - true + lse)
    l = jnp.maximum(l, 0.0)

    ones_row = jnp.ones((1, _LANES), jnp.float32)
    bc = jax.lax.dot_general(l, ones_row, (((1,), (0,)), ((), ())),
                             precision=jax.lax.Precision.HIGHEST)
    br = bc.T
    ii = jax.lax.broadcasted_iota(jnp.int32, (_LANES, _LANES), 0)
    jj = jax.lax.broadcasted_iota(jnp.int32, (_LANES, _LANES), 1)
    prec = ((br < bc) | ((br == bc) & (jj < ii))).astype(jnp.float32)
    incl = jnp.where((br == bc) & (jj == ii), 1.0, prec)
    ones_col = jnp.ones((_LANES, 1), jnp.float32)
    rank = jax.lax.dot_general(prec, ones_col, (((1,), (0,)), ((), ())),
                               precision=jax.lax.Precision.HIGHEST)
    csum = jax.lax.dot_general(incl, l, (((1,), (0,)), ((), ())),
                               precision=jax.lax.Precision.HIGHEST)
    keep = (csum <= _THRESHOLD + 1.0 - rank).astype(jnp.float32)
    c1 = jnp.sum(keep * l)
    c2 = jnp.float32(_LANES) - jnp.sum(keep)
    res_ref[0, 0] = jnp.where(c1 < c2, c2, c1)


@jax.jit
def kernel(output, target):
    B, V = output.shape
    rows = jnp.arange(B, dtype=jnp.int32)
    true = output[rows, target.astype(jnp.int32)].reshape(B, 1)

    sc_fn = pl.kernel(
        _sc_kernel,
        out_type=jax.ShapeDtypeStruct((2, _B, 16), jnp.float32),
        mesh=plsc.VectorSubcoreMesh(core_axis_name="c", subcore_axis_name="s",
                                    num_cores=_NC, num_subcores=_NS),
        scratch_types=[
            pltpu.VMEM((8, _CH), jnp.float32),
            pltpu.VMEM((8, _CH), jnp.float32),
            pltpu.VMEM((8, 16), jnp.float32),
            pltpu.VMEM((8, 16), jnp.float32),
            pltpu.VMEM((8, 16), jnp.float32),
            pltpu.VMEM((8, 16), jnp.float32),
            pltpu.SemaphoreType.DMA,
            pltpu.SemaphoreType.DMA,
        ],
        compiler_params=pltpu.CompilerParams(needs_layout_passes=False),
    )
    scp = sc_fn(output)

    strip = lax.slice(output, (0, _SCV), (B, V))

    res = pl.pallas_call(
        _tc_tail_kernel,
        grid=(1,),
        in_specs=[
            pl.BlockSpec((2, _B, 16), lambda i: (0, 0, 0)),
            pl.BlockSpec((_B, V - _SCV), lambda i: (0, 0)),
            pl.BlockSpec((_B, 1), lambda i: (0, 0)),
        ],
        out_specs=pl.BlockSpec((1, 1), lambda i: (0, 0),
                               memory_space=pltpu.SMEM),
        out_shape=jax.ShapeDtypeStruct((1, 1), jnp.float32),
    )(scp, strip, true)
    return res[0, 0]

# --- scband reference (transcript-rebuilt; emitter-appended) ---
"""Pipeline reference for scband-tight-closs-47648367182237 (READ-ONLY COPY).

The authoritative reference and input builder live on the scoring server;
editing this copy changes nothing except your own understanding.
"""

import jax, jax.numpy as jnp
import numpy as np

# The original module references an undefined `threshold`; we fix it as a
# module-level constant = batch_size / 2.
THRESHOLD = 64.0


def setup_inputs(seed: int = 0) -> dict:
    key = jax.random.key(seed)
    k1, k2 = jax.random.split(key)
    output = jax.random.normal(k1, (128, 100000), dtype=jnp.float32)
    target = jax.random.randint(k2, (128,), 0, 100000, dtype=jnp.int32)
    return {"output": output, "target": target}


def _soft_hinge_loss(margin, output, target, true_scores):
    lse = jax.scipy.special.logsumexp(output, axis=1)
    l = jnp.where(margin >= 0, 1.0 - margin, 1.0 - true_scores + lse)
    l = jnp.maximum(l, 0.0)
    return l


def _partial_opt(loss_value, threshold):
    B = loss_value.shape[0]
    order = jnp.argsort(loss_value)
    sorted_loss = loss_value[order]
    csum = jnp.cumsum(sorted_loss)
    i = jnp.arange(B, dtype=loss_value.dtype)
    keep = (csum <= threshold + 1.0 - i).astype(jnp.int32)
    v = jnp.zeros((B,), dtype=jnp.int32).at[order].set(keep)
    return v


def reference(output, target):
    B = output.shape[0]
    rows = jnp.arange(B)
    t = target.astype(jnp.int32)
    true_scores = output[rows, t]
    tmp = output.at[rows, t].set(-jnp.inf)
    margin = true_scores - jnp.max(tmp, axis=1)
    l = _soft_hinge_loss(margin, output, t, true_scores)
    v = _partial_opt(l, THRESHOLD)
    vf = v.astype(l.dtype)  # long cast in torch => detached constant mask
    curriculum_loss_1 = jnp.dot(vf, l)
    curriculum_loss_2 = jnp.asarray(B, l.dtype) - jnp.sum(vf)
    return jnp.where(curriculum_loss_1 < curriculum_loss_2, curriculum_loss_2, curriculum_loss_1)

if __name__ == "__main__":
    import jax
    _d = setup_inputs()
    print(jax.jit(kernel)(*tuple(_d.values())))

</pallas_src>

<mosaic_0001>
#map = affine_map<(d0, d1) -> (0, 0)>
#map1 = affine_map<(d0, d1) -> (0, 0, 0)>
module attributes {stable_mosaic.version = 14 : i64} {
  func.func @_sc_kernel(%arg0: i32, %arg1: i32, %arg2: memref<128x100000xf32, #tpu.memory_space<hbm>>, %arg3: memref<2x128x16xf32, #tpu.memory_space<hbm>>, %arg4: memref<8x4992xf32, #tpu.memory_space<vmem>>, %arg5: memref<8x4992xf32, #tpu.memory_space<vmem>>, %arg6: memref<8x16xf32, #tpu.memory_space<vmem>>, %arg7: memref<8x16xf32, #tpu.memory_space<vmem>>, %arg8: memref<8x16xf32, #tpu.memory_space<vmem>>, %arg9: memref<8x16xf32, #tpu.memory_space<vmem>>, %arg10: memref<!tpu.dma_semaphore, #tpu.memory_space<semaphore_mem>>, %arg11: memref<!tpu.dma_semaphore, #tpu.memory_space<semaphore_mem>>) attributes {dimension_semantics = [#tpu.dimension_semantics<core_parallel>, #tpu.dimension_semantics<subcore_parallel>], iteration_bounds = array<i64: 2, 16>, scalar_prefetch = 0 : i64, scratch_operands = 8 : i64, tpu.core_type = #tpu.core_type<sc_vector_subcore>, window_params = [{transform_indices = #map}, {transform_indices = #map1}]} {
    %mul3A = arith.constant 2 : i32
    %mul3A_0 = arith.muli %arg1, %mul3A : i32
    %add3A = arith.addi %mul3A_0, %arg0 : i32
    %jit3A = arith.constant 2 : i32
    %div3A = arith.divsi %add3A, %jit3A : i32
    %sign3A = arith.constant 0 : i32
    %sign3A_1 = arith.cmpi sgt, %add3A, %sign3A : i32
    %sign3A_2 = arith.extui %sign3A_1 : i1 to i32
    %sign3A_3 = arith.constant 0 : i32
    %sign3A_4 = arith.cmpi slt, %add3A, %sign3A_3 : i32
    %sign3A_5 = arith.extui %sign3A_4 : i1 to i32
    %sign3A_6 = arith.subi %sign3A_2, %sign3A_5 : i32
    %sign3A_7 = arith.constant 0 : i32
    %sign3A_8 = arith.cmpi sgt, %jit3A, %sign3A_7 : i32
    %sign3A_9 = arith.extui %sign3A_8 : i1 to i32
    %sign3A_10 = arith.constant 0 : i32
    %sign3A_11 = arith.cmpi slt, %jit3A, %sign3A_10 : i32
    %sign3A_12 = arith.extui %sign3A_11 : i1 to i32
    %sign3A_13 = arith.subi %sign3A_9, %sign3A_12 : i32
    %ne3A = arith.cmpi ne, %sign3A_6, %sign3A_13 : i32
    %rem3A = arith.remsi %add3A, %jit3A : i32
    %ne3A_14 = arith.constant 0 : i32
    %ne3A_15 = arith.cmpi ne, %rem3A, %ne3A_14 : i32
    %and3A = arith.andi %ne3A, %ne3A_15 : i1
    %sub3A = arith.constant 1 : i32
    %sub3A_16 = arith.subi %div3A, %sub3A : i32
    %select_n3A = arith.select %and3A, %sub3A_16, %div3A : i32
    %jit3A_17 = arith.constant 2 : i32
    %eq3A = arith.constant 0 : i32
    %eq3A_18 = arith.cmpi eq, %jit3A_17, %eq3A : i32
    %jit3A_19 = arith.constant 1 : i32
    %select_n3A_20 = arith.select %eq3A_18, %jit3A_19, %jit3A_17 : i32
    %rem3A_21 = arith.remsi %add3A, %select_n3A_20 : i32
    %ne3A_22 = arith.constant 0 : i32
    %ne3A_23 = arith.cmpi ne, %rem3A_21, %ne3A_22 : i32
    %lt3A = arith.constant 0 : i32
    %lt3A_24 = arith.cmpi slt, %rem3A_21, %lt3A : i32
    %lt3A_25 = arith.constant 0 : i32
    %lt3A_26 = arith.cmpi slt, %select_n3A_20, %lt3A_25 : i32
    %ne3A_27 = arith.xori %lt3A_24, %lt3A_26 : i1
    %and3A_28 = arith.andi %ne3A_27, %ne3A_23 : i1
    %add3A_29 = arith.addi %rem3A_21, %select_n3A_20 : i32
    %select_n3A_30 = arith.select %and3A_28, %add3A_29, %rem3A_21 : i32
    %mul3A_31 = arith.constant 8 : i32
    %mul3A_32 = arith.muli %select_n3A, %mul3A_31 : i32
    %mul3A_33 = arith.constant 49920 : i32
    %mul3A_34 = arith.muli %select_n3A_30, %mul3A_33 : i32
    %broadcast_in_dim3A = arith.constant -1.000000e+30 : f32
    %broadcast_in_dim3A_35 = vector.broadcast %broadcast_in_dim3A : f32 to vector<16xf32>
    %scan3A = arith.constant 0 : i32
    %scan3A_36 = arith.constant 0 : i32
    %scan3A_37 = arith.constant 8 : i32
    %scan3A_38 = arith.addi %scan3A_36, %scan3A_37 : i32
    %scan3A_39 = arith.constant 1 : i32
    %scan3A_40 = scf.for %scan3A_179 = %scan3A_36 to %scan3A_38 step %scan3A_39 iter_args(%scan3A_180 = %scan3A) -> (i32)  : i32 {
      %swap3A = arith.index_cast %scan3A_179 : i32 to index
      %swap3A_181 = arith.constant 0 : index
      %swap3A_182 = tpu.vector_load %arg6[%swap3A, %swap3A_181] {strides = array<i32>} : memref<8x16xf32, #tpu.memory_space<vmem>>, vector<16xf32>,
      tpu.vector_store %arg6[%swap3A, %swap3A_181], %broadcast_in_dim3A_35 {strides = array<i32>} : memref<8x16xf32, #tpu.memory_space<vmem>>, vector<16xf32>,
      %swap3A_183 = arith.index_cast %scan3A_179 : i32 to index
      %swap3A_184 = arith.constant 0 : index
      %swap3A_185 = tpu.vector_load %arg7[%swap3A_183, %swap3A_184] {strides = array<i32>} : memref<8x16xf32, #tpu.memory_space<vmem>>, vector<16xf32>,
      tpu.vector_store %arg7[%swap3A_183, %swap3A_184], %broadcast_in_dim3A_35 {strides = array<i32>} : memref<8x16xf32, #tpu.memory_space<vmem>>, vector<16xf32>,
      %broadcast_in_dim3A_186 = arith.constant 0.000000e+00 : f32
      %broadcast_in_dim3A_187 = vector.broadcast %broadcast_in_dim3A_186 : f32 to vector<16xf32>
      %swap3A_188 = arith.index_cast %scan3A_179 : i32 to index
      %swap3A_189 = arith.constant 0 : index
      %swap3A_190 = tpu.vector_load %arg8[%swap3A_188, %swap3A_189] {strides = array<i32>} : memref<8x16xf32, #tpu.memory_space<vmem>>, vector<16xf32>,
      tpu.vector_store %arg8[%swap3A_188, %swap3A_189], %broadcast_in_dim3A_187 {strides = array<i32>} : memref<8x16xf32, #tpu.memory_space<vmem>>, vector<16xf32>,
      %scan3A_191 = arith.constant 0 : i32
      scf.yield %scan3A_191 : i32
    }
    %scan3A_41 = arith.constant 8 : i32
    %add3A_42 = arith.constant 0 : i32
    %add3A_43 = arith.addi %mul3A_34, %add3A_42 : i32
    %dma_start3A = tpu.memref_slice %arg2[%mul3A_32, %add3A_43] : memref<128x100000xf32, #tpu.memory_space<hbm>> -> memref<8x4992xf32, #tpu.memory_space<hbm>>
    %dma_start3A_44 = tpu.memref_slice %arg2[%mul3A_32, %add3A_43] : memref<128x100000xf32, #tpu.memory_space<hbm>> -> memref<8x4992xf32, #tpu.memory_space<hbm>>
    tpu.enqueue_dma source(%dma_start3A_44 : memref<8x4992xf32, #tpu.memory_space<hbm>>) target(%arg4 : memref<8x4992xf32, #tpu.memory_space<vmem>>) target_semaphore(%arg10 : memref<!tpu.dma_semaphore, #tpu.memory_space<semaphore_mem>>)
    %dma_wait3A = tpu.memref_slice %arg2[%mul3A_32, %add3A_43] : memref<128x100000xf32, #tpu.memory_space<hbm>> -> memref<8x4992xf32, #tpu.memory_space<hbm>>
    %dma_wait3A_45 = tpu.memref_slice %arg2[%mul3A_32, %add3A_43] : memref<128x100000xf32, #tpu.memory_space<hbm>> -> memref<8x4992xf32, #tpu.memory_space<hbm>>
    tpu.wait_dma2 semaphore(%arg10 : memref<!tpu.dma_semaphore, #tpu.memory_space<semaphore_mem>>) src(%dma_wait3A_45 : memref<8x4992xf32, #tpu.memory_space<hbm>>) dst(%arg4 : memref<8x4992xf32, #tpu.memory_space<vmem>>)
    %add3A_46 = arith.constant 4992 : i32
    %add3A_47 = arith.addi %mul3A_34, %add3A_46 : i32
    %dma_start3A_48 = tpu.memref_slice %arg2[%mul3A_32, %add3A_47] : memref<128x100000xf32, #tpu.memory_space<hbm>> -> memref<8x4992xf32, #tpu.memory_space<hbm>>
    %dma_start3A_49 = tpu.memref_slice %arg2[%mul3A_32, %add3A_47] : memref<128x100000xf32, #tpu.memory_space<hbm>> -> memref<8x4992xf32, #tpu.memory_space<hbm>>
    tpu.enqueue_dma source(%dma_start3A_49 : memref<8x4992xf32, #tpu.memory_space<hbm>>) target(%arg5 : memref<8x4992xf32, #tpu.memory_space<vmem>>) target_semaphore(%arg11 : memref<!tpu.dma_semaphore, #tpu.memory_space<semaphore_mem>>)
    %scan3A_50 = arith.constant 0 : i32
    %scan3A_51 = arith.constant 0 : i32
    %scan3A_52 = arith.constant 8 : i32
    %scan3A_53 = arith.addi %scan3A_51, %scan3A_52 : i32
    %scan3A_54 = arith.constant 1 : i32
    %scan3A_55 = scf.for %scan3A_179 = %scan3A_51 to %scan3A_53 step %scan3A_54 iter_args(%scan3A_180 = %scan3A_50) -> (i32)  : i32 {
      %scan3A_181 = arith.constant 0 : i32
      %scan3A_182 = arith.constant 39 : i32
      %scan3A_183 = arith.addi %scan3A_181, %scan3A_182 : i32
      %scan3A_184 = arith.constant 1 : i32
      %scan3A_185:8 = scf.for %scan3A_235 = %scan3A_181 to %scan3A_183 step %scan3A_184 iter_args(%scan3A_236 = %broadcast_in_dim3A_35, %scan3A_237 = %broadcast_in_dim3A_35, %scan3A_238 = %broadcast_in_dim3A_35, %scan3A_239 = %broadcast_in_dim3A_35, %scan3A_240 = %broadcast_in_dim3A_35, %scan3A_241 = %broadcast_in_dim3A_35, %scan3A_242 = %broadcast_in_dim3A_35, %scan3A_243 = %broadcast_in_dim3A_35) -> (vector<16xf32>, vector<16xf32>, vector<16xf32>, vector<16xf32>, vector<16xf32>, vector<16xf32>, vector<16xf32>, vector<16xf32>)  : i32 {
        %mul3A_244 = arith.constant 128 : i32
        %mul3A_245 = arith.muli %scan3A_235, %mul3A_244 : i32
        %get3A_246 = arith.index_cast %scan3A_179 : i32 to index
        %get3A_247 = arith.index_cast %mul3A_245 : i32 to index
        %get3A_248 = tpu.vector_load %arg4[%get3A_246, %get3A_247] {strides = array<i32>} : memref<8x4992xf32, #tpu.memory_space<vmem>>, vector<16xf32>,
        %add3A_249 = arith.constant 16 : i32
        %add3A_250 = arith.addi %mul3A_245, %add3A_249 : i32
        %get3A_251 = arith.index_cast %scan3A_179 : i32 to index
        %get3A_252 = arith.index_cast %add3A_250 : i32 to index
        %get3A_253 = tpu.vector_load %arg4[%get3A_251, %get3A_252] {strides = array<i32>} : memref<8x4992xf32, #tpu.memory_space<vmem>>, vector<16xf32>,
        %add3A_254 = arith.constant 32 : i32
        %add3A_255 = arith.addi %mul3A_245, %add3A_254 : i32
        %get3A_256 = arith.index_cast %scan3A_179 : i32 to index
        %get3A_257 = arith.index_cast %add3A_255 : i32 to index
        %get3A_258 = tpu.vector_load %arg4[%get3A_256, %get3A_257] {strides = array<i32>} : memref<8x4992xf32, #tpu.memory_space<vmem>>, vector<16xf32>,
        %add3A_259 = arith.constant 48 : i32
        %add3A_260 = arith.addi %mul3A_245, %add3A_259 : i32
        %get3A_261 = arith.index_cast %scan3A_179 : i32 to index
        %get3A_262 = arith.index_cast %add3A_260 : i32 to index
        %get3A_263 = tpu.vector_load %arg4[%get3A_261, %get3A_262] {strides = array<i32>} : memref<8x4992xf32, #tpu.memory_space<vmem>>, vector<16xf32>,
        %add3A_264 = arith.constant 64 : i32
        %add3A_265 = arith.addi %mul3A_245, %add3A_264 : i32
        %get3A_266 = arith.index_cast %scan3A_179 : i32 to index
        %get3A_267 = arith.index_cast %add3A_265 : i32 to index
        %get3A_268 = tpu.vector_load %arg4[%get3A_266, %get3A_267] {strides = array<i32>} : memref<8x4992xf32, #tpu.memory_space<vmem>>, vector<16xf32>,
        %add3A_269 = arith.constant 80 : i32
        %add3A_270 = arith.addi %mul3A_245, %add3A_269 : i32
        %get3A_271 = arith.index_cast %scan3A_179 : i32 to index
        %get3A_272 = arith.index_cast %add3A_270 : i32 to index
        %get3A_273 = tpu.vector_load %arg4[%get3A_271, %get3A_272] {strides = array<i32>} : memref<8x4992xf32, #tpu.memory_space<vmem>>, vector<16xf32>,
        %add3A_274 = arith.constant 96 : i32
        %add3A_275 = arith.addi %mul3A_245, %add3A_274 : i32
        %get3A_276 = arith.index_cast %scan3A_179 : i32 to index
        %get3A_277 = arith.index_cast %add3A_275 : i32 to index
        %get3A_278 = tpu.vector_load %arg4[%get3A_276, %get3A_277] {strides = array<i32>} : memref<8x4992xf32, #tpu.memory_space<vmem>>, vector<16xf32>,
        %add3A_279 = arith.constant 112 : i32
        %add3A_280 = arith.addi %mul3A_245, %add3A_279 : i32
        %get3A_281 = arith.index_cast %scan3A_179 : i32 to index
        %get3A_282 = arith.index_cast %add3A_280 : i32 to index
        %get3A_283 = tpu.vector_load %arg4[%get3A_281, %get3A_282] {strides = array<i32>} : memref<8x4992xf32, #tpu.memory_space<vmem>>, vector<16xf32>,
        %min3A_284 = arith.minimumf %scan3A_236, %get3A_248 : vector<16xf32>
        %max3A_285 = arith.maximumf %scan3A_237, %min3A_284 : vector<16xf32>
        %max3A_286 = arith.maximumf %scan3A_236, %get3A_248 : vector<16xf32>
        %min3A_287 = arith.minimumf %scan3A_238, %get3A_253 : vector<16xf32>
        %max3A_288 = arith.maximumf %scan3A_239, %min3A_287 : vector<16xf32>
        %max3A_289 = arith.maximumf %scan3A_238, %get3A_253 : vector<16xf32>
        %min3A_290 = arith.minimumf %scan3A_240, %get3A_258 : vector<16xf32>
        %max3A_291 = arith.maximumf %scan3A_241, %min3A_290 : vector<16xf32>
        %max3A_292 = arith.maximumf %scan3A_240, %get3A_258 : vector<16xf32>
        %min3A_293 = arith.minimumf %scan3A_242, %get3A_263 : vector<16xf32>
        %max3A_294 = arith.maximumf %scan3A_243, %min3A_293 : vector<16xf32>
        %max3A_295 = arith.maximumf %scan3A_242, %get3A_263 : vector<16xf32>
        %min3A_296 = arith.minimumf %max3A_286, %get3A_268 : vector<16xf32>
        %max3A_297 = arith.maximumf %max3A_285, %min3A_296 : vector<16xf32>
        %max3A_298 = arith.maximumf %max3A_286, %get3A_268 : vector<16xf32>
        %min3A_299 = arith.minimumf %max3A_289, %get3A_273 : vector<16xf32>
        %max3A_300 = arith.maximumf %max3A_288, %min3A_299 : vector<16xf32>
        %max3A_301 = arith.maximumf %max3A_289, %get3A_273 : vector<16xf32>
        %min3A_302 = arith.minimumf %max3A_292, %get3A_278 : vector<16xf32>
        %max3A_303 = arith.maximumf %max3A_291, %min3A_302 : vector<16xf32>
        %max3A_304 = arith.maximumf %max3A_292, %get3A_278 : vector<16xf32>
        %min3A_305 = arith.minimumf %max3A_295, %get3A_283 : vector<16xf32>
        %max3A_306 = arith.maximumf %max3A_294, %min3A_305 : vector<16xf32>
        %max3A_307 = arith.maximumf %max3A_295, %get3A_283 : vector<16xf32>
        scf.yield %max3A_298, %max3A_297, %max3A_301, %max3A_300, %max3A_304, %max3A_303, %max3A_307, %max3A_306 : vector<16xf32>, vector<16xf32>, vector<16xf32>, vector<16xf32>, vector<16xf32>, vector<16xf32>, vector<16xf32>, vector<16xf32>
      }
      %scan3A_186 = arith.constant 39 : i32
      %max3A = arith.maximumf %scan3A_185#0, %scan3A_185#2 : vector<16xf32>
      %min3A = arith.minimumf %scan3A_185#0, %scan3A_185#2 : vector<16xf32>
      %ge3A = arith.cmpf oge, %scan3A_185#0, %scan3A_185#2 : vector<16xf32>
      %select_n3A_187 = arith.select %ge3A, %scan3A_185#1, %scan3A_185#3 : vector<16xi1>, vector<16xf32>
      %max3A_188 = arith.maximumf %min3A, %select_n3A_187 : vector<16xf32>
      %max3A_189 = arith.maximumf %max3A, %scan3A_185#4 : vector<16xf32>
      %min3A_190 = arith.minimumf %max3A, %scan3A_185#4 : vector<16xf32>
      %ge3A_191 = arith.cmpf oge, %max3A, %scan3A_185#4 : vector<16xf32>
      %select_n3A_192 = arith.select %ge3A_191, %max3A_188, %scan3A_185#5 : vector<16xi1>, vector<16xf32>
      %max3A_193 = arith.maximumf %min3A_190, %select_n3A_192 : vector<16xf32>
      %max3A_194 = arith.maximumf %max3A_189, %scan3A_185#6 : vector<16xf32>
      %min3A_195 = arith.minimumf %max3A_189, %scan3A_185#6 : vector<16xf32>
      %ge3A_196 = arith.cmpf oge, %max3A_189, %scan3A_185#6 : vector<16xf32>
      %select_n3A_197 = arith.select %ge3A_196, %max3A_193, %scan3A_185#7 : vector<16xi1>, vector<16xf32>
      %max3A_198 = arith.maximumf %min3A_195, %select_n3A_197 : vector<16xf32>
      %get3A = arith.index_cast %scan3A_179 : i32 to index
      %get3A_199 = arith.constant 0 : index
      %get3A_200 = tpu.vector_load %arg6[%get3A, %get3A_199] {strides = array<i32>} : memref<8x16xf32, #tpu.memory_space<vmem>>, vector<16xf32>,
      %get3A_201 = arith.index_cast %scan3A_179 : i32 to index
      %get3A_202 = arith.constant 0 : index
      %get3A_203 = tpu.vector_load %arg7[%get3A_201, %get3A_202] {strides = array<i32>} : memref<8x16xf32, #tpu.memory_space<vmem>>, vector<16xf32>,
      %max3A_204 = arith.maximumf %get3A_200, %max3A_194 : vector<16xf32>
      %min3A_205 = arith.minimumf %get3A_200, %max3A_194 : vector<16xf32>
      %ge3A_206 = arith.cmpf oge, %get3A_200, %max3A_194 : vector<16xf32>
      %select_n3A_207 = arith.select %ge3A_206, %get3A_203, %max3A_198 : vector<16xi1>, vector<16xf32>
      %max3A_208 = arith.maximumf %min3A_205, %select_n3A_207 : vector<16xf32>
      %swap3A = arith.index_cast %scan3A_179 : i32 to index
      %swap3A_209 = arith.constant 0 : index
      %swap3A_210 = tpu.vector_load %arg6[%swap3A, %swap3A_209] {strides = array<i32>} : memref<8x16xf32, #tpu.memory_space<vmem>>, vector<16xf32>,
      tpu.vector_store %arg6[%swap3A, %swap3A_209], %max3A_204 {strides = array<i32>} : memref<8x16xf32, #tpu.memory_space<vmem>>, vector<16xf32>,
      %swap3A_211 = arith.index_cast %scan3A_179 : i32 to index
      %swap3A_212 = arith.constant 0 : index
      %swap3A_213 = tpu.vector_load %arg7[%swap3A_211, %swap3A_212] {strides = array<i32>} : memref<8x16xf32, #tpu.memory_space<vmem>>, vector<16xf32>,
      tpu.vector_store %arg7[%swap3A_211, %swap3A_212], %max3A_208 {strides = array<i32>} : memref<8x16xf32, #tpu.memory_space<vmem>>, vector<16xf32>,
      %get3A_214 = arith.index_cast %scan3A_179 : i32 to index
      %get3A_215 = arith.constant 0 : index
      %get3A_216 = tpu.vector_load %arg8[%get3A_214, %get3A_215] {strides = array<i32>} : memref<8x16xf32, #tpu.memory_space<vmem>>, vector<16xf32>,
      %sub3A_217 = arith.subf %get3A_200, %max3A_204 : vector<16xf32>
      %exp3A = math.exp %sub3A_217 : vector<16xf32>
      %mul3A_218 = arith.mulf %get3A_216, %exp3A : vector<16xf32>
      %broadcast_in_dim3A_219 = arith.constant 0.000000e+00 : f32
      %broadcast_in_dim3A_220 = vector.broadcast %broadcast_in_dim3A_219 : f32 to vector<16xf32>
      %scan3A_221 = arith.constant 0 : i32
      %scan3A_222 = arith.constant 39 : i32
      %scan3A_223 = arith.addi %scan3A_221, %scan3A_222 : i32
      %scan3A_224 = arith.constant 1 : i32
      %scan3A_225:4 = scf.for %scan3A_235 = %scan3A_221 to %scan3A_223 step %scan3A_224 iter_args(%scan3A_236 = %broadcast_in_dim3A_220, %scan3A_237 = %broadcast_in_dim3A_220, %scan3A_238 = %broadcast_in_dim3A_220, %scan3A_239 = %broadcast_in_dim3A_220) -> (vector<16xf32>, vector<16xf32>, vector<16xf32>, vector<16xf32>)  : i32 {
        %mul3A_240 = arith.constant 128 : i32
        %mul3A_241 = arith.muli %scan3A_235, %mul3A_240 : i32
        %get3A_242 = arith.index_cast %scan3A_179 : i32 to index
        %get3A_243 = arith.index_cast %mul3A_241 : i32 to index
        %get3A_244 = tpu.vector_load %arg4[%get3A_242, %get3A_243] {strides = array<i32>} : memref<8x4992xf32, #tpu.memory_space<vmem>>, vector<16xf32>,
        %sub3A_245 = arith.subf %get3A_244, %max3A_204 : vector<16xf32>
        %exp3A_246 = math.exp %sub3A_245 : vector<16xf32>
        %add3A_247 = arith.addf %scan3A_236, %exp3A_246 : vector<16xf32>
        %add3A_248 = arith.constant 16 : i32
        %add3A_249 = arith.addi %mul3A_241, %add3A_248 : i32
        %get3A_250 = arith.index_cast %scan3A_179 : i32 to index
        %get3A_251 = arith.index_cast %add3A_249 : i32 to index
        %get3A_252 = tpu.vector_load %arg4[%get3A_250, %get3A_251] {strides = array<i32>} : memref<8x4992xf32, #tpu.memory_space<vmem>>, vector<16xf32>,
        %sub3A_253 = arith.subf %get3A_252, %max3A_204 : vector<16xf32>
        %exp3A_254 = math.exp %sub3A_253 : vector<16xf32>
        %add3A_255 = arith.addf %scan3A_237, %exp3A_254 : vector<16xf32>
        %add3A_256 = arith.constant 32 : i32
        %add3A_257 = arith.addi %mul3A_241, %add3A_256 : i32
        %get3A_258 = arith.index_cast %scan3A_179 : i32 to index
        %get3A_259 = arith.index_cast %add3A_257 : i32 to index
        %get3A_260 = tpu.vector_load %arg4[%get3A_258, %get3A_259] {strides = array<i32>} : memref<8x4992xf32, #tpu.memory_space<vmem>>, vector<16xf32>,
        %sub3A_261 = arith.subf %get3A_260, %max3A_204 : vector<16xf32>
        %exp3A_262 = math.exp %sub3A_261 : vector<16xf32>
        %add3A_263 = arith.addf %scan3A_238, %exp3A_262 : vector<16xf32>
        %add3A_264 = arith.constant 48 : i32
        %add3A_265 = arith.addi %mul3A_241, %add3A_264 : i32
        %get3A_266 = arith.index_cast %scan3A_179 : i32 to index
        %get3A_267 = arith.index_cast %add3A_265 : i32 to index
        %get3A_268 = tpu.vector_load %arg4[%get3A_266, %get3A_267] {strides = array<i32>} : memref<8x4992xf32, #tpu.memory_space<vmem>>, vector<16xf32>,
        %sub3A_269 = arith.subf %get3A_268, %max3A_204 : vector<16xf32>
        %exp3A_270 = math.exp %sub3A_269 : vector<16xf32>
        %add3A_271 = arith.addf %scan3A_239, %exp3A_270 : vector<16xf32>
        %add3A_272 = arith.constant 64 : i32
        %add3A_273 = arith.addi %mul3A_241, %add3A_272 : i32
        %get3A_274 = arith.index_cast %scan3A_179 : i32 to index
        %get3A_275 = arith.index_cast %add3A_273 : i32 to index
        %get3A_276 = tpu.vector_load %arg4[%get3A_274, %get3A_275] {strides = array<i32>} : memref<8x4992xf32, #tpu.memory_space<vmem>>, vector<16xf32>,
        %sub3A_277 = arith.subf %get3A_276, %max3A_204 : vector<16xf32>
        %exp3A_278 = math.exp %sub3A_277 : vector<16xf32>
        %add3A_279 = arith.addf %add3A_247, %exp3A_278 : vector<16xf32>
        %add3A_280 = arith.constant 80 : i32
        %add3A_281 = arith.addi %mul3A_241, %add3A_280 : i32
        %get3A_282 = arith.index_cast %scan3A_179 : i32 to index
        %get3A_283 = arith.index_cast %add3A_281 : i32 to index
        %get3A_284 = tpu.vector_load %arg4[%get3A_282, %get3A_283] {strides = array<i32>} : memref<8x4992xf32, #tpu.memory_space<vmem>>, vector<16xf32>,
        %sub3A_285 = arith.subf %get3A_284, %max3A_204 : vector<16xf32>
        %exp3A_286 = math.exp %sub3A_285 : vector<16xf32>
        %add3A_287 = arith.addf %add3A_255, %exp3A_286 : vector<16xf32>
        %add3A_288 = arith.constant 96 : i32
        %add3A_289 = arith.addi %mul3A_241, %add3A_288 : i32
        %get3A_290 = arith.index_cast %scan3A_179 : i32 to index
        %get3A_291 = arith.index_cast %add3A_289 : i32 to index
        %get3A_292 = tpu.vector_load %arg4[%get3A_290, %get3A_291] {strides = array<i32>} : memref<8x4992xf32, #tpu.memory_space<vmem>>, vector<16xf32>,
        %sub3A_293 = arith.subf %get3A_292, %max3A_204 : vector<16xf32>
        %exp3A_294 = math.exp %sub3A_293 : vector<16xf32>
        %add3A_295 = arith.addf %add3A_263, %exp3A_294 : vector<16xf32>
        %add3A_296 = arith.constant 112 : i32
        %add3A_297 = arith.addi %mul3A_241, %add3A_296 : i32
        %get3A_298 = arith.index_cast %scan3A_179 : i32 to index
        %get3A_299 = arith.index_cast %add3A_297 : i32 to index
        %get3A_300 = tpu.vector_load %arg4[%get3A_298, %get3A_299] {strides = array<i32>} : memref<8x4992xf32, #tpu.memory_space<vmem>>, vector<16xf32>,
        %sub3A_301 = arith.subf %get3A_300, %max3A_204 : vector<16xf32>
        %exp3A_302 = math.exp %sub3A_301 : vector<16xf32>
        %add3A_303 = arith.addf %add3A_271, %exp3A_302 : vector<16xf32>
        scf.yield %add3A_279, %add3A_287, %add3A_295, %add3A_303 : vector<16xf32>, vector<16xf32>, vector<16xf32>, vector<16xf32>
      }
      %scan3A_226 = arith.constant 39 : i32
      %add3A_227 = arith.addf %scan3A_225#0, %scan3A_225#1 : vector<16xf32>
      %add3A_228 = arith.addf %mul3A_218, %add3A_227 : vector<16xf32>
      %add3A_229 = arith.addf %scan3A_225#2, %scan3A_225#3 : vector<16xf32>
      %add3A_230 = arith.addf %add3A_228, %add3A_229 : vector<16xf32>
      %swap3A_231 = arith.index_cast %scan3A_179 : i32 to index
      %swap3A_232 = arith.constant 0 : index
      %swap3A_233 = tpu.vector_load %arg8[%swap3A_231, %swap3A_232] {strides = array<i32>} : memref<8x16xf32, #tpu.memory_space<vmem>>, vector<16xf32>,
      tpu.vector_store %arg8[%swap3A_231, %swap3A_232], %add3A_230 {strides = array<i32>} : memref<8x16xf32, #tpu.memory_space<vmem>>, vector<16xf32>,
      %scan3A_234 = arith.constant 0 : i32
      scf.yield %scan3A_234 : i32
    }
    %scan3A_56 = arith.constant 8 : i32
    %dma_wait3A_57 = tpu.memref_slice %arg2[%mul3A_32, %add3A_47] : memref<128x100000xf32, #tpu.memory_space<hbm>> -> memref<8x4992xf32, #tpu.memory_space<hbm>>
    %dma_wait3A_58 = tpu.memref_slice %arg2[%mul3A_32, %add3A_47] : memref<128x100000xf32, #tpu.memory_space<hbm>> -> memref<8x4992xf32, #tpu.memory_space<hbm>>
    tpu.wait_dma2 semaphore(%arg11 : memref<!tpu.dma_semaphore, #tpu.memory_space<semaphore_mem>>) src(%dma_wait3A_58 : memref<8x4992xf32, #tpu.memory_space<hbm>>) dst(%arg5 : memref<8x4992xf32, #tpu.memory_space<vmem>>)
    %add3A_59 = arith.constant 9984 : i32
    %add3A_60 = arith.addi %mul3A_34, %add3A_59 : i32
    %dma_start3A_61 = tpu.memref_slice %arg2[%mul3A_32, %add3A_60] : memref<128x100000xf32, #tpu.memory_space<hbm>> -> memref<8x4992xf32, #tpu.memory_space<hbm>>
    %dma_start3A_62 = tpu.memref_slice %arg2[%mul3A_32, %add3A_60] : memref<128x100000xf32, #tpu.memory_space<hbm>> -> memref<8x4992xf32, #tpu.memory_space<hbm>>
    tpu.enqueue_dma source(%dma_start3A_62 : memref<8x4992xf32, #tpu.memory_space<hbm>>) target(%arg4 : memref<8x4992xf32, #tpu.memory_space<vmem>>) target_semaphore(%arg10 : memref<!tpu.dma_semaphore, #tpu.memory_space<semaphore_mem>>)
    %scan3A_63 = arith.constant 0 : i32
    %scan3A_64 = arith.constant 0 : i32
    %scan3A_65 = arith.constant 8 : i32
    %scan3A_66 = arith.addi %scan3A_64, %scan3A_65 : i32
    %scan3A_67 = arith.constant 1 : i32
    %scan3A_68 = scf.for %scan3A_179 = %scan3A_64 to %scan3A_66 step %scan3A_67 iter_args(%scan3A_180 = %scan3A_63) -> (i32)  : i32 {
      %scan3A_181 = arith.constant 0 : i32
      %scan3A_182 = arith.constant 39 : i32
      %scan3A_183 = arith.addi %scan3A_181, %scan3A_182 : i32
      %scan3A_184 = arith.constant 1 : i32
      %scan3A_185:8 = scf.for %scan3A_235 = %scan3A_181 to %scan3A_183 step %scan3A_184 iter_args(%scan3A_236 = %broadcast_in_dim3A_35, %scan3A_237 = %broadcast_in_dim3A_35, %scan3A_238 = %broadcast_in_dim3A_35, %scan3A_239 = %broadcast_in_dim3A_35, %scan3A_240 = %broadcast_in_dim3A_35, %scan3A_241 = %broadcast_in_dim3A_35, %scan3A_242 = %broadcast_in_dim3A_35, %scan3A_243 = %broadcast_in_dim3A_35) -> (vector<16xf32>, vector<16xf32>, vector<16xf32>, vector<16xf32>, vector<16xf32>, vector<16xf32>, vector<16xf32>, vector<16xf32>)  : i32 {
        %mul3A_244 = arith.constant 128 : i32
        %mul3A_245 = arith.muli %scan3A_235, %mul3A_244 : i32
        %get3A_246 = arith.index_cast %scan3A_179 : i32 to index
        %get3A_247 = arith.index_cast %mul3A_245 : i32 to index
        %get3A_248 = tpu.vector_load %arg5[%get3A_246, %get3A_247] {strides = array<i32>} : memref<8x4992xf32, #tpu.memory_space<vmem>>, vector<16xf32>,
        %add3A_249 = arith.constant 16 : i32
        %add3A_250 = arith.addi %mul3A_245, %add3A_249 : i32
        %get3A_251 = arith.index_cast %scan3A_179 : i32 to index
        %get3A_252 = arith.index_cast %add3A_250 : i32 to index
        %get3A_253 = tpu.vector_load %arg5[%get3A_251, %get3A_252] {strides = array<i32>} : memref<8x4992xf32, #tpu.memory_space<vmem>>, vector<16xf32>,
        %add3A_254 = arith.constant 32 : i32
        %add3A_255 = arith.addi %mul3A_245, %add3A_254 : i32
        %get3A_256 = arith.index_cast %scan3A_179 : i32 to index
        %get3A_257 = arith.index_cast %add3A_255 : i32 to index
        %get3A_258 = tpu.vector_load %arg5[%get3A_256, %get3A_257] {strides = array<i32>} : memref<8x4992xf32, #tpu.memory_space<vmem>>, vector<16xf32>,
        %add3A_259 = arith.constant 48 : i32
        %add3A_260 = arith.addi %mul3A_245, %add3A_259 : i32
        %get3A_261 = arith.index_cast %scan3A_179 : i32 to index
        %get3A_262 = arith.index_cast %add3A_260 : i32 to index
        %get3A_263 = tpu.vector_load %arg5[%get3A_261, %get3A_262] {strides = array<i32>} : memref<8x4992xf32, #tpu.memory_space<vmem>>, vector<16xf32>,
        %add3A_264 = arith.constant 64 : i32
        %add3A_265 = arith.addi %mul3A_245, %add3A_264 : i32
        %get3A_266 = arith.index_cast %scan3A_179 : i32 to index
        %get3A_267 = arith.index_cast %add3A_265 : i32 to index
        %get3A_268 = tpu.vector_load %arg5[%get3A_266, %get3A_267] {strides = array<i32>} : memref<8x4992xf32, #tpu.memory_space<vmem>>, vector<16xf32>,
        %add3A_269 = arith.constant 80 : i32
        %add3A_270 = arith.addi %mul3A_245, %add3A_269 : i32
        %get3A_271 = arith.index_cast %scan3A_179 : i32 to index
        %get3A_272 = arith.index_cast %add3A_270 : i32 to index
        %get3A_273 = tpu.vector_load %arg5[%get3A_271, %get3A_272] {strides = array<i32>} : memref<8x4992xf32, #tpu.memory_space<vmem>>, vector<16xf32>,
        %add3A_274 = arith.constant 96 : i32
        %add3A_275 = arith.addi %mul3A_245, %add3A_274 : i32
        %get3A_276 = arith.index_cast %scan3A_179 : i32 to index
        %get3A_277 = arith.index_cast %add3A_275 : i32 to index
        %get3A_278 = tpu.vector_load %arg5[%get3A_276, %get3A_277] {strides = array<i32>} : memref<8x4992xf32, #tpu.memory_space<vmem>>, vector<16xf32>,
        %add3A_279 = arith.constant 112 : i32
        %add3A_280 = arith.addi %mul3A_245, %add3A_279 : i32
        %get3A_281 = arith.index_cast %scan3A_179 : i32 to index
        %get3A_282 = arith.index_cast %add3A_280 : i32 to index
        %get3A_283 = tpu.vector_load %arg5[%get3A_281, %get3A_282] {strides = array<i32>} : memref<8x4992xf32, #tpu.memory_space<vmem>>, vector<16xf32>,
        %min3A_284 = arith.minimumf %scan3A_236, %get3A_248 : vector<16xf32>
        %max3A_285 = arith.maximumf %scan3A_237, %min3A_284 : vector<16xf32>
        %max3A_286 = arith.maximumf %scan3A_236, %get3A_248 : vector<16xf32>
        %min3A_287 = arith.minimumf %scan3A_238, %get3A_253 : vector<16xf32>
        %max3A_288 = arith.maximumf %scan3A_239, %min3A_287 : vector<16xf32>
        %max3A_289 = arith.maximumf %scan3A_238, %get3A_253 : vector<16xf32>
        %min3A_290 = arith.minimumf %scan3A_240, %get3A_258 : vector<16xf32>
        %max3A_291 = arith.maximumf %scan3A_241, %min3A_290 : vector<16xf32>
        %max3A_292 = arith.maximumf %scan3A_240, %get3A_258 : vector<16xf32>
        %min3A_293 = arith.minimumf %scan3A_242, %get3A_263 : vector<16xf32>
        %max3A_294 = arith.maximumf %scan3A_243, %min3A_293 : vector<16xf32>
        %max3A_295 = arith.maximumf %scan3A_242, %get3A_263 : vector<16xf32>
        %min3A_296 = arith.minimumf %max3A_286, %get3A_268 : vector<16xf32>
        %max3A_297 = arith.maximumf %max3A_285, %min3A_296 : vector<16xf32>
        %max3A_298 = arith.maximumf %max3A_286, %get3A_268 : vector<16xf32>
        %min3A_299 = arith.minimumf %max3A_289, %get3A_273 : vector<16xf32>
        %max3A_300 = arith.maximumf %max3A_288, %min3A_299 : vector<16xf32>
        %max3A_301 = arith.maximumf %max3A_289, %get3A_273 : vector<16xf32>
        %min3A_302 = arith.minimumf %max3A_292, %get3A_278 : vector<16xf32>
        %max3A_303 = arith.maximumf %max3A_291, %min3A_302 : vector<16xf32>
        %max3A_304 = arith.maximumf %max3A_292, %get3A_278 : vector<16xf32>
        %min3A_305 = arith.minimumf %max3A_295, %get3A_283 : vector<16xf32>
        %max3A_306 = arith.maximumf %max3A_294, %min3A_305 : vector<16xf32>
        %max3A_307 = arith.maximumf %max3A_295, %get3A_283 : vector<16xf32>
        scf.yield %max3A_298, %max3A_297, %max3A_301, %max3A_300, %max3A_304, %max3A_303, %max3A_307, %max3A_306 : vector<16xf32>, vector<16xf32>, vector<16xf32>, vector<16xf32>, vector<16xf32>, vector<16xf32>, vector<16xf32>, vector<16xf32>
      }
      %scan3A_186 = arith.constant 39 : i32
      %max3A = arith.maximumf %scan3A_185#0, %scan3A_185#2 : vector<16xf32>
      %min3A = arith.minimumf %scan3A_185#0, %scan3A_185#2 : vector<16xf32>
      %ge3A = arith.cmpf oge, %scan3A_185#0, %scan3A_185#2 : vector<16xf32>
      %select_n3A_187 = arith.select %ge3A, %scan3A_185#1, %scan3A_185#3 : vector<16xi1>, vector<16xf32>
      %max3A_188 = arith.maximumf %min3A, %select_n3A_187 : vector<16xf32>
      %max3A_189 = arith.maximumf %max3A, %scan3A_185#4 : vector<16xf32>
      %min3A_190 = arith.minimumf %max3A, %scan3A_185#4 : vector<16xf32>
      %ge3A_191 = arith.cmpf oge, %max3A, %scan3A_185#4 : vector<16xf32>
      %select_n3A_192 = arith.select %ge3A_191, %max3A_188, %scan3A_185#5 : vector<16xi1>, vector<16xf32>
      %max3A_193 = arith.maximumf %min3A_190, %select_n3A_192 : vector<16xf32>
      %max3A_194 = arith.maximumf %max3A_189, %scan3A_185#6 : vector<16xf32>
      %min3A_195 = arith.minimumf %max3A_189, %scan3A_185#6 : vector<16xf32>
      %ge3A_196 = arith.cmpf oge, %max3A_189, %scan3A_185#6 : vector<16xf32>
      %select_n3A_197 = arith.select %ge3A_196, %max3A_193, %scan3A_185#7 : vector<16xi1>, vector<16xf32>
      %max3A_198 = arith.maximumf %min3A_195, %select_n3A_197 : vector<16xf32>
      %get3A = arith.index_cast %scan3A_179 : i32 to index
      %get3A_199 = arith.constant 0 : index
      %get3A_200 = tpu.vector_load %arg6[%get3A, %get3A_199] {strides = array<i32>} : memref<8x16xf32, #tpu.memory_space<vmem>>, vector<16xf32>,
      %get3A_201 = arith.index_cast %scan3A_179 : i32 to index
      %get3A_202 = arith.constant 0 : index
      %get3A_203 = tpu.vector_load %arg7[%get3A_201, %get3A_202] {strides = array<i32>} : memref<8x16xf32, #tpu.memory_space<vmem>>, vector<16xf32>,
      %max3A_204 = arith.maximumf %get3A_200, %max3A_194 : vector<16xf32>
      %min3A_205 = arith.minimumf %get3A_200, %max3A_194 : vector<16xf32>
      %ge3A_206 = arith.cmpf oge, %get3A_200, %max3A_194 : vector<16xf32>
      %select_n3A_207 = arith.select %ge3A_206, %get3A_203, %max3A_198 : vector<16xi1>, vector<16xf32>
      %max3A_208 = arith.maximumf %min3A_205, %select_n3A_207 : vector<16xf32>
      %swap3A = arith.index_cast %scan3A_179 : i32 to index
      %swap3A_209 = arith.constant 0 : index
      %swap3A_210 = tpu.vector_load %arg6[%swap3A, %swap3A_209] {strides = array<i32>} : memref<8x16xf32, #tpu.memory_space<vmem>>, vector<16xf32>,
      tpu.vector_store %arg6[%swap3A, %swap3A_209], %max3A_204 {strides = array<i32>} : memref<8x16xf32, #tpu.memory_space<vmem>>, vector<16xf32>,
      %swap3A_211 = arith.index_cast %scan3A_179 : i32 to index
      %swap3A_212 = arith.constant 0 : index
      %swap3A_213 = tpu.vector_load %arg7[%swap3A_211, %swap3A_212] {strides = array<i32>} : memref<8x16xf32, #tpu.memory_space<vmem>>, vector<16xf32>,
      tpu.vector_store %arg7[%swap3A_211, %swap3A_212], %max3A_208 {strides = array<i32>} : memref<8x16xf32, #tpu.memory_space<vmem>>, vector<16xf32>,
      %get3A_214 = arith.index_cast %scan3A_179 : i32 to index
      %get3A_215 = arith.constant 0 : index
      %get3A_216 = tpu.vector_load %arg8[%get3A_214, %get3A_215] {strides = array<i32>} : memref<8x16xf32, #tpu.memory_space<vmem>>, vector<16xf32>,
      %sub3A_217 = arith.subf %get3A_200, %max3A_204 : vector<16xf32>
      %exp3A = math.exp %sub3A_217 : vector<16xf32>
      %mul3A_218 = arith.mulf %get3A_216, %exp3A : vector<16xf32>
      %broadcast_in_dim3A_219 = arith.constant 0.000000e+00 : f32
      %broadcast_in_dim3A_220 = vector.broadcast %broadcast_in_dim3A_219 : f32 to vector<16xf32>
      %scan3A_221 = arith.constant 0 : i32
      %scan3A_222 = arith.constant 39 : i32
      %scan3A_223 = arith.addi %scan3A_221, %scan3A_222 : i32
      %scan3A_224 = arith.constant 1 : i32
      %scan3A_225:4 = scf.for %scan3A_235 = %scan3A_221 to %scan3A_223 step %scan3A_224 iter_args(%scan3A_236 = %broadcast_in_dim3A_220, %scan3A_237 = %broadcast_in_dim3A_220, %scan3A_238 = %broadcast_in_dim3A_220, %scan3A_239 = %broadcast_in_dim3A_220) -> (vector<16xf32>, vector<16xf32>, vector<16xf32>, vector<16xf32>)  : i32 {
        %mul3A_240 = arith.constant 128 : i32
        %mul3A_241 = arith.muli %scan3A_235, %mul3A_240 : i32
        %get3A_242 = arith.index_cast %scan3A_179 : i32 to index
        %get3A_243 = arith.index_cast %mul3A_241 : i32 to index
        %get3A_244 = tpu.vector_load %arg5[%get3A_242, %get3A_243] {strides = array<i32>} : memref<8x4992xf32, #tpu.memory_space<vmem>>, vector<16xf32>,
        %sub3A_245 = arith.subf %get3A_244, %max3A_204 : vector<16xf32>
        %exp3A_246 = math.exp %sub3A_245 : vector<16xf32>
        %add3A_247 = arith.addf %scan3A_236, %exp3A_246 : vector<16xf32>
        %add3A_248 = arith.constant 16 : i32
        %add3A_249 = arith.addi %mul3A_241, %add3A_248 : i32
        %get3A_250 = arith.index_cast %scan3A_179 : i32 to index
        %get3A_251 = arith.index_cast %add3A_249 : i32 to index
        %get3A_252 = tpu.vector_load %arg5[%get3A_250, %get3A_251] {strides = array<i32>} : memref<8x4992xf32, #tpu.memory_space<vmem>>, vector<16xf32>,
        %sub3A_253 = arith.subf %get3A_252, %max3A_204 : vector<16xf32>
        %exp3A_254 = math.exp %sub3A_253 : vector<16xf32>
        %add3A_255 = arith.addf %scan3A_237, %exp3A_254 : vector<16xf32>
        %add3A_256 = arith.constant 32 : i32
        %add3A_257 = arith.addi %mul3A_241, %add3A_256 : i32
        %get3A_258 = arith.index_cast %scan3A_179 : i32 to index
        %get3A_259 = arith.index_cast %add3A_257 : i32 to index
        %get3A_260 = tpu.vector_load %arg5[%get3A_258, %get3A_259] {strides = array<i32>} : memref<8x4992xf32, #tpu.memory_space<vmem>>, vector<16xf32>,
        %sub3A_261 = arith.subf %get3A_260, %max3A_204 : vector<16xf32>
        %exp3A_262 = math.exp %sub3A_261 : vector<16xf32>
        %add3A_263 = arith.addf %scan3A_238, %exp3A_262 : vector<16xf32>
        %add3A_264 = arith.constant 48 : i32
        %add3A_265 = arith.addi %mul3A_241, %add3A_264 : i32
        %get3A_266 = arith.index_cast %scan3A_179 : i32 to index
        %get3A_267 = arith.index_cast %add3A_265 : i32 to index
        %get3A_268 = tpu.vector_load %arg5[%get3A_266, %get3A_267] {strides = array<i32>} : memref<8x4992xf32, #tpu.memory_space<vmem>>, vector<16xf32>,
        %sub3A_269 = arith.subf %get3A_268, %max3A_204 : vector<16xf32>
        %exp3A_270 = math.exp %sub3A_269 : vector<16xf32>
        %add3A_271 = arith.addf %scan3A_239, %exp3A_270 : vector<16xf32>
        %add3A_272 = arith.constant 64 : i32
        %add3A_273 = arith.addi %mul3A_241, %add3A_272 : i32
        %get3A_274 = arith.index_cast %scan3A_179 : i32 to index
        %get3A_275 = arith.index_cast %add3A_273 : i32 to index
        %get3A_276 = tpu.vector_load %arg5[%get3A_274, %get3A_275] {strides = array<i32>} : memref<8x4992xf32, #tpu.memory_space<vmem>>, vector<16xf32>,
        %sub3A_277 = arith.subf %get3A_276, %max3A_204 : vector<16xf32>
        %exp3A_278 = math.exp %sub3A_277 : vector<16xf32>
        %add3A_279 = arith.addf %add3A_247, %exp3A_278 : vector<16xf32>
        %add3A_280 = arith.constant 80 : i32
        %add3A_281 = arith.addi %mul3A_241, %add3A_280 : i32
        %get3A_282 = arith.index_cast %scan3A_179 : i32 to index
        %get3A_283 = arith.index_cast %add3A_281 : i32 to index
        %get3A_284 = tpu.vector_load %arg5[%get3A_282, %get3A_283] {strides = array<i32>} : memref<8x4992xf32, #tpu.memory_space<vmem>>, vector<16xf32>,
        %sub3A_285 = arith.subf %get3A_284, %max3A_204 : vector<16xf32>
        %exp3A_286 = math.exp %sub3A_285 : vector<16xf32>
        %add3A_287 = arith.addf %add3A_255, %exp3A_286 : vector<16xf32>
        %add3A_288 = arith.constant 96 : i32
        %add3A_289 = arith.addi %mul3A_241, %add3A_288 : i32
        %get3A_290 = arith.index_cast %scan3A_179 : i32 to index
        %get3A_291 = arith.index_cast %add3A_289 : i32 to index
        %get3A_292 = tpu.vector_load %arg5[%get3A_290, %get3A_291] {strides = array<i32>} : memref<8x4992xf32, #tpu.memory_space<vmem>>, vector<16xf32>,
        %sub3A_293 = arith.subf %get3A_292, %max3A_204 : vector<16xf32>
        %exp3A_294 = math.exp %sub3A_293 : vector<16xf32>
        %add3A_295 = arith.addf %add3A_263, %exp3A_294 : vector<16xf32>
        %add3A_296 = arith.constant 112 : i32
        %add3A_297 = arith.addi %mul3A_241, %add3A_296 : i32
        %get3A_298 = arith.index_cast %scan3A_179 : i32 to index
        %get3A_299 = arith.index_cast %add3A_297 : i32 to index
        %get3A_300 = tpu.vector_load %arg5[%get3A_298, %get3A_299] {strides = array<i32>} : memref<8x4992xf32, #tpu.memory_space<vmem>>, vector<16xf32>,
        %sub3A_301 = arith.subf %get3A_300, %max3A_204 : vector<16xf32>
        %exp3A_302 = math.exp %sub3A_301 : vector<16xf32>
        %add3A_303 = arith.addf %add3A_271, %exp3A_302 : vector<16xf32>
        scf.yield %add3A_279, %add3A_287, %add3A_295, %add3A_303 : vector<16xf32>, vector<16xf32>, vector<16xf32>, vector<16xf32>
      }
      %scan3A_226 = arith.constant 39 : i32
      %add3A_227 = arith.addf %scan3A_225#0, %scan3A_225#1 : vector<16xf32>
      %add3A_228 = arith.addf %mul3A_218, %add3A_227 : vector<16xf32>
      %add3A_229 = arith.addf %scan3A_225#2, %scan3A_225#3 : vector<16xf32>
      %add3A_230 = arith.addf %add3A_228, %add3A_229 : vector<16xf32>
      %swap3A_231 = arith.index_cast %scan3A_179 : i32 to index
      %swap3A_232 = arith.constant 0 : index
      %swap3A_233 = tpu.vector_load %arg8[%swap3A_231, %swap3A_232] {strides = array<i32>} : memref<8x16xf32, #tpu.memory_space<vmem>>, vector<16xf32>,
      tpu.vector_store %arg8[%swap3A_231, %swap3A_232], %add3A_230 {strides = array<i32>} : memref<8x16xf32, #tpu.memory_space<vmem>>, vector<16xf32>,
      %scan3A_234 = arith.constant 0 : i32
      scf.yield %scan3A_234 : i32
    }
    %scan3A_69 = arith.constant 8 : i32
    %dma_wait3A_70 = tpu.memref_slice %arg2[%mul3A_32, %add3A_60] : memref<128x100000xf32, #tpu.memory_space<hbm>> -> memref<8x4992xf32, #tpu.memory_space<hbm>>
    %dma_wait3A_71 = tpu.memref_slice %arg2[%mul3A_32, %add3A_60] : memref<128x100000xf32, #tpu.memory_space<hbm>> -> memref<8x4992xf32, #tpu.memory_space<hbm>>
    tpu.wait_dma2 semaphore(%arg10 : memref<!tpu.dma_semaphore, #tpu.memory_space<semaphore_mem>>) src(%dma_wait3A_71 : memref<8x4992xf32, #tpu.memory_space<hbm>>) dst(%arg4 : memref<8x4992xf32, #tpu.memory_space<vmem>>)
    %add3A_72 = arith.constant 14976 : i32
    %add3A_73 = arith.addi %mul3A_34, %add3A_72 : i32
    %dma_start3A_74 = tpu.memref_slice %arg2[%mul3A_32, %add3A_73] : memref<128x100000xf32, #tpu.memory_space<hbm>> -> memref<8x4992xf32, #tpu.memory_space<hbm>>
    %dma_start3A_75 = tpu.memref_slice %arg2[%mul3A_32, %add3A_73] : memref<128x100000xf32, #tpu.memory_space<hbm>> -> memref<8x4992xf32, #tpu.memory_space<hbm>>
    tpu.enqueue_dma source(%dma_start3A_75 : memref<8x4992xf32, #tpu.memory_space<hbm>>) target(%arg5 : memref<8x4992xf32, #tpu.memory_space<vmem>>) target_semaphore(%arg11 : memref<!tpu.dma_semaphore, #tpu.memory_space<semaphore_mem>>)
    %scan3A_76 = arith.constant 0 : i32
    %scan3A_77 = arith.constant 0 : i32
    %scan3A_78 = arith.constant 8 : i32
    %scan3A_79 = arith.addi %scan3A_77, %scan3A_78 : i32
    %scan3A_80 = arith.constant 1 : i32
    %scan3A_81 = scf.for %scan3A_179 = %scan3A_77 to %scan3A_79 step %scan3A_80 iter_args(%scan3A_180 = %scan3A_76) -> (i32)  : i32 {
      %scan3A_181 = arith.constant 0 : i32
      %scan3A_182 = arith.constant 39 : i32
      %scan3A_183 = arith.addi %scan3A_181, %scan3A_182 : i32
      %scan3A_184 = arith.constant 1 : i32
      %scan3A_185:8 = scf.for %scan3A_235 = %scan3A_181 to %scan3A_183 step %scan3A_184 iter_args(%scan3A_236 = %broadcast_in_dim3A_35, %scan3A_237 = %broadcast_in_dim3A_35, %scan3A_238 = %broadcast_in_dim3A_35, %scan3A_239 = %broadcast_in_dim3A_35, %scan3A_240 = %broadcast_in_dim3A_35, %scan3A_241 = %broadcast_in_dim3A_35, %scan3A_242 = %broadcast_in_dim3A_35, %scan3A_243 = %broadcast_in_dim3A_35) -> (vector<16xf32>, vector<16xf32>, vector<16xf32>, vector<16xf32>, vector<16xf32>, vector<16xf32>, vector<16xf32>, vector<16xf32>)  : i32 {
        %mul3A_244 = arith.constant 128 : i32
        %mul3A_245 = arith.muli %scan3A_235, %mul3A_244 : i32
        %get3A_246 = arith.index_cast %scan3A_179 : i32 to index
        %get3A_247 = arith.index_cast %mul3A_245 : i32 to index
        %get3A_248 = tpu.vector_load %arg4[%get3A_246, %get3A_247] {strides = array<i32>} : memref<8x4992xf32, #tpu.memory_space<vmem>>, vector<16xf32>,
        %add3A_249 = arith.constant 16 : i32
        %add3A_250 = arith.addi %mul3A_245, %add3A_249 : i32
        %get3A_251 = arith.index_cast %scan3A_179 : i32 to index
        %get3A_252 = arith.index_cast %add3A_250 : i32 to index
        %get3A_253 = tpu.vector_load %arg4[%get3A_251, %get3A_252] {strides = array<i32>} : memref<8x4992xf32, #tpu.memory_space<vmem>>, vector<16xf32>,
        %add3A_254 = arith.constant 32 : i32
        %add3A_255 = arith.addi %mul3A_245, %add3A_254 : i32
        %get3A_256 = arith.index_cast %scan3A_179 : i32 to index
        %get3A_257 = arith.index_cast %add3A_255 : i32 to index
        %get3A_258 = tpu.vector_load %arg4[%get3A_256, %get3A_257] {strides = array<i32>} : memref<8x4992xf32, #tpu.memory_space<vmem>>, vector<16xf32>,
        %add3A_259 = arith.constant 48 : i32
        %add3A_260 = arith.addi %mul3A_245, %add3A_259 : i32
        %get3A_261 = arith.index_cast %scan3A_179 : i32 to index
        %get3A_262 = arith.index_cast %add3A_260 : i32 to index
        %get3A_263 = tpu.vector_load %arg4[%get3A_261, %get3A_262] {strides = array<i32>} : memref<8x4992xf32, #tpu.memory_space<vmem>>, vector<16xf32>,
        %add3A_264 = arith.constant 64 : i32
        %add3A_265 = arith.addi %mul3A_245, %add3A_264 : i32
        %get3A_266 = arith.index_cast %scan3A_179 : i32 to index
        %get3A_267 = arith.index_cast %add3A_265 : i32 to index
        %get3A_268 = tpu.vector_load %arg4[%get3A_266, %get3A_267] {strides = array<i32>} : memref<8x4992xf32, #tpu.memory_space<vmem>>, vector<16xf32>,
        %add3A_269 = arith.constant 80 : i32
        %add3A_270 = arith.addi %mul3A_245, %add3A_269 : i32
        %get3A_271 = arith.index_cast %scan3A_179 : i32 to index
        %get3A_272 = arith.index_cast %add3A_270 : i32 to index
        %get3A_273 = tpu.vector_load %arg4[%get3A_271, %get3A_272] {strides = array<i32>} : memref<8x4992xf32, #tpu.memory_space<vmem>>, vector<16xf32>,
        %add3A_274 = arith.constant 96 : i32
        %add3A_275 = arith.addi %mul3A_245, %add3A_274 : i32
        %get3A_276 = arith.index_cast %scan3A_179 : i32 to index
        %get3A_277 = arith.index_cast %add3A_275 : i32 to index
        %get3A_278 = tpu.vector_load %arg4[%get3A_276, %get3A_277] {strides = array<i32>} : memref<8x4992xf32, #tpu.memory_space<vmem>>, vector<16xf32>,
        %add3A_279 = arith.constant 112 : i32
        %add3A_280 = arith.addi %mul3A_245, %add3A_279 : i32
        %get3A_281 = arith.index_cast %scan3A_179 : i32 to index
        %get3A_282 = arith.index_cast %add3A_280 : i32 to index
        %get3A_283 = tpu.vector_load %arg4[%get3A_281, %get3A_282] {strides = array<i32>} : memref<8x4992xf32, #tpu.memory_space<vmem>>, vector<16xf32>,
        %min3A_284 = arith.minimumf %scan3A_236, %get3A_248 : vector<16xf32>
        %max3A_285 = arith.maximumf %scan3A_237, %min3A_284 : vector<16xf32>
        %max3A_286 = arith.maximumf %scan3A_236, %get3A_248 : vector<16xf32>
        %min3A_287 = arith.minimumf %scan3A_238, %get3A_253 : vector<16xf32>
        %max3A_288 = arith.maximumf %scan3A_239, %min3A_287 : vector<16xf32>
        %max3A_289 = arith.maximumf %scan3A_238, %get3A_253 : vector<16xf32>
        %min3A_290 = arith.minimumf %scan3A_240, %get3A_258 : vector<16xf32>
        %max3A_291 = arith.maximumf %scan3A_241, %min3A_290 : vector<16xf32>
        %max3A_292 = arith.maximumf %scan3A_240, %get3A_258 : vector<16xf32>
        %min3A_293 = arith.minimumf %scan3A_242, %get3A_263 : vector<16xf32>
        %max3A_294 = arith.maximumf %scan3A_243, %min3A_293 : vector<16xf32>
        %max3A_295 = arith.maximumf %scan3A_242, %get3A_263 : vector<16xf32>
        %min3A_296 = arith.minimumf %max3A_286, %get3A_268 : vector<16xf32>
        %max3A_297 = arith.maximumf %max3A_285, %min3A_296 : vector<16xf32>
        %max3A_298 = arith.maximumf %max3A_286, %get3A_268 : vector<16xf32>
        %min3A_299 = arith.minimumf %max3A_289, %get3A_273 : vector<16xf32>
        %max3A_300 = arith.maximumf %max3A_288, %min3A_299 : vector<16xf32>
        %max3A_301 = arith.maximumf %max3A_289, %get3A_273 : vector<16xf32>
        %min3A_302 = arith.minimumf %max3A_292, %get3A_278 : vector<16xf32>
        %max3A_303 = arith.maximumf %max3A_291, %min3A_302 : vector<16xf32>
        %max3A_304 = arith.maximumf %max3A_292, %get3A_278 : vector<16xf32>
        %min3A_305 = arith.minimumf %max3A_295, %get3A_283 : vector<16xf32>
        %max3A_306 = arith.maximumf %max3A_294, %min3A_305 : vector<16xf32>
        %max3A_307 = arith.maximumf %max3A_295, %get3A_283 : vector<16xf32>
        scf.yield %max3A_298, %max3A_297, %max3A_301, %max3A_300, %max3A_304, %max3A_303, %max3A_307, %max3A_306 : vector<16xf32>, vector<16xf32>, vector<16xf32>, vector<16xf32>, vector<16xf32>, vector<16xf32>, vector<16xf32>, vector<16xf32>
      }
      %scan3A_186 = arith.constant 39 : i32
      %max3A = arith.maximumf %scan3A_185#0, %scan3A_185#2 : vector<16xf32>
      %min3A = arith.minimumf %scan3A_185#0, %scan3A_185#2 : vector<16xf32>
      %ge3A = arith.cmpf oge, %scan3A_185#0, %scan3A_185#2 : vector<16xf32>
      %select_n3A_187 = arith.select %ge3A, %scan3A_185#1, %scan3A_185#3 : vector<16xi1>, vector<16xf32>
      %max3A_188 = arith.maximumf %min3A, %select_n3A_187 : vector<16xf32>
      %max3A_189 = arith.maximumf %max3A, %scan3A_185#4 : vector<16xf32>
      %min3A_190 = arith.minimumf %max3A, %scan3A_185#4 : vector<16xf32>
      %ge3A_191 = arith.cmpf oge, %max3A, %scan3A_185#4 : vector<16xf32>
      %select_n3A_192 = arith.select %ge3A_191, %max3A_188, %scan3A_185#5 : vector<16xi1>, vector<16xf32>
      %max3A_193 = arith.maximumf %min3A_190, %select_n3A_192 : vector<16xf32>
      %max3A_194 = arith.maximumf %max3A_189, %scan3A_185#6 : vector<16xf32>
      %min3A_195 = arith.minimumf %max3A_189, %scan3A_185#6 : vector<16xf32>
      %ge3A_196 = arith.cmpf oge, %max3A_189, %scan3A_185#6 : vector<16xf32>
      %select_n3A_197 = arith.select %ge3A_196, %max3A_193, %scan3A_185#7 : vector<16xi1>, vector<16xf32>
      %max3A_198 = arith.maximumf %min3A_195, %select_n3A_197 : vector<16xf32>
      %get3A = arith.index_cast %scan3A_179 : i32 to index
      %get3A_199 = arith.constant 0 : index
      %get3A_200 = tpu.vector_load %arg6[%get3A, %get3A_199] {strides = array<i32>} : memref<8x16xf32, #tpu.memory_space<vmem>>, vector<16xf32>,
      %get3A_201 = arith.index_cast %scan3A_179 : i32 to index
      %get3A_202 = arith.constant 0 : index
      %get3A_203 = tpu.vector_load %arg7[%get3A_201, %get3A_202] {strides = array<i32>} : memref<8x16xf32, #tpu.memory_space<vmem>>, vector<16xf32>,
      %max3A_204 = arith.maximumf %get3A_200, %max3A_194 : vector<16xf32>
      %min3A_205 = arith.minimumf %get3A_200, %max3A_194 : vector<16xf32>
      %ge3A_206 = arith.cmpf oge, %get3A_200, %max3A_194 : vector<16xf32>
      %select_n3A_207 = arith.select %ge3A_206, %get3A_203, %max3A_198 : vector<16xi1>, vector<16xf32>
      %max3A_208 = arith.maximumf %min3A_205, %select_n3A_207 : vector<16xf32>
      %swap3A = arith.index_cast %scan3A_179 : i32 to index
      %swap3A_209 = arith.constant 0 : index
      %swap3A_210 = tpu.vector_load %arg6[%swap3A, %swap3A_209] {strides = array<i32>} : memref<8x16xf32, #tpu.memory_space<vmem>>, vector<16xf32>,
      tpu.vector_store %arg6[%swap3A, %swap3A_209], %max3A_204 {strides = array<i32>} : memref<8x16xf32, #tpu.memory_space<vmem>>, vector<16xf32>,
      %swap3A_211 = arith.index_cast %scan3A_179 : i32 to index
      %swap3A_212 = arith.constant 0 : index
      %swap3A_213 = tpu.vector_load %arg7[%swap3A_211, %swap3A_212] {strides = array<i32>} : memref<8x16xf32, #tpu.memory_space<vmem>>, vector<16xf32>,
      tpu.vector_store %arg7[%swap3A_211, %swap3A_212], %max3A_208 {strides = array<i32>} : memref<8x16xf32, #tpu.memory_space<vmem>>, vector<16xf32>,
      %get3A_214 = arith.index_cast %scan3A_179 : i32 to index
      %get3A_215 = arith.constant 0 : index
      %get3A_216 = tpu.vector_load %arg8[%get3A_214, %get3A_215] {strides = array<i32>} : memref<8x16xf32, #tpu.memory_space<vmem>>, vector<16xf32>,
      %sub3A_217 = arith.subf %get3A_200, %max3A_204 : vector<16xf32>
      %exp3A = math.exp %sub3A_217 : vector<16xf32>
      %mul3A_218 = arith.mulf %get3A_216, %exp3A : vector<16xf32>
      %broadcast_in_dim3A_219 = arith.constant 0.000000e+00 : f32
      %broadcast_in_dim3A_220 = vector.broadcast %broadcast_in_dim3A_219 : f32 to vector<16xf32>
      %scan3A_221 = arith.constant 0 : i32
      %scan3A_222 = arith.constant 39 : i32
      %scan3A_223 = arith.addi %scan3A_221, %scan3A_222 : i32
      %scan3A_224 = arith.constant 1 : i32
      %scan3A_225:4 = scf.for %scan3A_235 = %scan3A_221 to %scan3A_223 step %scan3A_224 iter_args(%scan3A_236 = %broadcast_in_dim3A_220, %scan3A_237 = %broadcast_in_dim3A_220, %scan3A_238 = %broadcast_in_dim3A_220, %scan3A_239 = %broadcast_in_dim3A_220) -> (vector<16xf32>, vector<16xf32>, vector<16xf32>, vector<16xf32>)  : i32 {
        %mul3A_240 = arith.constant 128 : i32
        %mul3A_241 = arith.muli %scan3A_235, %mul3A_240 : i32
        %get3A_242 = arith.index_cast %scan3A_179 : i32 to index
        %get3A_243 = arith.index_cast %mul3A_241 : i32 to index
        %get3A_244 = tpu.vector_load %arg4[%get3A_242, %get3A_243] {strides = array<i32>} : memref<8x4992xf32, #tpu.memory_space<vmem>>, vector<16xf32>,
        %sub3A_245 = arith.subf %get3A_244, %max3A_204 : vector<16xf32>
        %exp3A_246 = math.exp %sub3A_245 : vector<16xf32>
        %add3A_247 = arith.addf %scan3A_236, %exp3A_246 : vector<16xf32>
        %add3A_248 = arith.constant 16 : i32
        %add3A_249 = arith.addi %mul3A_241, %add3A_248 : i32
        %get3A_250 = arith.index_cast %scan3A_179 : i32 to index
        %get3A_251 = arith.index_cast %add3A_249 : i32 to index
        %get3A_252 = tpu.vector_load %arg4[%get3A_250, %get3A_251] {strides = array<i32>} : memref<8x4992xf32, #tpu.memory_space<vmem>>, vector<16xf32>,
        %sub3A_253 = arith.subf %get3A_252, %max3A_204 : vector<16xf32>
        %exp3A_254 = math.exp %sub3A_253 : vector<16xf32>
        %add3A_255 = arith.addf %scan3A_237, %exp3A_254 : vector<16xf32>
        %add3A_256 = arith.constant 32 : i32
        %add3A_257 = arith.addi %mul3A_241, %add3A_256 : i32
        %get3A_258 = arith.index_cast %scan3A_179 : i32 to index
        %get3A_259 = arith.index_cast %add3A_257 : i32 to index
        %get3A_260 = tpu.vector_load %arg4[%get3A_258, %get3A_259] {strides = array<i32>} : memref<8x4992xf32, #tpu.memory_space<vmem>>, vector<16xf32>,
        %sub3A_261 = arith.subf %get3A_260, %max3A_204 : vector<16xf32>
        %exp3A_262 = math.exp %sub3A_261 : vector<16xf32>
        %add3A_263 = arith.addf %scan3A_238, %exp3A_262 : vector<16xf32>
        %add3A_264 = arith.constant 48 : i32
        %add3A_265 = arith.addi %mul3A_241, %add3A_264 : i32
        %get3A_266 = arith.index_cast %scan3A_179 : i32 to index
        %get3A_267 = arith.index_cast %add3A_265 : i32 to index
        %get3A_268 = tpu.vector_load %arg4[%get3A_266, %get3A_267] {strides = array<i32>} : memref<8x4992xf32, #tpu.memory_space<vmem>>, vector<16xf32>,
        %sub3A_269 = arith.subf %get3A_268, %max3A_204 : vector<16xf32>
        %exp3A_270 = math.exp %sub3A_269 : vector<16xf32>
        %add3A_271 = arith.addf %scan3A_239, %exp3A_270 : vector<16xf32>
        %add3A_272 = arith.constant 64 : i32
        %add3A_273 = arith.addi %mul3A_241, %add3A_272 : i32
        %get3A_274 = arith.index_cast %scan3A_179 : i32 to index
        %get3A_275 = arith.index_cast %add3A_273 : i32 to index
        %get3A_276 = tpu.vector_load %arg4[%get3A_274, %get3A_275] {strides = array<i32>} : memref<8x4992xf32, #tpu.memory_space<vmem>>, vector<16xf32>,
        %sub3A_277 = arith.subf %get3A_276, %max3A_204 : vector<16xf32>
        %exp3A_278 = math.exp %sub3A_277 : vector<16xf32>
        %add3A_279 = arith.addf %add3A_247, %exp3A_278 : vector<16xf32>
        %add3A_280 = arith.constant 80 : i32
        %add3A_281 = arith.addi %mul3A_241, %add3A_280 : i32
        %get3A_282 = arith.index_cast %scan3A_179 : i32 to index
        %get3A_283 = arith.index_cast %add3A_281 : i32 to index
        %get3A_284 = tpu.vector_load %arg4[%get3A_282, %get3A_283] {strides = array<i32>} : memref<8x4992xf32, #tpu.memory_space<vmem>>, vector<16xf32>,
        %sub3A_285 = arith.subf %get3A_284, %max3A_204 : vector<16xf32>
        %exp3A_286 = math.exp %sub3A_285 : vector<16xf32>
        %add3A_287 = arith.addf %add3A_255, %exp3A_286 : vector<16xf32>
        %add3A_288 = arith.constant 96 : i32
        %add3A_289 = arith.addi %mul3A_241, %add3A_288 : i32
        %get3A_290 = arith.index_cast %scan3A_179 : i32 to index
        %get3A_291 = arith.index_cast %add3A_289 : i32 to index
        %get3A_292 = tpu.vector_load %arg4[%get3A_290, %get3A_291] {strides = array<i32>} : memref<8x4992xf32, #tpu.memory_space<vmem>>, vector<16xf32>,
        %sub3A_293 = arith.subf %get3A_292, %max3A_204 : vector<16xf32>
        %exp3A_294 = math.exp %sub3A_293 : vector<16xf32>
        %add3A_295 = arith.addf %add3A_263, %exp3A_294 : vector<16xf32>
        %add3A_296 = arith.constant 112 : i32
        %add3A_297 = arith.addi %mul3A_241, %add3A_296 : i32
        %get3A_298 = arith.index_cast %scan3A_179 : i32 to index
        %get3A_299 = arith.index_cast %add3A_297 : i32 to index
        %get3A_300 = tpu.vector_load %arg4[%get3A_298, %get3A_299] {strides = array<i32>} : memref<8x4992xf32, #tpu.memory_space<vmem>>, vector<16xf32>,
        %sub3A_301 = arith.subf %get3A_300, %max3A_204 : vector<16xf32>
        %exp3A_302 = math.exp %sub3A_301 : vector<16xf32>
        %add3A_303 = arith.addf %add3A_271, %exp3A_302 : vector<16xf32>
        scf.yield %add3A_279, %add3A_287, %add3A_295, %add3A_303 : vector<16xf32>, vector<16xf32>, vector<16xf32>, vector<16xf32>
      }
      %scan3A_226 = arith.constant 39 : i32
      %add3A_227 = arith.addf %scan3A_225#0, %scan3A_225#1 : vector<16xf32>
      %add3A_228 = arith.addf %mul3A_218, %add3A_227 : vector<16xf32>
      %add3A_229 = arith.addf %scan3A_225#2, %scan3A_225#3 : vector<16xf32>
      %add3A_230 = arith.addf %add3A_228, %add3A_229 : vector<16xf32>
      %swap3A_231 = arith.index_cast %scan3A_179 : i32 to index
      %swap3A_232 = arith.constant 0 : index
      %swap3A_233 = tpu.vector_load %arg8[%swap3A_231, %swap3A_232] {strides = array<i32>} : memref<8x16xf32, #tpu.memory_space<vmem>>, vector<16xf32>,
      tpu.vector_store %arg8[%swap3A_231, %swap3A_232], %add3A_230 {strides = array<i32>} : memref<8x16xf32, #tpu.memory_space<vmem>>, vector<16xf32>,
      %scan3A_234 = arith.constant 0 : i32
      scf.yield %scan3A_234 : i32
    }
    %scan3A_82 = arith.constant 8 : i32
    %dma_wait3A_83 = tpu.memref_slice %arg2[%mul3A_32, %add3A_73] : memref<128x100000xf32, #tpu.memory_space<hbm>> -> memref<8x4992xf32, #tpu.memory_space<hbm>>
    %dma_wait3A_84 = tpu.memref_slice %arg2[%mul3A_32, %add3A_73] : memref<128x100000xf32, #tpu.memory_space<hbm>> -> memref<8x4992xf32, #tpu.memory_space<hbm>>
    tpu.wait_dma2 semaphore(%arg11 : memref<!tpu.dma_semaphore, #tpu.memory_space<semaphore_mem>>) src(%dma_wait3A_84 : memref<8x4992xf32, #tpu.memory_space<hbm>>) dst(%arg5 : memref<8x4992xf32, #tpu.memory_space<vmem>>)
    %add3A_85 = arith.constant 19968 : i32
    %add3A_86 = arith.addi %mul3A_34, %add3A_85 : i32
    %dma_start3A_87 = tpu.memref_slice %arg2[%mul3A_32, %add3A_86] : memref<128x100000xf32, #tpu.memory_space<hbm>> -> memref<8x4992xf32, #tpu.memory_space<hbm>>
    %dma_start3A_88 = tpu.memref_slice %arg2[%mul3A_32, %add3A_86] : memref<128x100000xf32, #tpu.memory_space<hbm>> -> memref<8x4992xf32, #tpu.memory_space<hbm>>
    tpu.enqueue_dma source(%dma_start3A_88 : memref<8x4992xf32, #tpu.memory_space<hbm>>) target(%arg4 : memref<8x4992xf32, #tpu.memory_space<vmem>>) target_semaphore(%arg10 : memref<!tpu.dma_semaphore, #tpu.memory_space<semaphore_mem>>)
    %scan3A_89 = arith.constant 0 : i32
    %scan3A_90 = arith.constant 0 : i32
    %scan3A_91 = arith.constant 8 : i32
    %scan3A_92 = arith.addi %scan3A_90, %scan3A_91 : i32
    %scan3A_93 = arith.constant 1 : i32
    %scan3A_94 = scf.for %scan3A_179 = %scan3A_90 to %scan3A_92 step %scan3A_93 iter_args(%scan3A_180 = %scan3A_89) -> (i32)  : i32 {
      %scan3A_181 = arith.constant 0 : i32
      %scan3A_182 = arith.constant 39 : i32
      %scan3A_183 = arith.addi %scan3A_181, %scan3A_182 : i32
      %scan3A_184 = arith.constant 1 : i32
      %scan3A_185:8 = scf.for %scan3A_235 = %scan3A_181 to %scan3A_183 step %scan3A_184 iter_args(%scan3A_236 = %broadcast_in_dim3A_35, %scan3A_237 = %broadcast_in_dim3A_35, %scan3A_238 = %broadcast_in_dim3A_35, %scan3A_239 = %broadcast_in_dim3A_35, %scan3A_240 = %broadcast_in_dim3A_35, %scan3A_241 = %broadcast_in_dim3A_35, %scan3A_242 = %broadcast_in_dim3A_35, %scan3A_243 = %broadcast_in_dim3A_35) -> (vector<16xf32>, vector<16xf32>, vector<16xf32>, vector<16xf32>, vector<16xf32>, vector<16xf32>, vector<16xf32>, vector<16xf32>)  : i32 {
        %mul3A_244 = arith.constant 128 : i32
        %mul3A_245 = arith.muli %scan3A_235, %mul3A_244 : i32
        %get3A_246 = arith.index_cast %scan3A_179 : i32 to index
        %get3A_247 = arith.index_cast %mul3A_245 : i32 to index
        %get3A_248 = tpu.vector_load %arg5[%get3A_246, %get3A_247] {strides = array<i32>} : memref<8x4992xf32, #tpu.memory_space<vmem>>, vector<16xf32>,
        %add3A_249 = arith.constant 16 : i32
        %add3A_250 = arith.addi %mul3A_245, %add3A_249 : i32
        %get3A_251 = arith.index_cast %scan3A_179 : i32 to index
        %get3A_252 = arith.index_cast %add3A_250 : i32 to index
        %get3A_253 = tpu.vector_load %arg5[%get3A_251, %get3A_252] {strides = array<i32>} : memref<8x4992xf32, #tpu.memory_space<vmem>>, vector<16xf32>,
        %add3A_254 = arith.constant 32 : i32
        %add3A_255 = arith.addi %mul3A_245, %add3A_254 : i32
        %get3A_256 = arith.index_cast %scan3A_179 : i32 to index
        %get3A_257 = arith.index_cast %add3A_255 : i32 to index
        %get3A_258 = tpu.vector_load %arg5[%get3A_256, %get3A_257] {strides = array<i32>} : memref<8x4992xf32, #tpu.memory_space<vmem>>, vector<16xf32>,
        %add3A_259 = arith.constant 48 : i32
        %add3A_260 = arith.addi %mul3A_245, %add3A_259 : i32
        %get3A_261 = arith.index_cast %scan3A_179 : i32 to index
        %get3A_262 = arith.index_cast %add3A_260 : i32 to index
        %get3A_263 = tpu.vector_load %arg5[%get3A_261, %get3A_262] {strides = array<i32>} : memref<8x4992xf32, #tpu.memory_space<vmem>>, vector<16xf32>,
        %add3A_264 = arith.constant 64 : i32
        %add3A_265 = arith.addi %mul3A_245, %add3A_264 : i32
        %get3A_266 = arith.index_cast %scan3A_179 : i32 to index
        %get3A_267 = arith.index_cast %add3A_265 : i32 to index
        %get3A_268 = tpu.vector_load %arg5[%get3A_266, %get3A_267] {strides = array<i32>} : memref<8x4992xf32, #tpu.memory_space<vmem>>, vector<16xf32>,
        %add3A_269 = arith.constant 80 : i32
        %add3A_270 = arith.addi %mul3A_245, %add3A_269 : i32
        %get3A_271 = arith.index_cast %scan3A_179 : i32 to index
        %get3A_272 = arith.index_cast %add3A_270 : i32 to index
        %get3A_273 = tpu.vector_load %arg5[%get3A_271, %get3A_272] {strides = array<i32>} : memref<8x4992xf32, #tpu.memory_space<vmem>>, vector<16xf32>,
        %add3A_274 = arith.constant 96 : i32
        %add3A_275 = arith.addi %mul3A_245, %add3A_274 : i32
        %get3A_276 = arith.index_cast %scan3A_179 : i32 to index
        %get3A_277 = arith.index_cast %add3A_275 : i32 to index
        %get3A_278 = tpu.vector_load %arg5[%get3A_276, %get3A_277] {strides = array<i32>} : memref<8x4992xf32, #tpu.memory_space<vmem>>, vector<16xf32>,
        %add3A_279 = arith.constant 112 : i32
        %add3A_280 = arith.addi %mul3A_245, %add3A_279 : i32
        %get3A_281 = arith.index_cast %scan3A_179 : i32 to index
        %get3A_282 = arith.index_cast %add3A_280 : i32 to index
        %get3A_283 = tpu.vector_load %arg5[%get3A_281, %get3A_282] {strides = array<i32>} : memref<8x4992xf32, #tpu.memory_space<vmem>>, vector<16xf32>,
        %min3A_284 = arith.minimumf %scan3A_236, %get3A_248 : vector<16xf32>
        %max3A_285 = arith.maximumf %scan3A_237, %min3A_284 : vector<16xf32>
        %max3A_286 = arith.maximumf %scan3A_236, %get3A_248 : vector<16xf32>
        %min3A_287 = arith.minimumf %scan3A_238, %get3A_253 : vector<16xf32>
        %max3A_288 = arith.maximumf %scan3A_239, %min3A_287 : vector<16xf32>
        %max3A_289 = arith.maximumf %scan3A_238, %get3A_253 : vector<16xf32>
        %min3A_290 = arith.minimumf %scan3A_240, %get3A_258 : vector<16xf32>
        %max3A_291 = arith.maximumf %scan3A_241, %min3A_290 : vector<16xf32>
        %max3A_292 = arith.maximumf %scan3A_240, %get3A_258 : vector<16xf32>
        %min3A_293 = arith.minimumf %scan3A_242, %get3A_263 : vector<16xf32>
        %max3A_294 = arith.maximumf %scan3A_243, %min3A_293 : vector<16xf32>
        %max3A_295 = arith.maximumf %scan3A_242, %get3A_263 : vector<16xf32>
        %min3A_296 = arith.minimumf %max3A_286, %get3A_268 : vector<16xf32>
        %max3A_297 = arith.maximumf %max3A_285, %min3A_296 : vector<16xf32>
        %max3A_298 = arith.maximumf %max3A_286, %get3A_268 : vector<16xf32>
        %min3A_299 = arith.minimumf %max3A_289, %get3A_273 : vector<16xf32>
        %max3A_300 = arith.maximumf %max3A_288, %min3A_299 : vector<16xf32>
        %max3A_301 = arith.maximumf %max3A_289, %get3A_273 : vector<16xf32>
        %min3A_302 = arith.minimumf %max3A_292, %get3A_278 : vector<16xf32>
        %max3A_303 = arith.maximumf %max3A_291, %min3A_302 : vector<16xf32>
        %max3A_304 = arith.maximumf %max3A_292, %get3A_278 : vector<16xf32>
        %min3A_305 = arith.minimumf %max3A_295, %get3A_283 : vector<16xf32>
        %max3A_306 = arith.maximumf %max3A_294, %min3A_305 : vector<16xf32>
        %max3A_307 = arith.maximumf %max3A_295, %get3A_283 : vector<16xf32>
        scf.yield %max3A_298, %max3A_297, %max3A_301, %max3A_300, %max3A_304, %max3A_303, %max3A_307, %max3A_306 : vector<16xf32>, vector<16xf32>, vector<16xf32>, vector<16xf32>, vector<16xf32>, vector<16xf32>, vector<16xf32>, vector<16xf32>
      }
      %scan3A_186 = arith.constant 39 : i32
      %max3A = arith.maximumf %scan3A_185#0, %scan3A_185#2 : vector<16xf32>
      %min3A = arith.minimumf %scan3A_185#0, %scan3A_185#2 : vector<16xf32>
      %ge3A = arith.cmpf oge, %scan3A_185#0, %scan3A_185#2 : vector<16xf32>
      %select_n3A_187 = arith.select %ge3A, %scan3A_185#1, %scan3A_185#3 : vector<16xi1>, vector<16xf32>
      %max3A_188 = arith.maximumf %min3A, %select_n3A_187 : vector<16xf32>
      %max3A_189 = arith.maximumf %max3A, %scan3A_185#4 : vector<16xf32>
      %min3A_190 = arith.minimumf %max3A, %scan3A_185#4 : vector<16xf32>
      %ge3A_191 = arith.cmpf oge, %max3A, %scan3A_185#4 : vector<16xf32>
      %select_n3A_192 = arith.select %ge3A_191, %max3A_188, %scan3A_185#5 : vector<16xi1>, vector<16xf32>
      %max3A_193 = arith.maximumf %min3A_190, %select_n3A_192 : vector<16xf32>
      %max3A_194 = arith.maximumf %max3A_189, %scan3A_185#6 : vector<16xf32>
      %min3A_195 = arith.minimumf %max3A_189, %scan3A_185#6 : vector<16xf32>
      %ge3A_196 = arith.cmpf oge, %max3A_189, %scan3A_185#6 : vector<16xf32>
      %select_n3A_197 = arith.select %ge3A_196, %max3A_193, %scan3A_185#7 : vector<16xi1>, vector<16xf32>
      %max3A_198 = arith.maximumf %min3A_195, %select_n3A_197 : vector<16xf32>
      %get3A = arith.index_cast %scan3A_179 : i32 to index
      %get3A_199 = arith.constant 0 : index
      %get3A_200 = tpu.vector_load %arg6[%get3A, %get3A_199] {strides = array<i32>} : memref<8x16xf32, #tpu.memory_space<vmem>>, vector<16xf32>,
      %get3A_201 = arith.index_cast %scan3A_179 : i32 to index
      %get3A_202 = arith.constant 0 : index
      %get3A_203 = tpu.vector_load %arg7[%get3A_201, %get3A_202] {strides = array<i32>} : memref<8x16xf32, #tpu.memory_space<vmem>>, vector<16xf32>,
      %max3A_204 = arith.maximumf %get3A_200, %max3A_194 : vector<16xf32>
      %min3A_205 = arith.minimumf %get3A_200, %max3A_194 : vector<16xf32>
      %ge3A_206 = arith.cmpf oge, %get3A_200, %max3A_194 : vector<16xf32>
      %select_n3A_207 = arith.select %ge3A_206, %get3A_203, %max3A_198 : vector<16xi1>, vector<16xf32>
      %max3A_208 = arith.maximumf %min3A_205, %select_n3A_207 : vector<16xf32>
      %swap3A = arith.index_cast %scan3A_179 : i32 to index
      %swap3A_209 = arith.constant 0 : index
      %swap3A_210 = tpu.vector_load %arg6[%swap3A, %swap3A_209] {strides = array<i32>} : memref<8x16xf32, #tpu.memory_space<vmem>>, vector<16xf32>,
      tpu.vector_store %arg6[%swap3A, %swap3A_209], %max3A_204 {strides = array<i32>} : memref<8x16xf32, #tpu.memory_space<vmem>>, vector<16xf32>,
      %swap3A_211 = arith.index_cast %scan3A_179 : i32 to index
      %swap3A_212 = arith.constant 0 : index
      %swap3A_213 = tpu.vector_load %arg7[%swap3A_211, %swap3A_212] {strides = array<i32>} : memref<8x16xf32, #tpu.memory_space<vmem>>, vector<16xf32>,
      tpu.vector_store %arg7[%swap3A_211, %swap3A_212], %max3A_208 {strides = array<i32>} : memref<8x16xf32, #tpu.memory_space<vmem>>, vector<16xf32>,
      %get3A_214 = arith.index_cast %scan3A_179 : i32 to index
      %get3A_215 = arith.constant 0 : index
      %get3A_216 = tpu.vector_load %arg8[%get3A_214, %get3A_215] {strides = array<i32>} : memref<8x16xf32, #tpu.memory_space<vmem>>, vector<16xf32>,
      %sub3A_217 = arith.subf %get3A_200, %max3A_204 : vector<16xf32>
      %exp3A = math.exp %sub3A_217 : vector<16xf32>
      %mul3A_218 = arith.mulf %get3A_216, %exp3A : vector<16xf32>
      %broadcast_in_dim3A_219 = arith.constant 0.000000e+00 : f32
      %broadcast_in_dim3A_220 = vector.broadcast %broadcast_in_dim3A_219 : f32 to vector<16xf32>
      %scan3A_221 = arith.constant 0 : i32
      %scan3A_222 = arith.constant 39 : i32
      %scan3A_223 = arith.addi %scan3A_221, %scan3A_222 : i32
      %scan3A_224 = arith.constant 1 : i32
      %scan3A_225:4 = scf.for %scan3A_235 = %scan3A_221 to %scan3A_223 step %scan3A_224 iter_args(%scan3A_236 = %broadcast_in_dim3A_220, %scan3A_237 = %broadcast_in_dim3A_220, %scan3A_238 = %broadcast_in_dim3A_220, %scan3A_239 = %broadcast_in_dim3A_220) -> (vector<16xf32>, vector<16xf32>, vector<16xf32>, vector<16xf32>)  : i32 {
        %mul3A_240 = arith.constant 128 : i32
        %mul3A_241 = arith.muli %scan3A_235, %mul3A_240 : i32
        %get3A_242 = arith.index_cast %scan3A_179 : i32 to index
        %get3A_243 = arith.index_cast %mul3A_241 : i32 to index
        %get3A_244 = tpu.vector_load %arg5[%get3A_242, %get3A_243] {strides = array<i32>} : memref<8x4992xf32, #tpu.memory_space<vmem>>, vector<16xf32>,
        %sub3A_245 = arith.subf %get3A_244, %max3A_204 : vector<16xf32>
        %exp3A_246 = math.exp %sub3A_245 : vector<16xf32>
        %add3A_247 = arith.addf %scan3A_236, %exp3A_246 : vector<16xf32>
        %add3A_248 = arith.constant 16 : i32
        %add3A_249 = arith.addi %mul3A_241, %add3A_248 : i32
        %get3A_250 = arith.index_cast %scan3A_179 : i32 to index
        %get3A_251 = arith.index_cast %add3A_249 : i32 to index
        %get3A_252 = tpu.vector_load %arg5[%get3A_250, %get3A_251] {strides = array<i32>} : memref<8x4992xf32, #tpu.memory_space<vmem>>, vector<16xf32>,
        %sub3A_253 = arith.subf %get3A_252, %max3A_204 : vector<16xf32>
        %exp3A_254 = math.exp %sub3A_253 : vector<16xf32>
        %add3A_255 = arith.addf %scan3A_237, %exp3A_254 : vector<16xf32>
        %add3A_256 = arith.constant 32 : i32
        %add3A_257 = arith.addi %mul3A_241, %add3A_256 : i32
        %get3A_258 = arith.index_cast %scan3A_179 : i32 to index
        %get3A_259 = arith.index_cast %add3A_257 : i32 to index
        %get3A_260 = tpu.vector_load %arg5[%get3A_258, %get3A_259] {strides = array<i32>} : memref<8x4992xf32, #tpu.memory_space<vmem>>, vector<16xf32>,
        %sub3A_261 = arith.subf %get3A_260, %max3A_204 : vector<16xf32>
        %exp3A_262 = math.exp %sub3A_261 : vector<16xf32>
        %add3A_263 = arith.addf %scan3A_238, %exp3A_262 : vector<16xf32>
        %add3A_264 = arith.constant 48 : i32
        %add3A_265 = arith.addi %mul3A_241, %add3A_264 : i32
        %get3A_266 = arith.index_cast %scan3A_179 : i32 to index
        %get3A_267 = arith.index_cast %add3A_265 : i32 to index
        %get3A_268 = tpu.vector_load %arg5[%get3A_266, %get3A_267] {strides = array<i32>} : memref<8x4992xf32, #tpu.memory_space<vmem>>, vector<16xf32>,
        %sub3A_269 = arith.subf %get3A_268, %max3A_204 : vector<16xf32>
        %exp3A_270 = math.exp %sub3A_269 : vector<16xf32>
        %add3A_271 = arith.addf %scan3A_239, %exp3A_270 : vector<16xf32>
        %add3A_272 = arith.constant 64 : i32
        %add3A_273 = arith.addi %mul3A_241, %add3A_272 : i32
        %get3A_274 = arith.index_cast %scan3A_179 : i32 to index
        %get3A_275 = arith.index_cast %add3A_273 : i32 to index
        %get3A_276 = tpu.vector_load %arg5[%get3A_274, %get3A_275] {strides = array<i32>} : memref<8x4992xf32, #tpu.memory_space<vmem>>, vector<16xf32>,
        %sub3A_277 = arith.subf %get3A_276, %max3A_204 : vector<16xf32>
        %exp3A_278 = math.exp %sub3A_277 : vector<16xf32>
        %add3A_279 = arith.addf %add3A_247, %exp3A_278 : vector<16xf32>
        %add3A_280 = arith.constant 80 : i32
        %add3A_281 = arith.addi %mul3A_241, %add3A_280 : i32
        %get3A_282 = arith.index_cast %scan3A_179 : i32 to index
        %get3A_283 = arith.index_cast %add3A_281 : i32 to index
        %get3A_284 = tpu.vector_load %arg5[%get3A_282, %get3A_283] {strides = array<i32>} : memref<8x4992xf32, #tpu.memory_space<vmem>>, vector<16xf32>,
        %sub3A_285 = arith.subf %get3A_284, %max3A_204 : vector<16xf32>
        %exp3A_286 = math.exp %sub3A_285 : vector<16xf32>
        %add3A_287 = arith.addf %add3A_255, %exp3A_286 : vector<16xf32>
        %add3A_288 = arith.constant 96 : i32
        %add3A_289 = arith.addi %mul3A_241, %add3A_288 : i32
        %get3A_290 = arith.index_cast %scan3A_179 : i32 to index
        %get3A_291 = arith.index_cast %add3A_289 : i32 to index
        %get3A_292 = tpu.vector_load %arg5[%get3A_290, %get3A_291] {strides = array<i32>} : memref<8x4992xf32, #tpu.memory_space<vmem>>, vector<16xf32>,
        %sub3A_293 = arith.subf %get3A_292, %max3A_204 : vector<16xf32>
        %exp3A_294 = math.exp %sub3A_293 : vector<16xf32>
        %add3A_295 = arith.addf %add3A_263, %exp3A_294 : vector<16xf32>
        %add3A_296 = arith.constant 112 : i32
        %add3A_297 = arith.addi %mul3A_241, %add3A_296 : i32
        %get3A_298 = arith.index_cast %scan3A_179 : i32 to index
        %get3A_299 = arith.index_cast %add3A_297 : i32 to index
        %get3A_300 = tpu.vector_load %arg5[%get3A_298, %get3A_299] {strides = array<i32>} : memref<8x4992xf32, #tpu.memory_space<vmem>>, vector<16xf32>,
        %sub3A_301 = arith.subf %get3A_300, %max3A_204 : vector<16xf32>
        %exp3A_302 = math.exp %sub3A_301 : vector<16xf32>
        %add3A_303 = arith.addf %add3A_271, %exp3A_302 : vector<16xf32>
        scf.yield %add3A_279, %add3A_287, %add3A_295, %add3A_303 : vector<16xf32>, vector<16xf32>, vector<16xf32>, vector<16xf32>
      }
      %scan3A_226 = arith.constant 39 : i32
      %add3A_227 = arith.addf %scan3A_225#0, %scan3A_225#1 : vector<16xf32>
      %add3A_228 = arith.addf %mul3A_218, %add3A_227 : vector<16xf32>
      %add3A_229 = arith.addf %scan3A_225#2, %scan3A_225#3 : vector<16xf32>
      %add3A_230 = arith.addf %add3A_228, %add3A_229 : vector<16xf32>
      %swap3A_231 = arith.index_cast %scan3A_179 : i32 to index
      %swap3A_232 = arith.constant 0 : index
      %swap3A_233 = tpu.vector_load %arg8[%swap3A_231, %swap3A_232] {strides = array<i32>} : memref<8x16xf32, #tpu.memory_space<vmem>>, vector<16xf32>,
      tpu.vector_store %arg8[%swap3A_231, %swap3A_232], %add3A_230 {strides = array<i32>} : memref<8x16xf32, #tpu.memory_space<vmem>>, vector<16xf32>,
      %scan3A_234 = arith.constant 0 : i32
      scf.yield %scan3A_234 : i32
    }
    %scan3A_95 = arith.constant 8 : i32
    %dma_wait3A_96 = tpu.memref_slice %arg2[%mul3A_32, %add3A_86] : memref<128x100000xf32, #tpu.memory_space<hbm>> -> memref<8x4992xf32, #tpu.memory_space<hbm>>
    %dma_wait3A_97 = tpu.memref_slice %arg2[%mul3A_32, %add3A_86] : memref<128x100000xf32, #tpu.memory_space<hbm>> -> memref<8x4992xf32, #tpu.memory_space<hbm>>
    tpu.wait_dma2 semaphore(%arg10 : memref<!tpu.dma_semaphore, #tpu.memory_space<semaphore_mem>>) src(%dma_wait3A_97 : memref<8x4992xf32, #tpu.memory_space<hbm>>) dst(%arg4 : memref<8x4992xf32, #tpu.memory_space<vmem>>)
    %add3A_98 = arith.constant 24960 : i32
    %add3A_99 = arith.addi %mul3A_34, %add3A_98 : i32
    %dma_start3A_100 = tpu.memref_slice %arg2[%mul3A_32, %add3A_99] : memref<128x100000xf32, #tpu.memory_space<hbm>> -> memref<8x4992xf32, #tpu.memory_space<hbm>>
    %dma_start3A_101 = tpu.memref_slice %arg2[%mul3A_32, %add3A_99] : memref<128x100000xf32, #tpu.memory_space<hbm>> -> memref<8x4992xf32, #tpu.memory_space<hbm>>
    tpu.enqueue_dma source(%dma_start3A_101 : memref<8x4992xf32, #tpu.memory_space<hbm>>) target(%arg5 : memref<8x4992xf32, #tpu.memory_space<vmem>>) target_semaphore(%arg11 : memref<!tpu.dma_semaphore, #tpu.memory_space<semaphore_mem>>)
    %scan3A_102 = arith.constant 0 : i32
    %scan3A_103 = arith.constant 0 : i32
    %scan3A_104 = arith.constant 8 : i32
    %scan3A_105 = arith.addi %scan3A_103, %scan3A_104 : i32
    %scan3A_106 = arith.constant 1 : i32
    %scan3A_107 = scf.for %scan3A_179 = %scan3A_103 to %scan3A_105 step %scan3A_106 iter_args(%scan3A_180 = %scan3A_102) -> (i32)  : i32 {
      %scan3A_181 = arith.constant 0 : i32
      %scan3A_182 = arith.constant 39 : i32
      %scan3A_183 = arith.addi %scan3A_181, %scan3A_182 : i32
      %scan3A_184 = arith.constant 1 : i32
      %scan3A_185:8 = scf.for %scan3A_235 = %scan3A_181 to %scan3A_183 step %scan3A_184 iter_args(%scan3A_236 = %broadcast_in_dim3A_35, %scan3A_237 = %broadcast_in_dim3A_35, %scan3A_238 = %broadcast_in_dim3A_35, %scan3A_239 = %broadcast_in_dim3A_35, %scan3A_240 = %broadcast_in_dim3A_35, %scan3A_241 = %broadcast_in_dim3A_35, %scan3A_242 = %broadcast_in_dim3A_35, %scan3A_243 = %broadcast_in_dim3A_35) -> (vector<16xf32>, vector<16xf32>, vector<16xf32>, vector<16xf32>, vector<16xf32>, vector<16xf32>, vector<16xf32>, vector<16xf32>)  : i32 {
        %mul3A_244 = arith.constant 128 : i32
        %mul3A_245 = arith.muli %scan3A_235, %mul3A_244 : i32
        %get3A_246 = arith.index_cast %scan3A_179 : i32 to index
        %get3A_247 = arith.index_cast %mul3A_245 : i32 to index
        %get3A_248 = tpu.vector_load %arg4[%get3A_246, %get3A_247] {strides = array<i32>} : memref<8x4992xf32, #tpu.memory_space<vmem>>, vector<16xf32>,
        %add3A_249 = arith.constant 16 : i32
        %add3A_250 = arith.addi %mul3A_245, %add3A_249 : i32
        %get3A_251 = arith.index_cast %scan3A_179 : i32 to index
        %get3A_252 = arith.index_cast %add3A_250 : i32 to index
        %get3A_253 = tpu.vector_load %arg4[%get3A_251, %get3A_252] {strides = array<i32>} : memref<8x4992xf32, #tpu.memory_space<vmem>>, vector<16xf32>,
        %add3A_254 = arith.constant 32 : i32
        %add3A_255 = arith.addi %mul3A_245, %add3A_254 : i32
        %get3A_256 = arith.index_cast %scan3A_179 : i32 to index
        %get3A_257 = arith.index_cast %add3A_255 : i32 to index
        %get3A_258 = tpu.vector_load %arg4[%get3A_256, %get3A_257] {strides = array<i32>} : memref<8x4992xf32, #tpu.memory_space<vmem>>, vector<16xf32>,
        %add3A_259 = arith.constant 48 : i32
        %add3A_260 = arith.addi %mul3A_245, %add3A_259 : i32
        %get3A_261 = arith.index_cast %scan3A_179 : i32 to index
        %get3A_262 = arith.index_cast %add3A_260 : i32 to index
        %get3A_263 = tpu.vector_load %arg4[%get3A_261, %get3A_262] {strides = array<i32>} : memref<8x4992xf32, #tpu.memory_space<vmem>>, vector<16xf32>,
        %add3A_264 = arith.constant 64 : i32
        %add3A_265 = arith.addi %mul3A_245, %add3A_264 : i32
        %get3A_266 = arith.index_cast %scan3A_179 : i32 to index
        %get3A_267 = arith.index_cast %add3A_265 : i32 to index
        %get3A_268 = tpu.vector_load %arg4[%get3A_266, %get3A_267] {strides = array<i32>} : memref<8x4992xf32, #tpu.memory_space<vmem>>, vector<16xf32>,
        %add3A_269 = arith.constant 80 : i32
        %add3A_270 = arith.addi %mul3A_245, %add3A_269 : i32
        %get3A_271 = arith.index_cast %scan3A_179 : i32 to index
        %get3A_272 = arith.index_cast %add3A_270 : i32 to index
        %get3A_273 = tpu.vector_load %arg4[%get3A_271, %get3A_272] {strides = array<i32>} : memref<8x4992xf32, #tpu.memory_space<vmem>>, vector<16xf32>,
        %add3A_274 = arith.constant 96 : i32
        %add3A_275 = arith.addi %mul3A_245, %add3A_274 : i32
        %get3A_276 = arith.index_cast %scan3A_179 : i32 to index
        %get3A_277 = arith.index_cast %add3A_275 : i32 to index
        %get3A_278 = tpu.vector_load %arg4[%get3A_276, %get3A_277] {strides = array<i32>} : memref<8x4992xf32, #tpu.memory_space<vmem>>, vector<16xf32>,
        %add3A_279 = arith.constant 112 : i32
        %add3A_280 = arith.addi %mul3A_245, %add3A_279 : i32
        %get3A_281 = arith.index_cast %scan3A_179 : i32 to index
        %get3A_282 = arith.index_cast %add3A_280 : i32 to index
        %get3A_283 = tpu.vector_load %arg4[%get3A_281, %get3A_282] {strides = array<i32>} : memref<8x4992xf32, #tpu.memory_space<vmem>>, vector<16xf32>,
        %min3A_284 = arith.minimumf %scan3A_236, %get3A_248 : vector<16xf32>
        %max3A_285 = arith.maximumf %scan3A_237, %min3A_284 : vector<16xf32>
        %max3A_286 = arith.maximumf %scan3A_236, %get3A_248 : vector<16xf32>
        %min3A_287 = arith.minimumf %scan3A_238, %get3A_253 : vector<16xf32>
        %max3A_288 = arith.maximumf %scan3A_239, %min3A_287 : vector<16xf32>
        %max3A_289 = arith.maximumf %scan3A_238, %get3A_253 : vector<16xf32>
        %min3A_290 = arith.minimumf %scan3A_240, %get3A_258 : vector<16xf32>
        %max3A_291 = arith.maximumf %scan3A_241, %min3A_290 : vector<16xf32>
        %max3A_292 = arith.maximumf %scan3A_240, %get3A_258 : vector<16xf32>
        %min3A_293 = arith.minimumf %scan3A_242, %get3A_263 : vector<16xf32>
        %max3A_294 = arith.maximumf %scan3A_243, %min3A_293 : vector<16xf32>
        %max3A_295 = arith.maximumf %scan3A_242, %get3A_263 : vector<16xf32>
        %min3A_296 = arith.minimumf %max3A_286, %get3A_268 : vector<16xf32>
        %max3A_297 = arith.maximumf %max3A_285, %min3A_296 : vector<16xf32>
        %max3A_298 = arith.maximumf %max3A_286, %get3A_268 : vector<16xf32>
        %min3A_299 = arith.minimumf %max3A_289, %get3A_273 : vector<16xf32>
        %max3A_300 = arith.maximumf %max3A_288, %min3A_299 : vector<16xf32>
        %max3A_301 = arith.maximumf %max3A_289, %get3A_273 : vector<16xf32>
        %min3A_302 = arith.minimumf %max3A_292, %get3A_278 : vector<16xf32>
        %max3A_303 = arith.maximumf %max3A_291, %min3A_302 : vector<16xf32>
        %max3A_304 = arith.maximumf %max3A_292, %get3A_278 : vector<16xf32>
        %min3A_305 = arith.minimumf %max3A_295, %get3A_283 : vector<16xf32>
        %max3A_306 = arith.maximumf %max3A_294, %min3A_305 : vector<16xf32>
        %max3A_307 = arith.maximumf %max3A_295, %get3A_283 : vector<16xf32>
        scf.yield %max3A_298, %max3A_297, %max3A_301, %max3A_300, %max3A_304, %max3A_303, %max3A_307, %max3A_306 : vector<16xf32>, vector<16xf32>, vector<16xf32>, vector<16xf32>, vector<16xf32>, vector<16xf32>, vector<16xf32>, vector<16xf32>
      }
      %scan3A_186 = arith.constant 39 : i32
      %max3A = arith.maximumf %scan3A_185#0, %scan3A_185#2 : vector<16xf32>
      %min3A = arith.minimumf %scan3A_185#0, %scan3A_185#2 : vector<16xf32>
      %ge3A = arith.cmpf oge, %scan3A_185#0, %scan3A_185#2 : vector<16xf32>
      %select_n3A_187 = arith.select %ge3A, %scan3A_185#1, %scan3A_185#3 : vector<16xi1>, vector<16xf32>
      %max3A_188 = arith.maximumf %min3A, %select_n3A_187 : vector<16xf32>
      %max3A_189 = arith.maximumf %max3A, %scan3A_185#4 : vector<16xf32>
      %min3A_190 = arith.minimumf %max3A, %scan3A_185#4 : vector<16xf32>
      %ge3A_191 = arith.cmpf oge, %max3A, %scan3A_185#4 : vector<16xf32>
      %select_n3A_192 = arith.select %ge3A_191, %max3A_188, %scan3A_185#5 : vector<16xi1>, vector<16xf32>
      %max3A_193 = arith.maximumf %min3A_190, %select_n3A_192 : vector<16xf32>
      %max3A_194 = arith.maximumf %max3A_189, %scan3A_185#6 : vector<16xf32>
      %min3A_195 = arith.minimumf %max3A_189, %scan3A_185#6 : vector<16xf32>
      %ge3A_196 = arith.cmpf oge, %max3A_189, %scan3A_185#6 : vector<16xf32>
      %select_n3A_197 = arith.select %ge3A_196, %max3A_193, %scan3A_185#7 : vector<16xi1>, vector<16xf32>
      %max3A_198 = arith.maximumf %min3A_195, %select_n3A_197 : vector<16xf32>
      %get3A = arith.index_cast %scan3A_179 : i32 to index
      %get3A_199 = arith.constant 0 : index
      %get3A_200 = tpu.vector_load %arg6[%get3A, %get3A_199] {strides = array<i32>} : memref<8x16xf32, #tpu.memory_space<vmem>>, vector<16xf32>,
      %get3A_201 = arith.index_cast %scan3A_179 : i32 to index
      %get3A_202 = arith.constant 0 : index
      %get3A_203 = tpu.vector_load %arg7[%get3A_201, %get3A_202] {strides = array<i32>} : memref<8x16xf32, #tpu.memory_space<vmem>>, vector<16xf32>,
      %max3A_204 = arith.maximumf %get3A_200, %max3A_194 : vector<16xf32>
      %min3A_205 = arith.minimumf %get3A_200, %max3A_194 : vector<16xf32>
      %ge3A_206 = arith.cmpf oge, %get3A_200, %max3A_194 : vector<16xf32>
      %select_n3A_207 = arith.select %ge3A_206, %get3A_203, %max3A_198 : vector<16xi1>, vector<16xf32>
      %max3A_208 = arith.maximumf %min3A_205, %select_n3A_207 : vector<16xf32>
      %swap3A = arith.index_cast %scan3A_179 : i32 to index
      %swap3A_209 = arith.constant 0 : index
      %swap3A_210 = tpu.vector_load %arg6[%swap3A, %swap3A_209] {strides = array<i32>} : memref<8x16xf32, #tpu.memory_space<vmem>>, vector<16xf32>,
      tpu.vector_store %arg6[%swap3A, %swap3A_209], %max3A_204 {strides = array<i32>} : memref<8x16xf32, #tpu.memory_space<vmem>>, vector<16xf32>,
      %swap3A_211 = arith.index_cast %scan3A_179 : i32 to index
      %swap3A_212 = arith.constant 0 : index
      %swap3A_213 = tpu.vector_load %arg7[%swap3A_211, %swap3A_212] {strides = array<i32>} : memref<8x16xf32, #tpu.memory_space<vmem>>, vector<16xf32>,
      tpu.vector_store %arg7[%swap3A_211, %swap3A_212], %max3A_208 {strides = array<i32>} : memref<8x16xf32, #tpu.memory_space<vmem>>, vector<16xf32>,
      %get3A_214 = arith.index_cast %scan3A_179 : i32 to index
      %get3A_215 = arith.constant 0 : index
      %get3A_216 = tpu.vector_load %arg8[%get3A_214, %get3A_215] {strides = array<i32>} : memref<8x16xf32, #tpu.memory_space<vmem>>, vector<16xf32>,
      %sub3A_217 = arith.subf %get3A_200, %max3A_204 : vector<16xf32>
      %exp3A = math.exp %sub3A_217 : vector<16xf32>
      %mul3A_218 = arith.mulf %get3A_216, %exp3A : vector<16xf32>
      %broadcast_in_dim3A_219 = arith.constant 0.000000e+00 : f32
      %broadcast_in_dim3A_220 = vector.broadcast %broadcast_in_dim3A_219 : f32 to vector<16xf32>
      %scan3A_221 = arith.constant 0 : i32
      %scan3A_222 = arith.constant 39 : i32
      %scan3A_223 = arith.addi %scan3A_221, %scan3A_222 : i32
      %scan3A_224 = arith.constant 1 : i32
      %scan3A_225:4 = scf.for %scan3A_235 = %scan3A_221 to %scan3A_223 step %scan3A_224 iter_args(%scan3A_236 = %broadcast_in_dim3A_220, %scan3A_237 = %broadcast_in_dim3A_220, %scan3A_238 = %broadcast_in_dim3A_220, %scan3A_239 = %broadcast_in_dim3A_220) -> (vector<16xf32>, vector<16xf32>, vector<16xf32>, vector<16xf32>)  : i32 {
        %mul3A_240 = arith.constant 128 : i32
        %mul3A_241 = arith.muli %scan3A_235, %mul3A_240 : i32
        %get3A_242 = arith.index_cast %scan3A_179 : i32 to index
        %get3A_243 = arith.index_cast %mul3A_241 : i32 to index
        %get3A_244 = tpu.vector_load %arg4[%get3A_242, %get3A_243] {strides = array<i32>} : memref<8x4992xf32, #tpu.memory_space<vmem>>, vector<16xf32>,
        %sub3A_245 = arith.subf %get3A_244, %max3A_204 : vector<16xf32>
        %exp3A_246 = math.exp %sub3A_245 : vector<16xf32>
        %add3A_247 = arith.addf %scan3A_236, %exp3A_246 : vector<16xf32>
        %add3A_248 = arith.constant 16 : i32
        %add3A_249 = arith.addi %mul3A_241, %add3A_248 : i32
        %get3A_250 = arith.index_cast %scan3A_179 : i32 to index
        %get3A_251 = arith.index_cast %add3A_249 : i32 to index
        %get3A_252 = tpu.vector_load %arg4[%get3A_250, %get3A_251] {strides = array<i32>} : memref<8x4992xf32, #tpu.memory_space<vmem>>, vector<16xf32>,
        %sub3A_253 = arith.subf %get3A_252, %max3A_204 : vector<16xf32>
        %exp3A_254 = math.exp %sub3A_253 : vector<16xf32>
        %add3A_255 = arith.addf %scan3A_237, %exp3A_254 : vector<16xf32>
        %add3A_256 = arith.constant 32 : i32
        %add3A_257 = arith.addi %mul3A_241, %add3A_256 : i32
        %get3A_258 = arith.index_cast %scan3A_179 : i32 to index
        %get3A_259 = arith.index_cast %add3A_257 : i32 to index
        %get3A_260 = tpu.vector_load %arg4[%get3A_258, %get3A_259] {strides = array<i32>} : memref<8x4992xf32, #tpu.memory_space<vmem>>, vector<16xf32>,
        %sub3A_261 = arith.subf %get3A_260, %max3A_204 : vector<16xf32>
        %exp3A_262 = math.exp %sub3A_261 : vector<16xf32>
        %add3A_263 = arith.addf %scan3A_238, %exp3A_262 : vector<16xf32>
        %add3A_264 = arith.constant 48 : i32
        %add3A_265 = arith.addi %mul3A_241, %add3A_264 : i32
        %get3A_266 = arith.index_cast %scan3A_179 : i32 to index
        %get3A_267 = arith.index_cast %add3A_265 : i32 to index
        %get3A_268 = tpu.vector_load %arg4[%get3A_266, %get3A_267] {strides = array<i32>} : memref<8x4992xf32, #tpu.memory_space<vmem>>, vector<16xf32>,
        %sub3A_269 = arith.subf %get3A_268, %max3A_204 : vector<16xf32>
        %exp3A_270 = math.exp %sub3A_269 : vector<16xf32>
        %add3A_271 = arith.addf %scan3A_239, %exp3A_270 : vector<16xf32>
        %add3A_272 = arith.constant 64 : i32
        %add3A_273 = arith.addi %mul3A_241, %add3A_272 : i32
        %get3A_274 = arith.index_cast %scan3A_179 : i32 to index
        %get3A_275 = arith.index_cast %add3A_273 : i32 to index
        %get3A_276 = tpu.vector_load %arg4[%get3A_274, %get3A_275] {strides = array<i32>} : memref<8x4992xf32, #tpu.memory_space<vmem>>, vector<16xf32>,
        %sub3A_277 = arith.subf %get3A_276, %max3A_204 : vector<16xf32>
        %exp3A_278 = math.exp %sub3A_277 : vector<16xf32>
        %add3A_279 = arith.addf %add3A_247, %exp3A_278 : vector<16xf32>
        %add3A_280 = arith.constant 80 : i32
        %add3A_281 = arith.addi %mul3A_241, %add3A_280 : i32
        %get3A_282 = arith.index_cast %scan3A_179 : i32 to index
        %get3A_283 = arith.index_cast %add3A_281 : i32 to index
        %get3A_284 = tpu.vector_load %arg4[%get3A_282, %get3A_283] {strides = array<i32>} : memref<8x4992xf32, #tpu.memory_space<vmem>>, vector<16xf32>,
        %sub3A_285 = arith.subf %get3A_284, %max3A_204 : vector<16xf32>
        %exp3A_286 = math.exp %sub3A_285 : vector<16xf32>
        %add3A_287 = arith.addf %add3A_255, %exp3A_286 : vector<16xf32>
        %add3A_288 = arith.constant 96 : i32
        %add3A_289 = arith.addi %mul3A_241, %add3A_288 : i32
        %get3A_290 = arith.index_cast %scan3A_179 : i32 to index
        %get3A_291 = arith.index_cast %add3A_289 : i32 to index
        %get3A_292 = tpu.vector_load %arg4[%get3A_290, %get3A_291] {strides = array<i32>} : memref<8x4992xf32, #tpu.memory_space<vmem>>, vector<16xf32>,
        %sub3A_293 = arith.subf %get3A_292, %max3A_204 : vector<16xf32>
        %exp3A_294 = math.exp %sub3A_293 : vector<16xf32>
        %add3A_295 = arith.addf %add3A_263, %exp3A_294 : vector<16xf32>
        %add3A_296 = arith.constant 112 : i32
        %add3A_297 = arith.addi %mul3A_241, %add3A_296 : i32
        %get3A_298 = arith.index_cast %scan3A_179 : i32 to index
        %get3A_299 = arith.index_cast %add3A_297 : i32 to index
        %get3A_300 = tpu.vector_load %arg4[%get3A_298, %get3A_299] {strides = array<i32>} : memref<8x4992xf32, #tpu.memory_space<vmem>>, vector<16xf32>,
        %sub3A_301 = arith.subf %get3A_300, %max3A_204 : vector<16xf32>
        %exp3A_302 = math.exp %sub3A_301 : vector<16xf32>
        %add3A_303 = arith.addf %add3A_271, %exp3A_302 : vector<16xf32>
        scf.yield %add3A_279, %add3A_287, %add3A_295, %add3A_303 : vector<16xf32>, vector<16xf32>, vector<16xf32>, vector<16xf32>
      }
      %scan3A_226 = arith.constant 39 : i32
      %add3A_227 = arith.addf %scan3A_225#0, %scan3A_225#1 : vector<16xf32>
      %add3A_228 = arith.addf %mul3A_218, %add3A_227 : vector<16xf32>
      %add3A_229 = arith.addf %scan3A_225#2, %scan3A_225#3 : vector<16xf32>
      %add3A_230 = arith.addf %add3A_228, %add3A_229 : vector<16xf32>
      %swap3A_231 = arith.index_cast %scan3A_179 : i32 to index
      %swap3A_232 = arith.constant 0 : index
      %swap3A_233 = tpu.vector_load %arg8[%swap3A_231, %swap3A_232] {strides = array<i32>} : memref<8x16xf32, #tpu.memory_space<vmem>>, vector<16xf32>,
      tpu.vector_store %arg8[%swap3A_231, %swap3A_232], %add3A_230 {strides = array<i32>} : memref<8x16xf32, #tpu.memory_space<vmem>>, vector<16xf32>,
      %scan3A_234 = arith.constant 0 : i32
      scf.yield %scan3A_234 : i32
    }
    %scan3A_108 = arith.constant 8 : i32
    %dma_wait3A_109 = tpu.memref_slice %arg2[%mul3A_32, %add3A_99] : memref<128x100000xf32, #tpu.memory_space<hbm>> -> memref<8x4992xf32, #tpu.memory_space<hbm>>
    %dma_wait3A_110 = tpu.memref_slice %arg2[%mul3A_32, %add3A_99] : memref<128x100000xf32, #tpu.memory_space<hbm>> -> memref<8x4992xf32, #tpu.memory_space<hbm>>
    tpu.wait_dma2 semaphore(%arg11 : memref<!tpu.dma_semaphore, #tpu.memory_space<semaphore_mem>>) src(%dma_wait3A_110 : memref<8x4992xf32, #tpu.memory_space<hbm>>) dst(%arg5 : memref<8x4992xf32, #tpu.memory_space<vmem>>)
    %add3A_111 = arith.constant 29952 : i32
    %add3A_112 = arith.addi %mul3A_34, %add3A_111 : i32
    %dma_start3A_113 = tpu.memref_slice %arg2[%mul3A_32, %add3A_112] : memref<128x100000xf32, #tpu.memory_space<hbm>> -> memref<8x4992xf32, #tpu.memory_space<hbm>>
    %dma_start3A_114 = tpu.memref_slice %arg2[%mul3A_32, %add3A_112] : memref<128x100000xf32, #tpu.memory_space<hbm>> -> memref<8x4992xf32, #tpu.memory_space<hbm>>
    tpu.enqueue_dma source(%dma_start3A_114 : memref<8x4992xf32, #tpu.memory_space<hbm>>) target(%arg4 : memref<8x4992xf32, #tpu.memory_space<vmem>>) target_semaphore(%arg10 : memref<!tpu.dma_semaphore, #tpu.memory_space<semaphore_mem>>)
    %scan3A_115 = arith.constant 0 : i32
    %scan3A_116 = arith.constant 0 : i32
    %scan3A_117 = arith.constant 8 : i32
    %scan3A_118 = arith.addi %scan3A_116, %scan3A_117 : i32
    %scan3A_119 = arith.constant 1 : i32
    %scan3A_120 = scf.for %scan3A_179 = %scan3A_116 to %scan3A_118 step %scan3A_119 iter_args(%scan3A_180 = %scan3A_115) -> (i32)  : i32 {
      %scan3A_181 = arith.constant 0 : i32
      %scan3A_182 = arith.constant 39 : i32
      %scan3A_183 = arith.addi %scan3A_181, %scan3A_182 : i32
      %scan3A_184 = arith.constant 1 : i32
      %scan3A_185:8 = scf.for %scan3A_235 = %scan3A_181 to %scan3A_183 step %scan3A_184 iter_args(%scan3A_236 = %broadcast_in_dim3A_35, %scan3A_237 = %broadcast_in_dim3A_35, %scan3A_238 = %broadcast_in_dim3A_35, %scan3A_239 = %broadcast_in_dim3A_35, %scan3A_240 = %broadcast_in_dim3A_35, %scan3A_241 = %broadcast_in_dim3A_35, %scan3A_242 = %broadcast_in_dim3A_35, %scan3A_243 = %broadcast_in_dim3A_35) -> (vector<16xf32>, vector<16xf32>, vector<16xf32>, vector<16xf32>, vector<16xf32>, vector<16xf32>, vector<16xf32>, vector<16xf32>)  : i32 {
        %mul3A_244 = arith.constant 128 : i32
        %mul3A_245 = arith.muli %scan3A_235, %mul3A_244 : i32
        %get3A_246 = arith.index_cast %scan3A_179 : i32 to index
        %get3A_247 = arith.index_cast %mul3A_245 : i32 to index
        %get3A_248 = tpu.vector_load %arg5[%get3A_246, %get3A_247] {strides = array<i32>} : memref<8x4992xf32, #tpu.memory_space<vmem>>, vector<16xf32>,
        %add3A_249 = arith.constant 16 : i32
        %add3A_250 = arith.addi %mul3A_245, %add3A_249 : i32
        %get3A_251 = arith.index_cast %scan3A_179 : i32 to index
        %get3A_252 = arith.index_cast %add3A_250 : i32 to index
        %get3A_253 = tpu.vector_load %arg5[%get3A_251, %get3A_252] {strides = array<i32>} : memref<8x4992xf32, #tpu.memory_space<vmem>>, vector<16xf32>,
        %add3A_254 = arith.constant 32 : i32
        %add3A_255 = arith.addi %mul3A_245, %add3A_254 : i32
        %get3A_256 = arith.index_cast %scan3A_179 : i32 to index
        %get3A_257 = arith.index_cast %add3A_255 : i32 to index
        %get3A_258 = tpu.vector_load %arg5[%get3A_256, %get3A_257] {strides = array<i32>} : memref<8x4992xf32, #tpu.memory_space<vmem>>, vector<16xf32>,
        %add3A_259 = arith.constant 48 : i32
        %add3A_260 = arith.addi %mul3A_245, %add3A_259 : i32
        %get3A_261 = arith.index_cast %scan3A_179 : i32 to index
        %get3A_262 = arith.index_cast %add3A_260 : i32 to index
        %get3A_263 = tpu.vector_load %arg5[%get3A_261, %get3A_262] {strides = array<i32>} : memref<8x4992xf32, #tpu.memory_space<vmem>>, vector<16xf32>,
        %add3A_264 = arith.constant 64 : i32
        %add3A_265 = arith.addi %mul3A_245, %add3A_264 : i32
        %get3A_266 = arith.index_cast %scan3A_179 : i32 to index
        %get3A_267 = arith.index_cast %add3A_265 : i32 to index
        %get3A_268 = tpu.vector_load %arg5[%get3A_266, %get3A_267] {strides = array<i32>} : memref<8x4992xf32, #tpu.memory_space<vmem>>, vector<16xf32>,
        %add3A_269 = arith.constant 80 : i32
        %add3A_270 = arith.addi %mul3A_245, %add3A_269 : i32
        %get3A_271 = arith.index_cast %scan3A_179 : i32 to index
        %get3A_272 = arith.index_cast %add3A_270 : i32 to index
        %get3A_273 = tpu.vector_load %arg5[%get3A_271, %get3A_272] {strides = array<i32>} : memref<8x4992xf32, #tpu.memory_space<vmem>>, vector<16xf32>,
        %add3A_274 = arith.constant 96 : i32
        %add3A_275 = arith.addi %mul3A_245, %add3A_274 : i32
        %get3A_276 = arith.index_cast %scan3A_179 : i32 to index
        %get3A_277 = arith.index_cast %add3A_275 : i32 to index
        %get3A_278 = tpu.vector_load %arg5[%get3A_276, %get3A_277] {strides = array<i32>} : memref<8x4992xf32, #tpu.memory_space<vmem>>, vector<16xf32>,
        %add3A_279 = arith.constant 112 : i32
        %add3A_280 = arith.addi %mul3A_245, %add3A_279 : i32
        %get3A_281 = arith.index_cast %scan3A_179 : i32 to index
        %get3A_282 = arith.index_cast %add3A_280 : i32 to index
        %get3A_283 = tpu.vector_load %arg5[%get3A_281, %get3A_282] {strides = array<i32>} : memref<8x4992xf32, #tpu.memory_space<vmem>>, vector<16xf32>,
        %min3A_284 = arith.minimumf %scan3A_236, %get3A_248 : vector<16xf32>
        %max3A_285 = arith.maximumf %scan3A_237, %min3A_284 : vector<16xf32>
        %max3A_286 = arith.maximumf %scan3A_236, %get3A_248 : vector<16xf32>
        %min3A_287 = arith.minimumf %scan3A_238, %get3A_253 : vector<16xf32>
        %max3A_288 = arith.maximumf %scan3A_239, %min3A_287 : vector<16xf32>
        %max3A_289 = arith.maximumf %scan3A_238, %get3A_253 : vector<16xf32>
        %min3A_290 = arith.minimumf %scan3A_240, %get3A_258 : vector<16xf32>
        %max3A_291 = arith.maximumf %scan3A_241, %min3A_290 : vector<16xf32>
        %max3A_292 = arith.maximumf %scan3A_240, %get3A_258 : vector<16xf32>
        %min3A_293 = arith.minimumf %scan3A_242, %get3A_263 : vector<16xf32>
        %max3A_294 = arith.maximumf %scan3A_243, %min3A_293 : vector<16xf32>
        %max3A_295 = arith.maximumf %scan3A_242, %get3A_263 : vector<16xf32>
        %min3A_296 = arith.minimumf %max3A_286, %get3A_268 : vector<16xf32>
        %max3A_297 = arith.maximumf %max3A_285, %min3A_296 : vector<16xf32>
        %max3A_298 = arith.maximumf %max3A_286, %get3A_268 : vector<16xf32>
        %min3A_299 = arith.minimumf %max3A_289, %get3A_273 : vector<16xf32>
        %max3A_300 = arith.maximumf %max3A_288, %min3A_299 : vector<16xf32>
        %max3A_301 = arith.maximumf %max3A_289, %get3A_273 : vector<16xf32>
        %min3A_302 = arith.minimumf %max3A_292, %get3A_278 : vector<16xf32>
        %max3A_303 = arith.maximumf %max3A_291, %min3A_302 : vector<16xf32>
        %max3A_304 = arith.maximumf %max3A_292, %get3A_278 : vector<16xf32>
        %min3A_305 = arith.minimumf %max3A_295, %get3A_283 : vector<16xf32>
        %max3A_306 = arith.maximumf %max3A_294, %min3A_305 : vector<16xf32>
        %max3A_307 = arith.maximumf %max3A_295, %get3A_283 : vector<16xf32>
        scf.yield %max3A_298, %max3A_297, %max3A_301, %max3A_300, %max3A_304, %max3A_303, %max3A_307, %max3A_306 : vector<16xf32>, vector<16xf32>, vector<16xf32>, vector<16xf32>, vector<16xf32>, vector<16xf32>, vector<16xf32>, vector<16xf32>
      }
      %scan3A_186 = arith.constant 39 : i32
      %max3A = arith.maximumf %scan3A_185#0, %scan3A_185#2 : vector<16xf32>
      %min3A = arith.minimumf %scan3A_185#0, %scan3A_185#2 : vector<16xf32>
      %ge3A = arith.cmpf oge, %scan3A_185#0, %scan3A_185#2 : vector<16xf32>
      %select_n3A_187 = arith.select %ge3A, %scan3A_185#1, %scan3A_185#3 : vector<16xi1>, vector<16xf32>
      %max3A_188 = arith.maximumf %min3A, %select_n3A_187 : vector<16xf32>
      %max3A_189 = arith.maximumf %max3A, %scan3A_185#4 : vector<16xf32>
      %min3A_190 = arith.minimumf %max3A, %scan3A_185#4 : vector<16xf32>
      %ge3A_191 = arith.cmpf oge, %max3A, %scan3A_185#4 : vector<16xf32>
      %select_n3A_192 = arith.select %ge3A_191, %max3A_188, %scan3A_185#5 : vector<16xi1>, vector<16xf32>
      %max3A_193 = arith.maximumf %min3A_190, %select_n3A_192 : vector<16xf32>
      %max3A_194 = arith.maximumf %max3A_189, %scan3A_185#6 : vector<16xf32>
      %min3A_195 = arith.minimumf %max3A_189, %scan3A_185#6 : vector<16xf32>
      %ge3A_196 = arith.cmpf oge, %max3A_189, %scan3A_185#6 : vector<16xf32>
      %select_n3A_197 = arith.select %ge3A_196, %max3A_193, %scan3A_185#7 : vector<16xi1>, vector<16xf32>
      %max3A_198 = arith.maximumf %min3A_195, %select_n3A_197 : vector<16xf32>
      %get3A = arith.index_cast %scan3A_179 : i32 to index
      %get3A_199 = arith.constant 0 : index
      %get3A_200 = tpu.vector_load %arg6[%get3A, %get3A_199] {strides = array<i32>} : memref<8x16xf32, #tpu.memory_space<vmem>>, vector<16xf32>,
      %get3A_201 = arith.index_cast %scan3A_179 : i32 to index
      %get3A_202 = arith.constant 0 : index
      %get3A_203 = tpu.vector_load %arg7[%get3A_201, %get3A_202] {strides = array<i32>} : memref<8x16xf32, #tpu.memory_space<vmem>>, vector<16xf32>,
      %max3A_204 = arith.maximumf %get3A_200, %max3A_194 : vector<16xf32>
      %min3A_205 = arith.minimumf %get3A_200, %max3A_194 : vector<16xf32>
      %ge3A_206 = arith.cmpf oge, %get3A_200, %max3A_194 : vector<16xf32>
      %select_n3A_207 = arith.select %ge3A_206, %get3A_203, %max3A_198 : vector<16xi1>, vector<16xf32>
      %max3A_208 = arith.maximumf %min3A_205, %select_n3A_207 : vector<16xf32>
      %swap3A = arith.index_cast %scan3A_179 : i32 to index
      %swap3A_209 = arith.constant 0 : index
      %swap3A_210 = tpu.vector_load %arg6[%swap3A, %swap3A_209] {strides = array<i32>} : memref<8x16xf32, #tpu.memory_space<vmem>>, vector<16xf32>,
      tpu.vector_store %arg6[%swap3A, %swap3A_209], %max3A_204 {strides = array<i32>} : memref<8x16xf32, #tpu.memory_space<vmem>>, vector<16xf32>,
      %swap3A_211 = arith.index_cast %scan3A_179 : i32 to index
      %swap3A_212 = arith.constant 0 : index
      %swap3A_213 = tpu.vector_load %arg7[%swap3A_211, %swap3A_212] {strides = array<i32>} : memref<8x16xf32, #tpu.memory_space<vmem>>, vector<16xf32>,
      tpu.vector_store %arg7[%swap3A_211, %swap3A_212], %max3A_208 {strides = array<i32>} : memref<8x16xf32, #tpu.memory_space<vmem>>, vector<16xf32>,
      %get3A_214 = arith.index_cast %scan3A_179 : i32 to index
      %get3A_215 = arith.constant 0 : index
      %get3A_216 = tpu.vector_load %arg8[%get3A_214, %get3A_215] {strides = array<i32>} : memref<8x16xf32, #tpu.memory_space<vmem>>, vector<16xf32>,
      %sub3A_217 = arith.subf %get3A_200, %max3A_204 : vector<16xf32>
      %exp3A = math.exp %sub3A_217 : vector<16xf32>
      %mul3A_218 = arith.mulf %get3A_216, %exp3A : vector<16xf32>
      %broadcast_in_dim3A_219 = arith.constant 0.000000e+00 : f32
      %broadcast_in_dim3A_220 = vector.broadcast %broadcast_in_dim3A_219 : f32 to vector<16xf32>
      %scan3A_221 = arith.constant 0 : i32
      %scan3A_222 = arith.constant 39 : i32
      %scan3A_223 = arith.addi %scan3A_221, %scan3A_222 : i32
      %scan3A_224 = arith.constant 1 : i32
      %scan3A_225:4 = scf.for %scan3A_235 = %scan3A_221 to %scan3A_223 step %scan3A_224 iter_args(%scan3A_236 = %broadcast_in_dim3A_220, %scan3A_237 = %broadcast_in_dim3A_220, %scan3A_238 = %broadcast_in_dim3A_220, %scan3A_239 = %broadcast_in_dim3A_220) -> (vector<16xf32>, vector<16xf32>, vector<16xf32>, vector<16xf32>)  : i32 {
        %mul3A_240 = arith.constant 128 : i32
        %mul3A_241 = arith.muli %scan3A_235, %mul3A_240 : i32
        %get3A_242 = arith.index_cast %scan3A_179 : i32 to index
        %get3A_243 = arith.index_cast %mul3A_241 : i32 to index
        %get3A_244 = tpu.vector_load %arg5[%get3A_242, %get3A_243] {strides = array<i32>} : memref<8x4992xf32, #tpu.memory_space<vmem>>, vector<16xf32>,
        %sub3A_245 = arith.subf %get3A_244, %max3A_204 : vector<16xf32>
        %exp3A_246 = math.exp %sub3A_245 : vector<16xf32>
        %add3A_247 = arith.addf %scan3A_236, %exp3A_246 : vector<16xf32>
        %add3A_248 = arith.constant 16 : i32
        %add3A_249 = arith.addi %mul3A_241, %add3A_248 : i32
        %get3A_250 = arith.index_cast %scan3A_179 : i32 to index
        %get3A_251 = arith.index_cast %add3A_249 : i32 to index
        %get3A_252 = tpu.vector_load %arg5[%get3A_250, %get3A_251] {strides = array<i32>} : memref<8x4992xf32, #tpu.memory_space<vmem>>, vector<16xf32>,
        %sub3A_253 = arith.subf %get3A_252, %max3A_204 : vector<16xf32>
        %exp3A_254 = math.exp %sub3A_253 : vector<16xf32>
        %add3A_255 = arith.addf %scan3A_237, %exp3A_254 : vector<16xf32>
        %add3A_256 = arith.constant 32 : i32
        %add3A_257 = arith.addi %mul3A_241, %add3A_256 : i32
        %get3A_258 = arith.index_cast %scan3A_179 : i32 to index
        %get3A_259 = arith.index_cast %add3A_257 : i32 to index
        %get3A_260 = tpu.vector_load %arg5[%get3A_258, %get3A_259] {strides = array<i32>} : memref<8x4992xf32, #tpu.memory_space<vmem>>, vector<16xf32>,
        %sub3A_261 = arith.subf %get3A_260, %max3A_204 : vector<16xf32>
        %exp3A_262 = math.exp %sub3A_261 : vector<16xf32>
        %add3A_263 = arith.addf %scan3A_238, %exp3A_262 : vector<16xf32>
        %add3A_264 = arith.constant 48 : i32
        %add3A_265 = arith.addi %mul3A_241, %add3A_264 : i32
        %get3A_266 = arith.index_cast %scan3A_179 : i32 to index
        %get3A_267 = arith.index_cast %add3A_265 : i32 to index
        %get3A_268 = tpu.vector_load %arg5[%get3A_266, %get3A_267] {strides = array<i32>} : memref<8x4992xf32, #tpu.memory_space<vmem>>, vector<16xf32>,
        %sub3A_269 = arith.subf %get3A_268, %max3A_204 : vector<16xf32>
        %exp3A_270 = math.exp %sub3A_269 : vector<16xf32>
        %add3A_271 = arith.addf %scan3A_239, %exp3A_270 : vector<16xf32>
        %add3A_272 = arith.constant 64 : i32
        %add3A_273 = arith.addi %mul3A_241, %add3A_272 : i32
        %get3A_274 = arith.index_cast %scan3A_179 : i32 to index
        %get3A_275 = arith.index_cast %add3A_273 : i32 to index
        %get3A_276 = tpu.vector_load %arg5[%get3A_274, %get3A_275] {strides = array<i32>} : memref<8x4992xf32, #tpu.memory_space<vmem>>, vector<16xf32>,
        %sub3A_277 = arith.subf %get3A_276, %max3A_204 : vector<16xf32>
        %exp3A_278 = math.exp %sub3A_277 : vector<16xf32>
        %add3A_279 = arith.addf %add3A_247, %exp3A_278 : vector<16xf32>
        %add3A_280 = arith.constant 80 : i32
        %add3A_281 = arith.addi %mul3A_241, %add3A_280 : i32
        %get3A_282 = arith.index_cast %scan3A_179 : i32 to index
        %get3A_283 = arith.index_cast %add3A_281 : i32 to index
        %get3A_284 = tpu.vector_load %arg5[%get3A_282, %get3A_283] {strides = array<i32>} : memref<8x4992xf32, #tpu.memory_space<vmem>>, vector<16xf32>,
        %sub3A_285 = arith.subf %get3A_284, %max3A_204 : vector<16xf32>
        %exp3A_286 = math.exp %sub3A_285 : vector<16xf32>
        %add3A_287 = arith.addf %add3A_255, %exp3A_286 : vector<16xf32>
        %add3A_288 = arith.constant 96 : i32
        %add3A_289 = arith.addi %mul3A_241, %add3A_288 : i32
        %get3A_290 = arith.index_cast %scan3A_179 : i32 to index
        %get3A_291 = arith.index_cast %add3A_289 : i32 to index
        %get3A_292 = tpu.vector_load %arg5[%get3A_290, %get3A_291] {strides = array<i32>} : memref<8x4992xf32, #tpu.memory_space<vmem>>, vector<16xf32>,
        %sub3A_293 = arith.subf %get3A_292, %max3A_204 : vector<16xf32>
        %exp3A_294 = math.exp %sub3A_293 : vector<16xf32>
        %add3A_295 = arith.addf %add3A_263, %exp3A_294 : vector<16xf32>
        %add3A_296 = arith.constant 112 : i32
        %add3A_297 = arith.addi %mul3A_241, %add3A_296 : i32
        %get3A_298 = arith.index_cast %scan3A_179 : i32 to index
        %get3A_299 = arith.index_cast %add3A_297 : i32 to index
        %get3A_300 = tpu.vector_load %arg5[%get3A_298, %get3A_299] {strides = array<i32>} : memref<8x4992xf32, #tpu.memory_space<vmem>>, vector<16xf32>,
        %sub3A_301 = arith.subf %get3A_300, %max3A_204 : vector<16xf32>
        %exp3A_302 = math.exp %sub3A_301 : vector<16xf32>
        %add3A_303 = arith.addf %add3A_271, %exp3A_302 : vector<16xf32>
        scf.yield %add3A_279, %add3A_287, %add3A_295, %add3A_303 : vector<16xf32>, vector<16xf32>, vector<16xf32>, vector<16xf32>
      }
      %scan3A_226 = arith.constant 39 : i32
      %add3A_227 = arith.addf %scan3A_225#0, %scan3A_225#1 : vector<16xf32>
      %add3A_228 = arith.addf %mul3A_218, %add3A_227 : vector<16xf32>
      %add3A_229 = arith.addf %scan3A_225#2, %scan3A_225#3 : vector<16xf32>
      %add3A_230 = arith.addf %add3A_228, %add3A_229 : vector<16xf32>
      %swap3A_231 = arith.index_cast %scan3A_179 : i32 to index
      %swap3A_232 = arith.constant 0 : index
      %swap3A_233 = tpu.vector_load %arg8[%swap3A_231, %swap3A_232] {strides = array<i32>} : memref<8x16xf32, #tpu.memory_space<vmem>>, vector<16xf32>,
      tpu.vector_store %arg8[%swap3A_231, %swap3A_232], %add3A_230 {strides = array<i32>} : memref<8x16xf32, #tpu.memory_space<vmem>>, vector<16xf32>,
      %scan3A_234 = arith.constant 0 : i32
      scf.yield %scan3A_234 : i32
    }
    %scan3A_121 = arith.constant 8 : i32
    %dma_wait3A_122 = tpu.memref_slice %arg2[%mul3A_32, %add3A_112] : memref<128x100000xf32, #tpu.memory_space<hbm>> -> memref<8x4992xf32, #tpu.memory_space<hbm>>
    %dma_wait3A_123 = tpu.memref_slice %arg2[%mul3A_32, %add3A_112] : memref<128x100000xf32, #tpu.memory_space<hbm>> -> memref<8x4992xf32, #tpu.memory_space<hbm>>
    tpu.wait_dma2 semaphore(%arg10 : memref<!tpu.dma_semaphore, #tpu.memory_space<semaphore_mem>>) src(%dma_wait3A_123 : memref<8x4992xf32, #tpu.memory_space<hbm>>) dst(%arg4 : memref<8x4992xf32, #tpu.memory_space<vmem>>)
    %add3A_124 = arith.constant 34944 : i32
    %add3A_125 = arith.addi %mul3A_34, %add3A_124 : i32
    %dma_start3A_126 = tpu.memref_slice %arg2[%mul3A_32, %add3A_125] : memref<128x100000xf32, #tpu.memory_space<hbm>> -> memref<8x4992xf32, #tpu.memory_space<hbm>>
    %dma_start3A_127 = tpu.memref_slice %arg2[%mul3A_32, %add3A_125] : memref<128x100000xf32, #tpu.memory_space<hbm>> -> memref<8x4992xf32, #tpu.memory_space<hbm>>
    tpu.enqueue_dma source(%dma_start3A_127 : memref<8x4992xf32, #tpu.memory_space<hbm>>) target(%arg5 : memref<8x4992xf32, #tpu.memory_space<vmem>>) target_semaphore(%arg11 : memref<!tpu.dma_semaphore, #tpu.memory_space<semaphore_mem>>)
    %scan3A_128 = arith.constant 0 : i32
    %scan3A_129 = arith.constant 0 : i32
    %scan3A_130 = arith.constant 8 : i32
    %scan3A_131 = arith.addi %scan3A_129, %scan3A_130 : i32
    %scan3A_132 = arith.constant 1 : i32
    %scan3A_133 = scf.for %scan3A_179 = %scan3A_129 to %scan3A_131 step %scan3A_132 iter_args(%scan3A_180 = %scan3A_128) -> (i32)  : i32 {
      %scan3A_181 = arith.constant 0 : i32
      %scan3A_182 = arith.constant 39 : i32
      %scan3A_183 = arith.addi %scan3A_181, %scan3A_182 : i32
      %scan3A_184 = arith.constant 1 : i32
      %scan3A_185:8 = scf.for %scan3A_235 = %scan3A_181 to %scan3A_183 step %scan3A_184 iter_args(%scan3A_236 = %broadcast_in_dim3A_35, %scan3A_237 = %broadcast_in_dim3A_35, %scan3A_238 = %broadcast_in_dim3A_35, %scan3A_239 = %broadcast_in_dim3A_35, %scan3A_240 = %broadcast_in_dim3A_35, %scan3A_241 = %broadcast_in_dim3A_35, %scan3A_242 = %broadcast_in_dim3A_35, %scan3A_243 = %broadcast_in_dim3A_35) -> (vector<16xf32>, vector<16xf32>, vector<16xf32>, vector<16xf32>, vector<16xf32>, vector<16xf32>, vector<16xf32>, vector<16xf32>)  : i32 {
        %mul3A_244 = arith.constant 128 : i32
        %mul3A_245 = arith.muli %scan3A_235, %mul3A_244 : i32
        %get3A_246 = arith.index_cast %scan3A_179 : i32 to index
        %get3A_247 = arith.index_cast %mul3A_245 : i32 to index
        %get3A_248 = tpu.vector_load %arg4[%get3A_246, %get3A_247] {strides = array<i32>} : memref<8x4992xf32, #tpu.memory_space<vmem>>, vector<16xf32>,
        %add3A_249 = arith.constant 16 : i32
        %add3A_250 = arith.addi %mul3A_245, %add3A_249 : i32
        %get3A_251 = arith.index_cast %scan3A_179 : i32 to index
        %get3A_252 = arith.index_cast %add3A_250 : i32 to index
        %get3A_253 = tpu.vector_load %arg4[%get3A_251, %get3A_252] {strides = array<i32>} : memref<8x4992xf32, #tpu.memory_space<vmem>>, vector<16xf32>,
        %add3A_254 = arith.constant 32 : i32
        %add3A_255 = arith.addi %mul3A_245, %add3A_254 : i32
        %get3A_256 = arith.index_cast %scan3A_179 : i32 to index
        %get3A_257 = arith.index_cast %add3A_255 : i32 to index
        %get3A_258 = tpu.vector_load %arg4[%get3A_256, %get3A_257] {strides = array<i32>} : memref<8x4992xf32, #tpu.memory_space<vmem>>, vector<16xf32>,
        %add3A_259 = arith.constant 48 : i32
        %add3A_260 = arith.addi %mul3A_245, %add3A_259 : i32
        %get3A_261 = arith.index_cast %scan3A_179 : i32 to index
        %get3A_262 = arith.index_cast %add3A_260 : i32 to index
        %get3A_263 = tpu.vector_load %arg4[%get3A_261, %get3A_262] {strides = array<i32>} : memref<8x4992xf32, #tpu.memory_space<vmem>>, vector<16xf32>,
        %add3A_264 = arith.constant 64 : i32
        %add3A_265 = arith.addi %mul3A_245, %add3A_264 : i32
        %get3A_266 = arith.index_cast %scan3A_179 : i32 to index
        %get3A_267 = arith.index_cast %add3A_265 : i32 to index
        %get3A_268 = tpu.vector_load %arg4[%get3A_266, %get3A_267] {strides = array<i32>} : memref<8x4992xf32, #tpu.memory_space<vmem>>, vector<16xf32>,
        %add3A_269 = arith.constant 80 : i32
        %add3A_270 = arith.addi %mul3A_245, %add3A_269 : i32
        %get3A_271 = arith.index_cast %scan3A_179 : i32 to index
        %get3A_272 = arith.index_cast %add3A_270 : i32 to index
        %get3A_273 = tpu.vector_load %arg4[%get3A_271, %get3A_272] {strides = array<i32>} : memref<8x4992xf32, #tpu.memory_space<vmem>>, vector<16xf32>,
        %add3A_274 = arith.constant 96 : i32
        %add3A_275 = arith.addi %mul3A_245, %add3A_274 : i32
        %get3A_276 = arith.index_cast %scan3A_179 : i32 to index
        %get3A_277 = arith.index_cast %add3A_275 : i32 to index
        %get3A_278 = tpu.vector_load %arg4[%get3A_276, %get3A_277] {strides = array<i32>} : memref<8x4992xf32, #tpu.memory_space<vmem>>, vector<16xf32>,
        %add3A_279 = arith.constant 112 : i32
        %add3A_280 = arith.addi %mul3A_245, %add3A_279 : i32
        %get3A_281 = arith.index_cast %scan3A_179 : i32 to index
        %get3A_282 = arith.index_cast %add3A_280 : i32 to index
        %get3A_283 = tpu.vector_load %arg4[%get3A_281, %get3A_282] {strides = array<i32>} : memref<8x4992xf32, #tpu.memory_space<vmem>>, vector<16xf32>,
        %min3A_284 = arith.minimumf %scan3A_236, %get3A_248 : vector<16xf32>
        %max3A_285 = arith.maximumf %scan3A_237, %min3A_284 : vector<16xf32>
        %max3A_286 = arith.maximumf %scan3A_236, %get3A_248 : vector<16xf32>
        %min3A_287 = arith.minimumf %scan3A_238, %get3A_253 : vector<16xf32>
        %max3A_288 = arith.maximumf %scan3A_239, %min3A_287 : vector<16xf32>
        %max3A_289 = arith.maximumf %scan3A_238, %get3A_253 : vector<16xf32>
        %min3A_290 = arith.minimumf %scan3A_240, %get3A_258 : vector<16xf32>
        %max3A_291 = arith.maximumf %scan3A_241, %min3A_290 : vector<16xf32>
        %max3A_292 = arith.maximumf %scan3A_240, %get3A_258 : vector<16xf32>
        %min3A_293 = arith.minimumf %scan3A_242, %get3A_263 : vector<16xf32>
        %max3A_294 = arith.maximumf %scan3A_243, %min3A_293 : vector<16xf32>
        %max3A_295 = arith.maximumf %scan3A_242, %get3A_263 : vector<16xf32>
        %min3A_296 = arith.minimumf %max3A_286, %get3A_268 : vector<16xf32>
        %max3A_297 = arith.maximumf %max3A_285, %min3A_296 : vector<16xf32>
        %max3A_298 = arith.maximumf %max3A_286, %get3A_268 : vector<16xf32>
        %min3A_299 = arith.minimumf %max3A_289, %get3A_273 : vector<16xf32>
        %max3A_300 = arith.maximumf %max3A_288, %min3A_299 : vector<16xf32>
        %max3A_301 = arith.maximumf %max3A_289, %get3A_273 : vector<16xf32>
        %min3A_302 = arith.minimumf %max3A_292, %get3A_278 : vector<16xf32>
        %max3A_303 = arith.maximumf %max3A_291, %min3A_302 : vector<16xf32>
        %max3A_304 = arith.maximumf %max3A_292, %get3A_278 : vector<16xf32>
        %min3A_305 = arith.minimumf %max3A_295, %get3A_283 : vector<16xf32>
        %max3A_306 = arith.maximumf %max3A_294, %min3A_305 : vector<16xf32>
        %max3A_307 = arith.maximumf %max3A_295, %get3A_283 : vector<16xf32>
        scf.yield %max3A_298, %max3A_297, %max3A_301, %max3A_300, %max3A_304, %max3A_303, %max3A_307, %max3A_306 : vector<16xf32>, vector<16xf32>, vector<16xf32>, vector<16xf32>, vector<16xf32>, vector<16xf32>, vector<16xf32>, vector<16xf32>
      }
      %scan3A_186 = arith.constant 39 : i32
      %max3A = arith.maximumf %scan3A_185#0, %scan3A_185#2 : vector<16xf32>
      %min3A = arith.minimumf %scan3A_185#0, %scan3A_185#2 : vector<16xf32>
      %ge3A = arith.cmpf oge, %scan3A_185#0, %scan3A_185#2 : vector<16xf32>
      %select_n3A_187 = arith.select %ge3A, %scan3A_185#1, %scan3A_185#3 : vector<16xi1>, vector<16xf32>
      %max3A_188 = arith.maximumf %min3A, %select_n3A_187 : vector<16xf32>
      %max3A_189 = arith.maximumf %max3A, %scan3A_185#4 : vector<16xf32>
      %min3A_190 = arith.minimumf %max3A, %scan3A_185#4 : vector<16xf32>
      %ge3A_191 = arith.cmpf oge, %max3A, %scan3A_185#4 : vector<16xf32>
      %select_n3A_192 = arith.select %ge3A_191, %max3A_188, %scan3A_185#5 : vector<16xi1>, vector<16xf32>
      %max3A_193 = arith.maximumf %min3A_190, %select_n3A_192 : vector<16xf32>
      %max3A_194 = arith.maximumf %max3A_189, %scan3A_185#6 : vector<16xf32>
      %min3A_195 = arith.minimumf %max3A_189, %scan3A_185#6 : vector<16xf32>
      %ge3A_196 = arith.cmpf oge, %max3A_189, %scan3A_185#6 : vector<16xf32>
      %select_n3A_197 = arith.select %ge3A_196, %max3A_193, %scan3A_185#7 : vector<16xi1>, vector<16xf32>
      %max3A_198 = arith.maximumf %min3A_195, %select_n3A_197 : vector<16xf32>
      %get3A = arith.index_cast %scan3A_179 : i32 to index
      %get3A_199 = arith.constant 0 : index
      %get3A_200 = tpu.vector_load %arg6[%get3A, %get3A_199] {strides = array<i32>} : memref<8x16xf32, #tpu.memory_space<vmem>>, vector<16xf32>,
      %get3A_201 = arith.index_cast %scan3A_179 : i32 to index
      %get3A_202 = arith.constant 0 : index
      %get3A_203 = tpu.vector_load %arg7[%get3A_201, %get3A_202] {strides = array<i32>} : memref<8x16xf32, #tpu.memory_space<vmem>>, vector<16xf32>,
      %max3A_204 = arith.maximumf %get3A_200, %max3A_194 : vector<16xf32>
      %min3A_205 = arith.minimumf %get3A_200, %max3A_194 : vector<16xf32>
      %ge3A_206 = arith.cmpf oge, %get3A_200, %max3A_194 : vector<16xf32>
      %select_n3A_207 = arith.select %ge3A_206, %get3A_203, %max3A_198 : vector<16xi1>, vector<16xf32>
      %max3A_208 = arith.maximumf %min3A_205, %select_n3A_207 : vector<16xf32>
      %swap3A = arith.index_cast %scan3A_179 : i32 to index
      %swap3A_209 = arith.constant 0 : index
      %swap3A_210 = tpu.vector_load %arg6[%swap3A, %swap3A_209] {strides = array<i32>} : memref<8x16xf32, #tpu.memory_space<vmem>>, vector<16xf32>,
      tpu.vector_store %arg6[%swap3A, %swap3A_209], %max3A_204 {strides = array<i32>} : memref<8x16xf32, #tpu.memory_space<vmem>>, vector<16xf32>,
      %swap3A_211 = arith.index_cast %scan3A_179 : i32 to index
      %swap3A_212 = arith.constant 0 : index
      %swap3A_213 = tpu.vector_load %arg7[%swap3A_211, %swap3A_212] {strides = array<i32>} : memref<8x16xf32, #tpu.memory_space<vmem>>, vector<16xf32>,
      tpu.vector_store %arg7[%swap3A_211, %swap3A_212], %max3A_208 {strides = array<i32>} : memref<8x16xf32, #tpu.memory_space<vmem>>, vector<16xf32>,
      %get3A_214 = arith.index_cast %scan3A_179 : i32 to index
      %get3A_215 = arith.constant 0 : index
      %get3A_216 = tpu.vector_load %arg8[%get3A_214, %get3A_215] {strides = array<i32>} : memref<8x16xf32, #tpu.memory_space<vmem>>, vector<16xf32>,
      %sub3A_217 = arith.subf %get3A_200, %max3A_204 : vector<16xf32>
      %exp3A = math.exp %sub3A_217 : vector<16xf32>
      %mul3A_218 = arith.mulf %get3A_216, %exp3A : vector<16xf32>
      %broadcast_in_dim3A_219 = arith.constant 0.000000e+00 : f32
      %broadcast_in_dim3A_220 = vector.broadcast %broadcast_in_dim3A_219 : f32 to vector<16xf32>
      %scan3A_221 = arith.constant 0 : i32
      %scan3A_222 = arith.constant 39 : i32
      %scan3A_223 = arith.addi %scan3A_221, %scan3A_222 : i32
      %scan3A_224 = arith.constant 1 : i32
      %scan3A_225:4 = scf.for %scan3A_235 = %scan3A_221 to %scan3A_223 step %scan3A_224 iter_args(%scan3A_236 = %broadcast_in_dim3A_220, %scan3A_237 = %broadcast_in_dim3A_220, %scan3A_238 = %broadcast_in_dim3A_220, %scan3A_239 = %broadcast_in_dim3A_220) -> (vector<16xf32>, vector<16xf32>, vector<16xf32>, vector<16xf32>)  : i32 {
        %mul3A_240 = arith.constant 128 : i32
        %mul3A_241 = arith.muli %scan3A_235, %mul3A_240 : i32
        %get3A_242 = arith.index_cast %scan3A_179 : i32 to index
        %get3A_243 = arith.index_cast %mul3A_241 : i32 to index
        %get3A_244 = tpu.vector_load %arg4[%get3A_242, %get3A_243] {strides = array<i32>} : memref<8x4992xf32, #tpu.memory_space<vmem>>, vector<16xf32>,
        %sub3A_245 = arith.subf %get3A_244, %max3A_204 : vector<16xf32>
        %exp3A_246 = math.exp %sub3A_245 : vector<16xf32>
        %add3A_247 = arith.addf %scan3A_236, %exp3A_246 : vector<16xf32>
        %add3A_248 = arith.constant 16 : i32
        %add3A_249 = arith.addi %mul3A_241, %add3A_248 : i32
        %get3A_250 = arith.index_cast %scan3A_179 : i32 to index
        %get3A_251 = arith.index_cast %add3A_249 : i32 to index
        %get3A_252 = tpu.vector_load %arg4[%get3A_250, %get3A_251] {strides = array<i32>} : memref<8x4992xf32, #tpu.memory_space<vmem>>, vector<16xf32>,
        %sub3A_253 = arith.subf %get3A_252, %max3A_204 : vector<16xf32>
        %exp3A_254 = math.exp %sub3A_253 : vector<16xf32>
        %add3A_255 = arith.addf %scan3A_237, %exp3A_254 : vector<16xf32>
        %add3A_256 = arith.constant 32 : i32
        %add3A_257 = arith.addi %mul3A_241, %add3A_256 : i32
        %get3A_258 = arith.index_cast %scan3A_179 : i32 to index
        %get3A_259 = arith.index_cast %add3A_257 : i32 to index
        %get3A_260 = tpu.vector_load %arg4[%get3A_258, %get3A_259] {strides = array<i32>} : memref<8x4992xf32, #tpu.memory_space<vmem>>, vector<16xf32>,
        %sub3A_261 = arith.subf %get3A_260, %max3A_204 : vector<16xf32>
        %exp3A_262 = math.exp %sub3A_261 : vector<16xf32>
        %add3A_263 = arith.addf %scan3A_238, %exp3A_262 : vector<16xf32>
        %add3A_264 = arith.constant 48 : i32
        %add3A_265 = arith.addi %mul3A_241, %add3A_264 : i32
        %get3A_266 = arith.index_cast %scan3A_179 : i32 to index
        %get3A_267 = arith.index_cast %add3A_265 : i32 to index
        %get3A_268 = tpu.vector_load %arg4[%get3A_266, %get3A_267] {strides = array<i32>} : memref<8x4992xf32, #tpu.memory_space<vmem>>, vector<16xf32>,
        %sub3A_269 = arith.subf %get3A_268, %max3A_204 : vector<16xf32>
        %exp3A_270 = math.exp %sub3A_269 : vector<16xf32>
        %add3A_271 = arith.addf %scan3A_239, %exp3A_270 : vector<16xf32>
        %add3A_272 = arith.constant 64 : i32
        %add3A_273 = arith.addi %mul3A_241, %add3A_272 : i32
        %get3A_274 = arith.index_cast %scan3A_179 : i32 to index
        %get3A_275 = arith.index_cast %add3A_273 : i32 to index
        %get3A_276 = tpu.vector_load %arg4[%get3A_274, %get3A_275] {strides = array<i32>} : memref<8x4992xf32, #tpu.memory_space<vmem>>, vector<16xf32>,
        %sub3A_277 = arith.subf %get3A_276, %max3A_204 : vector<16xf32>
        %exp3A_278 = math.exp %sub3A_277 : vector<16xf32>
        %add3A_279 = arith.addf %add3A_247, %exp3A_278 : vector<16xf32>
        %add3A_280 = arith.constant 80 : i32
        %add3A_281 = arith.addi %mul3A_241, %add3A_280 : i32
        %get3A_282 = arith.index_cast %scan3A_179 : i32 to index
        %get3A_283 = arith.index_cast %add3A_281 : i32 to index
        %get3A_284 = tpu.vector_load %arg4[%get3A_282, %get3A_283] {strides = array<i32>} : memref<8x4992xf32, #tpu.memory_space<vmem>>, vector<16xf32>,
        %sub3A_285 = arith.subf %get3A_284, %max3A_204 : vector<16xf32>
        %exp3A_286 = math.exp %sub3A_285 : vector<16xf32>
        %add3A_287 = arith.addf %add3A_255, %exp3A_286 : vector<16xf32>
        %add3A_288 = arith.constant 96 : i32
        %add3A_289 = arith.addi %mul3A_241, %add3A_288 : i32
        %get3A_290 = arith.index_cast %scan3A_179 : i32 to index
        %get3A_291 = arith.index_cast %add3A_289 : i32 to index
        %get3A_292 = tpu.vector_load %arg4[%get3A_290, %get3A_291] {strides = array<i32>} : memref<8x4992xf32, #tpu.memory_space<vmem>>, vector<16xf32>,
        %sub3A_293 = arith.subf %get3A_292, %max3A_204 : vector<16xf32>
        %exp3A_294 = math.exp %sub3A_293 : vector<16xf32>
        %add3A_295 = arith.addf %add3A_263, %exp3A_294 : vector<16xf32>
        %add3A_296 = arith.constant 112 : i32
        %add3A_297 = arith.addi %mul3A_241, %add3A_296 : i32
        %get3A_298 = arith.index_cast %scan3A_179 : i32 to index
        %get3A_299 = arith.index_cast %add3A_297 : i32 to index
        %get3A_300 = tpu.vector_load %arg4[%get3A_298, %get3A_299] {strides = array<i32>} : memref<8x4992xf32, #tpu.memory_space<vmem>>, vector<16xf32>,
        %sub3A_301 = arith.subf %get3A_300, %max3A_204 : vector<16xf32>
        %exp3A_302 = math.exp %sub3A_301 : vector<16xf32>
        %add3A_303 = arith.addf %add3A_271, %exp3A_302 : vector<16xf32>
        scf.yield %add3A_279, %add3A_287, %add3A_295, %add3A_303 : vector<16xf32>, vector<16xf32>, vector<16xf32>, vector<16xf32>
      }
      %scan3A_226 = arith.constant 39 : i32
      %add3A_227 = arith.addf %scan3A_225#0, %scan3A_225#1 : vector<16xf32>
      %add3A_228 = arith.addf %mul3A_218, %add3A_227 : vector<16xf32>
      %add3A_229 = arith.addf %scan3A_225#2, %scan3A_225#3 : vector<16xf32>
      %add3A_230 = arith.addf %add3A_228, %add3A_229 : vector<16xf32>
      %swap3A_231 = arith.index_cast %scan3A_179 : i32 to index
      %swap3A_232 = arith.constant 0 : index
      %swap3A_233 = tpu.vector_load %arg8[%swap3A_231, %swap3A_232] {strides = array<i32>} : memref<8x16xf32, #tpu.memory_space<vmem>>, vector<16xf32>,
      tpu.vector_store %arg8[%swap3A_231, %swap3A_232], %add3A_230 {strides = array<i32>} : memref<8x16xf32, #tpu.memory_space<vmem>>, vector<16xf32>,
      %scan3A_234 = arith.constant 0 : i32
      scf.yield %scan3A_234 : i32
    }
    %scan3A_134 = arith.constant 8 : i32
    %dma_wait3A_135 = tpu.memref_slice %arg2[%mul3A_32, %add3A_125] : memref<128x100000xf32, #tpu.memory_space<hbm>> -> memref<8x4992xf32, #tpu.memory_space<hbm>>
    %dma_wait3A_136 = tpu.memref_slice %arg2[%mul3A_32, %add3A_125] : memref<128x100000xf32, #tpu.memory_space<hbm>> -> memref<8x4992xf32, #tpu.memory_space<hbm>>
    tpu.wait_dma2 semaphore(%arg11 : memref<!tpu.dma_semaphore, #tpu.memory_space<semaphore_mem>>) src(%dma_wait3A_136 : memref<8x4992xf32, #tpu.memory_space<hbm>>) dst(%arg5 : memref<8x4992xf32, #tpu.memory_space<vmem>>)
    %add3A_137 = arith.constant 39936 : i32
    %add3A_138 = arith.addi %mul3A_34, %add3A_137 : i32
    %dma_start3A_139 = tpu.memref_slice %arg2[%mul3A_32, %add3A_138] : memref<128x100000xf32, #tpu.memory_space<hbm>> -> memref<8x4992xf32, #tpu.memory_space<hbm>>
    %dma_start3A_140 = tpu.memref_slice %arg2[%mul3A_32, %add3A_138] : memref<128x100000xf32, #tpu.memory_space<hbm>> -> memref<8x4992xf32, #tpu.memory_space<hbm>>
    tpu.enqueue_dma source(%dma_start3A_140 : memref<8x4992xf32, #tpu.memory_space<hbm>>) target(%arg4 : memref<8x4992xf32, #tpu.memory_space<vmem>>) target_semaphore(%arg10 : memref<!tpu.dma_semaphore, #tpu.memory_space<semaphore_mem>>)
    %scan3A_141 = arith.constant 0 : i32
    %scan3A_142 = arith.constant 0 : i32
    %scan3A_143 = arith.constant 8 : i32
    %scan3A_144 = arith.addi %scan3A_142, %scan3A_143 : i32
    %scan3A_145 = arith.constant 1 : i32
    %scan3A_146 = scf.for %scan3A_179 = %scan3A_142 to %scan3A_144 step %scan3A_145 iter_args(%scan3A_180 = %scan3A_141) -> (i32)  : i32 {
      %scan3A_181 = arith.constant 0 : i32
      %scan3A_182 = arith.constant 39 : i32
      %scan3A_183 = arith.addi %scan3A_181, %scan3A_182 : i32
      %scan3A_184 = arith.constant 1 : i32
      %scan3A_185:8 = scf.for %scan3A_235 = %scan3A_181 to %scan3A_183 step %scan3A_184 iter_args(%scan3A_236 = %broadcast_in_dim3A_35, %scan3A_237 = %broadcast_in_dim3A_35, %scan3A_238 = %broadcast_in_dim3A_35, %scan3A_239 = %broadcast_in_dim3A_35, %scan3A_240 = %broadcast_in_dim3A_35, %scan3A_241 = %broadcast_in_dim3A_35, %scan3A_242 = %broadcast_in_dim3A_35, %scan3A_243 = %broadcast_in_dim3A_35) -> (vector<16xf32>, vector<16xf32>, vector<16xf32>, vector<16xf32>, vector<16xf32>, vector<16xf32>, vector<16xf32>, vector<16xf32>)  : i32 {
        %mul3A_244 = arith.constant 128 : i32
        %mul3A_245 = arith.muli %scan3A_235, %mul3A_244 : i32
        %get3A_246 = arith.index_cast %scan3A_179 : i32 to index
        %get3A_247 = arith.index_cast %mul3A_245 : i32 to index
        %get3A_248 = tpu.vector_load %arg5[%get3A_246, %get3A_247] {strides = array<i32>} : memref<8x4992xf32, #tpu.memory_space<vmem>>, vector<16xf32>,
        %add3A_249 = arith.constant 16 : i32
        %add3A_250 = arith.addi %mul3A_245, %add3A_249 : i32
        %get3A_251 = arith.index_cast %scan3A_179 : i32 to index
        %get3A_252 = arith.index_cast %add3A_250 : i32 to index
        %get3A_253 = tpu.vector_load %arg5[%get3A_251, %get3A_252] {strides = array<i32>} : memref<8x4992xf32, #tpu.memory_space<vmem>>, vector<16xf32>,
        %add3A_254 = arith.constant 32 : i32
        %add3A_255 = arith.addi %mul3A_245, %add3A_254 : i32
        %get3A_256 = arith.index_cast %scan3A_179 : i32 to index
        %get3A_257 = arith.index_cast %add3A_255 : i32 to index
        %get3A_258 = tpu.vector_load %arg5[%get3A_256, %get3A_257] {strides = array<i32>} : memref<8x4992xf32, #tpu.memory_space<vmem>>, vector<16xf32>,
        %add3A_259 = arith.constant 48 : i32
        %add3A_260 = arith.addi %mul3A_245, %add3A_259 : i32
        %get3A_261 = arith.index_cast %scan3A_179 : i32 to index
        %get3A_262 = arith.index_cast %add3A_260 : i32 to index
        %get3A_263 = tpu.vector_load %arg5[%get3A_261, %get3A_262] {strides = array<i32>} : memref<8x4992xf32, #tpu.memory_space<vmem>>, vector<16xf32>,
        %add3A_264 = arith.constant 64 : i32
        %add3A_265 = arith.addi %mul3A_245, %add3A_264 : i32
        %get3A_266 = arith.index_cast %scan3A_179 : i32 to index
        %get3A_267 = arith.index_cast %add3A_265 : i32 to index
        %get3A_268 = tpu.vector_load %arg5[%get3A_266, %get3A_267] {strides = array<i32>} : memref<8x4992xf32, #tpu.memory_space<vmem>>, vector<16xf32>,
        %add3A_269 = arith.constant 80 : i32
        %add3A_270 = arith.addi %mul3A_245, %add3A_269 : i32
        %get3A_271 = arith.index_cast %scan3A_179 : i32 to index
        %get3A_272 = arith.index_cast %add3A_270 : i32 to index
        %get3A_273 = tpu.vector_load %arg5[%get3A_271, %get3A_272] {strides = array<i32>} : memref<8x4992xf32, #tpu.memory_space<vmem>>, vector<16xf32>,
        %add3A_274 = arith.constant 96 : i32
        %add3A_275 = arith.addi %mul3A_245, %add3A_274 : i32
        %get3A_276 = arith.index_cast %scan3A_179 : i32 to index
        %get3A_277 = arith.index_cast %add3A_275 : i32 to index
        %get3A_278 = tpu.vector_load %arg5[%get3A_276, %get3A_277] {strides = array<i32>} : memref<8x4992xf32, #tpu.memory_space<vmem>>, vector<16xf32>,
        %add3A_279 = arith.constant 112 : i32
        %add3A_280 = arith.addi %mul3A_245, %add3A_279 : i32
        %get3A_281 = arith.index_cast %scan3A_179 : i32 to index
        %get3A_282 = arith.index_cast %add3A_280 : i32 to index
        %get3A_283 = tpu.vector_load %arg5[%get3A_281, %get3A_282] {strides = array<i32>} : memref<8x4992xf32, #tpu.memory_space<vmem>>, vector<16xf32>,
        %min3A_284 = arith.minimumf %scan3A_236, %get3A_248 : vector<16xf32>
        %max3A_285 = arith.maximumf %scan3A_237, %min3A_284 : vector<16xf32>
        %max3A_286 = arith.maximumf %scan3A_236, %get3A_248 : vector<16xf32>
        %min3A_287 = arith.minimumf %scan3A_238, %get3A_253 : vector<16xf32>
        %max3A_288 = arith.maximumf %scan3A_239, %min3A_287 : vector<16xf32>
        %max3A_289 = arith.maximumf %scan3A_238, %get3A_253 : vector<16xf32>
        %min3A_290 = arith.minimumf %scan3A_240, %get3A_258 : vector<16xf32>
        %max3A_291 = arith.maximumf %scan3A_241, %min3A_290 : vector<16xf32>
        %max3A_292 = arith.maximumf %scan3A_240, %get3A_258 : vector<16xf32>
        %min3A_293 = arith.minimumf %scan3A_242, %get3A_263 : vector<16xf32>
        %max3A_294 = arith.maximumf %scan3A_243, %min3A_293 : vector<16xf32>
        %max3A_295 = arith.maximumf %scan3A_242, %get3A_263 : vector<16xf32>
        %min3A_296 = arith.minimumf %max3A_286, %get3A_268 : vector<16xf32>
        %max3A_297 = arith.maximumf %max3A_285, %min3A_296 : vector<16xf32>
        %max3A_298 = arith.maximumf %max3A_286, %get3A_268 : vector<16xf32>
        %min3A_299 = arith.minimumf %max3A_289, %get3A_273 : vector<16xf32>
        %max3A_300 = arith.maximumf %max3A_288, %min3A_299 : vector<16xf32>
        %max3A_301 = arith.maximumf %max3A_289, %get3A_273 : vector<16xf32>
        %min3A_302 = arith.minimumf %max3A_292, %get3A_278 : vector<16xf32>
        %max3A_303 = arith.maximumf %max3A_291, %min3A_302 : vector<16xf32>
        %max3A_304 = arith.maximumf %max3A_292, %get3A_278 : vector<16xf32>
        %min3A_305 = arith.minimumf %max3A_295, %get3A_283 : vector<16xf32>
        %max3A_306 = arith.maximumf %max3A_294, %min3A_305 : vector<16xf32>
        %max3A_307 = arith.maximumf %max3A_295, %get3A_283 : vector<16xf32>
        scf.yield %max3A_298, %max3A_297, %max3A_301, %max3A_300, %max3A_304, %max3A_303, %max3A_307, %max3A_306 : vector<16xf32>, vector<16xf32>, vector<16xf32>, vector<16xf32>, vector<16xf32>, vector<16xf32>, vector<16xf32>, vector<16xf32>
      }
      %scan3A_186 = arith.constant 39 : i32
      %max3A = arith.maximumf %scan3A_185#0, %scan3A_185#2 : vector<16xf32>
      %min3A = arith.minimumf %scan3A_185#0, %scan3A_185#2 : vector<16xf32>
      %ge3A = arith.cmpf oge, %scan3A_185#0, %scan3A_185#2 : vector<16xf32>
      %select_n3A_187 = arith.select %ge3A, %scan3A_185#1, %scan3A_185#3 : vector<16xi1>, vector<16xf32>
      %max3A_188 = arith.maximumf %min3A, %select_n3A_187 : vector<16xf32>
      %max3A_189 = arith.maximumf %max3A, %scan3A_185#4 : vector<16xf32>
      %min3A_190 = arith.minimumf %max3A, %scan3A_185#4 : vector<16xf32>
      %ge3A_191 = arith.cmpf oge, %max3A, %scan3A_185#4 : vector<16xf32>
      %select_n3A_192 = arith.select %ge3A_191, %max3A_188, %scan3A_185#5 : vector<16xi1>, vector<16xf32>
      %max3A_193 = arith.maximumf %min3A_190, %select_n3A_192 : vector<16xf32>
      %max3A_194 = arith.maximumf %max3A_189, %scan3A_185#6 : vector<16xf32>
      %min3A_195 = arith.minimumf %max3A_189, %scan3A_185#6 : vector<16xf32>
      %ge3A_196 = arith.cmpf oge, %max3A_189, %scan3A_185#6 : vector<16xf32>
      %select_n3A_197 = arith.select %ge3A_196, %max3A_193, %scan3A_185#7 : vector<16xi1>, vector<16xf32>
      %max3A_198 = arith.maximumf %min3A_195, %select_n3A_197 : vector<16xf32>
      %get3A = arith.index_cast %scan3A_179 : i32 to index
      %get3A_199 = arith.constant 0 : index
      %get3A_200 = tpu.vector_load %arg6[%get3A, %get3A_199] {strides = array<i32>} : memref<8x16xf32, #tpu.memory_space<vmem>>, vector<16xf32>,
      %get3A_201 = arith.index_cast %scan3A_179 : i32 to index
      %get3A_202 = arith.constant 0 : index
      %get3A_203 = tpu.vector_load %arg7[%get3A_201, %get3A_202] {strides = array<i32>} : memref<8x16xf32, #tpu.memory_space<vmem>>, vector<16xf32>,
      %max3A_204 = arith.maximumf %get3A_200, %max3A_194 : vector<16xf32>
      %min3A_205 = arith.minimumf %get3A_200, %max3A_194 : vector<16xf32>
      %ge3A_206 = arith.cmpf oge, %get3A_200, %max3A_194 : vector<16xf32>
      %select_n3A_207 = arith.select %ge3A_206, %get3A_203, %max3A_198 : vector<16xi1>, vector<16xf32>
      %max3A_208 = arith.maximumf %min3A_205, %select_n3A_207 : vector<16xf32>
      %swap3A = arith.index_cast %scan3A_179 : i32 to index
      %swap3A_209 = arith.constant 0 : index
      %swap3A_210 = tpu.vector_load %arg6[%swap3A, %swap3A_209] {strides = array<i32>} : memref<8x16xf32, #tpu.memory_space<vmem>>, vector<16xf32>,
      tpu.vector_store %arg6[%swap3A, %swap3A_209], %max3A_204 {strides = array<i32>} : memref<8x16xf32, #tpu.memory_space<vmem>>, vector<16xf32>,
      %swap3A_211 = arith.index_cast %scan3A_179 : i32 to index
      %swap3A_212 = arith.constant 0 : index
      %swap3A_213 = tpu.vector_load %arg7[%swap3A_211, %swap3A_212] {strides = array<i32>} : memref<8x16xf32, #tpu.memory_space<vmem>>, vector<16xf32>,
      tpu.vector_store %arg7[%swap3A_211, %swap3A_212], %max3A_208 {strides = array<i32>} : memref<8x16xf32, #tpu.memory_space<vmem>>, vector<16xf32>,
      %get3A_214 = arith.index_cast %scan3A_179 : i32 to index
      %get3A_215 = arith.constant 0 : index
      %get3A_216 = tpu.vector_load %arg8[%get3A_214, %get3A_215] {strides = array<i32>} : memref<8x16xf32, #tpu.memory_space<vmem>>, vector<16xf32>,
      %sub3A_217 = arith.subf %get3A_200, %max3A_204 : vector<16xf32>
      %exp3A = math.exp %sub3A_217 : vector<16xf32>
      %mul3A_218 = arith.mulf %get3A_216, %exp3A : vector<16xf32>
      %broadcast_in_dim3A_219 = arith.constant 0.000000e+00 : f32
      %broadcast_in_dim3A_220 = vector.broadcast %broadcast_in_dim3A_219 : f32 to vector<16xf32>
      %scan3A_221 = arith.constant 0 : i32
      %scan3A_222 = arith.constant 39 : i32
      %scan3A_223 = arith.addi %scan3A_221, %scan3A_222 : i32
      %scan3A_224 = arith.constant 1 : i32
      %scan3A_225:4 = scf.for %scan3A_235 = %scan3A_221 to %scan3A_223 step %scan3A_224 iter_args(%scan3A_236 = %broadcast_in_dim3A_220, %scan3A_237 = %broadcast_in_dim3A_220, %scan3A_238 = %broadcast_in_dim3A_220, %scan3A_239 = %broadcast_in_dim3A_220) -> (vector<16xf32>, vector<16xf32>, vector<16xf32>, vector<16xf32>)  : i32 {
        %mul3A_240 = arith.constant 128 : i32
        %mul3A_241 = arith.muli %scan3A_235, %mul3A_240 : i32
        %get3A_242 = arith.index_cast %scan3A_179 : i32 to index
        %get3A_243 = arith.index_cast %mul3A_241 : i32 to index
        %get3A_244 = tpu.vector_load %arg5[%get3A_242, %get3A_243] {strides = array<i32>} : memref<8x4992xf32, #tpu.memory_space<vmem>>, vector<16xf32>,
        %sub3A_245 = arith.subf %get3A_244, %max3A_204 : vector<16xf32>
        %exp3A_246 = math.exp %sub3A_245 : vector<16xf32>
        %add3A_247 = arith.addf %scan3A_236, %exp3A_246 : vector<16xf32>
        %add3A_248 = arith.constant 16 : i32
        %add3A_249 = arith.addi %mul3A_241, %add3A_248 : i32
        %get3A_250 = arith.index_cast %scan3A_179 : i32 to index
        %get3A_251 = arith.index_cast %add3A_249 : i32 to index
        %get3A_252 = tpu.vector_load %arg5[%get3A_250, %get3A_251] {strides = array<i32>} : memref<8x4992xf32, #tpu.memory_space<vmem>>, vector<16xf32>,
        %sub3A_253 = arith.subf %get3A_252, %max3A_204 : vector<16xf32>
        %exp3A_254 = math.exp %sub3A_253 : vector<16xf32>
        %add3A_255 = arith.addf %scan3A_237, %exp3A_254 : vector<16xf32>
        %add3A_256 = arith.constant 32 : i32
        %add3A_257 = arith.addi %mul3A_241, %add3A_256 : i32
        %get3A_258 = arith.index_cast %scan3A_179 : i32 to index
        %get3A_259 = arith.index_cast %add3A_257 : i32 to index
        %get3A_260 = tpu.vector_load %arg5[%get3A_258, %get3A_259] {strides = array<i32>} : memref<8x4992xf32, #tpu.memory_space<vmem>>, vector<16xf32>,
        %sub3A_261 = arith.subf %get3A_260, %max3A_204 : vector<16xf32>
        %exp3A_262 = math.exp %sub3A_261 : vector<16xf32>
        %add3A_263 = arith.addf %scan3A_238, %exp3A_262 : vector<16xf32>
        %add3A_264 = arith.constant 48 : i32
        %add3A_265 = arith.addi %mul3A_241, %add3A_264 : i32
        %get3A_266 = arith.index_cast %scan3A_179 : i32 to index
        %get3A_267 = arith.index_cast %add3A_265 : i32 to index
        %get3A_268 = tpu.vector_load %arg5[%get3A_266, %get3A_267] {strides = array<i32>} : memref<8x4992xf32, #tpu.memory_space<vmem>>, vector<16xf32>,
        %sub3A_269 = arith.subf %get3A_268, %max3A_204 : vector<16xf32>
        %exp3A_270 = math.exp %sub3A_269 : vector<16xf32>
        %add3A_271 = arith.addf %scan3A_239, %exp3A_270 : vector<16xf32>
        %add3A_272 = arith.constant 64 : i32
        %add3A_273 = arith.addi %mul3A_241, %add3A_272 : i32
        %get3A_274 = arith.index_cast %scan3A_179 : i32 to index
        %get3A_275 = arith.index_cast %add3A_273 : i32 to index
        %get3A_276 = tpu.vector_load %arg5[%get3A_274, %get3A_275] {strides = array<i32>} : memref<8x4992xf32, #tpu.memory_space<vmem>>, vector<16xf32>,
        %sub3A_277 = arith.subf %get3A_276, %max3A_204 : vector<16xf32>
        %exp3A_278 = math.exp %sub3A_277 : vector<16xf32>
        %add3A_279 = arith.addf %add3A_247, %exp3A_278 : vector<16xf32>
        %add3A_280 = arith.constant 80 : i32
        %add3A_281 = arith.addi %mul3A_241, %add3A_280 : i32
        %get3A_282 = arith.index_cast %scan3A_179 : i32 to index
        %get3A_283 = arith.index_cast %add3A_281 : i32 to index
        %get3A_284 = tpu.vector_load %arg5[%get3A_282, %get3A_283] {strides = array<i32>} : memref<8x4992xf32, #tpu.memory_space<vmem>>, vector<16xf32>,
        %sub3A_285 = arith.subf %get3A_284, %max3A_204 : vector<16xf32>
        %exp3A_286 = math.exp %sub3A_285 : vector<16xf32>
        %add3A_287 = arith.addf %add3A_255, %exp3A_286 : vector<16xf32>
        %add3A_288 = arith.constant 96 : i32
        %add3A_289 = arith.addi %mul3A_241, %add3A_288 : i32
        %get3A_290 = arith.index_cast %scan3A_179 : i32 to index
        %get3A_291 = arith.index_cast %add3A_289 : i32 to index
        %get3A_292 = tpu.vector_load %arg5[%get3A_290, %get3A_291] {strides = array<i32>} : memref<8x4992xf32, #tpu.memory_space<vmem>>, vector<16xf32>,
        %sub3A_293 = arith.subf %get3A_292, %max3A_204 : vector<16xf32>
        %exp3A_294 = math.exp %sub3A_293 : vector<16xf32>
        %add3A_295 = arith.addf %add3A_263, %exp3A_294 : vector<16xf32>
        %add3A_296 = arith.constant 112 : i32
        %add3A_297 = arith.addi %mul3A_241, %add3A_296 : i32
        %get3A_298 = arith.index_cast %scan3A_179 : i32 to index
        %get3A_299 = arith.index_cast %add3A_297 : i32 to index
        %get3A_300 = tpu.vector_load %arg5[%get3A_298, %get3A_299] {strides = array<i32>} : memref<8x4992xf32, #tpu.memory_space<vmem>>, vector<16xf32>,
        %sub3A_301 = arith.subf %get3A_300, %max3A_204 : vector<16xf32>
        %exp3A_302 = math.exp %sub3A_301 : vector<16xf32>
        %add3A_303 = arith.addf %add3A_271, %exp3A_302 : vector<16xf32>
        scf.yield %add3A_279, %add3A_287, %add3A_295, %add3A_303 : vector<16xf32>, vector<16xf32>, vector<16xf32>, vector<16xf32>
      }
      %scan3A_226 = arith.constant 39 : i32
      %add3A_227 = arith.addf %scan3A_225#0, %scan3A_225#1 : vector<16xf32>
      %add3A_228 = arith.addf %mul3A_218, %add3A_227 : vector<16xf32>
      %add3A_229 = arith.addf %scan3A_225#2, %scan3A_225#3 : vector<16xf32>
      %add3A_230 = arith.addf %add3A_228, %add3A_229 : vector<16xf32>
      %swap3A_231 = arith.index_cast %scan3A_179 : i32 to index
      %swap3A_232 = arith.constant 0 : index
      %swap3A_233 = tpu.vector_load %arg8[%swap3A_231, %swap3A_232] {strides = array<i32>} : memref<8x16xf32, #tpu.memory_space<vmem>>, vector<16xf32>,
      tpu.vector_store %arg8[%swap3A_231, %swap3A_232], %add3A_230 {strides = array<i32>} : memref<8x16xf32, #tpu.memory_space<vmem>>, vector<16xf32>,
      %scan3A_234 = arith.constant 0 : i32
      scf.yield %scan3A_234 : i32
    }
    %scan3A_147 = arith.constant 8 : i32
    %dma_wait3A_148 = tpu.memref_slice %arg2[%mul3A_32, %add3A_138] : memref<128x100000xf32, #tpu.memory_space<hbm>> -> memref<8x4992xf32, #tpu.memory_space<hbm>>
    %dma_wait3A_149 = tpu.memref_slice %arg2[%mul3A_32, %add3A_138] : memref<128x100000xf32, #tpu.memory_space<hbm>> -> memref<8x4992xf32, #tpu.memory_space<hbm>>
    tpu.wait_dma2 semaphore(%arg10 : memref<!tpu.dma_semaphore, #tpu.memory_space<semaphore_mem>>) src(%dma_wait3A_149 : memref<8x4992xf32, #tpu.memory_space<hbm>>) dst(%arg4 : memref<8x4992xf32, #tpu.memory_space<vmem>>)
    %add3A_150 = arith.constant 44928 : i32
    %add3A_151 = arith.addi %mul3A_34, %add3A_150 : i32
    %dma_start3A_152 = tpu.memref_slice %arg2[%mul3A_32, %add3A_151] : memref<128x100000xf32, #tpu.memory_space<hbm>> -> memref<8x4992xf32, #tpu.memory_space<hbm>>
    %dma_start3A_153 = tpu.memref_slice %arg2[%mul3A_32, %add3A_151] : memref<128x100000xf32, #tpu.memory_space<hbm>> -> memref<8x4992xf32, #tpu.memory_space<hbm>>
    tpu.enqueue_dma source(%dma_start3A_153 : memref<8x4992xf32, #tpu.memory_space<hbm>>) target(%arg5 : memref<8x4992xf32, #tpu.memory_space<vmem>>) target_semaphore(%arg11 : memref<!tpu.dma_semaphore, #tpu.memory_space<semaphore_mem>>)
    %scan3A_154 = arith.constant 0 : i32
    %scan3A_155 = arith.constant 0 : i32
    %scan3A_156 = arith.constant 8 : i32
    %scan3A_157 = arith.addi %scan3A_155, %scan3A_156 : i32
    %scan3A_158 = arith.constant 1 : i32
    %scan3A_159 = scf.for %scan3A_179 = %scan3A_155 to %scan3A_157 step %scan3A_158 iter_args(%scan3A_180 = %scan3A_154) -> (i32)  : i32 {
      %scan3A_181 = arith.constant 0 : i32
      %scan3A_182 = arith.constant 39 : i32
      %scan3A_183 = arith.addi %scan3A_181, %scan3A_182 : i32
      %scan3A_184 = arith.constant 1 : i32
      %scan3A_185:8 = scf.for %scan3A_235 = %scan3A_181 to %scan3A_183 step %scan3A_184 iter_args(%scan3A_236 = %broadcast_in_dim3A_35, %scan3A_237 = %broadcast_in_dim3A_35, %scan3A_238 = %broadcast_in_dim3A_35, %scan3A_239 = %broadcast_in_dim3A_35, %scan3A_240 = %broadcast_in_dim3A_35, %scan3A_241 = %broadcast_in_dim3A_35, %scan3A_242 = %broadcast_in_dim3A_35, %scan3A_243 = %broadcast_in_dim3A_35) -> (vector<16xf32>, vector<16xf32>, vector<16xf32>, vector<16xf32>, vector<16xf32>, vector<16xf32>, vector<16xf32>, vector<16xf32>)  : i32 {
        %mul3A_244 = arith.constant 128 : i32
        %mul3A_245 = arith.muli %scan3A_235, %mul3A_244 : i32
        %get3A_246 = arith.index_cast %scan3A_179 : i32 to index
        %get3A_247 = arith.index_cast %mul3A_245 : i32 to index
        %get3A_248 = tpu.vector_load %arg4[%get3A_246, %get3A_247] {strides = array<i32>} : memref<8x4992xf32, #tpu.memory_space<vmem>>, vector<16xf32>,
        %add3A_249 = arith.constant 16 : i32
        %add3A_250 = arith.addi %mul3A_245, %add3A_249 : i32
        %get3A_251 = arith.index_cast %scan3A_179 : i32 to index
        %get3A_252 = arith.index_cast %add3A_250 : i32 to index
        %get3A_253 = tpu.vector_load %arg4[%get3A_251, %get3A_252] {strides = array<i32>} : memref<8x4992xf32, #tpu.memory_space<vmem>>, vector<16xf32>,
        %add3A_254 = arith.constant 32 : i32
        %add3A_255 = arith.addi %mul3A_245, %add3A_254 : i32
        %get3A_256 = arith.index_cast %scan3A_179 : i32 to index
        %get3A_257 = arith.index_cast %add3A_255 : i32 to index
        %get3A_258 = tpu.vector_load %arg4[%get3A_256, %get3A_257] {strides = array<i32>} : memref<8x4992xf32, #tpu.memory_space<vmem>>, vector<16xf32>,
        %add3A_259 = arith.constant 48 : i32
        %add3A_260 = arith.addi %mul3A_245, %add3A_259 : i32
        %get3A_261 = arith.index_cast %scan3A_179 : i32 to index
        %get3A_262 = arith.index_cast %add3A_260 : i32 to index
        %get3A_263 = tpu.vector_load %arg4[%get3A_261, %get3A_262] {strides = array<i32>} : memref<8x4992xf32, #tpu.memory_space<vmem>>, vector<16xf32>,
        %add3A_264 = arith.constant 64 : i32
        %add3A_265 = arith.addi %mul3A_245, %add3A_264 : i32
        %get3A_266 = arith.index_cast %scan3A_179 : i32 to index
        %get3A_267 = arith.index_cast %add3A_265 : i32 to index
        %get3A_268 = tpu.vector_load %arg4[%get3A_266, %get3A_267] {strides = array<i32>} : memref<8x4992xf32, #tpu.memory_space<vmem>>, vector<16xf32>,
        %add3A_269 = arith.constant 80 : i32
        %add3A_270 = arith.addi %mul3A_245, %add3A_269 : i32
        %get3A_271 = arith.index_cast %scan3A_179 : i32 to index
        %get3A_272 = arith.index_cast %add3A_270 : i32 to index
        %get3A_273 = tpu.vector_load %arg4[%get3A_271, %get3A_272] {strides = array<i32>} : memref<8x4992xf32, #tpu.memory_space<vmem>>, vector<16xf32>,
        %add3A_274 = arith.constant 96 : i32
        %add3A_275 = arith.addi %mul3A_245, %add3A_274 : i32
        %get3A_276 = arith.index_cast %scan3A_179 : i32 to index
        %get3A_277 = arith.index_cast %add3A_275 : i32 to index
        %get3A_278 = tpu.vector_load %arg4[%get3A_276, %get3A_277] {strides = array<i32>} : memref<8x4992xf32, #tpu.memory_space<vmem>>, vector<16xf32>,
        %add3A_279 = arith.constant 112 : i32
        %add3A_280 = arith.addi %mul3A_245, %add3A_279 : i32
        %get3A_281 = arith.index_cast %scan3A_179 : i32 to index
        %get3A_282 = arith.index_cast %add3A_280 : i32 to index
        %get3A_283 = tpu.vector_load %arg4[%get3A_281, %get3A_282] {strides = array<i32>} : memref<8x4992xf32, #tpu.memory_space<vmem>>, vector<16xf32>,
        %min3A_284 = arith.minimumf %scan3A_236, %get3A_248 : vector<16xf32>
        %max3A_285 = arith.maximumf %scan3A_237, %min3A_284 : vector<16xf32>
        %max3A_286 = arith.maximumf %scan3A_236, %get3A_248 : vector<16xf32>
        %min3A_287 = arith.minimumf %scan3A_238, %get3A_253 : vector<16xf32>
        %max3A_288 = arith.maximumf %scan3A_239, %min3A_287 : vector<16xf32>
        %max3A_289 = arith.maximumf %scan3A_238, %get3A_253 : vector<16xf32>
        %min3A_290 = arith.minimumf %scan3A_240, %get3A_258 : vector<16xf32>
        %max3A_291 = arith.maximumf %scan3A_241, %min3A_290 : vector<16xf32>
        %max3A_292 = arith.maximumf %scan3A_240, %get3A_258 : vector<16xf32>
        %min3A_293 = arith.minimumf %scan3A_242, %get3A_263 : vector<16xf32>
        %max3A_294 = arith.maximumf %scan3A_243, %min3A_293 : vector<16xf32>
        %max3A_295 = arith.maximumf %scan3A_242, %get3A_263 : vector<16xf32>
        %min3A_296 = arith.minimumf %max3A_286, %get3A_268 : vector<16xf32>
        %max3A_297 = arith.maximumf %max3A_285, %min3A_296 : vector<16xf32>
        %max3A_298 = arith.maximumf %max3A_286, %get3A_268 : vector<16xf32>
        %min3A_299 = arith.minimumf %max3A_289, %get3A_273 : vector<16xf32>
        %max3A_300 = arith.maximumf %max3A_288, %min3A_299 : vector<16xf32>
        %max3A_301 = arith.maximumf %max3A_289, %get3A_273 : vector<16xf32>
        %min3A_302 = arith.minimumf %max3A_292, %get3A_278 : vector<16xf32>
        %max3A_303 = arith.maximumf %max3A_291, %min3A_302 : vector<16xf32>
        %max3A_304 = arith.maximumf %max3A_292, %get3A_278 : vector<16xf32>
        %min3A_305 = arith.minimumf %max3A_295, %get3A_283 : vector<16xf32>
        %max3A_306 = arith.maximumf %max3A_294, %min3A_305 : vector<16xf32>
        %max3A_307 = arith.maximumf %max3A_295, %get3A_283 : vector<16xf32>
        scf.yield %max3A_298, %max3A_297, %max3A_301, %max3A_300, %max3A_304, %max3A_303, %max3A_307, %max3A_306 : vector<16xf32>, vector<16xf32>, vector<16xf32>, vector<16xf32>, vector<16xf32>, vector<16xf32>, vector<16xf32>, vector<16xf32>
      }
      %scan3A_186 = arith.constant 39 : i32
      %max3A = arith.maximumf %scan3A_185#0, %scan3A_185#2 : vector<16xf32>
      %min3A = arith.minimumf %scan3A_185#0, %scan3A_185#2 : vector<16xf32>
      %ge3A = arith.cmpf oge, %scan3A_185#0, %scan3A_185#2 : vector<16xf32>
      %select_n3A_187 = arith.select %ge3A, %scan3A_185#1, %scan3A_185#3 : vector<16xi1>, vector<16xf32>
      %max3A_188 = arith.maximumf %min3A, %select_n3A_187 : vector<16xf32>
      %max3A_189 = arith.maximumf %max3A, %scan3A_185#4 : vector<16xf32>
      %min3A_190 = arith.minimumf %max3A, %scan3A_185#4 : vector<16xf32>
      %ge3A_191 = arith.cmpf oge, %max3A, %scan3A_185#4 : vector<16xf32>
      %select_n3A_192 = arith.select %ge3A_191, %max3A_188, %scan3A_185#5 : vector<16xi1>, vector<16xf32>
      %max3A_193 = arith.maximumf %min3A_190, %select_n3A_192 : vector<16xf32>
      %max3A_194 = arith.maximumf %max3A_189, %scan3A_185#6 : vector<16xf32>
      %min3A_195 = arith.minimumf %max3A_189, %scan3A_185#6 : vector<16xf32>
      %ge3A_196 = arith.cmpf oge, %max3A_189, %scan3A_185#6 : vector<16xf32>
      %select_n3A_197 = arith.select %ge3A_196, %max3A_193, %scan3A_185#7 : vector<16xi1>, vector<16xf32>
      %max3A_198 = arith.maximumf %min3A_195, %select_n3A_197 : vector<16xf32>
      %get3A = arith.index_cast %scan3A_179 : i32 to index
      %get3A_199 = arith.constant 0 : index
      %get3A_200 = tpu.vector_load %arg6[%get3A, %get3A_199] {strides = array<i32>} : memref<8x16xf32, #tpu.memory_space<vmem>>, vector<16xf32>,
      %get3A_201 = arith.index_cast %scan3A_179 : i32 to index
      %get3A_202 = arith.constant 0 : index
      %get3A_203 = tpu.vector_load %arg7[%get3A_201, %get3A_202] {strides = array<i32>} : memref<8x16xf32, #tpu.memory_space<vmem>>, vector<16xf32>,
      %max3A_204 = arith.maximumf %get3A_200, %max3A_194 : vector<16xf32>
      %min3A_205 = arith.minimumf %get3A_200, %max3A_194 : vector<16xf32>
      %ge3A_206 = arith.cmpf oge, %get3A_200, %max3A_194 : vector<16xf32>
      %select_n3A_207 = arith.select %ge3A_206, %get3A_203, %max3A_198 : vector<16xi1>, vector<16xf32>
      %max3A_208 = arith.maximumf %min3A_205, %select_n3A_207 : vector<16xf32>
      %swap3A = arith.index_cast %scan3A_179 : i32 to index
      %swap3A_209 = arith.constant 0 : index
      %swap3A_210 = tpu.vector_load %arg6[%swap3A, %swap3A_209] {strides = array<i32>} : memref<8x16xf32, #tpu.memory_space<vmem>>, vector<16xf32>,
      tpu.vector_store %arg6[%swap3A, %swap3A_209], %max3A_204 {strides = array<i32>} : memref<8x16xf32, #tpu.memory_space<vmem>>, vector<16xf32>,
      %swap3A_211 = arith.index_cast %scan3A_179 : i32 to index
      %swap3A_212 = arith.constant 0 : index
      %swap3A_213 = tpu.vector_load %arg7[%swap3A_211, %swap3A_212] {strides = array<i32>} : memref<8x16xf32, #tpu.memory_space<vmem>>, vector<16xf32>,
      tpu.vector_store %arg7[%swap3A_211, %swap3A_212], %max3A_208 {strides = array<i32>} : memref<8x16xf32, #tpu.memory_space<vmem>>, vector<16xf32>,
      %get3A_214 = arith.index_cast %scan3A_179 : i32 to index
      %get3A_215 = arith.constant 0 : index
      %get3A_216 = tpu.vector_load %arg8[%get3A_214, %get3A_215] {strides = array<i32>} : memref<8x16xf32, #tpu.memory_space<vmem>>, vector<16xf32>,
      %sub3A_217 = arith.subf %get3A_200, %max3A_204 : vector<16xf32>
      %exp3A = math.exp %sub3A_217 : vector<16xf32>
      %mul3A_218 = arith.mulf %get3A_216, %exp3A : vector<16xf32>
      %broadcast_in_dim3A_219 = arith.constant 0.000000e+00 : f32
      %broadcast_in_dim3A_220 = vector.broadcast %broadcast_in_dim3A_219 : f32 to vector<16xf32>
      %scan3A_221 = arith.constant 0 : i32
      %scan3A_222 = arith.constant 39 : i32
      %scan3A_223 = arith.addi %scan3A_221, %scan3A_222 : i32
      %scan3A_224 = arith.constant 1 : i32
      %scan3A_225:4 = scf.for %scan3A_235 = %scan3A_221 to %scan3A_223 step %scan3A_224 iter_args(%scan3A_236 = %broadcast_in_dim3A_220, %scan3A_237 = %broadcast_in_dim3A_220, %scan3A_238 = %broadcast_in_dim3A_220, %scan3A_239 = %broadcast_in_dim3A_220) -> (vector<16xf32>, vector<16xf32>, vector<16xf32>, vector<16xf32>)  : i32 {
        %mul3A_240 = arith.constant 128 : i32
        %mul3A_241 = arith.muli %scan3A_235, %mul3A_240 : i32
        %get3A_242 = arith.index_cast %scan3A_179 : i32 to index
        %get3A_243 = arith.index_cast %mul3A_241 : i32 to index
        %get3A_244 = tpu.vector_load %arg4[%get3A_242, %get3A_243] {strides = array<i32>} : memref<8x4992xf32, #tpu.memory_space<vmem>>, vector<16xf32>,
        %sub3A_245 = arith.subf %get3A_244, %max3A_204 : vector<16xf32>
        %exp3A_246 = math.exp %sub3A_245 : vector<16xf32>
        %add3A_247 = arith.addf %scan3A_236, %exp3A_246 : vector<16xf32>
        %add3A_248 = arith.constant 16 : i32
        %add3A_249 = arith.addi %mul3A_241, %add3A_248 : i32
        %get3A_250 = arith.index_cast %scan3A_179 : i32 to index
        %get3A_251 = arith.index_cast %add3A_249 : i32 to index
        %get3A_252 = tpu.vector_load %arg4[%get3A_250, %get3A_251] {strides = array<i32>} : memref<8x4992xf32, #tpu.memory_space<vmem>>, vector<16xf32>,
        %sub3A_253 = arith.subf %get3A_252, %max3A_204 : vector<16xf32>
        %exp3A_254 = math.exp %sub3A_253 : vector<16xf32>
        %add3A_255 = arith.addf %scan3A_237, %exp3A_254 : vector<16xf32>
        %add3A_256 = arith.constant 32 : i32
        %add3A_257 = arith.addi %mul3A_241, %add3A_256 : i32
        %get3A_258 = arith.index_cast %scan3A_179 : i32 to index
        %get3A_259 = arith.index_cast %add3A_257 : i32 to index
        %get3A_260 = tpu.vector_load %arg4[%get3A_258, %get3A_259] {strides = array<i32>} : memref<8x4992xf32, #tpu.memory_space<vmem>>, vector<16xf32>,
        %sub3A_261 = arith.subf %get3A_260, %max3A_204 : vector<16xf32>
        %exp3A_262 = math.exp %sub3A_261 : vector<16xf32>
        %add3A_263 = arith.addf %scan3A_238, %exp3A_262 : vector<16xf32>
        %add3A_264 = arith.constant 48 : i32
        %add3A_265 = arith.addi %mul3A_241, %add3A_264 : i32
        %get3A_266 = arith.index_cast %scan3A_179 : i32 to index
        %get3A_267 = arith.index_cast %add3A_265 : i32 to index
        %get3A_268 = tpu.vector_load %arg4[%get3A_266, %get3A_267] {strides = array<i32>} : memref<8x4992xf32, #tpu.memory_space<vmem>>, vector<16xf32>,
        %sub3A_269 = arith.subf %get3A_268, %max3A_204 : vector<16xf32>
        %exp3A_270 = math.exp %sub3A_269 : vector<16xf32>
        %add3A_271 = arith.addf %scan3A_239, %exp3A_270 : vector<16xf32>
        %add3A_272 = arith.constant 64 : i32
        %add3A_273 = arith.addi %mul3A_241, %add3A_272 : i32
        %get3A_274 = arith.index_cast %scan3A_179 : i32 to index
        %get3A_275 = arith.index_cast %add3A_273 : i32 to index
        %get3A_276 = tpu.vector_load %arg4[%get3A_274, %get3A_275] {strides = array<i32>} : memref<8x4992xf32, #tpu.memory_space<vmem>>, vector<16xf32>,
        %sub3A_277 = arith.subf %get3A_276, %max3A_204 : vector<16xf32>
        %exp3A_278 = math.exp %sub3A_277 : vector<16xf32>
        %add3A_279 = arith.addf %add3A_247, %exp3A_278 : vector<16xf32>
        %add3A_280 = arith.constant 80 : i32
        %add3A_281 = arith.addi %mul3A_241, %add3A_280 : i32
        %get3A_282 = arith.index_cast %scan3A_179 : i32 to index
        %get3A_283 = arith.index_cast %add3A_281 : i32 to index
        %get3A_284 = tpu.vector_load %arg4[%get3A_282, %get3A_283] {strides = array<i32>} : memref<8x4992xf32, #tpu.memory_space<vmem>>, vector<16xf32>,
        %sub3A_285 = arith.subf %get3A_284, %max3A_204 : vector<16xf32>
        %exp3A_286 = math.exp %sub3A_285 : vector<16xf32>
        %add3A_287 = arith.addf %add3A_255, %exp3A_286 : vector<16xf32>
        %add3A_288 = arith.constant 96 : i32
        %add3A_289 = arith.addi %mul3A_241, %add3A_288 : i32
        %get3A_290 = arith.index_cast %scan3A_179 : i32 to index
        %get3A_291 = arith.index_cast %add3A_289 : i32 to index
        %get3A_292 = tpu.vector_load %arg4[%get3A_290, %get3A_291] {strides = array<i32>} : memref<8x4992xf32, #tpu.memory_space<vmem>>, vector<16xf32>,
        %sub3A_293 = arith.subf %get3A_292, %max3A_204 : vector<16xf32>
        %exp3A_294 = math.exp %sub3A_293 : vector<16xf32>
        %add3A_295 = arith.addf %add3A_263, %exp3A_294 : vector<16xf32>
        %add3A_296 = arith.constant 112 : i32
        %add3A_297 = arith.addi %mul3A_241, %add3A_296 : i32
        %get3A_298 = arith.index_cast %scan3A_179 : i32 to index
        %get3A_299 = arith.index_cast %add3A_297 : i32 to index
        %get3A_300 = tpu.vector_load %arg4[%get3A_298, %get3A_299] {strides = array<i32>} : memref<8x4992xf32, #tpu.memory_space<vmem>>, vector<16xf32>,
        %sub3A_301 = arith.subf %get3A_300, %max3A_204 : vector<16xf32>
        %exp3A_302 = math.exp %sub3A_301 : vector<16xf32>
        %add3A_303 = arith.addf %add3A_271, %exp3A_302 : vector<16xf32>
        scf.yield %add3A_279, %add3A_287, %add3A_295, %add3A_303 : vector<16xf32>, vector<16xf32>, vector<16xf32>, vector<16xf32>
      }
      %scan3A_226 = arith.constant 39 : i32
      %add3A_227 = arith.addf %scan3A_225#0, %scan3A_225#1 : vector<16xf32>
      %add3A_228 = arith.addf %mul3A_218, %add3A_227 : vector<16xf32>
      %add3A_229 = arith.addf %scan3A_225#2, %scan3A_225#3 : vector<16xf32>
      %add3A_230 = arith.addf %add3A_228, %add3A_229 : vector<16xf32>
      %swap3A_231 = arith.index_cast %scan3A_179 : i32 to index
      %swap3A_232 = arith.constant 0 : index
      %swap3A_233 = tpu.vector_load %arg8[%swap3A_231, %swap3A_232] {strides = array<i32>} : memref<8x16xf32, #tpu.memory_space<vmem>>, vector<16xf32>,
      tpu.vector_store %arg8[%swap3A_231, %swap3A_232], %add3A_230 {strides = array<i32>} : memref<8x16xf32, #tpu.memory_space<vmem>>, vector<16xf32>,
      %scan3A_234 = arith.constant 0 : i32
      scf.yield %scan3A_234 : i32
    }
    %scan3A_160 = arith.constant 8 : i32
    %dma_wait3A_161 = tpu.memref_slice %arg2[%mul3A_32, %add3A_151] : memref<128x100000xf32, #tpu.memory_space<hbm>> -> memref<8x4992xf32, #tpu.memory_space<hbm>>
    %dma_wait3A_162 = tpu.memref_slice %arg2[%mul3A_32, %add3A_151] : memref<128x100000xf32, #tpu.memory_space<hbm>> -> memref<8x4992xf32, #tpu.memory_space<hbm>>
    tpu.wait_dma2 semaphore(%arg11 : memref<!tpu.dma_semaphore, #tpu.memory_space<semaphore_mem>>) src(%dma_wait3A_162 : memref<8x4992xf32, #tpu.memory_space<hbm>>) dst(%arg5 : memref<8x4992xf32, #tpu.memory_space<vmem>>)
    %scan3A_163 = arith.constant 0 : i32
    %scan3A_164 = arith.constant 0 : i32
    %scan3A_165 = arith.constant 8 : i32
    %scan3A_166 = arith.addi %scan3A_164, %scan3A_165 : i32
    %scan3A_167 = arith.constant 1 : i32
    %scan3A_168 = scf.for %scan3A_179 = %scan3A_164 to %scan3A_166 step %scan3A_167 iter_args(%scan3A_180 = %scan3A_163) -> (i32)  : i32 {
      %scan3A_181 = arith.constant 0 : i32
      %scan3A_182 = arith.constant 39 : i32
      %scan3A_183 = arith.addi %scan3A_181, %scan3A_182 : i32
      %scan3A_184 = arith.constant 1 : i32
      %scan3A_185:8 = scf.for %scan3A_235 = %scan3A_181 to %scan3A_183 step %scan3A_184 iter_args(%scan3A_236 = %broadcast_in_dim3A_35, %scan3A_237 = %broadcast_in_dim3A_35, %scan3A_238 = %broadcast_in_dim3A_35, %scan3A_239 = %broadcast_in_dim3A_35, %scan3A_240 = %broadcast_in_dim3A_35, %scan3A_241 = %broadcast_in_dim3A_35, %scan3A_242 = %broadcast_in_dim3A_35, %scan3A_243 = %broadcast_in_dim3A_35) -> (vector<16xf32>, vector<16xf32>, vector<16xf32>, vector<16xf32>, vector<16xf32>, vector<16xf32>, vector<16xf32>, vector<16xf32>)  : i32 {
        %mul3A_244 = arith.constant 128 : i32
        %mul3A_245 = arith.muli %scan3A_235, %mul3A_244 : i32
        %get3A_246 = arith.index_cast %scan3A_179 : i32 to index
        %get3A_247 = arith.index_cast %mul3A_245 : i32 to index
        %get3A_248 = tpu.vector_load %arg5[%get3A_246, %get3A_247] {strides = array<i32>} : memref<8x4992xf32, #tpu.memory_space<vmem>>, vector<16xf32>,
        %add3A_249 = arith.constant 16 : i32
        %add3A_250 = arith.addi %mul3A_245, %add3A_249 : i32
        %get3A_251 = arith.index_cast %scan3A_179 : i32 to index
        %get3A_252 = arith.index_cast %add3A_250 : i32 to index
        %get3A_253 = tpu.vector_load %arg5[%get3A_251, %get3A_252] {strides = array<i32>} : memref<8x4992xf32, #tpu.memory_space<vmem>>, vector<16xf32>,
        %add3A_254 = arith.constant 32 : i32
        %add3A_255 = arith.addi %mul3A_245, %add3A_254 : i32
        %get3A_256 = arith.index_cast %scan3A_179 : i32 to index
        %get3A_257 = arith.index_cast %add3A_255 : i32 to index
        %get3A_258 = tpu.vector_load %arg5[%get3A_256, %get3A_257] {strides = array<i32>} : memref<8x4992xf32, #tpu.memory_space<vmem>>, vector<16xf32>,
        %add3A_259 = arith.constant 48 : i32
        %add3A_260 = arith.addi %mul3A_245, %add3A_259 : i32
        %get3A_261 = arith.index_cast %scan3A_179 : i32 to index
        %get3A_262 = arith.index_cast %add3A_260 : i32 to index
        %get3A_263 = tpu.vector_load %arg5[%get3A_261, %get3A_262] {strides = array<i32>} : memref<8x4992xf32, #tpu.memory_space<vmem>>, vector<16xf32>,
        %add3A_264 = arith.constant 64 : i32
        %add3A_265 = arith.addi %mul3A_245, %add3A_264 : i32
        %get3A_266 = arith.index_cast %scan3A_179 : i32 to index
        %get3A_267 = arith.index_cast %add3A_265 : i32 to index
        %get3A_268 = tpu.vector_load %arg5[%get3A_266, %get3A_267] {strides = array<i32>} : memref<8x4992xf32, #tpu.memory_space<vmem>>, vector<16xf32>,
        %add3A_269 = arith.constant 80 : i32
        %add3A_270 = arith.addi %mul3A_245, %add3A_269 : i32
        %get3A_271 = arith.index_cast %scan3A_179 : i32 to index
        %get3A_272 = arith.index_cast %add3A_270 : i32 to index
        %get3A_273 = tpu.vector_load %arg5[%get3A_271, %get3A_272] {strides = array<i32>} : memref<8x4992xf32, #tpu.memory_space<vmem>>, vector<16xf32>,
        %add3A_274 = arith.constant 96 : i32
        %add3A_275 = arith.addi %mul3A_245, %add3A_274 : i32
        %get3A_276 = arith.index_cast %scan3A_179 : i32 to index
        %get3A_277 = arith.index_cast %add3A_275 : i32 to index
        %get3A_278 = tpu.vector_load %arg5[%get3A_276, %get3A_277] {strides = array<i32>} : memref<8x4992xf32, #tpu.memory_space<vmem>>, vector<16xf32>,
        %add3A_279 = arith.constant 112 : i32
        %add3A_280 = arith.addi %mul3A_245, %add3A_279 : i32
        %get3A_281 = arith.index_cast %scan3A_179 : i32 to index
        %get3A_282 = arith.index_cast %add3A_280 : i32 to index
        %get3A_283 = tpu.vector_load %arg5[%get3A_281, %get3A_282] {strides = array<i32>} : memref<8x4992xf32, #tpu.memory_space<vmem>>, vector<16xf32>,
        %min3A_284 = arith.minimumf %scan3A_236, %get3A_248 : vector<16xf32>
        %max3A_285 = arith.maximumf %scan3A_237, %min3A_284 : vector<16xf32>
        %max3A_286 = arith.maximumf %scan3A_236, %get3A_248 : vector<16xf32>
        %min3A_287 = arith.minimumf %scan3A_238, %get3A_253 : vector<16xf32>
        %max3A_288 = arith.maximumf %scan3A_239, %min3A_287 : vector<16xf32>
        %max3A_289 = arith.maximumf %scan3A_238, %get3A_253 : vector<16xf32>
        %min3A_290 = arith.minimumf %scan3A_240, %get3A_258 : vector<16xf32>
        %max3A_291 = arith.maximumf %scan3A_241, %min3A_290 : vector<16xf32>
        %max3A_292 = arith.maximumf %scan3A_240, %get3A_258 : vector<16xf32>
        %min3A_293 = arith.minimumf %scan3A_242, %get3A_263 : vector<16xf32>
        %max3A_294 = arith.maximumf %scan3A_243, %min3A_293 : vector<16xf32>
        %max3A_295 = arith.maximumf %scan3A_242, %get3A_263 : vector<16xf32>
        %min3A_296 = arith.minimumf %max3A_286, %get3A_268 : vector<16xf32>
        %max3A_297 = arith.maximumf %max3A_285, %min3A_296 : vector<16xf32>
        %max3A_298 = arith.maximumf %max3A_286, %get3A_268 : vector<16xf32>
        %min3A_299 = arith.minimumf %max3A_289, %get3A_273 : vector<16xf32>
        %max3A_300 = arith.maximumf %max3A_288, %min3A_299 : vector<16xf32>
        %max3A_301 = arith.maximumf %max3A_289, %get3A_273 : vector<16xf32>
        %min3A_302 = arith.minimumf %max3A_292, %get3A_278 : vector<16xf32>
        %max3A_303 = arith.maximumf %max3A_291, %min3A_302 : vector<16xf32>
        %max3A_304 = arith.maximumf %max3A_292, %get3A_278 : vector<16xf32>
        %min3A_305 = arith.minimumf %max3A_295, %get3A_283 : vector<16xf32>
        %max3A_306 = arith.maximumf %max3A_294, %min3A_305 : vector<16xf32>
        %max3A_307 = arith.maximumf %max3A_295, %get3A_283 : vector<16xf32>
        scf.yield %max3A_298, %max3A_297, %max3A_301, %max3A_300, %max3A_304, %max3A_303, %max3A_307, %max3A_306 : vector<16xf32>, vector<16xf32>, vector<16xf32>, vector<16xf32>, vector<16xf32>, vector<16xf32>, vector<16xf32>, vector<16xf32>
      }
      %scan3A_186 = arith.constant 39 : i32
      %max3A = arith.maximumf %scan3A_185#0, %scan3A_185#2 : vector<16xf32>
      %min3A = arith.minimumf %scan3A_185#0, %scan3A_185#2 : vector<16xf32>
      %ge3A = arith.cmpf oge, %scan3A_185#0, %scan3A_185#2 : vector<16xf32>
      %select_n3A_187 = arith.select %ge3A, %scan3A_185#1, %scan3A_185#3 : vector<16xi1>, vector<16xf32>
      %max3A_188 = arith.maximumf %min3A, %select_n3A_187 : vector<16xf32>
      %max3A_189 = arith.maximumf %max3A, %scan3A_185#4 : vector<16xf32>
      %min3A_190 = arith.minimumf %max3A, %scan3A_185#4 : vector<16xf32>
      %ge3A_191 = arith.cmpf oge, %max3A, %scan3A_185#4 : vector<16xf32>
      %select_n3A_192 = arith.select %ge3A_191, %max3A_188, %scan3A_185#5 : vector<16xi1>, vector<16xf32>
      %max3A_193 = arith.maximumf %min3A_190, %select_n3A_192 : vector<16xf32>
      %max3A_194 = arith.maximumf %max3A_189, %scan3A_185#6 : vector<16xf32>
      %min3A_195 = arith.minimumf %max3A_189, %scan3A_185#6 : vector<16xf32>
      %ge3A_196 = arith.cmpf oge, %max3A_189, %scan3A_185#6 : vector<16xf32>
      %select_n3A_197 = arith.select %ge3A_196, %max3A_193, %scan3A_185#7 : vector<16xi1>, vector<16xf32>
      %max3A_198 = arith.maximumf %min3A_195, %select_n3A_197 : vector<16xf32>
      %get3A = arith.index_cast %scan3A_179 : i32 to index
      %get3A_199 = arith.constant 0 : index
      %get3A_200 = tpu.vector_load %arg6[%get3A, %get3A_199] {strides = array<i32>} : memref<8x16xf32, #tpu.memory_space<vmem>>, vector<16xf32>,
      %get3A_201 = arith.index_cast %scan3A_179 : i32 to index
      %get3A_202 = arith.constant 0 : index
      %get3A_203 = tpu.vector_load %arg7[%get3A_201, %get3A_202] {strides = array<i32>} : memref<8x16xf32, #tpu.memory_space<vmem>>, vector<16xf32>,
      %max3A_204 = arith.maximumf %get3A_200, %max3A_194 : vector<16xf32>
      %min3A_205 = arith.minimumf %get3A_200, %max3A_194 : vector<16xf32>
      %ge3A_206 = arith.cmpf oge, %get3A_200, %max3A_194 : vector<16xf32>
      %select_n3A_207 = arith.select %ge3A_206, %get3A_203, %max3A_198 : vector<16xi1>, vector<16xf32>
      %max3A_208 = arith.maximumf %min3A_205, %select_n3A_207 : vector<16xf32>
      %swap3A = arith.index_cast %scan3A_179 : i32 to index
      %swap3A_209 = arith.constant 0 : index
      %swap3A_210 = tpu.vector_load %arg6[%swap3A, %swap3A_209] {strides = array<i32>} : memref<8x16xf32, #tpu.memory_space<vmem>>, vector<16xf32>,
      tpu.vector_store %arg6[%swap3A, %swap3A_209], %max3A_204 {strides = array<i32>} : memref<8x16xf32, #tpu.memory_space<vmem>>, vector<16xf32>,
      %swap3A_211 = arith.index_cast %scan3A_179 : i32 to index
      %swap3A_212 = arith.constant 0 : index
      %swap3A_213 = tpu.vector_load %arg7[%swap3A_211, %swap3A_212] {strides = array<i32>} : memref<8x16xf32, #tpu.memory_space<vmem>>, vector<16xf32>,
      tpu.vector_store %arg7[%swap3A_211, %swap3A_212], %max3A_208 {strides = array<i32>} : memref<8x16xf32, #tpu.memory_space<vmem>>, vector<16xf32>,
      %get3A_214 = arith.index_cast %scan3A_179 : i32 to index
      %get3A_215 = arith.constant 0 : index
      %get3A_216 = tpu.vector_load %arg8[%get3A_214, %get3A_215] {strides = array<i32>} : memref<8x16xf32, #tpu.memory_space<vmem>>, vector<16xf32>,
      %sub3A_217 = arith.subf %get3A_200, %max3A_204 : vector<16xf32>
      %exp3A = math.exp %sub3A_217 : vector<16xf32>
      %mul3A_218 = arith.mulf %get3A_216, %exp3A : vector<16xf32>
      %broadcast_in_dim3A_219 = arith.constant 0.000000e+00 : f32
      %broadcast_in_dim3A_220 = vector.broadcast %broadcast_in_dim3A_219 : f32 to vector<16xf32>
      %scan3A_221 = arith.constant 0 : i32
      %scan3A_222 = arith.constant 39 : i32
      %scan3A_223 = arith.addi %scan3A_221, %scan3A_222 : i32
      %scan3A_224 = arith.constant 1 : i32
      %scan3A_225:4 = scf.for %scan3A_235 = %scan3A_221 to %scan3A_223 step %scan3A_224 iter_args(%scan3A_236 = %broadcast_in_dim3A_220, %scan3A_237 = %broadcast_in_dim3A_220, %scan3A_238 = %broadcast_in_dim3A_220, %scan3A_239 = %broadcast_in_dim3A_220) -> (vector<16xf32>, vector<16xf32>, vector<16xf32>, vector<16xf32>)  : i32 {
        %mul3A_240 = arith.constant 128 : i32
        %mul3A_241 = arith.muli %scan3A_235, %mul3A_240 : i32
        %get3A_242 = arith.index_cast %scan3A_179 : i32 to index
        %get3A_243 = arith.index_cast %mul3A_241 : i32 to index
        %get3A_244 = tpu.vector_load %arg5[%get3A_242, %get3A_243] {strides = array<i32>} : memref<8x4992xf32, #tpu.memory_space<vmem>>, vector<16xf32>,
        %sub3A_245 = arith.subf %get3A_244, %max3A_204 : vector<16xf32>
        %exp3A_246 = math.exp %sub3A_245 : vector<16xf32>
        %add3A_247 = arith.addf %scan3A_236, %exp3A_246 : vector<16xf32>
        %add3A_248 = arith.constant 16 : i32
        %add3A_249 = arith.addi %mul3A_241, %add3A_248 : i32
        %get3A_250 = arith.index_cast %scan3A_179 : i32 to index
        %get3A_251 = arith.index_cast %add3A_249 : i32 to index
        %get3A_252 = tpu.vector_load %arg5[%get3A_250, %get3A_251] {strides = array<i32>} : memref<8x4992xf32, #tpu.memory_space<vmem>>, vector<16xf32>,
        %sub3A_253 = arith.subf %get3A_252, %max3A_204 : vector<16xf32>
        %exp3A_254 = math.exp %sub3A_253 : vector<16xf32>
        %add3A_255 = arith.addf %scan3A_237, %exp3A_254 : vector<16xf32>
        %add3A_256 = arith.constant 32 : i32
        %add3A_257 = arith.addi %mul3A_241, %add3A_256 : i32
        %get3A_258 = arith.index_cast %scan3A_179 : i32 to index
        %get3A_259 = arith.index_cast %add3A_257 : i32 to index
        %get3A_260 = tpu.vector_load %arg5[%get3A_258, %get3A_259] {strides = array<i32>} : memref<8x4992xf32, #tpu.memory_space<vmem>>, vector<16xf32>,
        %sub3A_261 = arith.subf %get3A_260, %max3A_204 : vector<16xf32>
        %exp3A_262 = math.exp %sub3A_261 : vector<16xf32>
        %add3A_263 = arith.addf %scan3A_238, %exp3A_262 : vector<16xf32>
        %add3A_264 = arith.constant 48 : i32
        %add3A_265 = arith.addi %mul3A_241, %add3A_264 : i32
        %get3A_266 = arith.index_cast %scan3A_179 : i32 to index
        %get3A_267 = arith.index_cast %add3A_265 : i32 to index
        %get3A_268 = tpu.vector_load %arg5[%get3A_266, %get3A_267] {strides = array<i32>} : memref<8x4992xf32, #tpu.memory_space<vmem>>, vector<16xf32>,
        %sub3A_269 = arith.subf %get3A_268, %max3A_204 : vector<16xf32>
        %exp3A_270 = math.exp %sub3A_269 : vector<16xf32>
        %add3A_271 = arith.addf %scan3A_239, %exp3A_270 : vector<16xf32>
        %add3A_272 = arith.constant 64 : i32
        %add3A_273 = arith.addi %mul3A_241, %add3A_272 : i32
        %get3A_274 = arith.index_cast %scan3A_179 : i32 to index
        %get3A_275 = arith.index_cast %add3A_273 : i32 to index
        %get3A_276 = tpu.vector_load %arg5[%get3A_274, %get3A_275] {strides = array<i32>} : memref<8x4992xf32, #tpu.memory_space<vmem>>, vector<16xf32>,
        %sub3A_277 = arith.subf %get3A_276, %max3A_204 : vector<16xf32>
        %exp3A_278 = math.exp %sub3A_277 : vector<16xf32>
        %add3A_279 = arith.addf %add3A_247, %exp3A_278 : vector<16xf32>
        %add3A_280 = arith.constant 80 : i32
        %add3A_281 = arith.addi %mul3A_241, %add3A_280 : i32
        %get3A_282 = arith.index_cast %scan3A_179 : i32 to index
        %get3A_283 = arith.index_cast %add3A_281 : i32 to index
        %get3A_284 = tpu.vector_load %arg5[%get3A_282, %get3A_283] {strides = array<i32>} : memref<8x4992xf32, #tpu.memory_space<vmem>>, vector<16xf32>,
        %sub3A_285 = arith.subf %get3A_284, %max3A_204 : vector<16xf32>
        %exp3A_286 = math.exp %sub3A_285 : vector<16xf32>
        %add3A_287 = arith.addf %add3A_255, %exp3A_286 : vector<16xf32>
        %add3A_288 = arith.constant 96 : i32
        %add3A_289 = arith.addi %mul3A_241, %add3A_288 : i32
        %get3A_290 = arith.index_cast %scan3A_179 : i32 to index
        %get3A_291 = arith.index_cast %add3A_289 : i32 to index
        %get3A_292 = tpu.vector_load %arg5[%get3A_290, %get3A_291] {strides = array<i32>} : memref<8x4992xf32, #tpu.memory_space<vmem>>, vector<16xf32>,
        %sub3A_293 = arith.subf %get3A_292, %max3A_204 : vector<16xf32>
        %exp3A_294 = math.exp %sub3A_293 : vector<16xf32>
        %add3A_295 = arith.addf %add3A_263, %exp3A_294 : vector<16xf32>
        %add3A_296 = arith.constant 112 : i32
        %add3A_297 = arith.addi %mul3A_241, %add3A_296 : i32
        %get3A_298 = arith.index_cast %scan3A_179 : i32 to index
        %get3A_299 = arith.index_cast %add3A_297 : i32 to index
        %get3A_300 = tpu.vector_load %arg5[%get3A_298, %get3A_299] {strides = array<i32>} : memref<8x4992xf32, #tpu.memory_space<vmem>>, vector<16xf32>,
        %sub3A_301 = arith.subf %get3A_300, %max3A_204 : vector<16xf32>
        %exp3A_302 = math.exp %sub3A_301 : vector<16xf32>
        %add3A_303 = arith.addf %add3A_271, %exp3A_302 : vector<16xf32>
        scf.yield %add3A_279, %add3A_287, %add3A_295, %add3A_303 : vector<16xf32>, vector<16xf32>, vector<16xf32>, vector<16xf32>
      }
      %scan3A_226 = arith.constant 39 : i32
      %add3A_227 = arith.addf %scan3A_225#0, %scan3A_225#1 : vector<16xf32>
      %add3A_228 = arith.addf %mul3A_218, %add3A_227 : vector<16xf32>
      %add3A_229 = arith.addf %scan3A_225#2, %scan3A_225#3 : vector<16xf32>
      %add3A_230 = arith.addf %add3A_228, %add3A_229 : vector<16xf32>
      %swap3A_231 = arith.index_cast %scan3A_179 : i32 to index
      %swap3A_232 = arith.constant 0 : index
      %swap3A_233 = tpu.vector_load %arg8[%swap3A_231, %swap3A_232] {strides = array<i32>} : memref<8x16xf32, #tpu.memory_space<vmem>>, vector<16xf32>,
      tpu.vector_store %arg8[%swap3A_231, %swap3A_232], %add3A_230 {strides = array<i32>} : memref<8x16xf32, #tpu.memory_space<vmem>>, vector<16xf32>,
      %scan3A_234 = arith.constant 0 : i32
      scf.yield %scan3A_234 : i32
    }
    %scan3A_169 = arith.constant 8 : i32
    %iota3A = tpu.iota {dimensions = array<i32: 0>} : vector<16xi32>
    %scan3A_170 = arith.constant 0 : i32
    %scan3A_171 = arith.constant 0 : i32
    %scan3A_172 = arith.constant 8 : i32
    %scan3A_173 = arith.addi %scan3A_171, %scan3A_172 : i32
    %scan3A_174 = arith.constant 1 : i32
    %scan3A_175 = scf.for %scan3A_179 = %scan3A_171 to %scan3A_173 step %scan3A_174 iter_args(%scan3A_180 = %scan3A_170) -> (i32)  : i32 {
      %get3A = arith.index_cast %scan3A_179 : i32 to index
      %get3A_181 = arith.constant 0 : index
      %get3A_182 = tpu.vector_load %arg6[%get3A, %get3A_181] {strides = array<i32>} : memref<8x16xf32, #tpu.memory_space<vmem>>, vector<16xf32>,
      %get3A_183 = arith.index_cast %scan3A_179 : i32 to index
      %get3A_184 = arith.constant 0 : index
      %get3A_185 = tpu.vector_load %arg7[%get3A_183, %get3A_184] {strides = array<i32>} : memref<8x16xf32, #tpu.memory_space<vmem>>, vector<16xf32>,
      %get3A_186 = arith.index_cast %scan3A_179 : i32 to index
      %get3A_187 = arith.constant 0 : index
      %get3A_188 = tpu.vector_load %arg8[%get3A_186, %get3A_187] {strides = array<i32>} : memref<8x16xf32, #tpu.memory_space<vmem>>, vector<16xf32>,
      %reduce_max3A = arith.constant true
      %reduce_max3A_189 = vector.broadcast %reduce_max3A : i1 to vector<16xi1>
      %reduce_max3A_190 = tpu.scan <max>, %get3A_182 masked %reduce_max3A_189 : vector<16xf32>, vector<16xi1> -> vector<16xf32>
      %reduce_max3A_191 = vector.extract %reduce_max3A_190[15] : f32 from vector<16xf32>
      %eq3A_192 = vector.broadcast %reduce_max3A_191 : f32 to vector<16xf32>
      %eq3A_193 = arith.cmpf oeq, %get3A_182, %eq3A_192 : vector<16xf32>
      %all_reduce_population_count3A = tpu.all_reduce %eq3A_193 {dim = 0 : i64, kind = #tpu.reduction_kind<sum>} : vector<16xi1> -> vector<16xi32>
      %jit3A_194 = arith.constant -1.000000e+30 : f32
      %broadcast_in_dim3A_195 = vector.broadcast %jit3A_194 : f32 to vector<16xf32>
      %select_n3A_196 = arith.select %eq3A_193, %broadcast_in_dim3A_195, %get3A_182 : vector<16xi1>, vector<16xf32>
      %reduce_max3A_197 = arith.constant true
      %reduce_max3A_198 = vector.broadcast %reduce_max3A_197 : i1 to vector<16xi1>
      %reduce_max3A_199 = tpu.scan <max>, %select_n3A_196 masked %reduce_max3A_198 : vector<16xf32>, vector<16xi1> -> vector<16xf32>
      %reduce_max3A_200 = vector.extract %reduce_max3A_199[15] : f32 from vector<16xf32>
      %gt3A = arith.constant 1 : i32
      %gt3A_201 = vector.broadcast %gt3A : i32 to vector<16xi32>
      %gt3A_202 = arith.cmpi sgt, %all_reduce_population_count3A, %gt3A_201 : vector<16xi32>
      %reduce_max3A_203 = arith.constant true
      %reduce_max3A_204 = vector.broadcast %reduce_max3A_203 : i1 to vector<16xi1>
      %reduce_max3A_205 = tpu.scan <max>, %get3A_185 masked %reduce_max3A_204 : vector<16xf32>, vector<16xi1> -> vector<16xf32>
      %reduce_max3A_206 = vector.extract %reduce_max3A_205[15] : f32 from vector<16xf32>
      %max3A = arith.maximumf %reduce_max3A_200, %reduce_max3A_206 : f32
      %broadcast_in_dim3A_207 = vector.broadcast %reduce_max3A_191 : f32 to vector<16xf32>
      %broadcast_in_dim3A_208 = vector.broadcast %max3A : f32 to vector<16xf32>
      %select_n3A_209 = arith.select %gt3A_202, %broadcast_in_dim3A_207, %broadcast_in_dim3A_208 : vector<16xi1>, vector<16xf32>
      %sub3A_210 = vector.broadcast %reduce_max3A_191 : f32 to vector<16xf32>
      %sub3A_211 = arith.subf %get3A_182, %sub3A_210 : vector<16xf32>
      %exp3A = math.exp %sub3A_211 : vector<16xf32>
      %mul3A_212 = arith.mulf %get3A_188, %exp3A : vector<16xf32>
      %reduce_sum3A = arith.constant true
      %reduce_sum3A_213 = vector.broadcast %reduce_sum3A : i1 to vector<16xi1>
      %reduce_sum3A_214 = tpu.scan <sum>, %mul3A_212 masked %reduce_sum3A_213 : vector<16xf32>, vector<16xi1> -> vector<16xf32>
      %reduce_sum3A_215 = vector.extract %reduce_sum3A_214[15] : f32 from vector<16xf32>
      %eq3A_216 = arith.constant 0 : i32
      %eq3A_217 = vector.broadcast %eq3A_216 : i32 to vector<16xi32>
      %eq3A_218 = arith.cmpi eq, %iota3A, %eq3A_217 : vector<16xi32>
      %eq3A_219 = arith.constant 1 : i32
      %eq3A_220 = vector.broadcast %eq3A_219 : i32 to vector<16xi32>
      %eq3A_221 = arith.cmpi eq, %iota3A, %eq3A_220 : vector<16xi32>
      %eq3A_222 = arith.constant 2 : i32
      %eq3A_223 = vector.broadcast %eq3A_222 : i32 to vector<16xi32>
      %eq3A_224 = arith.cmpi eq, %iota3A, %eq3A_223 : vector<16xi32>
      %jit3A_225 = arith.constant 0.000000e+00 : f32
      %broadcast_in_dim3A_226 = vector.broadcast %reduce_sum3A_215 : f32 to vector<16xf32>
      %broadcast_in_dim3A_227 = vector.broadcast %jit3A_225 : f32 to vector<16xf32>
      %select_n3A_228 = arith.select %eq3A_224, %broadcast_in_dim3A_226, %broadcast_in_dim3A_227 : vector<16xi1>, vector<16xf32>
      %select_n3A_229 = arith.select %eq3A_221, %select_n3A_209, %select_n3A_228 : vector<16xi1>, vector<16xf32>
      %broadcast_in_dim3A_230 = vector.broadcast %reduce_max3A_191 : f32 to vector<16xf32>
      %select_n3A_231 = arith.select %eq3A_218, %broadcast_in_dim3A_230, %select_n3A_229 : vector<16xi1>, vector<16xf32>
      %swap3A = arith.index_cast %scan3A_179 : i32 to index
      %swap3A_232 = arith.constant 0 : index
      %swap3A_233 = tpu.vector_load %arg9[%swap3A, %swap3A_232] {strides = array<i32>} : memref<8x16xf32, #tpu.memory_space<vmem>>, vector<16xf32>,
      tpu.vector_store %arg9[%swap3A, %swap3A_232], %select_n3A_231 {strides = array<i32>} : memref<8x16xf32, #tpu.memory_space<vmem>>, vector<16xf32>,
      %scan3A_234 = arith.constant 0 : i32
      scf.yield %scan3A_234 : i32
    }
    %scan3A_176 = arith.constant 8 : i32
    %mul3A_177 = arith.constant 8 : i32
    %mul3A_178 = arith.muli %select_n3A, %mul3A_177 : i32
    "tpu.region"() ({
      %run_scoped3A = tpu.sem_alloc : memref<!tpu.dma_semaphore, #tpu.memory_space<semaphore_mem>>
      %dma_start3A_179 = arith.constant 0 : i32
      %dma_start3A_180 = tpu.memref_slice %arg3[%select_n3A_30, %mul3A_178, %dma_start3A_179] : memref<2x128x16xf32, #tpu.memory_space<hbm>> -> memref<1x8x16xf32, #tpu.memory_space<hbm>>
      %dma_start3A_181 = tpu.memref_squeeze %dma_start3A_180 : memref<1x8x16xf32, #tpu.memory_space<hbm>> -> memref<8x16xf32, #tpu.memory_space<hbm>>
      %dma_start3A_182 = arith.constant 0 : i32
      %dma_start3A_183 = tpu.memref_slice %arg3[%select_n3A_30, %mul3A_178, %dma_start3A_182] : memref<2x128x16xf32, #tpu.memory_space<hbm>> -> memref<1x8x16xf32, #tpu.memory_space<hbm>>
      %dma_start3A_184 = tpu.memref_squeeze %dma_start3A_183 : memref<1x8x16xf32, #tpu.memory_space<hbm>> -> memref<8x16xf32, #tpu.memory_space<hbm>>
      tpu.enqueue_dma source(%arg9 : memref<8x16xf32, #tpu.memory_space<vmem>>) target(%dma_start3A_184 : memref<8x16xf32, #tpu.memory_space<hbm>>) target_semaphore(%run_scoped3A : memref<!tpu.dma_semaphore, #tpu.memory_space<semaphore_mem>>)
      %dma_wait3A_185 = arith.constant 0 : i32
      %dma_wait3A_186 = tpu.memref_slice %arg3[%select_n3A_30, %mul3A_178, %dma_wait3A_185] : memref<2x128x16xf32, #tpu.memory_space<hbm>> -> memref<1x8x16xf32, #tpu.memory_space<hbm>>
      %dma_wait3A_187 = tpu.memref_squeeze %dma_wait3A_186 : memref<1x8x16xf32, #tpu.memory_space<hbm>> -> memref<8x16xf32, #tpu.memory_space<hbm>>
      %dma_wait3A_188 = arith.constant 0 : i32
      %dma_wait3A_189 = tpu.memref_slice %arg3[%select_n3A_30, %mul3A_178, %dma_wait3A_188] : memref<2x128x16xf32, #tpu.memory_space<hbm>> -> memref<1x8x16xf32, #tpu.memory_space<hbm>>
      %dma_wait3A_190 = tpu.memref_squeeze %dma_wait3A_189 : memref<1x8x16xf32, #tpu.memory_space<hbm>> -> memref<8x16xf32, #tpu.memory_space<hbm>>
      tpu.wait_dma2 semaphore(%run_scoped3A : memref<!tpu.dma_semaphore, #tpu.memory_space<semaphore_mem>>) src(%arg9 : memref<8x16xf32, #tpu.memory_space<vmem>>) dst(%dma_wait3A_190 : memref<8x16xf32, #tpu.memory_space<hbm>>)
      tpu.yield
    }) : () -> ()
    return
  }
}

module attributes {stable_mosaic.version = 14 : i64} {
  func.func @_tc_tail_kernel(%arg0: i32, %arg1: memref<2x128x16xf32, #tpu.memory_space<vmem>>, %arg2: memref<128x160xf32, #tpu.memory_space<vmem>>, %arg3: memref<128x1xf32, #tpu.memory_space<vmem>>, %arg4: memref<1x1xf32, #tpu.memory_space<smem>>) attributes {dimension_semantics = [#tpu.dimension_semantics<arbitrary>], iteration_bounds = array<i64: 1>, scalar_prefetch = 0 : i64, scratch_operands = 0 : i64, tpu.core_type = #tpu.core_type<tc>, window_params = [{pipeline_mode = #tpu.pipeline_mode<synchronous>, transform_indices = @transform_0, window_bounds = array<i64: 2, 128, 16>}, {pipeline_mode = #tpu.pipeline_mode<synchronous>, transform_indices = @transform_1, window_bounds = array<i64: 128, 160>}, {pipeline_mode = #tpu.pipeline_mode<synchronous>, transform_indices = @transform_2, window_bounds = array<i64: 128, 1>}, {transform_indices = @transform_3, window_bounds = array<i64: 1, 1>}]} {
    %get3A = arith.constant 0 : index
    %get3A_0 = arith.constant 0 : index
    %get3A_1 = vector.load %arg2[%get3A, %get3A_0] : memref<128x160xf32, #tpu.memory_space<vmem>>, vector<128x160xf32>
    %reduce_max3A = arith.constant dense<0xFF800000> : vector<128xf32>
    %reduce_max3A_2 = vector.multi_reduction <maximumf>, %get3A_1, %reduce_max3A [1] : vector<128x160xf32> to vector<128xf32>
    %broadcast_in_dim3A = vector.shape_cast %reduce_max3A_2 : vector<128xf32> to vector<128x1xf32>
    %eq3A = vector.broadcast %broadcast_in_dim3A : vector<128x1xf32> to vector<128x160xf32>
    %eq3A_3 = arith.cmpf oeq, %get3A_1, %eq3A : vector<128x160xf32>
    %jit3A = arith.constant -1.000000e+30 : f32
    %broadcast_in_dim3A_4 = vector.broadcast %jit3A : f32 to vector<128x160xf32>
    %select_n3A = arith.select %eq3A_3, %broadcast_in_dim3A_4, %get3A_1 : vector<128x160xi1>, vector<128x160xf32>
    %reduce_max3A_5 = arith.constant dense<0xFF800000> : vector<128xf32>
    %reduce_max3A_6 = vector.multi_reduction <maximumf>, %select_n3A, %reduce_max3A_5 [1] : vector<128x160xf32> to vector<128xf32>
    %broadcast_in_dim3A_7 = vector.shape_cast %reduce_max3A_6 : vector<128xf32> to vector<128x1xf32>
    %convert_element_type3A = arith.extui %eq3A_3 : vector<128x160xi1> to vector<128x160xi32>
    %convert_element_type3A_8 = arith.sitofp %convert_element_type3A : vector<128x160xi32> to vector<128x160xf32>
    %reduce_sum3A = arith.constant dense<0.000000e+00> : vector<128xf32>
    %reduce_sum3A_9 = vector.multi_reduction <add>, %convert_element_type3A_8, %reduce_sum3A [1] : vector<128x160xf32> to vector<128xf32>
    %broadcast_in_dim3A_10 = vector.shape_cast %reduce_sum3A_9 : vector<128xf32> to vector<128x1xf32>
    %gt3A = arith.constant 1.000000e+00 : f32
    %gt3A_11 = vector.broadcast %gt3A : f32 to vector<128x1xf32>
    %gt3A_12 = arith.cmpf ogt, %broadcast_in_dim3A_10, %gt3A_11 : vector<128x1xf32>
    %select_n3A_13 = arith.select %gt3A_12, %broadcast_in_dim3A, %broadcast_in_dim3A_7 : vector<128x1xi1>, vector<128x1xf32>
    %sub3A = vector.broadcast %broadcast_in_dim3A : vector<128x1xf32> to vector<128x160xf32>
    %sub3A_14 = arith.subf %get3A_1, %sub3A : vector<128x160xf32>
    %exp3A = math.exp %sub3A_14 : vector<128x160xf32>
    %reduce_sum3A_15 = arith.constant dense<0.000000e+00> : vector<128xf32>
    %reduce_sum3A_16 = vector.multi_reduction <add>, %exp3A, %reduce_sum3A_15 [1] : vector<128x160xf32> to vector<128xf32>
    %broadcast_in_dim3A_17 = vector.shape_cast %reduce_sum3A_16 : vector<128xf32> to vector<128x1xf32>
    %get3A_18 = arith.constant 0 : index
    %get3A_19 = arith.constant 0 : index
    %get3A_20 = arith.constant 0 : index
    %get3A_21 = vector.load %arg1[%get3A_18, %get3A_19, %get3A_20] : memref<2x128x16xf32, #tpu.memory_space<vmem>>, vector<1x128x1xf32>
    %get3A_22 = vector.shape_cast %get3A_21 : vector<1x128x1xf32> to vector<128x1xf32>
    %get3A_23 = arith.constant 0 : index
    %get3A_24 = arith.constant 0 : index
    %get3A_25 = arith.constant 1 : index
    %get3A_26 = vector.load %arg1[%get3A_23, %get3A_24, %get3A_25] : memref<2x128x16xf32, #tpu.memory_space<vmem>>, vector<1x128x1xf32>
    %get3A_27 = vector.shape_cast %get3A_26 : vector<1x128x1xf32> to vector<128x1xf32>
    %get3A_28 = arith.constant 0 : index
    %get3A_29 = arith.constant 0 : index
    %get3A_30 = arith.constant 2 : index
    %get3A_31 = vector.load %arg1[%get3A_28, %get3A_29, %get3A_30] : memref<2x128x16xf32, #tpu.memory_space<vmem>>, vector<1x128x1xf32>
    %get3A_32 = vector.shape_cast %get3A_31 : vector<1x128x1xf32> to vector<128x1xf32>
    %max3A = arith.maximumf %broadcast_in_dim3A, %get3A_22 : vector<128x1xf32>
    %min3A = arith.minimumf %broadcast_in_dim3A, %get3A_22 : vector<128x1xf32>
    %ge3A = arith.cmpf oge, %broadcast_in_dim3A, %get3A_22 : vector<128x1xf32>
    %select_n3A_33 = arith.select %ge3A, %select_n3A_13, %get3A_27 : vector<128x1xi1>, vector<128x1xf32>
    %max3A_34 = arith.maximumf %min3A, %select_n3A_33 : vector<128x1xf32>
    %sub3A_35 = arith.subf %broadcast_in_dim3A, %max3A : vector<128x1xf32>
    %exp3A_36 = math.exp %sub3A_35 : vector<128x1xf32>
    %mul3A = arith.mulf %broadcast_in_dim3A_17, %exp3A_36 : vector<128x1xf32>
    %sub3A_37 = arith.subf %get3A_22, %max3A : vector<128x1xf32>
    %exp3A_38 = math.exp %sub3A_37 : vector<128x1xf32>
    %mul3A_39 = arith.mulf %get3A_32, %exp3A_38 : vector<128x1xf32>
    %add3A = arith.addf %mul3A, %mul3A_39 : vector<128x1xf32>
    %get3A_40 = arith.constant 1 : index
    %get3A_41 = arith.constant 0 : index
    %get3A_42 = arith.constant 0 : index
    %get3A_43 = vector.load %arg1[%get3A_40, %get3A_41, %get3A_42] : memref<2x128x16xf32, #tpu.memory_space<vmem>>, vector<1x128x1xf32>
    %get3A_44 = vector.shape_cast %get3A_43 : vector<1x128x1xf32> to vector<128x1xf32>
    %get3A_45 = arith.constant 1 : index
    %get3A_46 = arith.constant 0 : index
    %get3A_47 = arith.constant 1 : index
    %get3A_48 = vector.load %arg1[%get3A_45, %get3A_46, %get3A_47] : memref<2x128x16xf32, #tpu.memory_space<vmem>>, vector<1x128x1xf32>
    %get3A_49 = vector.shape_cast %get3A_48 : vector<1x128x1xf32> to vector<128x1xf32>
    %get3A_50 = arith.constant 1 : index
    %get3A_51 = arith.constant 0 : index
    %get3A_52 = arith.constant 2 : index
    %get3A_53 = vector.load %arg1[%get3A_50, %get3A_51, %get3A_52] : memref<2x128x16xf32, #tpu.memory_space<vmem>>, vector<1x128x1xf32>
    %get3A_54 = vector.shape_cast %get3A_53 : vector<1x128x1xf32> to vector<128x1xf32>
    %max3A_55 = arith.maximumf %max3A, %get3A_44 : vector<128x1xf32>
    %min3A_56 = arith.minimumf %max3A, %get3A_44 : vector<128x1xf32>
    %ge3A_57 = arith.cmpf oge, %max3A, %get3A_44 : vector<128x1xf32>
    %select_n3A_58 = arith.select %ge3A_57, %max3A_34, %get3A_49 : vector<128x1xi1>, vector<128x1xf32>
    %max3A_59 = arith.maximumf %min3A_56, %select_n3A_58 : vector<128x1xf32>
    %sub3A_60 = arith.subf %max3A, %max3A_55 : vector<128x1xf32>
    %exp3A_61 = math.exp %sub3A_60 : vector<128x1xf32>
    %mul3A_62 = arith.mulf %add3A, %exp3A_61 : vector<128x1xf32>
    %sub3A_63 = arith.subf %get3A_44, %max3A_55 : vector<128x1xf32>
    %exp3A_64 = math.exp %sub3A_63 : vector<128x1xf32>
    %mul3A_65 = arith.mulf %get3A_54, %exp3A_64 : vector<128x1xf32>
    %add3A_66 = arith.addf %mul3A_62, %mul3A_65 : vector<128x1xf32>
    %get3A_67 = arith.constant 0 : index
    %get3A_68 = arith.constant 0 : index
    %get3A_69 = vector.load %arg3[%get3A_67, %get3A_68] : memref<128x1xf32, #tpu.memory_space<vmem>>, vector<128x1xf32>
    %eq3A_70 = arith.cmpf oeq, %get3A_69, %max3A_55 : vector<128x1xf32>
    %select_n3A_71 = arith.select %eq3A_70, %max3A_59, %max3A_55 : vector<128x1xi1>, vector<128x1xf32>
    %sub3A_72 = arith.subf %get3A_69, %select_n3A_71 : vector<128x1xf32>
    %log3A = math.log %add3A_66 : vector<128x1xf32>
    %add3A_73 = arith.addf %max3A_55, %log3A : vector<128x1xf32>
    %ge3A_74 = arith.constant 0.000000e+00 : f32
    %ge3A_75 = vector.broadcast %ge3A_74 : f32 to vector<128x1xf32>
    %ge3A_76 = arith.cmpf oge, %sub3A_72, %ge3A_75 : vector<128x1xf32>
    %sub3A_77 = arith.constant 1.000000e+00 : f32
    %sub3A_78 = vector.broadcast %sub3A_77 : f32 to vector<128x1xf32>
    %sub3A_79 = arith.subf %sub3A_78, %sub3A_72 : vector<128x1xf32>
    %sub3A_80 = arith.constant 1.000000e+00 : f32
    %sub3A_81 = vector.broadcast %sub3A_80 : f32 to vector<128x1xf32>
    %sub3A_82 = arith.subf %sub3A_81, %get3A_69 : vector<128x1xf32>
    %add3A_83 = arith.addf %sub3A_82, %add3A_73 : vector<128x1xf32>
    %select_n3A_84 = arith.select %ge3A_76, %sub3A_79, %add3A_83 : vector<128x1xi1>, vector<128x1xf32>
    %max3A_85 = arith.constant 0.000000e+00 : f32
    %max3A_86 = vector.broadcast %max3A_85 : f32 to vector<128x1xf32>
    %max3A_87 = arith.maximumf %select_n3A_84, %max3A_86 : vector<128x1xf32>
    %broadcast_in_dim3A_88 = arith.constant 1.000000e+00 : f32
    %broadcast_in_dim3A_89 = vector.broadcast %broadcast_in_dim3A_88 : f32 to vector<1x128xf32>
    %dot_general3A = arith.constant dense<0.000000e+00> : vector<128x128xf32>
    %dot_general3A_90 = tpu.matmul %max3A_87, %broadcast_in_dim3A_89, %dot_general3A {dimension_numbers = #tpu.dot_dimension_numbers<[1], [0], [0], [1], [0, 0, 1, 1], [], []>, precision = #tpu.contract_precision<fp32>, transpose_lhs_hint = false} : vector<128x1xf32>, vector<1x128xf32>, vector<128x128xf32> -> vector<128x128xf32>
    %transpose3A = tpu.transpose %dot_general3A_90, [1, 0] : vector<128x128xf32> -> vector<128x128xf32>
    %iota3A = tpu.iota {dimensions = array<i32: 0>} : vector<128x128xi32>
    %iota3A_91 = tpu.iota {dimensions = array<i32: 1>} : vector<128x128xi32>
    %lt3A = arith.cmpf olt, %transpose3A, %dot_general3A_90 : vector<128x128xf32>
    %eq3A_92 = arith.cmpf oeq, %transpose3A, %dot_general3A_90 : vector<128x128xf32>
    %lt3A_93 = arith.cmpi slt, %iota3A_91, %iota3A : vector<128x128xi32>
    %and3A = arith.andi %eq3A_92, %lt3A_93 : vector<128x128xi1>
    %or3A = arith.ori %lt3A, %and3A : vector<128x128xi1>
    %convert_element_type3A_94 = arith.extui %or3A : vector<128x128xi1> to vector<128x128xi32>
    %convert_element_type3A_95 = arith.sitofp %convert_element_type3A_94 : vector<128x128xi32> to vector<128x128xf32>
    %eq3A_96 = arith.cmpf oeq, %transpose3A, %dot_general3A_90 : vector<128x128xf32>
    %eq3A_97 = arith.cmpi eq, %iota3A_91, %iota3A : vector<128x128xi32>
    %and3A_98 = arith.andi %eq3A_96, %eq3A_97 : vector<128x128xi1>
    %jit3A_99 = arith.constant 1.000000e+00 : f32
    %broadcast_in_dim3A_100 = vector.broadcast %jit3A_99 : f32 to vector<128x128xf32>
    %select_n3A_101 = arith.select %and3A_98, %broadcast_in_dim3A_100, %convert_element_type3A_95 : vector<128x128xi1>, vector<128x128xf32>
    %broadcast_in_dim3A_102 = arith.constant 1.000000e+00 : f32
    %broadcast_in_dim3A_103 = vector.broadcast %broadcast_in_dim3A_102 : f32 to vector<128x1xf32>
    %dot_general3A_104 = arith.constant dense<0.000000e+00> : vector<128x1xf32>
    %dot_general3A_105 = tpu.matmul %convert_element_type3A_95, %broadcast_in_dim3A_103, %dot_general3A_104 {dimension_numbers = #tpu.dot_dimension_numbers<[1], [0], [0], [1], [0, 0, 1, 1], [], []>, precision = #tpu.contract_precision<fp32>, transpose_lhs_hint = false} : vector<128x128xf32>, vector<128x1xf32>, vector<128x1xf32> -> vector<128x1xf32>
    %dot_general3A_106 = arith.constant dense<0.000000e+00> : vector<128x1xf32>
    %dot_general3A_107 = tpu.matmul %select_n3A_101, %max3A_87, %dot_general3A_106 {dimension_numbers = #tpu.dot_dimension_numbers<[1], [0], [0], [1], [0, 0, 1, 1], [], []>, precision = #tpu.contract_precision<fp32>, transpose_lhs_hint = false} : vector<128x128xf32>, vector<128x1xf32>, vector<128x1xf32> -> vector<128x1xf32>
    %sub3A_108 = arith.constant 6.500000e+01 : f32
    %sub3A_109 = vector.broadcast %sub3A_108 : f32 to vector<128x1xf32>
    %sub3A_110 = arith.subf %sub3A_109, %dot_general3A_105 : vector<128x1xf32>
    %le3A = arith.cmpf ole, %dot_general3A_107, %sub3A_110 : vector<128x1xf32>
    %convert_element_type3A_111 = arith.extui %le3A : vector<128x1xi1> to vector<128x1xi32>
    %convert_element_type3A_112 = arith.sitofp %convert_element_type3A_111 : vector<128x1xi32> to vector<128x1xf32>
    %mul3A_113 = arith.mulf %convert_element_type3A_112, %max3A_87 : vector<128x1xf32>
    %reduce_sum3A_114 = vector.shape_cast %mul3A_113 : vector<128x1xf32> to vector<1x128x1xf32>
    %reduce_sum3A_115 = arith.constant dense<0.000000e+00> : vector<1xf32>
    %reduce_sum3A_116 = vector.multi_reduction <add>, %reduce_sum3A_114, %reduce_sum3A_115 [1, 2] : vector<1x128x1xf32> to vector<1xf32>
    %reduce_sum3A_117 = vector.shape_cast %reduce_sum3A_116 : vector<1xf32> to vector<1x1x1xf32>
    %reduce_sum3A_118 = vector.extract %reduce_sum3A_117[0, 0, 0] : f32 from vector<1x1x1xf32>
    %reduce_sum3A_119 = vector.shape_cast %convert_element_type3A_112 : vector<128x1xf32> to vector<1x128x1xf32>
    %reduce_sum3A_120 = arith.constant dense<0.000000e+00> : vector<1xf32>
    %reduce_sum3A_121 = vector.multi_reduction <add>, %reduce_sum3A_119, %reduce_sum3A_120 [1, 2] : vector<1x128x1xf32> to vector<1xf32>
    %reduce_sum3A_122 = vector.shape_cast %reduce_sum3A_121 : vector<1xf32> to vector<1x1x1xf32>
    %reduce_sum3A_123 = vector.extract %reduce_sum3A_122[0, 0, 0] : f32 from vector<1x1x1xf32>
    %sub3A_124 = arith.constant 1.280000e+02 : f32
    %sub3A_125 = arith.subf %sub3A_124, %reduce_sum3A_123 : f32
    %lt3A_126 = arith.cmpf olt, %reduce_sum3A_118, %sub3A_125 : f32
    %select_n3A_127 = arith.select %lt3A_126, %sub3A_125, %reduce_sum3A_118 : f32
    %swap3A = arith.constant 0 : index
    %swap3A_128 = arith.constant 0 : index
    %swap3A_129 = memref.load %arg4[%swap3A, %swap3A_128] : memref<1x1xf32, #tpu.memory_space<smem>>
    memref.store %select_n3A_127, %arg4[%swap3A, %swap3A_128] : memref<1x1xf32, #tpu.memory_space<smem>>
    return
  }
  func.func @transform_0(%arg0: i32) -> (i32, i32, i32) {
    %c0_i32 = arith.constant 0 : i32
    %c0_i32_0 = arith.constant 0 : i32
    %c0_i32_1 = arith.constant 0 : i32
    %c0_i32_2 = arith.constant 0 : i32
    return %c0_i32, %c0_i32_0, %c0_i32_1 : i32, i32, i32
  }
  func.func @transform_1(%arg0: i32) -> (i32, i32) {
    %c0_i32 = arith.constant 0 : i32
    %c0_i32_0 = arith.constant 0 : i32
    %c0_i32_1 = arith.constant 0 : i32
    return %c0_i32, %c0_i32_0 : i32, i32
  }
  func.func @transform_2(%arg0: i32) -> (i32, i32) {
    %c0_i32 = arith.constant 0 : i32
    %c0_i32_0 = arith.constant 0 : i32
    %c0_i32_1 = arith.constant 0 : i32
    return %c0_i32, %c0_i32_0 : i32, i32
  }
  func.func @transform_3(%arg0: i32) -> (i32, i32) {
    %c0_i32 = arith.constant 0 : i32
    %c0_i32_0 = arith.constant 0 : i32
    %c0_i32_1 = arith.constant 0 : i32
    return %c0_i32, %c0_i32_0 : i32, i32
  }
}

</mosaic_0001>

<sc_bundles>
// kernel: kernel.4.cloned.1.call-start
scs
__scs_entry_jumppad:
0x0: {  	(pc) =	sbr.rel $0x88, $3  }
0x1: {  	(tag) =	ssettag $0x0;
	lr =	simm.s32 $0x1  }
0x2: {  	[smem:$0x3F9F] =	sst lr;
	_ =	strace $0xD0000000  }
0x3: {  	_ = 	snop  }
0x4: {  	_ = 	snop  }
0x5: {  	_ = 	snop  }
0x6: {  	_ = 	snop  }
0x7: {  	_ = 	snop  }
__scs_overlays_trampoline_lowered:
0x8: {  	[smem:$0x3FAE] =	sst s0  }
0x9: {  	[smem:$0x3FAF] =	sst s1  }
0xa: {  	[smem:$0x3FB0] =	sst s2  }
0xb: {  	[smem:$0x3FB1] =	sst s3  }
0xc: {  	[smem:$0x3FB2] =	sst s4  }
0xd: {  	[smem:$0x3FB3] =	sst s5  }
0xe: {  	[smem:$0x3FB4] =	sst s6  }
0xf: {  	[smem:$0x3FB5] =	sst s7  }
0x10: {  	[smem:$0x3FB6] =	sst s8  }
0x11: {  	[smem:$0x3FB7] =	sst s9;
	s0 =	simm.s32 @!p0 $0x0  }
0x12: {  	s1 =	sld [smem:$0x3F9D];
	s0 =	simm.s32 @p0 $0x1  }
0x13: {  	[smem:$0x3FB8] =	sst s0;
	s0 =	simm.s32 @!p1 $0x0  }
0x14: {  	s2 =	sld [smem:$0x3F9C];
	s0 =	simm.s32 @p1 $0x1  }
0x15: {  	[smem:$0x3FB9] =	sst s0;
	s0 =	simm.s32 @!p2 $0x0  }
0x16: {  	s3 =	sld [smem:$0x3FDB];
	s0 =	simm.s32 @p2 $0x1  }
0x17: {  	s4 =	simm.s32 $0x1BF5;
	[smem:$0x3FBB] =	sst s0  }
0x18: {  	s0 =	sld [smem:$0x3F9E];
	_ =	swait.ge [sflag:s4], $0x0  }
0x19: {  	s7 =	sld [smem:$0x3F9F]  }
0x1a: {  	s8 =	sadd.s32 $0xFFFFE003, lr  }
0x1b: {  	s9 =	sadd.s32 $0xFFFFFEF7, lr;
	s5 =	simm.s32 $0xFFFFFFFF;
	p2 =	slt.u32 s8, $0xFFFFF086  }
0x1c: {  	p1 =	slt.u32 s9, $0xF7A;
	s5 =	simm.s32 @!p2 $0x0  }
0x1d: {  	s5 =	simm.s32 @p1 $0x1;
	p0 =	seq.s32 s7, s2  }
0x1e: {  	s7 =	smul.u32 @!p0 $0xF7A, s2;
	p2 =	seq.s32 @!p0 s5, $0x0  }
0x1f: {  	s9 =	smul.u32 $0xF7A, s1;
	s8 =	simm.s32 @!p0 $0x1BF5;
	p2 =	por !p2, p0  }
0x20: {  	[sflag:s8] =	ssyncset.s32 @!p0 $0xFFFFF086;
	s6 =	sadd.s32 @!p0 s3, s7;
	s7 =	simm.s32 @!p0 $0x108  }
0x21: {  	s3 =	sadd.s32 s3, s9;
	s6 =	sadd.s32 @!p0 $0x88, s6;
	s7 =	simm.s32 @p2 $0x1082  }
0x22: {  	[simem:s7], [sflag:s8] =	dma.local @!p0 [hbm:s6], $0xF7A  }
0x23: {  	s9 =	sor.u32 $0xD0000000, s2;
	s6 =	simm.s32 $0x108;
	_ =	swait.ge @!p0 [sflag:s8], $0x0  }
0x24: {  	s3 =	sadd.s32 $0x88, s3;
	s6 =	simm.s32 @!p1 $0x1082;
	[sflag:s4] =	ssyncset.s32 $0xFFFFF086  }
0x25: {  	[simem:s6], [sflag:s4] =	dma.local [hbm:s3], $0xF7A  }
0x26: {  	[smem:$0x3F9F] =	sst s1;
	(tag) =	ssettag s2;
	_ =	strace s9  }
0x27: {  	s1 =	sld [smem:$0x3FAF]  }
0x28: {  	s2 =	sld [smem:$0x3FB0]  }
0x29: {  	s4 =	sld [smem:$0x3FB2]  }
0x2a: {  	p0 =	seq.s32 s5, $0x0;
	s5 =	sld [smem:$0x3FB3]  }
0x2b: {  	s6 =	sld [smem:$0x3FB4]  }
0x2c: {  	s7 =	sld [smem:$0x3FB5]  }
0x2d: {  	s3 =	simm.s32 $0x108;
	s8 =	sld [smem:$0x3FB6]  }
0x2e: {  	s3 =	simm.s32 @!p0 $0x1082;
	s9 =	sld [smem:$0x3FB7]  }
0x2f: {  	lr =	sadd.s32 s0, s3;
	s0 =	sld [smem:$0x3FAE]  }
0x30: {  	s3 =	sld [smem:$0x3FB1]  }
0x31: {  	[smem:$0x3FBA] =	sst s10  }
0x32: {  	s10 =	sld [smem:$0x3FB8];
	_ =	sdelay $0x3  }
0x33: {  	p0 =	seq.s32 s10, $0x1;
	s10 =	sld [smem:$0x3FBA];
	_ =	sdelay $0x3  }
0x34: {  	[smem:$0x3FBA] =	sst s10  }
0x35: {  	s10 =	sld [smem:$0x3FB9];
	_ =	sdelay $0x3  }
0x36: {  	p1 =	seq.s32 s10, $0x1;
	s10 =	sld [smem:$0x3FBA];
	_ =	sdelay $0x3  }
0x37: {  	[smem:$0x3FBA] =	sst s10  }
0x38: {  	s10 =	sld [smem:$0x3FBB]  }
0x39: {  	_ = 	snop;
	(pc) =	sbr.ind lr, $3  }
0x3a: {  	_ = 	snop  }
0x3b: {  	_ = 	snop  }
0x3c: {  	p2 =	seq.s32 s10, $0x1;
	s10 =	sld [smem:$0x3FBA]  }
0x3d: {  	_ =	shalt  }
0x3e: {  	_ =	shalt  }
0x3f: {  	_ =	shalt  }
0x40: {  	_ =	shalt  }
0x41: {  	_ =	shalt  }
0x42: {  	_ =	shalt  }
0x43: {  	_ =	shalt  }
0x44: {  	_ =	shalt  }
0x45: {  	_ =	shalt  }
0x46: {  	_ =	shalt  }
0x47: {  	_ =	shalt  }
0x48: {  	_ =	shalt  }
0x49: {  	_ =	shalt  }
0x4a: {  	_ =	shalt  }
0x4b: {  	_ =	shalt  }
0x4c: {  	_ =	shalt  }
0x4d: {  	_ =	shalt  }
0x4e: {  	_ =	shalt  }
0x4f: {  	_ =	shalt  }
0x50: {  	_ =	shalt  }
0x51: {  	_ =	shalt  }
0x52: {  	_ =	shalt  }
0x53: {  	_ =	shalt  }
0x54: {  	_ =	shalt  }
0x55: {  	_ =	shalt  }
0x56: {  	_ =	shalt  }
0x57: {  	_ =	shalt  }
0x58: {  	_ =	shalt  }
0x59: {  	_ =	shalt  }
0x5a: {  	_ =	shalt  }
0x5b: {  	_ =	shalt  }
0x5c: {  	_ =	shalt  }
0x5d: {  	_ =	shalt  }
0x5e: {  	_ =	shalt  }
0x5f: {  	_ =	shalt  }
0x60: {  	_ =	shalt  }
0x61: {  	_ =	shalt  }
0x62: {  	_ =	shalt  }
0x63: {  	_ =	shalt  }
0x64: {  	_ =	shalt  }
0x65: {  	_ =	shalt  }
0x66: {  	_ =	shalt  }
0x67: {  	_ =	shalt  }
0x68: {  	_ =	shalt  }
0x69: {  	_ =	shalt  }
0x6a: {  	_ =	shalt  }
0x6b: {  	_ =	shalt  }
0x6c: {  	_ =	shalt  }
0x6d: {  	_ =	shalt  }
0x6e: {  	_ =	shalt  }
0x6f: {  	_ =	shalt  }
0x70: {  	_ =	shalt  }
0x71: {  	_ =	shalt  }
0x72: {  	_ =	shalt  }
0x73: {  	_ =	shalt  }
0x74: {  	_ =	shalt  }
0x75: {  	_ =	shalt  }
0x76: {  	_ =	shalt  }
0x77: {  	_ =	shalt  }
0x78: {  	_ =	shalt  }
0x79: {  	_ =	shalt  }
0x7a: {  	_ =	shalt  }
0x7b: {  	_ =	shalt  }
0x7c: {  	_ =	shalt  }
0x7d: {  	_ =	shalt  }
0x7e: {  	_ =	shalt  }
0x7f: {  	_ =	shalt  }
0x80: {  	_ =	shalt  }
0x81: {  	_ =	shalt  }
0x82: {  	_ =	shalt  }
0x83: {  	_ =	shalt  }
0x84: {  	_ =	shalt  }
0x85: {  	_ =	shalt  }
0x86: {  	_ =	shalt  }
0x87: {  	_ =	shalt  }
.Lfunc_end0:
.L_simem_size_0:
called_computation_lowered:
.L_overlay_start_0:
0x88: {  	s2 =	sld [smem:$0x3FD9]  }
0x89: {  	s3 =	sld [smem:$0x3FFE];
	_ =	sdelay $0x1  }
0x8a: {  	s1 =	srdreg.scid  }
0x8b: {  	s0 =	sand.u32 $0x1, s1  }
0x8c: {  	s16 =	sshll.u32 s0, $0xA;
	s2 =	sadd.s32 s3, s2  }
0x8d: {  	s2 =	sadd.s32 s2, s16  }
0x8e: {  	[smem:$0x3FC6] =	sst s2  }
0x8f: {  	_ = 	snop  }
0x90: {  	(tm) =	ssettm $0x1  }
0x91: {  	s17 =	sld [smem:$0x3FFB];
	_ =	sdelay $0x3  }
0x92: {  	_ =	strace s17  }
0x93: {  	s2 =	sld [smem:$0x3FFC];
	_ =	sdelay $0x3  }
0x94: {  	_ =	strace s2  }
0x95: {  	s2 =	sld [smem:$0x3FFD];
	_ =	sdelay $0x3  }
0x96: {  	_ =	strace s2  }
0x97: {  	_ =	strace $0x8FFFFFFF  }
0x98: {  	s18 =	sld [smem:$0x3FDB];
	_ =	sdelay $0x1  }
0x99: {  	s19 =	simm.s32 $_scs_section_size  }
0x9a: {  	s4 =	simm.s32 $_size__tile_overlayer_lowered;
	s5 =	simm.s32 $_tile_overlayer_lowered  }
0x9b: {  	s22 =	simm.s32 $0x1BFF;
	s21 =	sshll.u32 s5, $0x1;
	s2 =	sadd.s32 s19, s18  }
0x9c: {  	s6 =	simm.s32 $0x0;
	s20 =	sshll.u32 s4, $0x1;
	s4 =	sadd.s32 s21, s2  }
0x9d: {  	[timem:s6], [sflag:s22] =	dma.local [hbm:s4], s20  }
0x9e: {  	_ =	swait.ge [sflag:s22], s20  }
0x9f: {  	s3 =	ssub.s32 $0x0, s20;
	[sflag:s22] =	ssyncset.done $0x0  }
0xa0: {  	[sflag:s22] =	ssyncadd.s32 s3;
	_ =	sdelay $0x1  }
0xa1: {  	s23 =	simm.s32 $0x1B8B  }
0xa2: {  	_ =	swait.ge [sflag:s23], $0x1  }
0xa3: {  	[sflag:s23] =	ssyncset.done $0x0  }
0xa4: {  	s25 =	simm.s32 $0x1B8E;
	s24 =	sld [smem:$0x3FFE];
	[sflag:s23] =	ssyncadd.s32 $0xFFFFFFFF  }
0xa5: {  	s26 =	simm.s32 $execute0_lowered;
	[smem:$0x3FD2] =	sst s25  }
0xa6: {  	s4 =	sshll.u32 s26, $0x1;
	_ =	strace $0x80000046;
	[dreg:$0x1] =	wrdreg $0xFFFFFFFF  }
0xa7: {  	s28 =	simm.s32 $_size_execute0_lowered;
	s2 =	sadd.s32 s2, s4;
	[dreg:$0x0] =	wrdreg $0x0  }
0xa8: {  	s4 =	sshll.u32 s28, $0x1;
	[dreg:$0x2] =	wrdreg s2  }
0xa9: {  	[dreg:$0x3] =	wrdreg s4  }
0xaa: {  	[dreg:$0x4] =	wrdreg $0xC0  }
0xab: {  	_ =	task [dreg:s6], $0x5FFFF  }
0xac: {  	[dreg:$0x1] =	wrdreg $0xFFFFFFFF  }
0xad: {  	[dreg:$0x0] =	wrdreg $0x60  }
0xae: {  	[dreg:$0x2] =	wrdreg s24  }
0xaf: {  	[dreg:$0x3] =	wrdreg $0x9  }
0xb0: {  	_ =	task.clear_ibuf [dreg:s6], $0x4FFFF;
	_ =	strace $0x90000046  }
0xb1: {  	s29 =	simm.s32 $0x9;
	_ =	strace $0x80000048  }
0xb2: {  	_ =	swait.ge [sflag:s29], $0x1  }
0xb3: {  	[sflag:s29] =	ssyncadd.s32 $0xFFFFFFFF  }
0xb4: {  	_ =	strace $0x90000048  }
0xb5: {  	_ =	sfence  }
0xb6: {  	s30 =	sld [smem:$0x0];
	_ =	sdelay $0x2  }
0xb7: {  	s31 =	sshll.u32 s1, $0xD;
	s1 =	sshrl.u32 s1, $0x2  }
0xb8: {  	s3 =	sand.u32 $0x4000, s31;
	s1 =	sadd.s32 s1, s30  }
0xb9: {  	s0 =	sor.u32 s3, s0;
	s1 =	sshll.u32 s1, $0x11  }
0xba: {  	s0 =	sor.u32 s1, s0  }
0xbb: {  	s0 =	sadd.s32 $0x8F2B, s0  }
0xbc: {  	[sflag:s0] =	ssyncadd.remote.s32 $0x1  }
0xbd: {  	_ =	sfence.sel $0xFFFF  }
0xbe: {  	[dreg:$0x0] =	wrdreg $0xFFFFFFFF;
	(pc) =	sbr.abs _section_cstart, $3  }
0xbf: {  	[dreg:$0x1] =	wrdreg $0xFFFFFFFF  }
0xc0: {  	_ =	task.clear_ibuf [dreg:s6], $0x2FFFF;
	_ =	strace $0x9FFFFFFF  }
0xc1: {  	(tm) =	ssettm $0x7FFFFFFF  }
tec
execute0_lowered:
.L_overlay_start_1:
0x0: {  	(tag) =	ssettag $0x1  }
0x1: {  	s1 =	srdreg.scid  }
0x2: {  	s0 =	stileid.u32;
	s3 =	simm.s32 $0x1;
	s4 =	sand.u32 $0x1, s1  }
0x3: {  	s5 =	rddreg [dreg:$0x0];
	s2 =	simm.s32 $0x0;
	s1 =	sor.u32 s4, s0  }
0x4: {  	s17 =	simm.s32 $0x2;
	p1 =	seq.s32 s4, $0x1;
	p0 =	seq.s32 s1, $0x0  }
0x5: {  	s18 =	simm.s32 $0x14400;
	s19 =	simm.s32 $0x3;
	p0 =	por !p0, !p1  }
0x6: {  	s20 =	simm.s32 $0x0;
	[smem:$0x7FF] =	sst s2;
	p0 =	por !p0, !p0  }
0x7: {  	s13 =	sadd.s32 $0x800, s5;
	s8 =	smul.u32 $0x61800, s4;
	s3 =	simm.s32 @!p0 $0x0  }
0x8: {  	s9 =	sshll.u32 s4, $0xE;
	s4 =	ssub.s32 $0x2, s4;
	s6 =	ssub.s32 s0, s3  }
0x9: {  	s1 =	rddreg [dreg:$0x1];
	s31 =	sshrl.u32 s4, $0x1;
	s7 =	smul.u32 $0xC3800, s6  }
0xa: {  	_ =	strace $0x80000047;
	s15 =	ssub.s32 s4, s31;
	s6 =	sshll.u32 s6, $0xA  }
0xb: {  	s15 =	smax.u32 s15, $0x1;
	s6 =	sadd.s32 s9, s6;
	s10 =	sadd.s32 s8, s7  }
0xc: {  	s3 =	simm.s32 $0x1;
	s6 =	sshrl.u32 s6, $0x3;
	s8 =	sshrl.u32 s10, $0x3  }
0xd: {  	s14 =	sadd.s32 s6, s5;
	s12 =	sadd.s32 $0x57C00, s10;
	s4 =	sadd.s32 s13, s8  }
0xe: {  	s16 =	sshrl.u32 s12, $0x3;
	s14 =	sadd.s32 $0x187800, s14;
	s5 =	sadd.s32 $0x1380, s4  }
0xf: {  	s6 =	sadd.s32 $0x2700, s4;
	s7 =	sadd.s32 $0x3A80, s4;
	s8 =	sadd.s32 $0x4E00, s4  }
0x10: {  	v0 =	vimm.f32 $-1.000000020e+30;
	v1 =	vimm.f32 $0.0e+00;
	s9 =	sadd.s32 $0x6180, s4;
	s10 =	sadd.s32 $0x7500, s4;
	s11 =	sadd.s32 $0x8880, s4  }
0x11: {  	vm0 =	vcmask $0xB08;
	vm1 =	vcmask $0x3F08;
	vm2 =	vcmask $0x3F04;
	s12 =	sadd.s32 $0x9C00, s4;
	s13 =	sadd.s32 s13, s16;
	s16 =	simm.s32 $0x9C00  }
.LBB2_1:
0x12: {  	[tilespmem:$0x13800] =	vst v0  }
0x13: {  	[tilespmem:$0x13C00] =	vst v0  }
0x14: {  	[tilespmem:$0x14000] =	vst v1  }
0x15: {  	[tilespmem:$0x13880] =	vst v0  }
0x16: {  	[tilespmem:$0x13C80] =	vst v0  }
0x17: {  	[tilespmem:$0x14080] =	vst v1  }
0x18: {  	[tilespmem:$0x13900] =	vst v0  }
0x19: {  	[tilespmem:$0x13D00] =	vst v0  }
0x1a: {  	[tilespmem:$0x14100] =	vst v1  }
0x1b: {  	[tilespmem:$0x13980] =	vst v0  }
0x1c: {  	[tilespmem:$0x13D80] =	vst v0  }
0x1d: {  	[tilespmem:$0x14180] =	vst v1  }
0x1e: {  	[tilespmem:$0x13A00] =	vst v0  }
0x1f: {  	[tilespmem:$0x13E00] =	vst v0  }
0x20: {  	[tilespmem:$0x14200] =	vst v1  }
0x21: {  	[tilespmem:$0x13A80] =	vst v0  }
0x22: {  	[tilespmem:$0x13E80] =	vst v0  }
0x23: {  	[tilespmem:$0x14280] =	vst v1  }
0x24: {  	[tilespmem:$0x13B00] =	vst v0  }
0x25: {  	[tilespmem:$0x13F00] =	vst v0  }
0x26: {  	[tilespmem:$0x14300] =	vst v1  }
0x27: {  	[tilespmem:$0x13B80] =	vst v0  }
0x28: {  	[tilespmem:$0x13F80] =	vst v0  }
0x29: {  	[tilespmem:$0x14380] =	vst v1  }
0x2a: {  	[tilespmem:s2], [sflag:$0x1] =	stream.linear.gather [hbm4b:s4+s2], $0x9C00, $0x38;
	[tilespmem:$0x14800] =	vst v63  }
0x2b: {  	_ =	swait.ge [sflag:s3], $0x9C00  }
0x2c: {  	[sflag:s3] =	ssyncset.done $0x0  }
0x2d: {  	s21 =	simm.s32 $0x40;
	s22 =	simm.s32 $0x0;
	[sflag:s3] =	ssyncadd.s32 $0xFFFF6400  }
0x2e: {  	[tilespmem:s16], [sflag:$0x2] =	stream.linear.gather [hbm4b:s5+s2], $0x9C00, $0x38;
	[tilespmem:$0x14800] =	vst v63  }
.LBB2_2:
0x2f: {  	v2 =	vmov s21;
	_ =	sdelay $0x3  }
0x30: {  	s25 =	simm.s32 $0x0  }
0x31: {  	v5 =	vld.idx.msk [tilespmem:v2+s25+$0x20 ss:$0x1], $0xffff  }
0x32: {  	v3 =	vld.idx.msk [tilespmem:v2+s25+$0x30 ss:$0x1], $0xffff  }
0x33: {  	v16 =	vld.idx.msk [tilespmem:v2+s25+$0xFFFFFFF0 ss:$0x1], $0xffff  }
0x34: {  	v15 =	vld.idx.msk [tilespmem:v2+s25+$0xFFFFFFE0 ss:$0x1], $0xffff  }
0x35: {  	v12 =	vld.idx.msk [tilespmem:v2+s25+$0xFFFFFFC0 ss:$0x1], $0xffff  }
0x36: {  	v14 =	vimm.f32 $-1.000000020e+30;
	v11 =	vimm.f32 $-1.000000020e+30;
	v8 =	vld.idx.msk [tilespmem:v2+s25+$0xFFFFFFD0 ss:$0x1], $0xffff  }
0x37: {  	v18 =	vimm.f32 $-1.000000020e+30;
	v17 =	vimm.f32 $-1.000000020e+30;
	v10 =	vimm.f32 $-1.000000020e+30;
	v7 =	vld.idx.msk [tilespmem:v2+s25+$0x10 ss:$0x1], $0xffff  }
0x38: {  	s24 =	simm.s32 $0x1000;
	s23 =	simm.s32 $0x2000;
	v9 =	vimm.f32 $-1.000000020e+30;
	v13 =	vimm.f32 $-1.000000020e+30;
	v6 =	vimm.f32 $-1.000000020e+30;
	v4 =	vld.idx.msk [tilespmem:v2+s25+$0x0 ss:$0x1], $0xffff  }
.LBB2_3:
0x39: {  	p0 =	sne.s32 s23, $0x26000  }
0x3a: {  	s25 =	sshra.s32 s24, $0x2;
	v19 =	vmin.f32 v14, v16;
	v20 =	vmax.f32 v14, v16;
	s24 =	smov.u32 s23;
	s23 =	sadd.s32 $0x1000, s23  }
0x3b: {  	v22 =	vmin.f32 v11, v15;
	v23 =	vmax.f32 v11, v15;
	v21 =	vld.idx.msk [tilespmem:v2+s25+$0x20 ss:$0x1], $0xffff;
	v14 =	vmax.f32 v20, v3  }
0x3c: {  	v15 =	vmin.f32 v18, v12;
	v18 =	vmax.f32 v18, v12;
	v11 =	vmax.f32 v23, v5;
	v24 =	vld.idx.msk [tilespmem:v2+s25+$0x30 ss:$0x1], $0xffff  }
0x3d: {  	v17 =	vmax.f32 v17, v15;
	v12 =	vmin.f32 v10, v8;
	v8 =	vmax.f32 v10, v8;
	v16 =	vld.idx.msk [tilespmem:v2+s25+$0xFFFFFFF0 ss:$0x1], $0xffff  }
.Ltmp0:
0x3e: {  	v13 =	vmax.f32 v13, v22;
	v9 =	vmax.f32 v9, v12;
	v10 =	vmin.f32 v8, v7;
	v15 =	vld.idx.msk [tilespmem:v2+s25+$0xFFFFFFE0 ss:$0x1], $0xffff;
	(pc) =	sbr.rel @p0 .LBB2_3-.Ltmp0, $4  }
0x3f: {  	v5 =	vmin.f32 v23, v5;
	v9 =	vmax.f32 v9, v10;
	v10 =	vmax.f32 v8, v7;
	v12 =	vld.idx.msk [tilespmem:v2+s25+$0xFFFFFFC0 ss:$0x1], $0xffff  }
0x40: {  	v20 =	vmin.f32 v20, v3;
	v13 =	vmax.f32 v13, v5;
	v22 =	vmin.f32 v18, v4;
	v8 =	vld.idx.msk [tilespmem:v2+s25+$0xFFFFFFD0 ss:$0x1], $0xffff  }
0x41: {  	v19 =	vmax.f32 v6, v19;
	v18 =	vmax.f32 v18, v4;
	v17 =	vmax.f32 v17, v22;
	v7 =	vld.idx.msk [tilespmem:v2+s25+$0x10 ss:$0x1], $0xffff  }
0x42: {  	v6 =	vmax.f32 v19, v20;
	v5 =	vmov v21;
	v3 =	vmov v24;
	v4 =	vld.idx.msk [tilespmem:v2+s25+$0x0 ss:$0x1], $0xffff  }
0x43: {  	_ =	sdelay $0x2  }
0x44: {  	s23 =	sshra.s32 s24, $0x2;
	v19 =	vmin.f32 v14, v16;
	v14 =	vmax.f32 v14, v16  }
0x45: {  	v20 =	vmin.f32 v11, v15;
	v11 =	vmax.f32 v11, v15;
	v16 =	vld.idx.msk [tilespmem:v2+s23+$0x20 ss:$0x1], $0xffff;
	v15 =	vmax.f32 v14, v3  }
0x46: {  	v21 =	vld.idx.msk [tilespmem:v2+s23+$0x30 ss:$0x1], $0xffff;
	v22 =	vmin.f32 v18, v12;
	v12 =	vmax.f32 v18, v12;
	v18 =	vmax.f32 v11, v5  }
0x47: {  	v23 =	vld.idx.msk [tilespmem:v2+s23+$0xFFFFFFF0 ss:$0x1], $0xffff;
	v13 =	vmax.f32 v13, v20;
	v5 =	vmin.f32 v11, v5;
	v3 =	vmin.f32 v14, v3  }
0x48: {  	v17 =	vmax.f32 v17, v22;
	v22 =	vmin.f32 v10, v8;
	v8 =	vmax.f32 v10, v8;
	v10 =	vld.idx.msk [tilespmem:v2+s23+$0xFFFFFFE0 ss:$0x1], $0xffff  }
0x49: {  	v6 =	vmax.f32 v6, v19;
	v5 =	vmax.f32 v13, v5;
	v9 =	vmax.f32 v9, v22;
	v22 =	vld.idx.msk [tilespmem:v2+s23+$0xFFFFFFC0 ss:$0x1], $0xffff  }
0x4a: {  	v6 =	vmax.f32 v6, v3;
	v20 =	vmin.f32 v8, v7;
	v7 =	vmax.f32 v8, v7;
	v8 =	vld.idx.msk [tilespmem:v2+s23+$0xFFFFFFD0 ss:$0x1], $0xffff  }
0x4b: {  	v13 =	vld.idx.msk [tilespmem:v2+s23+$0x10 ss:$0x1], $0xffff;
	v9 =	vmax.f32 v9, v20;
	v11 =	vmin.f32 v12, v4;
	v4 =	vmax.f32 v12, v4  }
0x4c: {  	v11 =	vmax.f32 v17, v11;
	v12 =	vmin.f32 v15, v23;
	v3 =	vmax.f32 v15, v23  }
0x4d: {  	v14 =	vld.idx.msk [tilespmem:v2+s23+$0x0 ss:$0x1], $0xffff;
	v15 =	vmin.f32 v18, v10;
	v10 =	vmax.f32 v18, v10;
	v17 =	vmax.f32 v3, v21  }
0x4e: {  	v18 =	vmin.f32 v4, v22;
	v4 =	vmax.f32 v4, v22;
	v19 =	vmax.f32 v10, v16  }
0x4f: {  	v11 =	vmax.f32 v11, v18;
	v18 =	vmin.f32 v7, v8;
	v7 =	vmax.f32 v7, v8  }
0x50: {  	v5 =	vmax.f32 v5, v15;
	v8 =	vmax.f32 v9, v18;
	v9 =	vmin.f32 v7, v13  }
0x51: {  	v7 =	vmax.f32 v7, v13;
	v8 =	vmax.f32 v8, v9;
	v9 =	vmin.f32 v10, v16  }
0x52: {  	v10 =	vmin.f32 v4, v14;
	v4 =	vmax.f32 v4, v14;
	v5 =	vmax.f32 v5, v9  }
0x53: {  	s23 =	sshll.u32 s22, $0x7;
	v9 =	vmin.f32 v3, v21;
	v3 =	vmax.f32 v11, v10;
	vm3 =	vge.f32 v4, v7  }
0x54: {  	v10 =	vmax.f32 v4, v7;
	v4 =	vmin.f32 v4, v7;
	v7 =	vsel vm3, v3, v8;
	v3 =	vld [tilespmem:s23+$0x13800]  }
0x55: {  	v6 =	vmax.f32 v6, v12;
	vm3 =	vge.f32 v10, v19;
	v4 =	vmax.f32 v4, v7;
	v7 =	vld [tilespmem:s23+$0x13C00]  }
0x56: {  	v8 =	vmax.f32 v10, v19;
	v10 =	vmin.f32 v10, v19;
	v4 =	vsel vm3, v4, v5  }
0x57: {  	v5 =	vmax.f32 v6, v9;
	vm3 =	vge.f32 v8, v17;
	v4 =	vmax.f32 v10, v4  }
0x58: {  	v6 =	vmax.f32 v8, v17;
	v8 =	vmin.f32 v8, v17;
	v4 =	vsel vm3, v4, v5  }
0x59: {  	v5 =	vmax.f32 v8, v4;
	vm3 =	vge.f32 v3, v6  }
0x5a: {  	v4 =	vmax.f32 v3, v6;
	v6 =	vmin.f32 v3, v6;
	v5 =	vsel vm3, v7, v5  }
0x5b: {  	[tilespmem:s23+$0x13800] =	vst v4;
	v5 =	vmax.f32 v6, v5  }
0x5c: {  	s29 =	simm.s32 $0x0;
	[tilespmem:s23+$0x13C00] =	vst v5  }
0x5d: {  	v5 =	vld.idx.msk [tilespmem:v2+s29+$0x0 ss:$0x1], $0xffff  }
0x5e: {  	v6 =	vld.idx.msk [tilespmem:v2+s29+$0x10 ss:$0x1], $0xffff  }
0x5f: {  	v7 =	vld.idx.msk [tilespmem:v2+s29+$0xFFFFFFC0 ss:$0x1], $0xffff  }
0x60: {  	v8 =	vld.idx.msk [tilespmem:v2+s29+$0xFFFFFFD0 ss:$0x1], $0xffff  }
0x61: {  	v9 =	vld.idx.msk [tilespmem:v2+s29+$0xFFFFFFE0 ss:$0x1], $0xffff  }
0x62: {  	v10 =	vld.idx.msk [tilespmem:v2+s29+$0xFFFFFFF0 ss:$0x1], $0xffff  }
0x63: {  	v11 =	vld.idx.msk [tilespmem:v2+s29+$0x20 ss:$0x1], $0xffff;
	v5 =	vsub.f32 v5, v4  }
0x64: {  	v12 =	vld.idx.msk [tilespmem:v2+s29+$0x30 ss:$0x1], $0xffff;
	v6 =	vsub.f32 v6, v4;
	v7 =	vsub.f32 v7, v4  }
0x65: {  	s30 =	simm.s32 $0x400;
	v8 =	vsub.f32 v8, v4;
	v5 =	vmul.f32 $1.442695020e+00, v5  }
0x66: {  	v13 =	vld.idx.msk [tilespmem:v2+s30+$0x0 ss:$0x1], $0xffff;
	v9 =	vsub.f32 v9, v4;
	v6 =	vmul.f32 $1.442695020e+00, v6;
	v7 =	vmul.f32 $1.442695020e+00, v7  }
0x67: {  	v14 =	vld.idx.msk [tilespmem:v2+s30+$0x10 ss:$0x1], $0xffff;
	v8 =	vmul.f32 $1.442695020e+00, v8;
	(erf) = vpow2.f32 v5  }
0x68: {  	v10 =	vsub.f32 v10, v4;
	v9 =	vmul.f32 $1.442695020e+00, v9;
	v5 =	vld.idx.msk [tilespmem:v2+s30+$0x20 ss:$0x1], $0xffff;
	(erf) = vpow2.f32 v6  }
0x69: {  	v6 =	vsub.f32 v11, v4;
	(erf) = vpow2.f32 v7;
	v7 =	vsub.f32 v12, v4;
	v12 =	vld.idx.msk [tilespmem:v2+s30+$0xFFFFFFC0 ss:$0x1], $0xffff  }
0x6a: {  	v15 =	vld.idx.msk [tilespmem:v2+s30+$0xFFFFFFE0 ss:$0x1], $0xffff;
	v10 =	vmul.f32 $1.442695020e+00, v10;
	(erf) = vpow2.f32 v8  }
0x6b: {  	v6 =	vmul.f32 $1.442695020e+00, v6;
	v8 =	vld.idx.msk [tilespmem:v2+s30+$0xFFFFFFD0 ss:$0x1], $0xffff;
	(erf) = vpow2.f32 v9  }
0x6c: {  	v11 =	vld.idx.msk [tilespmem:v2+s30+$0x30 ss:$0x1], $0xffff;
	v7 =	vmul.f32 $1.442695020e+00, v7;
	v9 =	vsub.f32 v13, v4;
	(erf) = vpow2.f32 v10  }
0x6d: {  	v10 =	vld.idx.msk [tilespmem:v2+s30+$0xFFFFFFF0 ss:$0x1], $0xffff;
	v13 =	vsub.f32 v5, v4;
	(erf) = vpow2.f32 v6;
	v6 =	vsub.f32 v14, v4  }
0x6e: {  	s31 =	simm.s32 $0x800;
	v14 =	vmul.f32 $1.442695020e+00, v9;
	(erf) = vpow2.f32 v7;
	v12 =	vsub.f32 v12, v4  }
0x6f: {  	v15 =	vsub.f32 v15, v4;
	v7 =	vld.idx.msk [tilespmem:v2+s31+$0x0 ss:$0x1], $0xffff;
	v6 =	vmul.f32 $1.442695020e+00, v6  }
0x70: {  	v19 =	vld.idx.msk [tilespmem:v2+s31+$0xFFFFFFE0 ss:$0x1], $0xffff;
	v9 =	vmul.f32 $1.442695020e+00, v13;
	v17 =	vsub.f32 v8, v4;
	v21 =	vpop (erf);
	v13 =	vmul.f32 $1.442695020e+00, v12  }
0x71: {  	v23 =	vmul.f32 $1.442695020e+00, v15;
	v15 =	vld.idx.msk [tilespmem:v2+s31+$0xFFFFFFC0 ss:$0x1], $0xffff;
	v16 =	vsub.f32 v11, v4;
	v22 =	vpop (erf)  }
0x72: {  	v5 =	vld [tilespmem:s23+$0x14000];
	(erf) = vpow2.f32 v14;
	v17 =	vmul.f32 $1.442695020e+00, v17;
	v18 =	vsub.f32 v10, v4;
	v14 =	vpop (erf)  }
0x73: {  	v20 =	vimm.f32 $0.0e+00;
	v11 =	vld.idx.msk [tilespmem:v2+s31+$0x10 ss:$0x1], $0xffff;
	v12 =	vmul.f32 $1.442695020e+00, v16;
	(erf) = vpow2.f32 v6;
	v6 =	vpop (erf)  }
0x74: {  	v8 =	vld.idx.msk [tilespmem:v2+s31+$0x20 ss:$0x1], $0xffff;
	v16 =	vsub.f32 v7, v4;
	v7 =	vmul.f32 $1.442695020e+00, v18;
	(erf) = vpow2.f32 v13;
	v13 =	vpop (erf)  }
0x75: {  	v10 =	vld.idx.msk [tilespmem:v2+s31+$0x30 ss:$0x1], $0xffff;
	v24 =	vadd.f32 v14, v20;
	(erf) = vpow2.f32 v17;
	v25 =	vadd.f32 v6, v20;
	v6 =	vpop (erf)  }
0x76: {  	v18 =	vld.idx.msk [tilespmem:v2+s31+$0xFFFFFFD0 ss:$0x1], $0xffff;
	(erf) = vpow2.f32 v23;
	v13 =	vadd.f32 v13, v20;
	v14 =	vadd.f32 v6, v20;
	v17 =	vpop (erf)  }
0x77: {  	s24 =	simm.s32 $0x3000;
	v20 =	vld.idx.msk [tilespmem:v2+s31+$0xFFFFFFF0 ss:$0x1], $0xffff;
	(erf) = vpow2.f32 v7;
	v6 =	vadd.f32 v21, v24;
	v7 =	vadd.f32 v22, v25;
	v21 =	vpop (erf)  }
.LBB2_5:
0x78: {  	s25 =	sshra.s32 s24, $0x2;
	p0 =	sne.s32 s24, $0x26000;
	(erf) = vpow2.f32 v9;
	v13 =	vadd.f32 v17, v13;
	v14 =	vadd.f32 v21, v14  }
0x79: {  	v9 =	vsub.f32 v11, v4;
	v8 =	vsub.f32 v8, v4;
	v17 =	vld.idx.msk [tilespmem:v2+s25+$0x0 ss:$0x1], $0xffff;
	(erf) = vpow2.f32 v12  }
0x7a: {  	v10 =	vsub.f32 v10, v4;
	v12 =	vsub.f32 v15, v4;
	v15 =	vmul.f32 $1.442695020e+00, v16  }
0x7b: {  	v16 =	vsub.f32 v18, v4;
	v18 =	vmul.f32 $1.442695020e+00, v9;
	v9 =	vmul.f32 $1.442695020e+00, v8;
	v21 =	vpop (erf)  }
0x7c: {  	v22 =	vmul.f32 $1.442695020e+00, v12;
	v27 =	vsub.f32 v19, v4;
	v12 =	vmul.f32 $1.442695020e+00, v10;
	v11 =	vld.idx.msk [tilespmem:v2+s25+$0x10 ss:$0x1], $0xffff;
	v23 =	vpop (erf)  }
0x7d: {  	v24 =	vmul.f32 $1.442695020e+00, v16;
	v28 =	vsub.f32 v20, v4;
	v8 =	vld.idx.msk [tilespmem:v2+s25+$0x20 ss:$0x1], $0xffff;
	(erf) = vpow2.f32 v15;
	v25 =	vpop (erf)  }
.Ltmp1:
0x7e: {  	v26 =	vmul.f32 $1.442695020e+00, v27;
	v10 =	vld.idx.msk [tilespmem:v2+s25+$0x30 ss:$0x1], $0xffff;
	(erf) = vpow2.f32 v18;
	v19 =	vpop (erf);
	(pc) =	sbr.rel @p0 .LBB2_5-.Ltmp1, $4  }
0x7f: {  	v16 =	vsub.f32 v17, v4;
	v27 =	vmul.f32 $1.442695020e+00, v28;
	v15 =	vld.idx.msk [tilespmem:v2+s25+$0xFFFFFFC0 ss:$0x1], $0xffff;
	(erf) = vpow2.f32 v22;
	v17 =	vpop (erf)  }
0x80: {  	v6 =	vadd.f32 v25, v6;
	v7 =	vadd.f32 v19, v7;
	v18 =	vld.idx.msk [tilespmem:v2+s25+$0xFFFFFFD0 ss:$0x1], $0xffff;
	(erf) = vpow2.f32 v24;
	v20 =	vpop (erf)  }
0x81: {  	v13 =	vadd.f32 v17, v13;
	v19 =	vld.idx.msk [tilespmem:v2+s25+$0xFFFFFFE0 ss:$0x1], $0xffff;
	(erf) = vpow2.f32 v26;
	v14 =	vadd.f32 v20, v14;
	v17 =	vpop (erf)  }
0x82: {  	s24 =	sadd.s32 $0x1000, s24;
	v6 =	vadd.f32 v21, v6;
	v7 =	vadd.f32 v23, v7;
	v20 =	vld.idx.msk [tilespmem:v2+s25+$0xFFFFFFF0 ss:$0x1], $0xffff;
	(erf) = vpow2.f32 v27;
	v21 =	vpop (erf)  }
0x83: {  	v2 =	vsub.f32 v11, v4  }
0x84: {  	(erf) = vpow2.f32 v9;
	v41 =	vmul.f32 $1.442695020e+00, v16;
	v40 =	vsub.f32 v15, v4  }
0x85: {  	(erf) = vpow2.f32 v12;
	v42 =	vsub.f32 v18, v4;
	v2 =	vmul.f32 $1.442695020e+00, v2  }
0x86: {  	(erf) = vpow2.f32 v41;
	v9 =	vmul.f32 $1.442695020e+00, v40;
	v43 =	vsub.f32 v19, v4  }
0x87: {  	v44 =	vpop (erf);
	v12 =	vmul.f32 $1.442695020e+00, v42;
	v45 =	vsub.f32 v20, v4;
	(erf) = vpow2.f32 v2  }
0x88: {  	v2 =	vsub.f32 v8, v4;
	v46 =	vpop (erf);
	v15 =	vmul.f32 $1.442695020e+00, v43;
	(erf) = vpow2.f32 v9  }
0x89: {  	v47 =	vsub.f32 v10, v4;
	v48 =	vpop (erf);
	v16 =	vmul.f32 $1.442695020e+00, v45;
	(erf) = vpow2.f32 v12  }
0x8a: {  	v3 =	vsub.f32 v3, v4;
	v2 =	vmul.f32 $1.442695020e+00, v2;
	v49 =	vpop (erf);
	(erf) = vpow2.f32 v15  }
0x8b: {  	v50 =	vmul.f32 $1.442695020e+00, v47;
	v51 =	vpop (erf);
	(erf) = vpow2.f32 v16  }
0x8c: {  	v52 =	vpop (erf);
	(erf) = vpow2.f32 v2;
	v2 =	vmul.f32 $1.442695020e+00, v3;
	_ =	sdelay $0x1  }
0x8d: {  	v3 =	vpop (erf);
	(erf) = vpow2.f32 v50  }
0x8e: {  	v53 =	vpop (erf);
	(erf) = vpow2.f32 v2  }
0x8f: {  	v13 =	vadd.f32 v17, v13;
	v6 =	vadd.f32 v48, v6;
	v2 =	vpop (erf)  }
0x90: {  	v14 =	vadd.f32 v21, v14;
	v7 =	vadd.f32 v49, v7;
	v54 =	vpop (erf)  }
0x91: {  	v9 =	vadd.f32 v51, v13;
	v6 =	vadd.f32 v44, v6;
	v56 =	vpop (erf)  }
0x92: {  	v55 =	vadd.f32 v52, v14;
	v7 =	vadd.f32 v46, v7;
	v57 =	vpop (erf)  }
0x93: {  	v3 =	vadd.f32 v3, v9;
	v6 =	vadd.f32 v56, v6;
	v58 =	vpop (erf)  }
0x94: {  	v4 =	vadd.f32 v53, v55;
	v7 =	vadd.f32 v57, v7;
	v59 =	vpop (erf)  }
0x95: {  	v3 =	vadd.f32 v58, v3;
	v2 =	vadd.f32 v2, v6;
	v60 =	vpop (erf)  }
0x96: {  	v4 =	vadd.f32 v59, v4;
	v61 =	vadd.f32 v54, v7;
	v62 =	vpop (erf)  }
0x97: {  	v3 =	vadd.f32 v60, v3;
	v63 =	vpop (erf)  }
0x98: {  	s22 =	sadd.s32 $0x1, s22;
	v4 =	vadd.f32 v62, v4;
	v2 =	vadd.f32 v61, v2;
	v5 =	vmul.f32 v63, v5  }
0x99: {  	p0 =	sne.s32 s22, $0x8  }
.Ltmp2:
0x9a: {  	v3 =	vadd.f32 v4, v3;
	v2 =	vadd.f32 v2, v5;
	(pc) =	sbr.rel @p0 .LBB2_2-.Ltmp2, $3  }
0x9b: {  	_ = 	snop  }
0x9c: {  	v2 =	vadd.f32 v3, v2;
	_ =	sdelay $0x1  }
0x9d: {  	s21 =	sadd.s32 $0x80, s21;
	[tilespmem:s23+$0x14000] =	vst v2  }
0x9e: {  	_ =	swait.ge [sflag:s17], $0x9C00  }
0x9f: {  	[sflag:s17] =	ssyncset.done $0x0  }
0xa0: {  	s21 =	simm.s32 $0x0;
	s22 =	simm.s32 $0x9C40;
	[sflag:s17] =	ssyncadd.s32 $0xFFFF6400  }
0xa1: {  	[tilespmem:s21], [sflag:$0x1] =	stream.linear.gather [hbm4b:s6+s21], $0x9C00, $0x38;
	[tilespmem:$0x14800] =	vst v63  }
.LBB2_8:
0xa2: {  	v2 =	vmov s22;
	_ =	sdelay $0x3  }
0xa3: {  	s25 =	simm.s32 $0x0  }
0xa4: {  	v5 =	vld.idx.msk [tilespmem:v2+s25+$0x20 ss:$0x1], $0xffff  }
0xa5: {  	v3 =	vld.idx.msk [tilespmem:v2+s25+$0x30 ss:$0x1], $0xffff  }
0xa6: {  	v16 =	vld.idx.msk [tilespmem:v2+s25+$0xFFFFFFF0 ss:$0x1], $0xffff  }
0xa7: {  	v15 =	vld.idx.msk [tilespmem:v2+s25+$0xFFFFFFE0 ss:$0x1], $0xffff  }
0xa8: {  	v12 =	vld.idx.msk [tilespmem:v2+s25+$0xFFFFFFC0 ss:$0x1], $0xffff  }
0xa9: {  	v14 =	vimm.f32 $-1.000000020e+30;
	v11 =	vimm.f32 $-1.000000020e+30;
	v8 =	vld.idx.msk [tilespmem:v2+s25+$0xFFFFFFD0 ss:$0x1], $0xffff  }
0xaa: {  	v18 =	vimm.f32 $-1.000000020e+30;
	v17 =	vimm.f32 $-1.000000020e+30;
	v10 =	vimm.f32 $-1.000000020e+30;
	v7 =	vld.idx.msk [tilespmem:v2+s25+$0x10 ss:$0x1], $0xffff  }
0xab: {  	s24 =	simm.s32 $0x1000;
	s23 =	simm.s32 $0x2000;
	v9 =	vimm.f32 $-1.000000020e+30;
	v13 =	vimm.f32 $-1.000000020e+30;
	v6 =	vimm.f32 $-1.000000020e+30;
	v4 =	vld.idx.msk [tilespmem:v2+s25+$0x0 ss:$0x1], $0xffff  }
.LBB2_9:
0xac: {  	p0 =	sne.s32 s23, $0x26000  }
0xad: {  	s25 =	sshra.s32 s24, $0x2;
	v19 =	vmin.f32 v14, v16;
	v20 =	vmax.f32 v14, v16;
	s24 =	smov.u32 s23;
	s23 =	sadd.s32 $0x1000, s23  }
0xae: {  	v22 =	vmin.f32 v11, v15;
	v23 =	vmax.f32 v11, v15;
	v21 =	vld.idx.msk [tilespmem:v2+s25+$0x20 ss:$0x1], $0xffff;
	v14 =	vmax.f32 v20, v3  }
0xaf: {  	v15 =	vmin.f32 v18, v12;
	v18 =	vmax.f32 v18, v12;
	v11 =	vmax.f32 v23, v5;
	v24 =	vld.idx.msk [tilespmem:v2+s25+$0x30 ss:$0x1], $0xffff  }
0xb0: {  	v17 =	vmax.f32 v17, v15;
	v12 =	vmin.f32 v10, v8;
	v8 =	vmax.f32 v10, v8;
	v16 =	vld.idx.msk [tilespmem:v2+s25+$0xFFFFFFF0 ss:$0x1], $0xffff  }
.Ltmp3:
0xb1: {  	v13 =	vmax.f32 v13, v22;
	v9 =	vmax.f32 v9, v12;
	v10 =	vmin.f32 v8, v7;
	v15 =	vld.idx.msk [tilespmem:v2+s25+$0xFFFFFFE0 ss:$0x1], $0xffff;
	(pc) =	sbr.rel @p0 .LBB2_9-.Ltmp3, $4  }
0xb2: {  	v5 =	vmin.f32 v23, v5;
	v9 =	vmax.f32 v9, v10;
	v10 =	vmax.f32 v8, v7;
	v12 =	vld.idx.msk [tilespmem:v2+s25+$0xFFFFFFC0 ss:$0x1], $0xffff  }
0xb3: {  	v20 =	vmin.f32 v20, v3;
	v13 =	vmax.f32 v13, v5;
	v22 =	vmin.f32 v18, v4;
	v8 =	vld.idx.msk [tilespmem:v2+s25+$0xFFFFFFD0 ss:$0x1], $0xffff  }
0xb4: {  	v19 =	vmax.f32 v6, v19;
	v18 =	vmax.f32 v18, v4;
	v17 =	vmax.f32 v17, v22;
	v7 =	vld.idx.msk [tilespmem:v2+s25+$0x10 ss:$0x1], $0xffff  }
0xb5: {  	v6 =	vmax.f32 v19, v20;
	v5 =	vmov v21;
	v3 =	vmov v24;
	v4 =	vld.idx.msk [tilespmem:v2+s25+$0x0 ss:$0x1], $0xffff  }
0xb6: {  	_ =	sdelay $0x2  }
0xb7: {  	s23 =	sshra.s32 s24, $0x2;
	v19 =	vmin.f32 v14, v16;
	v14 =	vmax.f32 v14, v16  }
0xb8: {  	v20 =	vmin.f32 v11, v15;
	v11 =	vmax.f32 v11, v15;
	v16 =	vld.idx.msk [tilespmem:v2+s23+$0x20 ss:$0x1], $0xffff;
	v15 =	vmax.f32 v14, v3  }
0xb9: {  	v21 =	vld.idx.msk [tilespmem:v2+s23+$0x30 ss:$0x1], $0xffff;
	v22 =	vmin.f32 v18, v12;
	v12 =	vmax.f32 v18, v12;
	v18 =	vmax.f32 v11, v5  }
0xba: {  	v23 =	vld.idx.msk [tilespmem:v2+s23+$0xFFFFFFF0 ss:$0x1], $0xffff;
	v13 =	vmax.f32 v13, v20;
	v5 =	vmin.f32 v11, v5;
	v3 =	vmin.f32 v14, v3  }
0xbb: {  	v17 =	vmax.f32 v17, v22;
	v22 =	vmin.f32 v10, v8;
	v8 =	vmax.f32 v10, v8;
	v10 =	vld.idx.msk [tilespmem:v2+s23+$0xFFFFFFE0 ss:$0x1], $0xffff  }
0xbc: {  	v6 =	vmax.f32 v6, v19;
	v5 =	vmax.f32 v13, v5;
	v9 =	vmax.f32 v9, v22;
	v22 =	vld.idx.msk [tilespmem:v2+s23+$0xFFFFFFC0 ss:$0x1], $0xffff  }
0xbd: {  	v6 =	vmax.f32 v6, v3;
	v20 =	vmin.f32 v8, v7;
	v7 =	vmax.f32 v8, v7;
	v8 =	vld.idx.msk [tilespmem:v2+s23+$0xFFFFFFD0 ss:$0x1], $0xffff  }
0xbe: {  	v13 =	vld.idx.msk [tilespmem:v2+s23+$0x10 ss:$0x1], $0xffff;
	v9 =	vmax.f32 v9, v20;
	v11 =	vmin.f32 v12, v4;
	v4 =	vmax.f32 v12, v4  }
0xbf: {  	v11 =	vmax.f32 v17, v11;
	v12 =	vmin.f32 v15, v23;
	v3 =	vmax.f32 v15, v23  }
0xc0: {  	v14 =	vld.idx.msk [tilespmem:v2+s23+$0x0 ss:$0x1], $0xffff;
	v15 =	vmin.f32 v18, v10;
	v10 =	vmax.f32 v18, v10;
	v17 =	vmax.f32 v3, v21  }
0xc1: {  	v18 =	vmin.f32 v4, v22;
	v4 =	vmax.f32 v4, v22;
	v19 =	vmax.f32 v10, v16  }
0xc2: {  	v11 =	vmax.f32 v11, v18;
	v18 =	vmin.f32 v7, v8;
	v7 =	vmax.f32 v7, v8  }
0xc3: {  	v5 =	vmax.f32 v5, v15;
	v8 =	vmax.f32 v9, v18;
	v9 =	vmin.f32 v7, v13  }
0xc4: {  	v7 =	vmax.f32 v7, v13;
	v8 =	vmax.f32 v8, v9;
	v9 =	vmin.f32 v10, v16  }
0xc5: {  	v10 =	vmin.f32 v4, v14;
	v4 =	vmax.f32 v4, v14;
	v5 =	vmax.f32 v5, v9  }
0xc6: {  	s23 =	sshll.u32 s21, $0x7;
	v9 =	vmin.f32 v3, v21;
	v3 =	vmax.f32 v11, v10;
	vm3 =	vge.f32 v4, v7  }
0xc7: {  	v10 =	vmax.f32 v4, v7;
	v4 =	vmin.f32 v4, v7;
	v7 =	vsel vm3, v3, v8;
	v3 =	vld [tilespmem:s23+$0x13800]  }
0xc8: {  	v6 =	vmax.f32 v6, v12;
	vm3 =	vge.f32 v10, v19;
	v4 =	vmax.f32 v4, v7;
	v7 =	vld [tilespmem:s23+$0x13C00]  }
0xc9: {  	v8 =	vmax.f32 v10, v19;
	v10 =	vmin.f32 v10, v19;
	v4 =	vsel vm3, v4, v5  }
0xca: {  	v5 =	vmax.f32 v6, v9;
	vm3 =	vge.f32 v8, v17;
	v4 =	vmax.f32 v10, v4  }
0xcb: {  	v6 =	vmax.f32 v8, v17;
	v8 =	vmin.f32 v8, v17;
	v4 =	vsel vm3, v4, v5  }
0xcc: {  	v5 =	vmax.f32 v8, v4;
	vm3 =	vge.f32 v3, v6  }
0xcd: {  	v4 =	vmax.f32 v3, v6;
	v6 =	vmin.f32 v3, v6;
	v5 =	vsel vm3, v7, v5  }
0xce: {  	[tilespmem:s23+$0x13800] =	vst v4;
	v5 =	vmax.f32 v6, v5  }
0xcf: {  	s29 =	simm.s32 $0x0;
	[tilespmem:s23+$0x13C00] =	vst v5  }
0xd0: {  	v5 =	vld.idx.msk [tilespmem:v2+s29+$0x0 ss:$0x1], $0xffff  }
0xd1: {  	v6 =	vld.idx.msk [tilespmem:v2+s29+$0x10 ss:$0x1], $0xffff  }
0xd2: {  	v7 =	vld.idx.msk [tilespmem:v2+s29+$0xFFFFFFC0 ss:$0x1], $0xffff  }
0xd3: {  	v8 =	vld.idx.msk [tilespmem:v2+s29+$0xFFFFFFD0 ss:$0x1], $0xffff  }
0xd4: {  	v9 =	vld.idx.msk [tilespmem:v2+s29+$0xFFFFFFE0 ss:$0x1], $0xffff  }
0xd5: {  	v10 =	vld.idx.msk [tilespmem:v2+s29+$0xFFFFFFF0 ss:$0x1], $0xffff  }
0xd6: {  	v11 =	vld.idx.msk [tilespmem:v2+s29+$0x20 ss:$0x1], $0xffff;
	v5 =	vsub.f32 v5, v4  }
0xd7: {  	v12 =	vld.idx.msk [tilespmem:v2+s29+$0x30 ss:$0x1], $0xffff;
	v6 =	vsub.f32 v6, v4;
	v7 =	vsub.f32 v7, v4  }
0xd8: {  	s30 =	simm.s32 $0x400;
	v8 =	vsub.f32 v8, v4;
	v5 =	vmul.f32 $1.442695020e+00, v5  }
0xd9: {  	v13 =	vld.idx.msk [tilespmem:v2+s30+$0x0 ss:$0x1], $0xffff;
	v9 =	vsub.f32 v9, v4;
	v6 =	vmul.f32 $1.442695020e+00, v6;
	v7 =	vmul.f32 $1.442695020e+00, v7  }
0xda: {  	v14 =	vld.idx.msk [tilespmem:v2+s30+$0x10 ss:$0x1], $0xffff;
	v8 =	vmul.f32 $1.442695020e+00, v8;
	(erf) = vpow2.f32 v5  }
0xdb: {  	v10 =	vsub.f32 v10, v4;
	v9 =	vmul.f32 $1.442695020e+00, v9;
	v5 =	vld.idx.msk [tilespmem:v2+s30+$0x20 ss:$0x1], $0xffff;
	(erf) = vpow2.f32 v6  }
0xdc: {  	v6 =	vsub.f32 v11, v4;
	(erf) = vpow2.f32 v7;
	v7 =	vsub.f32 v12, v4;
	v12 =	vld.idx.msk [tilespmem:v2+s30+$0xFFFFFFC0 ss:$0x1], $0xffff  }
0xdd: {  	v15 =	vld.idx.msk [tilespmem:v2+s30+$0xFFFFFFE0 ss:$0x1], $0xffff;
	v10 =	vmul.f32 $1.442695020e+00, v10;
	(erf) = vpow2.f32 v8  }
0xde: {  	v6 =	vmul.f32 $1.442695020e+00, v6;
	v8 =	vld.idx.msk [tilespmem:v2+s30+$0xFFFFFFD0 ss:$0x1], $0xffff;
	(erf) = vpow2.f32 v9  }
0xdf: {  	v11 =	vld.idx.msk [tilespmem:v2+s30+$0x30 ss:$0x1], $0xffff;
	v7 =	vmul.f32 $1.442695020e+00, v7;
	v9 =	vsub.f32 v13, v4;
	(erf) = vpow2.f32 v10  }
0xe0: {  	v10 =	vld.idx.msk [tilespmem:v2+s30+$0xFFFFFFF0 ss:$0x1], $0xffff;
	v13 =	vsub.f32 v5, v4;
	(erf) = vpow2.f32 v6;
	v6 =	vsub.f32 v14, v4  }
0xe1: {  	s31 =	simm.s32 $0x800;
	v14 =	vmul.f32 $1.442695020e+00, v9;
	(erf) = vpow2.f32 v7;
	v12 =	vsub.f32 v12, v4  }
0xe2: {  	v15 =	vsub.f32 v15, v4;
	v7 =	vld.idx.msk [tilespmem:v2+s31+$0x0 ss:$0x1], $0xffff;
	v6 =	vmul.f32 $1.442695020e+00, v6  }
0xe3: {  	v19 =	vld.idx.msk [tilespmem:v2+s31+$0xFFFFFFE0 ss:$0x1], $0xffff;
	v9 =	vmul.f32 $1.442695020e+00, v13;
	v17 =	vsub.f32 v8, v4;
	v21 =	vpop (erf);
	v13 =	vmul.f32 $1.442695020e+00, v12  }
0xe4: {  	v23 =	vmul.f32 $1.442695020e+00, v15;
	v15 =	vld.idx.msk [tilespmem:v2+s31+$0xFFFFFFC0 ss:$0x1], $0xffff;
	v16 =	vsub.f32 v11, v4;
	v22 =	vpop (erf)  }
0xe5: {  	v5 =	vld [tilespmem:s23+$0x14000];
	(erf) = vpow2.f32 v14;
	v17 =	vmul.f32 $1.442695020e+00, v17;
	v18 =	vsub.f32 v10, v4;
	v14 =	vpop (erf)  }
0xe6: {  	v20 =	vimm.f32 $0.0e+00;
	v11 =	vld.idx.msk [tilespmem:v2+s31+$0x10 ss:$0x1], $0xffff;
	v12 =	vmul.f32 $1.442695020e+00, v16;
	(erf) = vpow2.f32 v6;
	v6 =	vpop (erf)  }
0xe7: {  	v8 =	vld.idx.msk [tilespmem:v2+s31+$0x20 ss:$0x1], $0xffff;
	v16 =	vsub.f32 v7, v4;
	v7 =	vmul.f32 $1.442695020e+00, v18;
	(erf) = vpow2.f32 v13;
	v13 =	vpop (erf)  }
0xe8: {  	v10 =	vld.idx.msk [tilespmem:v2+s31+$0x30 ss:$0x1], $0xffff;
	v24 =	vadd.f32 v14, v20;
	(erf) = vpow2.f32 v17;
	v25 =	vadd.f32 v6, v20;
	v6 =	vpop (erf)  }
0xe9: {  	v18 =	vld.idx.msk [tilespmem:v2+s31+$0xFFFFFFD0 ss:$0x1], $0xffff;
	(erf) = vpow2.f32 v23;
	v13 =	vadd.f32 v13, v20;
	v14 =	vadd.f32 v6, v20;
	v17 =	vpop (erf)  }
0xea: {  	s24 =	simm.s32 $0x3000;
	v20 =	vld.idx.msk [tilespmem:v2+s31+$0xFFFFFFF0 ss:$0x1], $0xffff;
	(erf) = vpow2.f32 v7;
	v6 =	vadd.f32 v21, v24;
	v7 =	vadd.f32 v22, v25;
	v21 =	vpop (erf)  }
.LBB2_11:
0xeb: {  	s25 =	sshra.s32 s24, $0x2;
	p0 =	sne.s32 s24, $0x26000;
	(erf) = vpow2.f32 v9;
	v13 =	vadd.f32 v17, v13;
	v14 =	vadd.f32 v21, v14  }
0xec: {  	v9 =	vsub.f32 v11, v4;
	v8 =	vsub.f32 v8, v4;
	v17 =	vld.idx.msk [tilespmem:v2+s25+$0x0 ss:$0x1], $0xffff;
	(erf) = vpow2.f32 v12  }
0xed: {  	v10 =	vsub.f32 v10, v4;
	v12 =	vsub.f32 v15, v4;
	v15 =	vmul.f32 $1.442695020e+00, v16  }
0xee: {  	v16 =	vsub.f32 v18, v4;
	v18 =	vmul.f32 $1.442695020e+00, v9;
	v9 =	vmul.f32 $1.442695020e+00, v8;
	v21 =	vpop (erf)  }
0xef: {  	v22 =	vmul.f32 $1.442695020e+00, v12;
	v27 =	vsub.f32 v19, v4;
	v12 =	vmul.f32 $1.442695020e+00, v10;
	v11 =	vld.idx.msk [tilespmem:v2+s25+$0x10 ss:$0x1], $0xffff;
	v23 =	vpop (erf)  }
0xf0: {  	v24 =	vmul.f32 $1.442695020e+00, v16;
	v28 =	vsub.f32 v20, v4;
	v8 =	vld.idx.msk [tilespmem:v2+s25+$0x20 ss:$0x1], $0xffff;
	(erf) = vpow2.f32 v15;
	v25 =	vpop (erf)  }
.Ltmp4:
0xf1: {  	v26 =	vmul.f32 $1.442695020e+00, v27;
	v10 =	vld.idx.msk [tilespmem:v2+s25+$0x30 ss:$0x1], $0xffff;
	(erf) = vpow2.f32 v18;
	v19 =	vpop (erf);
	(pc) =	sbr.rel @p0 .LBB2_11-.Ltmp4, $4  }
0xf2: {  	v16 =	vsub.f32 v17, v4;
	v27 =	vmul.f32 $1.442695020e+00, v28;
	v15 =	vld.idx.msk [tilespmem:v2+s25+$0xFFFFFFC0 ss:$0x1], $0xffff;
	(erf) = vpow2.f32 v22;
	v17 =	vpop (erf)  }
0xf3: {  	v6 =	vadd.f32 v25, v6;
	v7 =	vadd.f32 v19, v7;
	v18 =	vld.idx.msk [tilespmem:v2+s25+$0xFFFFFFD0 ss:$0x1], $0xffff;
	(erf) = vpow2.f32 v24;
	v20 =	vpop (erf)  }
0xf4: {  	v13 =	vadd.f32 v17, v13;
	v19 =	vld.idx.msk [tilespmem:v2+s25+$0xFFFFFFE0 ss:$0x1], $0xffff;
	(erf) = vpow2.f32 v26;
	v14 =	vadd.f32 v20, v14;
	v17 =	vpop (erf)  }
0xf5: {  	s24 =	sadd.s32 $0x1000, s24;
	v6 =	vadd.f32 v21, v6;
	v7 =	vadd.f32 v23, v7;
	v20 =	vld.idx.msk [tilespmem:v2+s25+$0xFFFFFFF0 ss:$0x1], $0xffff;
	(erf) = vpow2.f32 v27;
	v21 =	vpop (erf)  }
0xf6: {  	v2 =	vsub.f32 v11, v4  }
0xf7: {  	(erf) = vpow2.f32 v9;
	v41 =	vmul.f32 $1.442695020e+00, v16;
	v40 =	vsub.f32 v15, v4  }
0xf8: {  	(erf) = vpow2.f32 v12;
	v42 =	vsub.f32 v18, v4;
	v2 =	vmul.f32 $1.442695020e+00, v2  }
0xf9: {  	(erf) = vpow2.f32 v41;
	v9 =	vmul.f32 $1.442695020e+00, v40;
	v43 =	vsub.f32 v19, v4  }
0xfa: {  	v44 =	vpop (erf);
	v12 =	vmul.f32 $1.442695020e+00, v42;
	v45 =	vsub.f32 v20, v4;
	(erf) = vpow2.f32 v2  }
0xfb: {  	v2 =	vsub.f32 v8, v4;
	v46 =	vpop (erf);
	v15 =	vmul.f32 $1.442695020e+00, v43;
	(erf) = vpow2.f32 v9  }
0xfc: {  	v47 =	vsub.f32 v10, v4;
	v48 =	vpop (erf);
	v16 =	vmul.f32 $1.442695020e+00, v45;
	(erf) = vpow2.f32 v12  }
0xfd: {  	v3 =	vsub.f32 v3, v4;
	v2 =	vmul.f32 $1.442695020e+00, v2;
	v49 =	vpop (erf);
	(erf) = vpow2.f32 v15  }
0xfe: {  	v50 =	vmul.f32 $1.442695020e+00, v47;
	v51 =	vpop (erf);
	(erf) = vpow2.f32 v16  }
0xff: {  	v52 =	vpop (erf);
	(erf) = vpow2.f32 v2;
	v2 =	vmul.f32 $1.442695020e+00, v3;
	_ =	sdelay $0x1  }
0x100: {  	v3 =	vpop (erf);
	(erf) = vpow2.f32 v50  }
0x101: {  	v53 =	vpop (erf);
	(erf) = vpow2.f32 v2  }
0x102: {  	v13 =	vadd.f32 v17, v13;
	v6 =	vadd.f32 v48, v6;
	v2 =	vpop (erf)  }
0x103: {  	v14 =	vadd.f32 v21, v14;
	v7 =	vadd.f32 v49, v7;
	v54 =	vpop (erf)  }
0x104: {  	v9 =	vadd.f32 v51, v13;
	v6 =	vadd.f32 v44, v6;
	v56 =	vpop (erf)  }
0x105: {  	v55 =	vadd.f32 v52, v14;
	v7 =	vadd.f32 v46, v7;
	v57 =	vpop (erf)  }
0x106: {  	v3 =	vadd.f32 v3, v9;
	v6 =	vadd.f32 v56, v6;
	v58 =	vpop (erf)  }
0x107: {  	v4 =	vadd.f32 v53, v55;
	v7 =	vadd.f32 v57, v7;
	v59 =	vpop (erf)  }
0x108: {  	v3 =	vadd.f32 v58, v3;
	v2 =	vadd.f32 v2, v6;
	v60 =	vpop (erf)  }
0x109: {  	v4 =	vadd.f32 v59, v4;
	v61 =	vadd.f32 v54, v7;
	v62 =	vpop (erf)  }
0x10a: {  	v3 =	vadd.f32 v60, v3;
	v63 =	vpop (erf)  }
0x10b: {  	s21 =	sadd.s32 $0x1, s21;
	v4 =	vadd.f32 v62, v4;
	v2 =	vadd.f32 v61, v2;
	v5 =	vmul.f32 v63, v5  }
0x10c: {  	p0 =	sne.s32 s21, $0x8  }
.Ltmp5:
0x10d: {  	v3 =	vadd.f32 v4, v3;
	v2 =	vadd.f32 v2, v5;
	(pc) =	sbr.rel @p0 .LBB2_8-.Ltmp5, $3  }
0x10e: {  	_ = 	snop  }
0x10f: {  	v2 =	vadd.f32 v3, v2;
	_ =	sdelay $0x1  }
0x110: {  	s22 =	sadd.s32 $0x80, s22;
	[tilespmem:s23+$0x14000] =	vst v2  }
0x111: {  	_ =	swait.ge [sflag:s3], $0x9C00  }
0x112: {  	[sflag:s3] =	ssyncset.done $0x0  }
0x113: {  	s21 =	simm.s32 $0x0;
	s22 =	simm.s32 $0x40;
	[sflag:s3] =	ssyncadd.s32 $0xFFFF6400  }
0x114: {  	[tilespmem:s16], [sflag:$0x2] =	stream.linear.gather [hbm4b:s7+s21], $0x9C00, $0x38;
	[tilespmem:$0x14800] =	vst v63  }
.LBB2_14:
0x115: {  	v2 =	vmov s22;
	_ =	sdelay $0x3  }
0x116: {  	s25 =	simm.s32 $0x0  }
0x117: {  	v5 =	vld.idx.msk [tilespmem:v2+s25+$0x20 ss:$0x1], $0xffff  }
0x118: {  	v3 =	vld.idx.msk [tilespmem:v2+s25+$0x30 ss:$0x1], $0xffff  }
0x119: {  	v16 =	vld.idx.msk [tilespmem:v2+s25+$0xFFFFFFF0 ss:$0x1], $0xffff  }
0x11a: {  	v15 =	vld.idx.msk [tilespmem:v2+s25+$0xFFFFFFE0 ss:$0x1], $0xffff  }
0x11b: {  	v12 =	vld.idx.msk [tilespmem:v2+s25+$0xFFFFFFC0 ss:$0x1], $0xffff  }
0x11c: {  	v14 =	vimm.f32 $-1.000000020e+30;
	v11 =	vimm.f32 $-1.000000020e+30;
	v8 =	vld.idx.msk [tilespmem:v2+s25+$0xFFFFFFD0 ss:$0x1], $0xffff  }
0x11d: {  	v18 =	vimm.f32 $-1.000000020e+30;
	v17 =	vimm.f32 $-1.000000020e+30;
	v10 =	vimm.f32 $-1.000000020e+30;
	v7 =	vld.idx.msk [tilespmem:v2+s25+$0x10 ss:$0x1], $0xffff  }
0x11e: {  	s24 =	simm.s32 $0x1000;
	s23 =	simm.s32 $0x2000;
	v9 =	vimm.f32 $-1.000000020e+30;
	v13 =	vimm.f32 $-1.000000020e+30;
	v6 =	vimm.f32 $-1.000000020e+30;
	v4 =	vld.idx.msk [tilespmem:v2+s25+$0x0 ss:$0x1], $0xffff  }
.LBB2_15:
0x11f: {  	p0 =	sne.s32 s23, $0x26000  }
0x120: {  	s25 =	sshra.s32 s24, $0x2;
	v19 =	vmin.f32 v14, v16;
	v20 =	vmax.f32 v14, v16;
	s24 =	smov.u32 s23;
	s23 =	sadd.s32 $0x1000, s23  }
0x121: {  	v22 =	vmin.f32 v11, v15;
	v23 =	vmax.f32 v11, v15;
	v21 =	vld.idx.msk [tilespmem:v2+s25+$0x20 ss:$0x1], $0xffff;
	v14 =	vmax.f32 v20, v3  }
0x122: {  	v15 =	vmin.f32 v18, v12;
	v18 =	vmax.f32 v18, v12;
	v11 =	vmax.f32 v23, v5;
	v24 =	vld.idx.msk [tilespmem:v2+s25+$0x30 ss:$0x1], $0xffff  }
0x123: {  	v17 =	vmax.f32 v17, v15;
	v12 =	vmin.f32 v10, v8;
	v8 =	vmax.f32 v10, v8;
	v16 =	vld.idx.msk [tilespmem:v2+s25+$0xFFFFFFF0 ss:$0x1], $0xffff  }
.Ltmp6:
0x124: {  	v13 =	vmax.f32 v13, v22;
	v9 =	vmax.f32 v9, v12;
	v10 =	vmin.f32 v8, v7;
	v15 =	vld.idx.msk [tilespmem:v2+s25+$0xFFFFFFE0 ss:$0x1], $0xffff;
	(pc) =	sbr.rel @p0 .LBB2_15-.Ltmp6, $4  }
0x125: {  	v5 =	vmin.f32 v23, v5;
	v9 =	vmax.f32 v9, v10;
	v10 =	vmax.f32 v8, v7;
	v12 =	vld.idx.msk [tilespmem:v2+s25+$0xFFFFFFC0 ss:$0x1], $0xffff  }
0x126: {  	v20 =	vmin.f32 v20, v3;
	v13 =	vmax.f32 v13, v5;
	v22 =	vmin.f32 v18, v4;
	v8 =	vld.idx.msk [tilespmem:v2+s25+$0xFFFFFFD0 ss:$0x1], $0xffff  }
0x127: {  	v19 =	vmax.f32 v6, v19;
	v18 =	vmax.f32 v18, v4;
	v17 =	vmax.f32 v17, v22;
	v7 =	vld.idx.msk [tilespmem:v2+s25+$0x10 ss:$0x1], $0xffff  }
0x128: {  	v6 =	vmax.f32 v19, v20;
	v5 =	vmov v21;
	v3 =	vmov v24;
	v4 =	vld.idx.msk [tilespmem:v2+s25+$0x0 ss:$0x1], $0xffff  }
0x129: {  	_ =	sdelay $0x2  }
0x12a: {  	s23 =	sshra.s32 s24, $0x2;
	v19 =	vmin.f32 v14, v16;
	v14 =	vmax.f32 v14, v16  }
0x12b: {  	v20 =	vmin.f32 v11, v15;
	v11 =	vmax.f32 v11, v15;
	v16 =	vld.idx.msk [tilespmem:v2+s23+$0x20 ss:$0x1], $0xffff;
	v15 =	vmax.f32 v14, v3  }
0x12c: {  	v21 =	vld.idx.msk [tilespmem:v2+s23+$0x30 ss:$0x1], $0xffff;
	v22 =	vmin.f32 v18, v12;
	v12 =	vmax.f32 v18, v12;
	v18 =	vmax.f32 v11, v5  }
0x12d: {  	v23 =	vld.idx.msk [tilespmem:v2+s23+$0xFFFFFFF0 ss:$0x1], $0xffff;
	v13 =	vmax.f32 v13, v20;
	v5 =	vmin.f32 v11, v5;
	v3 =	vmin.f32 v14, v3  }
0x12e: {  	v17 =	vmax.f32 v17, v22;
	v22 =	vmin.f32 v10, v8;
	v8 =	vmax.f32 v10, v8;
	v10 =	vld.idx.msk [tilespmem:v2+s23+$0xFFFFFFE0 ss:$0x1], $0xffff  }
0x12f: {  	v6 =	vmax.f32 v6, v19;
	v5 =	vmax.f32 v13, v5;
	v9 =	vmax.f32 v9, v22;
	v22 =	vld.idx.msk [tilespmem:v2+s23+$0xFFFFFFC0 ss:$0x1], $0xffff  }
0x130: {  	v6 =	vmax.f32 v6, v3;
	v20 =	vmin.f32 v8, v7;
	v7 =	vmax.f32 v8, v7;
	v8 =	vld.idx.msk [tilespmem:v2+s23+$0xFFFFFFD0 ss:$0x1], $0xffff  }
0x131: {  	v13 =	vld.idx.msk [tilespmem:v2+s23+$0x10 ss:$0x1], $0xffff;
	v9 =	vmax.f32 v9, v20;
	v11 =	vmin.f32 v12, v4;
	v4 =	vmax.f32 v12, v4  }
0x132: {  	v11 =	vmax.f32 v17, v11;
	v12 =	vmin.f32 v15, v23;
	v3 =	vmax.f32 v15, v23  }
0x133: {  	v14 =	vld.idx.msk [tilespmem:v2+s23+$0x0 ss:$0x1], $0xffff;
	v15 =	vmin.f32 v18, v10;
	v10 =	vmax.f32 v18, v10;
	v17 =	vmax.f32 v3, v21  }
0x134: {  	v18 =	vmin.f32 v4, v22;
	v4 =	vmax.f32 v4, v22;
	v19 =	vmax.f32 v10, v16  }
0x135: {  	v11 =	vmax.f32 v11, v18;
	v18 =	vmin.f32 v7, v8;
	v7 =	vmax.f32 v7, v8  }
0x136: {  	v5 =	vmax.f32 v5, v15;
	v8 =	vmax.f32 v9, v18;
	v9 =	vmin.f32 v7, v13  }
0x137: {  	v7 =	vmax.f32 v7, v13;
	v8 =	vmax.f32 v8, v9;
	v9 =	vmin.f32 v10, v16  }
0x138: {  	v10 =	vmin.f32 v4, v14;
	v4 =	vmax.f32 v4, v14;
	v5 =	vmax.f32 v5, v9  }
0x139: {  	s23 =	sshll.u32 s21, $0x7;
	v9 =	vmin.f32 v3, v21;
	v3 =	vmax.f32 v11, v10;
	vm3 =	vge.f32 v4, v7  }
0x13a: {  	v10 =	vmax.f32 v4, v7;
	v4 =	vmin.f32 v4, v7;
	v7 =	vsel vm3, v3, v8;
	v3 =	vld [tilespmem:s23+$0x13800]  }
0x13b: {  	v6 =	vmax.f32 v6, v12;
	vm3 =	vge.f32 v10, v19;
	v4 =	vmax.f32 v4, v7;
	v7 =	vld [tilespmem:s23+$0x13C00]  }
0x13c: {  	v8 =	vmax.f32 v10, v19;
	v10 =	vmin.f32 v10, v19;
	v4 =	vsel vm3, v4, v5  }
0x13d: {  	v5 =	vmax.f32 v6, v9;
	vm3 =	vge.f32 v8, v17;
	v4 =	vmax.f32 v10, v4  }
0x13e: {  	v6 =	vmax.f32 v8, v17;
	v8 =	vmin.f32 v8, v17;
	v4 =	vsel vm3, v4, v5  }
0x13f: {  	v5 =	vmax.f32 v8, v4;
	vm3 =	vge.f32 v3, v6  }
0x140: {  	v4 =	vmax.f32 v3, v6;
	v6 =	vmin.f32 v3, v6;
	v5 =	vsel vm3, v7, v5  }
0x141: {  	[tilespmem:s23+$0x13800] =	vst v4;
	v5 =	vmax.f32 v6, v5  }
0x142: {  	s29 =	simm.s32 $0x0;
	[tilespmem:s23+$0x13C00] =	vst v5  }
0x143: {  	v5 =	vld.idx.msk [tilespmem:v2+s29+$0x0 ss:$0x1], $0xffff  }
0x144: {  	v6 =	vld.idx.msk [tilespmem:v2+s29+$0x10 ss:$0x1], $0xffff  }
0x145: {  	v7 =	vld.idx.msk [tilespmem:v2+s29+$0xFFFFFFC0 ss:$0x1], $0xffff  }
0x146: {  	v8 =	vld.idx.msk [tilespmem:v2+s29+$0xFFFFFFD0 ss:$0x1], $0xffff  }
0x147: {  	v9 =	vld.idx.msk [tilespmem:v2+s29+$0xFFFFFFE0 ss:$0x1], $0xffff  }
0x148: {  	v10 =	vld.idx.msk [tilespmem:v2+s29+$0xFFFFFFF0 ss:$0x1], $0xffff  }
0x149: {  	v11 =	vld.idx.msk [tilespmem:v2+s29+$0x20 ss:$0x1], $0xffff;
	v5 =	vsub.f32 v5, v4  }
0x14a: {  	v12 =	vld.idx.msk [tilespmem:v2+s29+$0x30 ss:$0x1], $0xffff;
	v6 =	vsub.f32 v6, v4;
	v7 =	vsub.f32 v7, v4  }
0x14b: {  	s30 =	simm.s32 $0x400;
	v8 =	vsub.f32 v8, v4;
	v5 =	vmul.f32 $1.442695020e+00, v5  }
0x14c: {  	v13 =	vld.idx.msk [tilespmem:v2+s30+$0x0 ss:$0x1], $0xffff;
	v9 =	vsub.f32 v9, v4;
	v6 =	vmul.f32 $1.442695020e+00, v6;
	v7 =	vmul.f32 $1.442695020e+00, v7  }
0x14d: {  	v14 =	vld.idx.msk [tilespmem:v2+s30+$0x10 ss:$0x1], $0xffff;
	v8 =	vmul.f32 $1.442695020e+00, v8;
	(erf) = vpow2.f32 v5  }
0x14e: {  	v10 =	vsub.f32 v10, v4;
	v9 =	vmul.f32 $1.442695020e+00, v9;
	v5 =	vld.idx.msk [tilespmem:v2+s30+$0x20 ss:$0x1], $0xffff;
	(erf) = vpow2.f32 v6  }
0x14f: {  	v6 =	vsub.f32 v11, v4;
	(erf) = vpow2.f32 v7;
	v7 =	vsub.f32 v12, v4;
	v12 =	vld.idx.msk [tilespmem:v2+s30+$0xFFFFFFC0 ss:$0x1], $0xffff  }
0x150: {  	v15 =	vld.idx.msk [tilespmem:v2+s30+$0xFFFFFFE0 ss:$0x1], $0xffff;
	v10 =	vmul.f32 $1.442695020e+00, v10;
	(erf) = vpow2.f32 v8  }
0x151: {  	v6 =	vmul.f32 $1.442695020e+00, v6;
	v8 =	vld.idx.msk [tilespmem:v2+s30+$0xFFFFFFD0 ss:$0x1], $0xffff;
	(erf) = vpow2.f32 v9  }
0x152: {  	v11 =	vld.idx.msk [tilespmem:v2+s30+$0x30 ss:$0x1], $0xffff;
	v7 =	vmul.f32 $1.442695020e+00, v7;
	v9 =	vsub.f32 v13, v4;
	(erf) = vpow2.f32 v10  }
0x153: {  	v10 =	vld.idx.msk [tilespmem:v2+s30+$0xFFFFFFF0 ss:$0x1], $0xffff;
	v13 =	vsub.f32 v5, v4;
	(erf) = vpow2.f32 v6;
	v6 =	vsub.f32 v14, v4  }
0x154: {  	s31 =	simm.s32 $0x800;
	v14 =	vmul.f32 $1.442695020e+00, v9;
	(erf) = vpow2.f32 v7;
	v12 =	vsub.f32 v12, v4  }
0x155: {  	v15 =	vsub.f32 v15, v4;
	v7 =	vld.idx.msk [tilespmem:v2+s31+$0x0 ss:$0x1], $0xffff;
	v6 =	vmul.f32 $1.442695020e+00, v6  }
0x156: {  	v19 =	vld.idx.msk [tilespmem:v2+s31+$0xFFFFFFE0 ss:$0x1], $0xffff;
	v9 =	vmul.f32 $1.442695020e+00, v13;
	v17 =	vsub.f32 v8, v4;
	v21 =	vpop (erf);
	v13 =	vmul.f32 $1.442695020e+00, v12  }
0x157: {  	v23 =	vmul.f32 $1.442695020e+00, v15;
	v15 =	vld.idx.msk [tilespmem:v2+s31+$0xFFFFFFC0 ss:$0x1], $0xffff;
	v16 =	vsub.f32 v11, v4;
	v22 =	vpop (erf)  }
0x158: {  	v5 =	vld [tilespmem:s23+$0x14000];
	(erf) = vpow2.f32 v14;
	v17 =	vmul.f32 $1.442695020e+00, v17;
	v18 =	vsub.f32 v10, v4;
	v14 =	vpop (erf)  }
0x159: {  	v20 =	vimm.f32 $0.0e+00;
	v11 =	vld.idx.msk [tilespmem:v2+s31+$0x10 ss:$0x1], $0xffff;
	v12 =	vmul.f32 $1.442695020e+00, v16;
	(erf) = vpow2.f32 v6;
	v6 =	vpop (erf)  }
0x15a: {  	v8 =	vld.idx.msk [tilespmem:v2+s31+$0x20 ss:$0x1], $0xffff;
	v16 =	vsub.f32 v7, v4;
	v7 =	vmul.f32 $1.442695020e+00, v18;
	(erf) = vpow2.f32 v13;
	v13 =	vpop (erf)  }
0x15b: {  	v10 =	vld.idx.msk [tilespmem:v2+s31+$0x30 ss:$0x1], $0xffff;
	v24 =	vadd.f32 v14, v20;
	(erf) = vpow2.f32 v17;
	v25 =	vadd.f32 v6, v20;
	v6 =	vpop (erf)  }
0x15c: {  	v18 =	vld.idx.msk [tilespmem:v2+s31+$0xFFFFFFD0 ss:$0x1], $0xffff;
	(erf) = vpow2.f32 v23;
	v13 =	vadd.f32 v13, v20;
	v14 =	vadd.f32 v6, v20;
	v17 =	vpop (erf)  }
0x15d: {  	s24 =	simm.s32 $0x3000;
	v20 =	vld.idx.msk [tilespmem:v2+s31+$0xFFFFFFF0 ss:$0x1], $0xffff;
	(erf) = vpow2.f32 v7;
	v6 =	vadd.f32 v21, v24;
	v7 =	vadd.f32 v22, v25;
	v21 =	vpop (erf)  }
.LBB2_17:
0x15e: {  	s25 =	sshra.s32 s24, $0x2;
	p0 =	sne.s32 s24, $0x26000;
	(erf) = vpow2.f32 v9;
	v13 =	vadd.f32 v17, v13;
	v14 =	vadd.f32 v21, v14  }
0x15f: {  	v9 =	vsub.f32 v11, v4;
	v8 =	vsub.f32 v8, v4;
	v17 =	vld.idx.msk [tilespmem:v2+s25+$0x0 ss:$0x1], $0xffff;
	(erf) = vpow2.f32 v12  }
0x160: {  	v10 =	vsub.f32 v10, v4;
	v12 =	vsub.f32 v15, v4;
	v15 =	vmul.f32 $1.442695020e+00, v16  }
0x161: {  	v16 =	vsub.f32 v18, v4;
	v18 =	vmul.f32 $1.442695020e+00, v9;
	v9 =	vmul.f32 $1.442695020e+00, v8;
	v21 =	vpop (erf)  }
0x162: {  	v22 =	vmul.f32 $1.442695020e+00, v12;
	v27 =	vsub.f32 v19, v4;
	v12 =	vmul.f32 $1.442695020e+00, v10;
	v11 =	vld.idx.msk [tilespmem:v2+s25+$0x10 ss:$0x1], $0xffff;
	v23 =	vpop (erf)  }
0x163: {  	v24 =	vmul.f32 $1.442695020e+00, v16;
	v28 =	vsub.f32 v20, v4;
	v8 =	vld.idx.msk [tilespmem:v2+s25+$0x20 ss:$0x1], $0xffff;
	(erf) = vpow2.f32 v15;
	v25 =	vpop (erf)  }
.Ltmp7:
0x164: {  	v26 =	vmul.f32 $1.442695020e+00, v27;
	v10 =	vld.idx.msk [tilespmem:v2+s25+$0x30 ss:$0x1], $0xffff;
	(erf) = vpow2.f32 v18;
	v19 =	vpop (erf);
	(pc) =	sbr.rel @p0 .LBB2_17-.Ltmp7, $4  }
0x165: {  	v16 =	vsub.f32 v17, v4;
	v27 =	vmul.f32 $1.442695020e+00, v28;
	v15 =	vld.idx.msk [tilespmem:v2+s25+$0xFFFFFFC0 ss:$0x1], $0xffff;
	(erf) = vpow2.f32 v22;
	v17 =	vpop (erf)  }
0x166: {  	v6 =	vadd.f32 v25, v6;
	v7 =	vadd.f32 v19, v7;
	v18 =	vld.idx.msk [tilespmem:v2+s25+$0xFFFFFFD0 ss:$0x1], $0xffff;
	(erf) = vpow2.f32 v24;
	v20 =	vpop (erf)  }
0x167: {  	v13 =	vadd.f32 v17, v13;
	v19 =	vld.idx.msk [tilespmem:v2+s25+$0xFFFFFFE0 ss:$0x1], $0xffff;
	(erf) = vpow2.f32 v26;
	v14 =	vadd.f32 v20, v14;
	v17 =	vpop (erf)  }
0x168: {  	s24 =	sadd.s32 $0x1000, s24;
	v6 =	vadd.f32 v21, v6;
	v7 =	vadd.f32 v23, v7;
	v20 =	vld.idx.msk [tilespmem:v2+s25+$0xFFFFFFF0 ss:$0x1], $0xffff;
	(erf) = vpow2.f32 v27;
	v21 =	vpop (erf)  }
0x169: {  	v2 =	vsub.f32 v11, v4  }
0x16a: {  	(erf) = vpow2.f32 v9;
	v41 =	vmul.f32 $1.442695020e+00, v16;
	v40 =	vsub.f32 v15, v4  }
0x16b: {  	(erf) = vpow2.f32 v12;
	v42 =	vsub.f32 v18, v4;
	v2 =	vmul.f32 $1.442695020e+00, v2  }
0x16c: {  	(erf) = vpow2.f32 v41;
	v9 =	vmul.f32 $1.442695020e+00, v40;
	v43 =	vsub.f32 v19, v4  }
0x16d: {  	v44 =	vpop (erf);
	v12 =	vmul.f32 $1.442695020e+00, v42;
	v45 =	vsub.f32 v20, v4;
	(erf) = vpow2.f32 v2  }
0x16e: {  	v2 =	vsub.f32 v8, v4;
	v46 =	vpop (erf);
	v15 =	vmul.f32 $1.442695020e+00, v43;
	(erf) = vpow2.f32 v9  }
0x16f: {  	v47 =	vsub.f32 v10, v4;
	v48 =	vpop (erf);
	v16 =	vmul.f32 $1.442695020e+00, v45;
	(erf) = vpow2.f32 v12  }
0x170: {  	v3 =	vsub.f32 v3, v4;
	v2 =	vmul.f32 $1.442695020e+00, v2;
	v49 =	vpop (erf);
	(erf) = vpow2.f32 v15  }
0x171: {  	v50 =	vmul.f32 $1.442695020e+00, v47;
	v51 =	vpop (erf);
	(erf) = vpow2.f32 v16  }
0x172: {  	v52 =	vpop (erf);
	(erf) = vpow2.f32 v2;
	v2 =	vmul.f32 $1.442695020e+00, v3;
	_ =	sdelay $0x1  }
0x173: {  	v3 =	vpop (erf);
	(erf) = vpow2.f32 v50  }
0x174: {  	v53 =	vpop (erf);
	(erf) = vpow2.f32 v2  }
0x175: {  	v13 =	vadd.f32 v17, v13;
	v6 =	vadd.f32 v48, v6;
	v2 =	vpop (erf)  }
0x176: {  	v14 =	vadd.f32 v21, v14;
	v7 =	vadd.f32 v49, v7;
	v54 =	vpop (erf)  }
0x177: {  	v9 =	vadd.f32 v51, v13;
	v6 =	vadd.f32 v44, v6;
	v56 =	vpop (erf)  }
0x178: {  	v55 =	vadd.f32 v52, v14;
	v7 =	vadd.f32 v46, v7;
	v57 =	vpop (erf)  }
0x179: {  	v3 =	vadd.f32 v3, v9;
	v6 =	vadd.f32 v56, v6;
	v58 =	vpop (erf)  }
0x17a: {  	v4 =	vadd.f32 v53, v55;
	v7 =	vadd.f32 v57, v7;
	v59 =	vpop (erf)  }
0x17b: {  	v3 =	vadd.f32 v58, v3;
	v2 =	vadd.f32 v2, v6;
	v60 =	vpop (erf)  }
0x17c: {  	v4 =	vadd.f32 v59, v4;
	v61 =	vadd.f32 v54, v7;
	v62 =	vpop (erf)  }
0x17d: {  	v3 =	vadd.f32 v60, v3;
	v63 =	vpop (erf)  }
0x17e: {  	s21 =	sadd.s32 $0x1, s21;
	v4 =	vadd.f32 v62, v4;
	v2 =	vadd.f32 v61, v2;
	v5 =	vmul.f32 v63, v5  }
0x17f: {  	p0 =	sne.s32 s21, $0x8  }
.Ltmp8:
0x180: {  	v3 =	vadd.f32 v4, v3;
	v2 =	vadd.f32 v2, v5;
	(pc) =	sbr.rel @p0 .LBB2_14-.Ltmp8, $3  }
0x181: {  	_ = 	snop  }
0x182: {  	v2 =	vadd.f32 v3, v2;
	_ =	sdelay $0x1  }
0x183: {  	s22 =	sadd.s32 $0x80, s22;
	[tilespmem:s23+$0x14000] =	vst v2  }
0x184: {  	_ =	swait.ge [sflag:s17], $0x9C00  }
0x185: {  	[sflag:s17] =	ssyncset.done $0x0  }
0x186: {  	s21 =	simm.s32 $0x0;
	s22 =	simm.s32 $0x9C40;
	[sflag:s17] =	ssyncadd.s32 $0xFFFF6400  }
0x187: {  	[tilespmem:s21], [sflag:$0x1] =	stream.linear.gather [hbm4b:s8+s21], $0x9C00, $0x38;
	[tilespmem:$0x14800] =	vst v63  }
.LBB2_20:
0x188: {  	v2 =	vmov s22;
	_ =	sdelay $0x3  }
0x189: {  	s25 =	simm.s32 $0x0  }
0x18a: {  	v5 =	vld.idx.msk [tilespmem:v2+s25+$0x20 ss:$0x1], $0xffff  }
0x18b: {  	v3 =	vld.idx.msk [tilespmem:v2+s25+$0x30 ss:$0x1], $0xffff  }
0x18c: {  	v16 =	vld.idx.msk [tilespmem:v2+s25+$0xFFFFFFF0 ss:$0x1], $0xffff  }
0x18d: {  	v15 =	vld.idx.msk [tilespmem:v2+s25+$0xFFFFFFE0 ss:$0x1], $0xffff  }
0x18e: {  	v12 =	vld.idx.msk [tilespmem:v2+s25+$0xFFFFFFC0 ss:$0x1], $0xffff  }
0x18f: {  	v14 =	vimm.f32 $-1.000000020e+30;
	v11 =	vimm.f32 $-1.000000020e+30;
	v8 =	vld.idx.msk [tilespmem:v2+s25+$0xFFFFFFD0 ss:$0x1], $0xffff  }
0x190: {  	v18 =	vimm.f32 $-1.000000020e+30;
	v17 =	vimm.f32 $-1.000000020e+30;
	v10 =	vimm.f32 $-1.000000020e+30;
	v7 =	vld.idx.msk [tilespmem:v2+s25+$0x10 ss:$0x1], $0xffff  }
0x191: {  	s24 =	simm.s32 $0x1000;
	s23 =	simm.s32 $0x2000;
	v9 =	vimm.f32 $-1.000000020e+30;
	v13 =	vimm.f32 $-1.000000020e+30;
	v6 =	vimm.f32 $-1.000000020e+30;
	v4 =	vld.idx.msk [tilespmem:v2+s25+$0x0 ss:$0x1], $0xffff  }
.LBB2_21:
0x192: {  	p0 =	sne.s32 s23, $0x26000  }
0x193: {  	s25 =	sshra.s32 s24, $0x2;
	v19 =	vmin.f32 v14, v16;
	v20 =	vmax.f32 v14, v16;
	s24 =	smov.u32 s23;
	s23 =	sadd.s32 $0x1000, s23  }
0x194: {  	v22 =	vmin.f32 v11, v15;
	v23 =	vmax.f32 v11, v15;
	v21 =	vld.idx.msk [tilespmem:v2+s25+$0x20 ss:$0x1], $0xffff;
	v14 =	vmax.f32 v20, v3  }
0x195: {  	v15 =	vmin.f32 v18, v12;
	v18 =	vmax.f32 v18, v12;
	v11 =	vmax.f32 v23, v5;
	v24 =	vld.idx.msk [tilespmem:v2+s25+$0x30 ss:$0x1], $0xffff  }
0x196: {  	v17 =	vmax.f32 v17, v15;
	v12 =	vmin.f32 v10, v8;
	v8 =	vmax.f32 v10, v8;
	v16 =	vld.idx.msk [tilespmem:v2+s25+$0xFFFFFFF0 ss:$0x1], $0xffff  }
.Ltmp9:
0x197: {  	v13 =	vmax.f32 v13, v22;
	v9 =	vmax.f32 v9, v12;
	v10 =	vmin.f32 v8, v7;
	v15 =	vld.idx.msk [tilespmem:v2+s25+$0xFFFFFFE0 ss:$0x1], $0xffff;
	(pc) =	sbr.rel @p0 .LBB2_21-.Ltmp9, $4  }
0x198: {  	v5 =	vmin.f32 v23, v5;
	v9 =	vmax.f32 v9, v10;
	v10 =	vmax.f32 v8, v7;
	v12 =	vld.idx.msk [tilespmem:v2+s25+$0xFFFFFFC0 ss:$0x1], $0xffff  }
0x199: {  	v20 =	vmin.f32 v20, v3;
	v13 =	vmax.f32 v13, v5;
	v22 =	vmin.f32 v18, v4;
	v8 =	vld.idx.msk [tilespmem:v2+s25+$0xFFFFFFD0 ss:$0x1], $0xffff  }
0x19a: {  	v19 =	vmax.f32 v6, v19;
	v18 =	vmax.f32 v18, v4;
	v17 =	vmax.f32 v17, v22;
	v7 =	vld.idx.msk [tilespmem:v2+s25+$0x10 ss:$0x1], $0xffff  }
0x19b: {  	v6 =	vmax.f32 v19, v20;
	v5 =	vmov v21;
	v3 =	vmov v24;
	v4 =	vld.idx.msk [tilespmem:v2+s25+$0x0 ss:$0x1], $0xffff  }
0x19c: {  	_ =	sdelay $0x2  }
0x19d: {  	s23 =	sshra.s32 s24, $0x2;
	v19 =	vmin.f32 v14, v16;
	v14 =	vmax.f32 v14, v16  }
0x19e: {  	v20 =	vmin.f32 v11, v15;
	v11 =	vmax.f32 v11, v15;
	v16 =	vld.idx.msk [tilespmem:v2+s23+$0x20 ss:$0x1], $0xffff;
	v15 =	vmax.f32 v14, v3  }
0x19f: {  	v21 =	vld.idx.msk [tilespmem:v2+s23+$0x30 ss:$0x1], $0xffff;
	v22 =	vmin.f32 v18, v12;
	v12 =	vmax.f32 v18, v12;
	v18 =	vmax.f32 v11, v5  }
0x1a0: {  	v23 =	vld.idx.msk [tilespmem:v2+s23+$0xFFFFFFF0 ss:$0x1], $0xffff;
	v13 =	vmax.f32 v13, v20;
	v5 =	vmin.f32 v11, v5;
	v3 =	vmin.f32 v14, v3  }
0x1a1: {  	v17 =	vmax.f32 v17, v22;
	v22 =	vmin.f32 v10, v8;
	v8 =	vmax.f32 v10, v8;
	v10 =	vld.idx.msk [tilespmem:v2+s23+$0xFFFFFFE0 ss:$0x1], $0xffff  }
0x1a2: {  	v6 =	vmax.f32 v6, v19;
	v5 =	vmax.f32 v13, v5;
	v9 =	vmax.f32 v9, v22;
	v22 =	vld.idx.msk [tilespmem:v2+s23+$0xFFFFFFC0 ss:$0x1], $0xffff  }
0x1a3: {  	v6 =	vmax.f32 v6, v3;
	v20 =	vmin.f32 v8, v7;
	v7 =	vmax.f32 v8, v7;
	v8 =	vld.idx.msk [tilespmem:v2+s23+$0xFFFFFFD0 ss:$0x1], $0xffff  }
0x1a4: {  	v13 =	vld.idx.msk [tilespmem:v2+s23+$0x10 ss:$0x1], $0xffff;
	v9 =	vmax.f32 v9, v20;
	v11 =	vmin.f32 v12, v4;
	v4 =	vmax.f32 v12, v4  }
0x1a5: {  	v11 =	vmax.f32 v17, v11;
	v12 =	vmin.f32 v15, v23;
	v3 =	vmax.f32 v15, v23  }
0x1a6: {  	v14 =	vld.idx.msk [tilespmem:v2+s23+$0x0 ss:$0x1], $0xffff;
	v15 =	vmin.f32 v18, v10;
	v10 =	vmax.f32 v18, v10;
	v17 =	vmax.f32 v3, v21  }
0x1a7: {  	v18 =	vmin.f32 v4, v22;
	v4 =	vmax.f32 v4, v22;
	v19 =	vmax.f32 v10, v16  }
0x1a8: {  	v11 =	vmax.f32 v11, v18;
	v18 =	vmin.f32 v7, v8;
	v7 =	vmax.f32 v7, v8  }
0x1a9: {  	v5 =	vmax.f32 v5, v15;
	v8 =	vmax.f32 v9, v18;
	v9 =	vmin.f32 v7, v13  }
0x1aa: {  	v7 =	vmax.f32 v7, v13;
	v8 =	vmax.f32 v8, v9;
	v9 =	vmin.f32 v10, v16  }
0x1ab: {  	v10 =	vmin.f32 v4, v14;
	v4 =	vmax.f32 v4, v14;
	v5 =	vmax.f32 v5, v9  }
0x1ac: {  	s23 =	sshll.u32 s21, $0x7;
	v9 =	vmin.f32 v3, v21;
	v3 =	vmax.f32 v11, v10;
	vm3 =	vge.f32 v4, v7  }
0x1ad: {  	v10 =	vmax.f32 v4, v7;
	v4 =	vmin.f32 v4, v7;
	v7 =	vsel vm3, v3, v8;
	v3 =	vld [tilespmem:s23+$0x13800]  }
0x1ae: {  	v6 =	vmax.f32 v6, v12;
	vm3 =	vge.f32 v10, v19;
	v4 =	vmax.f32 v4, v7;
	v7 =	vld [tilespmem:s23+$0x13C00]  }
0x1af: {  	v8 =	vmax.f32 v10, v19;
	v10 =	vmin.f32 v10, v19;
	v4 =	vsel vm3, v4, v5  }
0x1b0: {  	v5 =	vmax.f32 v6, v9;
	vm3 =	vge.f32 v8, v17;
	v4 =	vmax.f32 v10, v4  }
0x1b1: {  	v6 =	vmax.f32 v8, v17;
	v8 =	vmin.f32 v8, v17;
	v4 =	vsel vm3, v4, v5  }
0x1b2: {  	v5 =	vmax.f32 v8, v4;
	vm3 =	vge.f32 v3, v6  }
0x1b3: {  	v4 =	vmax.f32 v3, v6;
	v6 =	vmin.f32 v3, v6;
	v5 =	vsel vm3, v7, v5  }
0x1b4: {  	[tilespmem:s23+$0x13800] =	vst v4;
	v5 =	vmax.f32 v6, v5  }
0x1b5: {  	s29 =	simm.s32 $0x0;
	[tilespmem:s23+$0x13C00] =	vst v5  }
0x1b6: {  	v5 =	vld.idx.msk [tilespmem:v2+s29+$0x0 ss:$0x1], $0xffff  }
0x1b7: {  	v6 =	vld.idx.msk [tilespmem:v2+s29+$0x10 ss:$0x1], $0xffff  }
0x1b8: {  	v7 =	vld.idx.msk [tilespmem:v2+s29+$0xFFFFFFC0 ss:$0x1], $0xffff  }
0x1b9: {  	v8 =	vld.idx.msk [tilespmem:v2+s29+$0xFFFFFFD0 ss:$0x1], $0xffff  }
0x1ba: {  	v9 =	vld.idx.msk [tilespmem:v2+s29+$0xFFFFFFE0 ss:$0x1], $0xffff  }
0x1bb: {  	v10 =	vld.idx.msk [tilespmem:v2+s29+$0xFFFFFFF0 ss:$0x1], $0xffff  }
0x1bc: {  	v11 =	vld.idx.msk [tilespmem:v2+s29+$0x20 ss:$0x1], $0xffff;
	v5 =	vsub.f32 v5, v4  }
0x1bd: {  	v12 =	vld.idx.msk [tilespmem:v2+s29+$0x30 ss:$0x1], $0xffff;
	v6 =	vsub.f32 v6, v4;
	v7 =	vsub.f32 v7, v4  }
0x1be: {  	s30 =	simm.s32 $0x400;
	v8 =	vsub.f32 v8, v4;
	v5 =	vmul.f32 $1.442695020e+00, v5  }
0x1bf: {  	v13 =	vld.idx.msk [tilespmem:v2+s30+$0x0 ss:$0x1], $0xffff;
	v9 =	vsub.f32 v9, v4;
	v6 =	vmul.f32 $1.442695020e+00, v6;
	v7 =	vmul.f32 $1.442695020e+00, v7  }
0x1c0: {  	v14 =	vld.idx.msk [tilespmem:v2+s30+$0x10 ss:$0x1], $0xffff;
	v8 =	vmul.f32 $1.442695020e+00, v8;
	(erf) = vpow2.f32 v5  }
0x1c1: {  	v10 =	vsub.f32 v10, v4;
	v9 =	vmul.f32 $1.442695020e+00, v9;
	v5 =	vld.idx.msk [tilespmem:v2+s30+$0x20 ss:$0x1], $0xffff;
	(erf) = vpow2.f32 v6  }
0x1c2: {  	v6 =	vsub.f32 v11, v4;
	(erf) = vpow2.f32 v7;
	v7 =	vsub.f32 v12, v4;
	v12 =	vld.idx.msk [tilespmem:v2+s30+$0xFFFFFFC0 ss:$0x1], $0xffff  }
0x1c3: {  	v15 =	vld.idx.msk [tilespmem:v2+s30+$0xFFFFFFE0 ss:$0x1], $0xffff;
	v10 =	vmul.f32 $1.442695020e+00, v10;
	(erf) = vpow2.f32 v8  }
0x1c4: {  	v6 =	vmul.f32 $1.442695020e+00, v6;
	v8 =	vld.idx.msk [tilespmem:v2+s30+$0xFFFFFFD0 ss:$0x1], $0xffff;
	(erf) = vpow2.f32 v9  }
0x1c5: {  	v11 =	vld.idx.msk [tilespmem:v2+s30+$0x30 ss:$0x1], $0xffff;
	v7 =	vmul.f32 $1.442695020e+00, v7;
	v9 =	vsub.f32 v13, v4;
	(erf) = vpow2.f32 v10  }
0x1c6: {  	v10 =	vld.idx.msk [tilespmem:v2+s30+$0xFFFFFFF0 ss:$0x1], $0xffff;
	v13 =	vsub.f32 v5, v4;
	(erf) = vpow2.f32 v6;
	v6 =	vsub.f32 v14, v4  }
0x1c7: {  	s31 =	simm.s32 $0x800;
	v14 =	vmul.f32 $1.442695020e+00, v9;
	(erf) = vpow2.f32 v7;
	v12 =	vsub.f32 v12, v4  }
0x1c8: {  	v15 =	vsub.f32 v15, v4;
	v7 =	vld.idx.msk [tilespmem:v2+s31+$0x0 ss:$0x1], $0xffff;
	v6 =	vmul.f32 $1.442695020e+00, v6  }
0x1c9: {  	v19 =	vld.idx.msk [tilespmem:v2+s31+$0xFFFFFFE0 ss:$0x1], $0xffff;
	v9 =	vmul.f32 $1.442695020e+00, v13;
	v17 =	vsub.f32 v8, v4;
	v21 =	vpop (erf);
	v13 =	vmul.f32 $1.442695020e+00, v12  }
0x1ca: {  	v23 =	vmul.f32 $1.442695020e+00, v15;
	v15 =	vld.idx.msk [tilespmem:v2+s31+$0xFFFFFFC0 ss:$0x1], $0xffff;
	v16 =	vsub.f32 v11, v4;
	v22 =	vpop (erf)  }
0x1cb: {  	v5 =	vld [tilespmem:s23+$0x14000];
	(erf) = vpow2.f32 v14;
	v17 =	vmul.f32 $1.442695020e+00, v17;
	v18 =	vsub.f32 v10, v4;
	v14 =	vpop (erf)  }
0x1cc: {  	v20 =	vimm.f32 $0.0e+00;
	v11 =	vld.idx.msk [tilespmem:v2+s31+$0x10 ss:$0x1], $0xffff;
	v12 =	vmul.f32 $1.442695020e+00, v16;
	(erf) = vpow2.f32 v6;
	v6 =	vpop (erf)  }
0x1cd: {  	v8 =	vld.idx.msk [tilespmem:v2+s31+$0x20 ss:$0x1], $0xffff;
	v16 =	vsub.f32 v7, v4;
	v7 =	vmul.f32 $1.442695020e+00, v18;
	(erf) = vpow2.f32 v13;
	v13 =	vpop (erf)  }
0x1ce: {  	v10 =	vld.idx.msk [tilespmem:v2+s31+$0x30 ss:$0x1], $0xffff;
	v24 =	vadd.f32 v14, v20;
	(erf) = vpow2.f32 v17;
	v25 =	vadd.f32 v6, v20;
	v6 =	vpop (erf)  }
0x1cf: {  	v18 =	vld.idx.msk [tilespmem:v2+s31+$0xFFFFFFD0 ss:$0x1], $0xffff;
	(erf) = vpow2.f32 v23;
	v13 =	vadd.f32 v13, v20;
	v14 =	vadd.f32 v6, v20;
	v17 =	vpop (erf)  }
0x1d0: {  	s24 =	simm.s32 $0x3000;
	v20 =	vld.idx.msk [tilespmem:v2+s31+$0xFFFFFFF0 ss:$0x1], $0xffff;
	(erf) = vpow2.f32 v7;
	v6 =	vadd.f32 v21, v24;
	v7 =	vadd.f32 v22, v25;
	v21 =	vpop (erf)  }
.LBB2_23:
0x1d1: {  	s25 =	sshra.s32 s24, $0x2;
	p0 =	sne.s32 s24, $0x26000;
	(erf) = vpow2.f32 v9;
	v13 =	vadd.f32 v17, v13;
	v14 =	vadd.f32 v21, v14  }
0x1d2: {  	v9 =	vsub.f32 v11, v4;
	v8 =	vsub.f32 v8, v4;
	v17 =	vld.idx.msk [tilespmem:v2+s25+$0x0 ss:$0x1], $0xffff;
	(erf) = vpow2.f32 v12  }
0x1d3: {  	v10 =	vsub.f32 v10, v4;
	v12 =	vsub.f32 v15, v4;
	v15 =	vmul.f32 $1.442695020e+00, v16  }
0x1d4: {  	v16 =	vsub.f32 v18, v4;
	v18 =	vmul.f32 $1.442695020e+00, v9;
	v9 =	vmul.f32 $1.442695020e+00, v8;
	v21 =	vpop (erf)  }
0x1d5: {  	v22 =	vmul.f32 $1.442695020e+00, v12;
	v27 =	vsub.f32 v19, v4;
	v12 =	vmul.f32 $1.442695020e+00, v10;
	v11 =	vld.idx.msk [tilespmem:v2+s25+$0x10 ss:$0x1], $0xffff;
	v23 =	vpop (erf)  }
0x1d6: {  	v24 =	vmul.f32 $1.442695020e+00, v16;
	v28 =	vsub.f32 v20, v4;
	v8 =	vld.idx.msk [tilespmem:v2+s25+$0x20 ss:$0x1], $0xffff;
	(erf) = vpow2.f32 v15;
	v25 =	vpop (erf)  }
.Ltmp10:
0x1d7: {  	v26 =	vmul.f32 $1.442695020e+00, v27;
	v10 =	vld.idx.msk [tilespmem:v2+s25+$0x30 ss:$0x1], $0xffff;
	(erf) = vpow2.f32 v18;
	v19 =	vpop (erf);
	(pc) =	sbr.rel @p0 .LBB2_23-.Ltmp10, $4  }
0x1d8: {  	v16 =	vsub.f32 v17, v4;
	v27 =	vmul.f32 $1.442695020e+00, v28;
	v15 =	vld.idx.msk [tilespmem:v2+s25+$0xFFFFFFC0 ss:$0x1], $0xffff;
	(erf) = vpow2.f32 v22;
	v17 =	vpop (erf)  }
0x1d9: {  	v6 =	vadd.f32 v25, v6;
	v7 =	vadd.f32 v19, v7;
	v18 =	vld.idx.msk [tilespmem:v2+s25+$0xFFFFFFD0 ss:$0x1], $0xffff;
	(erf) = vpow2.f32 v24;
	v20 =	vpop (erf)  }
0x1da: {  	v13 =	vadd.f32 v17, v13;
	v19 =	vld.idx.msk [tilespmem:v2+s25+$0xFFFFFFE0 ss:$0x1], $0xffff;
	(erf) = vpow2.f32 v26;
	v14 =	vadd.f32 v20, v14;
	v17 =	vpop (erf)  }
0x1db: {  	s24 =	sadd.s32 $0x1000, s24;
	v6 =	vadd.f32 v21, v6;
	v7 =	vadd.f32 v23, v7;
	v20 =	vld.idx.msk [tilespmem:v2+s25+$0xFFFFFFF0 ss:$0x1], $0xffff;
	(erf) = vpow2.f32 v27;
	v21 =	vpop (erf)  }
0x1dc: {  	v2 =	vsub.f32 v11, v4  }
0x1dd: {  	(erf) = vpow2.f32 v9;
	v41 =	vmul.f32 $1.442695020e+00, v16;
	v40 =	vsub.f32 v15, v4  }
0x1de: {  	(erf) = vpow2.f32 v12;
	v42 =	vsub.f32 v18, v4;
	v2 =	vmul.f32 $1.442695020e+00, v2  }
0x1df: {  	(erf) = vpow2.f32 v41;
	v9 =	vmul.f32 $1.442695020e+00, v40;
	v43 =	vsub.f32 v19, v4  }
0x1e0: {  	v44 =	vpop (erf);
	v12 =	vmul.f32 $1.442695020e+00, v42;
	v45 =	vsub.f32 v20, v4;
	(erf) = vpow2.f32 v2  }
0x1e1: {  	v2 =	vsub.f32 v8, v4;
	v46 =	vpop (erf);
	v15 =	vmul.f32 $1.442695020e+00, v43;
	(erf) = vpow2.f32 v9  }
0x1e2: {  	v47 =	vsub.f32 v10, v4;
	v48 =	vpop (erf);
	v16 =	vmul.f32 $1.442695020e+00, v45;
	(erf) = vpow2.f32 v12  }
0x1e3: {  	v3 =	vsub.f32 v3, v4;
	v2 =	vmul.f32 $1.442695020e+00, v2;
	v49 =	vpop (erf);
	(erf) = vpow2.f32 v15  }
0x1e4: {  	v50 =	vmul.f32 $1.442695020e+00, v47;
	v51 =	vpop (erf);
	(erf) = vpow2.f32 v16  }
0x1e5: {  	v52 =	vpop (erf);
	(erf) = vpow2.f32 v2;
	v2 =	vmul.f32 $1.442695020e+00, v3;
	_ =	sdelay $0x1  }
0x1e6: {  	v3 =	vpop (erf);
	(erf) = vpow2.f32 v50  }
0x1e7: {  	v53 =	vpop (erf);
	(erf) = vpow2.f32 v2  }
0x1e8: {  	v13 =	vadd.f32 v17, v13;
	v6 =	vadd.f32 v48, v6;
	v2 =	vpop (erf)  }
0x1e9: {  	v14 =	vadd.f32 v21, v14;
	v7 =	vadd.f32 v49, v7;
	v54 =	vpop (erf)  }
0x1ea: {  	v9 =	vadd.f32 v51, v13;
	v6 =	vadd.f32 v44, v6;
	v56 =	vpop (erf)  }
0x1eb: {  	v55 =	vadd.f32 v52, v14;
	v7 =	vadd.f32 v46, v7;
	v57 =	vpop (erf)  }
0x1ec: {  	v3 =	vadd.f32 v3, v9;
	v6 =	vadd.f32 v56, v6;
	v58 =	vpop (erf)  }
0x1ed: {  	v4 =	vadd.f32 v53, v55;
	v7 =	vadd.f32 v57, v7;
	v59 =	vpop (erf)  }
0x1ee: {  	v3 =	vadd.f32 v58, v3;
	v2 =	vadd.f32 v2, v6;
	v60 =	vpop (erf)  }
0x1ef: {  	v4 =	vadd.f32 v59, v4;
	v61 =	vadd.f32 v54, v7;
	v62 =	vpop (erf)  }
0x1f0: {  	v3 =	vadd.f32 v60, v3;
	v63 =	vpop (erf)  }
0x1f1: {  	s21 =	sadd.s32 $0x1, s21;
	v4 =	vadd.f32 v62, v4;
	v2 =	vadd.f32 v61, v2;
	v5 =	vmul.f32 v63, v5  }
0x1f2: {  	p0 =	sne.s32 s21, $0x8  }
.Ltmp11:
0x1f3: {  	v3 =	vadd.f32 v4, v3;
	v2 =	vadd.f32 v2, v5;
	(pc) =	sbr.rel @p0 .LBB2_20-.Ltmp11, $3  }
0x1f4: {  	_ = 	snop  }
0x1f5: {  	v2 =	vadd.f32 v3, v2;
	_ =	sdelay $0x1  }
0x1f6: {  	s22 =	sadd.s32 $0x80, s22;
	[tilespmem:s23+$0x14000] =	vst v2  }
0x1f7: {  	_ =	swait.ge [sflag:s3], $0x9C00  }
0x1f8: {  	[sflag:s3] =	ssyncset.done $0x0  }
0x1f9: {  	s21 =	simm.s32 $0x0;
	s22 =	simm.s32 $0x40;
	[sflag:s3] =	ssyncadd.s32 $0xFFFF6400  }
0x1fa: {  	[tilespmem:s16], [sflag:$0x2] =	stream.linear.gather [hbm4b:s9+s21], $0x9C00, $0x38;
	[tilespmem:$0x14800] =	vst v63  }
.LBB2_26:
0x1fb: {  	v2 =	vmov s22;
	_ =	sdelay $0x3  }
0x1fc: {  	s25 =	simm.s32 $0x0  }
0x1fd: {  	v5 =	vld.idx.msk [tilespmem:v2+s25+$0x20 ss:$0x1], $0xffff  }
0x1fe: {  	v3 =	vld.idx.msk [tilespmem:v2+s25+$0x30 ss:$0x1], $0xffff  }
0x1ff: {  	v16 =	vld.idx.msk [tilespmem:v2+s25+$0xFFFFFFF0 ss:$0x1], $0xffff  }
0x200: {  	v15 =	vld.idx.msk [tilespmem:v2+s25+$0xFFFFFFE0 ss:$0x1], $0xffff  }
0x201: {  	v12 =	vld.idx.msk [tilespmem:v2+s25+$0xFFFFFFC0 ss:$0x1], $0xffff  }
0x202: {  	v14 =	vimm.f32 $-1.000000020e+30;
	v11 =	vimm.f32 $-1.000000020e+30;
	v8 =	vld.idx.msk [tilespmem:v2+s25+$0xFFFFFFD0 ss:$0x1], $0xffff  }
0x203: {  	v18 =	vimm.f32 $-1.000000020e+30;
	v17 =	vimm.f32 $-1.000000020e+30;
	v10 =	vimm.f32 $-1.000000020e+30;
	v7 =	vld.idx.msk [tilespmem:v2+s25+$0x10 ss:$0x1], $0xffff  }
0x204: {  	s24 =	simm.s32 $0x1000;
	s23 =	simm.s32 $0x2000;
	v9 =	vimm.f32 $-1.000000020e+30;
	v13 =	vimm.f32 $-1.000000020e+30;
	v6 =	vimm.f32 $-1.000000020e+30;
	v4 =	vld.idx.msk [tilespmem:v2+s25+$0x0 ss:$0x1], $0xffff  }
.LBB2_27:
0x205: {  	p0 =	sne.s32 s23, $0x26000  }
0x206: {  	s25 =	sshra.s32 s24, $0x2;
	v19 =	vmin.f32 v14, v16;
	v20 =	vmax.f32 v14, v16;
	s24 =	smov.u32 s23;
	s23 =	sadd.s32 $0x1000, s23  }
0x207: {  	v22 =	vmin.f32 v11, v15;
	v23 =	vmax.f32 v11, v15;
	v21 =	vld.idx.msk [tilespmem:v2+s25+$0x20 ss:$0x1], $0xffff;
	v14 =	vmax.f32 v20, v3  }
0x208: {  	v15 =	vmin.f32 v18, v12;
	v18 =	vmax.f32 v18, v12;
	v11 =	vmax.f32 v23, v5;
	v24 =	vld.idx.msk [tilespmem:v2+s25+$0x30 ss:$0x1], $0xffff  }
0x209: {  	v17 =	vmax.f32 v17, v15;
	v12 =	vmin.f32 v10, v8;
	v8 =	vmax.f32 v10, v8;
	v16 =	vld.idx.msk [tilespmem:v2+s25+$0xFFFFFFF0 ss:$0x1], $0xffff  }
.Ltmp12:
0x20a: {  	v13 =	vmax.f32 v13, v22;
	v9 =	vmax.f32 v9, v12;
	v10 =	vmin.f32 v8, v7;
	v15 =	vld.idx.msk [tilespmem:v2+s25+$0xFFFFFFE0 ss:$0x1], $0xffff;
	(pc) =	sbr.rel @p0 .LBB2_27-.Ltmp12, $4  }
0x20b: {  	v5 =	vmin.f32 v23, v5;
	v9 =	vmax.f32 v9, v10;
	v10 =	vmax.f32 v8, v7;
	v12 =	vld.idx.msk [tilespmem:v2+s25+$0xFFFFFFC0 ss:$0x1], $0xffff  }
0x20c: {  	v20 =	vmin.f32 v20, v3;
	v13 =	vmax.f32 v13, v5;
	v22 =	vmin.f32 v18, v4;
	v8 =	vld.idx.msk [tilespmem:v2+s25+$0xFFFFFFD0 ss:$0x1], $0xffff  }
0x20d: {  	v19 =	vmax.f32 v6, v19;
	v18 =	vmax.f32 v18, v4;
	v17 =	vmax.f32 v17, v22;
	v7 =	vld.idx.msk [tilespmem:v2+s25+$0x10 ss:$0x1], $0xffff  }
0x20e: {  	v6 =	vmax.f32 v19, v20;
	v5 =	vmov v21;
	v3 =	vmov v24;
	v4 =	vld.idx.msk [tilespmem:v2+s25+$0x0 ss:$0x1], $0xffff  }
0x20f: {  	_ =	sdelay $0x2  }
0x210: {  	s23 =	sshra.s32 s24, $0x2;
	v19 =	vmin.f32 v14, v16;
	v14 =	vmax.f32 v14, v16  }
0x211: {  	v20 =	vmin.f32 v11, v15;
	v11 =	vmax.f32 v11, v15;
	v16 =	vld.idx.msk [tilespmem:v2+s23+$0x20 ss:$0x1], $0xffff;
	v15 =	vmax.f32 v14, v3  }
0x212: {  	v21 =	vld.idx.msk [tilespmem:v2+s23+$0x30 ss:$0x1], $0xffff;
	v22 =	vmin.f32 v18, v12;
	v12 =	vmax.f32 v18, v12;
	v18 =	vmax.f32 v11, v5  }
0x213: {  	v23 =	vld.idx.msk [tilespmem:v2+s23+$0xFFFFFFF0 ss:$0x1], $0xffff;
	v13 =	vmax.f32 v13, v20;
	v5 =	vmin.f32 v11, v5;
	v3 =	vmin.f32 v14, v3  }
0x214: {  	v17 =	vmax.f32 v17, v22;
	v22 =	vmin.f32 v10, v8;
	v8 =	vmax.f32 v10, v8;
	v10 =	vld.idx.msk [tilespmem:v2+s23+$0xFFFFFFE0 ss:$0x1], $0xffff  }
0x215: {  	v6 =	vmax.f32 v6, v19;
	v5 =	vmax.f32 v13, v5;
	v9 =	vmax.f32 v9, v22;
	v22 =	vld.idx.msk [tilespmem:v2+s23+$0xFFFFFFC0 ss:$0x1], $0xffff  }
0x216: {  	v6 =	vmax.f32 v6, v3;
	v20 =	vmin.f32 v8, v7;
	v7 =	vmax.f32 v8, v7;
	v8 =	vld.idx.msk [tilespmem:v2+s23+$0xFFFFFFD0 ss:$0x1], $0xffff  }
0x217: {  	v13 =	vld.idx.msk [tilespmem:v2+s23+$0x10 ss:$0x1], $0xffff;
	v9 =	vmax.f32 v9, v20;
	v11 =	vmin.f32 v12, v4;
	v4 =	vmax.f32 v12, v4  }
0x218: {  	v11 =	vmax.f32 v17, v11;
	v12 =	vmin.f32 v15, v23;
	v3 =	vmax.f32 v15, v23  }
0x219: {  	v14 =	vld.idx.msk [tilespmem:v2+s23+$0x0 ss:$0x1], $0xffff;
	v15 =	vmin.f32 v18, v10;
	v10 =	vmax.f32 v18, v10;
	v17 =	vmax.f32 v3, v21  }
0x21a: {  	v18 =	vmin.f32 v4, v22;
	v4 =	vmax.f32 v4, v22;
	v19 =	vmax.f32 v10, v16  }
0x21b: {  	v11 =	vmax.f32 v11, v18;
	v18 =	vmin.f32 v7, v8;
	v7 =	vmax.f32 v7, v8  }
0x21c: {  	v5 =	vmax.f32 v5, v15;
	v8 =	vmax.f32 v9, v18;
	v9 =	vmin.f32 v7, v13  }
0x21d: {  	v7 =	vmax.f32 v7, v13;
	v8 =	vmax.f32 v8, v9;
	v9 =	vmin.f32 v10, v16  }
0x21e: {  	v10 =	vmin.f32 v4, v14;
	v4 =	vmax.f32 v4, v14;
	v5 =	vmax.f32 v5, v9  }
0x21f: {  	s23 =	sshll.u32 s21, $0x7;
	v9 =	vmin.f32 v3, v21;
	v3 =	vmax.f32 v11, v10;
	vm3 =	vge.f32 v4, v7  }
0x220: {  	v10 =	vmax.f32 v4, v7;
	v4 =	vmin.f32 v4, v7;
	v7 =	vsel vm3, v3, v8;
	v3 =	vld [tilespmem:s23+$0x13800]  }
0x221: {  	v6 =	vmax.f32 v6, v12;
	vm3 =	vge.f32 v10, v19;
	v4 =	vmax.f32 v4, v7;
	v7 =	vld [tilespmem:s23+$0x13C00]  }
0x222: {  	v8 =	vmax.f32 v10, v19;
	v10 =	vmin.f32 v10, v19;
	v4 =	vsel vm3, v4, v5  }
0x223: {  	v5 =	vmax.f32 v6, v9;
	vm3 =	vge.f32 v8, v17;
	v4 =	vmax.f32 v10, v4  }
0x224: {  	v6 =	vmax.f32 v8, v17;
	v8 =	vmin.f32 v8, v17;
	v4 =	vsel vm3, v4, v5  }
0x225: {  	v5 =	vmax.f32 v8, v4;
	vm3 =	vge.f32 v3, v6  }
0x226: {  	v4 =	vmax.f32 v3, v6;
	v6 =	vmin.f32 v3, v6;
	v5 =	vsel vm3, v7, v5  }
0x227: {  	[tilespmem:s23+$0x13800] =	vst v4;
	v5 =	vmax.f32 v6, v5  }
0x228: {  	s29 =	simm.s32 $0x0;
	[tilespmem:s23+$0x13C00] =	vst v5  }
0x229: {  	v5 =	vld.idx.msk [tilespmem:v2+s29+$0x0 ss:$0x1], $0xffff  }
0x22a: {  	v6 =	vld.idx.msk [tilespmem:v2+s29+$0x10 ss:$0x1], $0xffff  }
0x22b: {  	v7 =	vld.idx.msk [tilespmem:v2+s29+$0xFFFFFFC0 ss:$0x1], $0xffff  }
0x22c: {  	v8 =	vld.idx.msk [tilespmem:v2+s29+$0xFFFFFFD0 ss:$0x1], $0xffff  }
0x22d: {  	v9 =	vld.idx.msk [tilespmem:v2+s29+$0xFFFFFFE0 ss:$0x1], $0xffff  }
0x22e: {  	v10 =	vld.idx.msk [tilespmem:v2+s29+$0xFFFFFFF0 ss:$0x1], $0xffff  }
0x22f: {  	v11 =	vld.idx.msk [tilespmem:v2+s29+$0x20 ss:$0x1], $0xffff;
	v5 =	vsub.f32 v5, v4  }
0x230: {  	v12 =	vld.idx.msk [tilespmem:v2+s29+$0x30 ss:$0x1], $0xffff;
	v6 =	vsub.f32 v6, v4;
	v7 =	vsub.f32 v7, v4  }
0x231: {  	s30 =	simm.s32 $0x400;
	v8 =	vsub.f32 v8, v4;
	v5 =	vmul.f32 $1.442695020e+00, v5  }
0x232: {  	v13 =	vld.idx.msk [tilespmem:v2+s30+$0x0 ss:$0x1], $0xffff;
	v9 =	vsub.f32 v9, v4;
	v6 =	vmul.f32 $1.442695020e+00, v6;
	v7 =	vmul.f32 $1.442695020e+00, v7  }
0x233: {  	v14 =	vld.idx.msk [tilespmem:v2+s30+$0x10 ss:$0x1], $0xffff;
	v8 =	vmul.f32 $1.442695020e+00, v8;
	(erf) = vpow2.f32 v5  }
0x234: {  	v10 =	vsub.f32 v10, v4;
	v9 =	vmul.f32 $1.442695020e+00, v9;
	v5 =	vld.idx.msk [tilespmem:v2+s30+$0x20 ss:$0x1], $0xffff;
	(erf) = vpow2.f32 v6  }
0x235: {  	v6 =	vsub.f32 v11, v4;
	(erf) = vpow2.f32 v7;
	v7 =	vsub.f32 v12, v4;
	v12 =	vld.idx.msk [tilespmem:v2+s30+$0xFFFFFFC0 ss:$0x1], $0xffff  }
0x236: {  	v15 =	vld.idx.msk [tilespmem:v2+s30+$0xFFFFFFE0 ss:$0x1], $0xffff;
	v10 =	vmul.f32 $1.442695020e+00, v10;
	(erf) = vpow2.f32 v8  }
0x237: {  	v6 =	vmul.f32 $1.442695020e+00, v6;
	v8 =	vld.idx.msk [tilespmem:v2+s30+$0xFFFFFFD0 ss:$0x1], $0xffff;
	(erf) = vpow2.f32 v9  }
0x238: {  	v11 =	vld.idx.msk [tilespmem:v2+s30+$0x30 ss:$0x1], $0xffff;
	v7 =	vmul.f32 $1.442695020e+00, v7;
	v9 =	vsub.f32 v13, v4;
	(erf) = vpow2.f32 v10  }
0x239: {  	v10 =	vld.idx.msk [tilespmem:v2+s30+$0xFFFFFFF0 ss:$0x1], $0xffff;
	v13 =	vsub.f32 v5, v4;
	(erf) = vpow2.f32 v6;
	v6 =	vsub.f32 v14, v4  }
0x23a: {  	s31 =	simm.s32 $0x800;
	v14 =	vmul.f32 $1.442695020e+00, v9;
	(erf) = vpow2.f32 v7;
	v12 =	vsub.f32 v12, v4  }
0x23b: {  	v15 =	vsub.f32 v15, v4;
	v7 =	vld.idx.msk [tilespmem:v2+s31+$0x0 ss:$0x1], $0xffff;
	v6 =	vmul.f32 $1.442695020e+00, v6  }
0x23c: {  	v19 =	vld.idx.msk [tilespmem:v2+s31+$0xFFFFFFE0 ss:$0x1], $0xffff;
	v9 =	vmul.f32 $1.442695020e+00, v13;
	v17 =	vsub.f32 v8, v4;
	v21 =	vpop (erf);
	v13 =	vmul.f32 $1.442695020e+00, v12  }
0x23d: {  	v23 =	vmul.f32 $1.442695020e+00, v15;
	v15 =	vld.idx.msk [tilespmem:v2+s31+$0xFFFFFFC0 ss:$0x1], $0xffff;
	v16 =	vsub.f32 v11, v4;
	v22 =	vpop (erf)  }
0x23e: {  	v5 =	vld [tilespmem:s23+$0x14000];
	(erf) = vpow2.f32 v14;
	v17 =	vmul.f32 $1.442695020e+00, v17;
	v18 =	vsub.f32 v10, v4;
	v14 =	vpop (erf)  }
0x23f: {  	v20 =	vimm.f32 $0.0e+00;
	v11 =	vld.idx.msk [tilespmem:v2+s31+$0x10 ss:$0x1], $0xffff;
	v12 =	vmul.f32 $1.442695020e+00, v16;
	(erf) = vpow2.f32 v6;
	v6 =	vpop (erf)  }
0x240: {  	v8 =	vld.idx.msk [tilespmem:v2+s31+$0x20 ss:$0x1], $0xffff;
	v16 =	vsub.f32 v7, v4;
	v7 =	vmul.f32 $1.442695020e+00, v18;
	(erf) = vpow2.f32 v13;
	v13 =	vpop (erf)  }
0x241: {  	v10 =	vld.idx.msk [tilespmem:v2+s31+$0x30 ss:$0x1], $0xffff;
	v24 =	vadd.f32 v14, v20;
	(erf) = vpow2.f32 v17;
	v25 =	vadd.f32 v6, v20;
	v6 =	vpop (erf)  }
0x242: {  	v18 =	vld.idx.msk [tilespmem:v2+s31+$0xFFFFFFD0 ss:$0x1], $0xffff;
	(erf) = vpow2.f32 v23;
	v13 =	vadd.f32 v13, v20;
	v14 =	vadd.f32 v6, v20;
	v17 =	vpop (erf)  }
0x243: {  	s24 =	simm.s32 $0x3000;
	v20 =	vld.idx.msk [tilespmem:v2+s31+$0xFFFFFFF0 ss:$0x1], $0xffff;
	(erf) = vpow2.f32 v7;
	v6 =	vadd.f32 v21, v24;
	v7 =	vadd.f32 v22, v25;
	v21 =	vpop (erf)  }
.LBB2_29:
0x244: {  	s25 =	sshra.s32 s24, $0x2;
	p0 =	sne.s32 s24, $0x26000;
	(erf) = vpow2.f32 v9;
	v13 =	vadd.f32 v17, v13;
	v14 =	vadd.f32 v21, v14  }
0x245: {  	v9 =	vsub.f32 v11, v4;
	v8 =	vsub.f32 v8, v4;
	v17 =	vld.idx.msk [tilespmem:v2+s25+$0x0 ss:$0x1], $0xffff;
	(erf) = vpow2.f32 v12  }
0x246: {  	v10 =	vsub.f32 v10, v4;
	v12 =	vsub.f32 v15, v4;
	v15 =	vmul.f32 $1.442695020e+00, v16  }
0x247: {  	v16 =	vsub.f32 v18, v4;
	v18 =	vmul.f32 $1.442695020e+00, v9;
	v9 =	vmul.f32 $1.442695020e+00, v8;
	v21 =	vpop (erf)  }
0x248: {  	v22 =	vmul.f32 $1.442695020e+00, v12;
	v27 =	vsub.f32 v19, v4;
	v12 =	vmul.f32 $1.442695020e+00, v10;
	v11 =	vld.idx.msk [tilespmem:v2+s25+$0x10 ss:$0x1], $0xffff;
	v23 =	vpop (erf)  }
0x249: {  	v24 =	vmul.f32 $1.442695020e+00, v16;
	v28 =	vsub.f32 v20, v4;
	v8 =	vld.idx.msk [tilespmem:v2+s25+$0x20 ss:$0x1], $0xffff;
	(erf) = vpow2.f32 v15;
	v25 =	vpop (erf)  }
.Ltmp13:
0x24a: {  	v26 =	vmul.f32 $1.442695020e+00, v27;
	v10 =	vld.idx.msk [tilespmem:v2+s25+$0x30 ss:$0x1], $0xffff;
	(erf) = vpow2.f32 v18;
	v19 =	vpop (erf);
	(pc) =	sbr.rel @p0 .LBB2_29-.Ltmp13, $4  }
0x24b: {  	v16 =	vsub.f32 v17, v4;
	v27 =	vmul.f32 $1.442695020e+00, v28;
	v15 =	vld.idx.msk [tilespmem:v2+s25+$0xFFFFFFC0 ss:$0x1], $0xffff;
	(erf) = vpow2.f32 v22;
	v17 =	vpop (erf)  }
0x24c: {  	v6 =	vadd.f32 v25, v6;
	v7 =	vadd.f32 v19, v7;
	v18 =	vld.idx.msk [tilespmem:v2+s25+$0xFFFFFFD0 ss:$0x1], $0xffff;
	(erf) = vpow2.f32 v24;
	v20 =	vpop (erf)  }
0x24d: {  	v13 =	vadd.f32 v17, v13;
	v19 =	vld.idx.msk [tilespmem:v2+s25+$0xFFFFFFE0 ss:$0x1], $0xffff;
	(erf) = vpow2.f32 v26;
	v14 =	vadd.f32 v20, v14;
	v17 =	vpop (erf)  }
0x24e: {  	s24 =	sadd.s32 $0x1000, s24;
	v6 =	vadd.f32 v21, v6;
	v7 =	vadd.f32 v23, v7;
	v20 =	vld.idx.msk [tilespmem:v2+s25+$0xFFFFFFF0 ss:$0x1], $0xffff;
	(erf) = vpow2.f32 v27;
	v21 =	vpop (erf)  }
0x24f: {  	v2 =	vsub.f32 v11, v4  }
0x250: {  	(erf) = vpow2.f32 v9;
	v41 =	vmul.f32 $1.442695020e+00, v16;
	v40 =	vsub.f32 v15, v4  }
0x251: {  	(erf) = vpow2.f32 v12;
	v42 =	vsub.f32 v18, v4;
	v2 =	vmul.f32 $1.442695020e+00, v2  }
0x252: {  	(erf) = vpow2.f32 v41;
	v9 =	vmul.f32 $1.442695020e+00, v40;
	v43 =	vsub.f32 v19, v4  }
0x253: {  	v44 =	vpop (erf);
	v12 =	vmul.f32 $1.442695020e+00, v42;
	v45 =	vsub.f32 v20, v4;
	(erf) = vpow2.f32 v2  }
0x254: {  	v2 =	vsub.f32 v8, v4;
	v46 =	vpop (erf);
	v15 =	vmul.f32 $1.442695020e+00, v43;
	(erf) = vpow2.f32 v9  }
0x255: {  	v47 =	vsub.f32 v10, v4;
	v48 =	vpop (erf);
	v16 =	vmul.f32 $1.442695020e+00, v45;
	(erf) = vpow2.f32 v12  }
0x256: {  	v3 =	vsub.f32 v3, v4;
	v2 =	vmul.f32 $1.442695020e+00, v2;
	v49 =	vpop (erf);
	(erf) = vpow2.f32 v15  }
0x257: {  	v50 =	vmul.f32 $1.442695020e+00, v47;
	v51 =	vpop (erf);
	(erf) = vpow2.f32 v16  }
0x258: {  	v52 =	vpop (erf);
	(erf) = vpow2.f32 v2;
	v2 =	vmul.f32 $1.442695020e+00, v3;
	_ =	sdelay $0x1  }
0x259: {  	v3 =	vpop (erf);
	(erf) = vpow2.f32 v50  }
0x25a: {  	v53 =	vpop (erf);
	(erf) = vpow2.f32 v2  }
0x25b: {  	v13 =	vadd.f32 v17, v13;
	v6 =	vadd.f32 v48, v6;
	v2 =	vpop (erf)  }
0x25c: {  	v14 =	vadd.f32 v21, v14;
	v7 =	vadd.f32 v49, v7;
	v54 =	vpop (erf)  }
0x25d: {  	v9 =	vadd.f32 v51, v13;
	v6 =	vadd.f32 v44, v6;
	v56 =	vpop (erf)  }
0x25e: {  	v55 =	vadd.f32 v52, v14;
	v7 =	vadd.f32 v46, v7;
	v57 =	vpop (erf)  }
0x25f: {  	v3 =	vadd.f32 v3, v9;
	v6 =	vadd.f32 v56, v6;
	v58 =	vpop (erf)  }
0x260: {  	v4 =	vadd.f32 v53, v55;
	v7 =	vadd.f32 v57, v7;
	v59 =	vpop (erf)  }
0x261: {  	v3 =	vadd.f32 v58, v3;
	v2 =	vadd.f32 v2, v6;
	v60 =	vpop (erf)  }
0x262: {  	v4 =	vadd.f32 v59, v4;
	v61 =	vadd.f32 v54, v7;
	v62 =	vpop (erf)  }
0x263: {  	v3 =	vadd.f32 v60, v3;
	v63 =	vpop (erf)  }
0x264: {  	s21 =	sadd.s32 $0x1, s21;
	v4 =	vadd.f32 v62, v4;
	v2 =	vadd.f32 v61, v2;
	v5 =	vmul.f32 v63, v5  }
0x265: {  	p0 =	sne.s32 s21, $0x8  }
.Ltmp14:
0x266: {  	v3 =	vadd.f32 v4, v3;
	v2 =	vadd.f32 v2, v5;
	(pc) =	sbr.rel @p0 .LBB2_26-.Ltmp14, $3  }
0x267: {  	_ = 	snop  }
0x268: {  	v2 =	vadd.f32 v3, v2;
	_ =	sdelay $0x1  }
0x269: {  	s22 =	sadd.s32 $0x80, s22;
	[tilespmem:s23+$0x14000] =	vst v2  }
0x26a: {  	_ =	swait.ge [sflag:s17], $0x9C00  }
0x26b: {  	[sflag:s17] =	ssyncset.done $0x0  }
0x26c: {  	s21 =	simm.s32 $0x0;
	s22 =	simm.s32 $0x9C40;
	[sflag:s17] =	ssyncadd.s32 $0xFFFF6400  }
0x26d: {  	[tilespmem:s21], [sflag:$0x1] =	stream.linear.gather [hbm4b:s10+s21], $0x9C00, $0x38;
	[tilespmem:$0x14800] =	vst v63  }
.LBB2_32:
0x26e: {  	v2 =	vmov s22;
	_ =	sdelay $0x3  }
0x26f: {  	s25 =	simm.s32 $0x0  }
0x270: {  	v5 =	vld.idx.msk [tilespmem:v2+s25+$0x20 ss:$0x1], $0xffff  }
0x271: {  	v3 =	vld.idx.msk [tilespmem:v2+s25+$0x30 ss:$0x1], $0xffff  }
0x272: {  	v16 =	vld.idx.msk [tilespmem:v2+s25+$0xFFFFFFF0 ss:$0x1], $0xffff  }
0x273: {  	v15 =	vld.idx.msk [tilespmem:v2+s25+$0xFFFFFFE0 ss:$0x1], $0xffff  }
0x274: {  	v12 =	vld.idx.msk [tilespmem:v2+s25+$0xFFFFFFC0 ss:$0x1], $0xffff  }
0x275: {  	v14 =	vimm.f32 $-1.000000020e+30;
	v11 =	vimm.f32 $-1.000000020e+30;
	v8 =	vld.idx.msk [tilespmem:v2+s25+$0xFFFFFFD0 ss:$0x1], $0xffff  }
0x276: {  	v18 =	vimm.f32 $-1.000000020e+30;
	v17 =	vimm.f32 $-1.000000020e+30;
	v10 =	vimm.f32 $-1.000000020e+30;
	v7 =	vld.idx.msk [tilespmem:v2+s25+$0x10 ss:$0x1], $0xffff  }
0x277: {  	s24 =	simm.s32 $0x1000;
	s23 =	simm.s32 $0x2000;
	v9 =	vimm.f32 $-1.000000020e+30;
	v13 =	vimm.f32 $-1.000000020e+30;
	v6 =	vimm.f32 $-1.000000020e+30;
	v4 =	vld.idx.msk [tilespmem:v2+s25+$0x0 ss:$0x1], $0xffff  }
.LBB2_33:
0x278: {  	p0 =	sne.s32 s23, $0x26000  }
0x279: {  	s25 =	sshra.s32 s24, $0x2;
	v19 =	vmin.f32 v14, v16;
	v20 =	vmax.f32 v14, v16;
	s24 =	smov.u32 s23;
	s23 =	sadd.s32 $0x1000, s23  }
0x27a: {  	v22 =	vmin.f32 v11, v15;
	v23 =	vmax.f32 v11, v15;
	v21 =	vld.idx.msk [tilespmem:v2+s25+$0x20 ss:$0x1], $0xffff;
	v14 =	vmax.f32 v20, v3  }
0x27b: {  	v15 =	vmin.f32 v18, v12;
	v18 =	vmax.f32 v18, v12;
	v11 =	vmax.f32 v23, v5;
	v24 =	vld.idx.msk [tilespmem:v2+s25+$0x30 ss:$0x1], $0xffff  }
0x27c: {  	v17 =	vmax.f32 v17, v15;
	v12 =	vmin.f32 v10, v8;
	v8 =	vmax.f32 v10, v8;
	v16 =	vld.idx.msk [tilespmem:v2+s25+$0xFFFFFFF0 ss:$0x1], $0xffff  }
.Ltmp15:
0x27d: {  	v13 =	vmax.f32 v13, v22;
	v9 =	vmax.f32 v9, v12;
	v10 =	vmin.f32 v8, v7;
	v15 =	vld.idx.msk [tilespmem:v2+s25+$0xFFFFFFE0 ss:$0x1], $0xffff;
	(pc) =	sbr.rel @p0 .LBB2_33-.Ltmp15, $4  }
0x27e: {  	v5 =	vmin.f32 v23, v5;
	v9 =	vmax.f32 v9, v10;
	v10 =	vmax.f32 v8, v7;
	v12 =	vld.idx.msk [tilespmem:v2+s25+$0xFFFFFFC0 ss:$0x1], $0xffff  }
0x27f: {  	v20 =	vmin.f32 v20, v3;
	v13 =	vmax.f32 v13, v5;
	v22 =	vmin.f32 v18, v4;
	v8 =	vld.idx.msk [tilespmem:v2+s25+$0xFFFFFFD0 ss:$0x1], $0xffff  }
0x280: {  	v19 =	vmax.f32 v6, v19;
	v18 =	vmax.f32 v18, v4;
	v17 =	vmax.f32 v17, v22;
	v7 =	vld.idx.msk [tilespmem:v2+s25+$0x10 ss:$0x1], $0xffff  }
0x281: {  	v6 =	vmax.f32 v19, v20;
	v5 =	vmov v21;
	v3 =	vmov v24;
	v4 =	vld.idx.msk [tilespmem:v2+s25+$0x0 ss:$0x1], $0xffff  }
0x282: {  	_ =	sdelay $0x2  }
0x283: {  	s23 =	sshra.s32 s24, $0x2;
	v19 =	vmin.f32 v14, v16;
	v14 =	vmax.f32 v14, v16  }
0x284: {  	v20 =	vmin.f32 v11, v15;
	v11 =	vmax.f32 v11, v15;
	v16 =	vld.idx.msk [tilespmem:v2+s23+$0x20 ss:$0x1], $0xffff;
	v15 =	vmax.f32 v14, v3  }
0x285: {  	v21 =	vld.idx.msk [tilespmem:v2+s23+$0x30 ss:$0x1], $0xffff;
	v22 =	vmin.f32 v18, v12;
	v12 =	vmax.f32 v18, v12;
	v18 =	vmax.f32 v11, v5  }
0x286: {  	v23 =	vld.idx.msk [tilespmem:v2+s23+$0xFFFFFFF0 ss:$0x1], $0xffff;
	v13 =	vmax.f32 v13, v20;
	v5 =	vmin.f32 v11, v5;
	v3 =	vmin.f32 v14, v3  }
0x287: {  	v17 =	vmax.f32 v17, v22;
	v22 =	vmin.f32 v10, v8;
	v8 =	vmax.f32 v10, v8;
	v10 =	vld.idx.msk [tilespmem:v2+s23+$0xFFFFFFE0 ss:$0x1], $0xffff  }
0x288: {  	v6 =	vmax.f32 v6, v19;
	v5 =	vmax.f32 v13, v5;
	v9 =	vmax.f32 v9, v22;
	v22 =	vld.idx.msk [tilespmem:v2+s23+$0xFFFFFFC0 ss:$0x1], $0xffff  }
0x289: {  	v6 =	vmax.f32 v6, v3;
	v20 =	vmin.f32 v8, v7;
	v7 =	vmax.f32 v8, v7;
	v8 =	vld.idx.msk [tilespmem:v2+s23+$0xFFFFFFD0 ss:$0x1], $0xffff  }
0x28a: {  	v13 =	vld.idx.msk [tilespmem:v2+s23+$0x10 ss:$0x1], $0xffff;
	v9 =	vmax.f32 v9, v20;
	v11 =	vmin.f32 v12, v4;
	v4 =	vmax.f32 v12, v4  }
0x28b: {  	v11 =	vmax.f32 v17, v11;
	v12 =	vmin.f32 v15, v23;
	v3 =	vmax.f32 v15, v23  }
0x28c: {  	v14 =	vld.idx.msk [tilespmem:v2+s23+$0x0 ss:$0x1], $0xffff;
	v15 =	vmin.f32 v18, v10;
	v10 =	vmax.f32 v18, v10;
	v17 =	vmax.f32 v3, v21  }
0x28d: {  	v18 =	vmin.f32 v4, v22;
	v4 =	vmax.f32 v4, v22;
	v19 =	vmax.f32 v10, v16  }
0x28e: {  	v11 =	vmax.f32 v11, v18;
	v18 =	vmin.f32 v7, v8;
	v7 =	vmax.f32 v7, v8  }
0x28f: {  	v5 =	vmax.f32 v5, v15;
	v8 =	vmax.f32 v9, v18;
	v9 =	vmin.f32 v7, v13  }
0x290: {  	v7 =	vmax.f32 v7, v13;
	v8 =	vmax.f32 v8, v9;
	v9 =	vmin.f32 v10, v16  }
0x291: {  	v10 =	vmin.f32 v4, v14;
	v4 =	vmax.f32 v4, v14;
	v5 =	vmax.f32 v5, v9  }
0x292: {  	s23 =	sshll.u32 s21, $0x7;
	v9 =	vmin.f32 v3, v21;
	v3 =	vmax.f32 v11, v10;
	vm3 =	vge.f32 v4, v7  }
0x293: {  	v10 =	vmax.f32 v4, v7;
	v4 =	vmin.f32 v4, v7;
	v7 =	vsel vm3, v3, v8;
	v3 =	vld [tilespmem:s23+$0x13800]  }
0x294: {  	v6 =	vmax.f32 v6, v12;
	vm3 =	vge.f32 v10, v19;
	v4 =	vmax.f32 v4, v7;
	v7 =	vld [tilespmem:s23+$0x13C00]  }
0x295: {  	v8 =	vmax.f32 v10, v19;
	v10 =	vmin.f32 v10, v19;
	v4 =	vsel vm3, v4, v5  }
0x296: {  	v5 =	vmax.f32 v6, v9;
	vm3 =	vge.f32 v8, v17;
	v4 =	vmax.f32 v10, v4  }
0x297: {  	v6 =	vmax.f32 v8, v17;
	v8 =	vmin.f32 v8, v17;
	v4 =	vsel vm3, v4, v5  }
0x298: {  	v5 =	vmax.f32 v8, v4;
	vm3 =	vge.f32 v3, v6  }
0x299: {  	v4 =	vmax.f32 v3, v6;
	v6 =	vmin.f32 v3, v6;
	v5 =	vsel vm3, v7, v5  }
0x29a: {  	[tilespmem:s23+$0x13800] =	vst v4;
	v5 =	vmax.f32 v6, v5  }
0x29b: {  	s29 =	simm.s32 $0x0;
	[tilespmem:s23+$0x13C00] =	vst v5  }
0x29c: {  	v5 =	vld.idx.msk [tilespmem:v2+s29+$0x0 ss:$0x1], $0xffff  }
0x29d: {  	v6 =	vld.idx.msk [tilespmem:v2+s29+$0x10 ss:$0x1], $0xffff  }
0x29e: {  	v7 =	vld.idx.msk [tilespmem:v2+s29+$0xFFFFFFC0 ss:$0x1], $0xffff  }
0x29f: {  	v8 =	vld.idx.msk [tilespmem:v2+s29+$0xFFFFFFD0 ss:$0x1], $0xffff  }
0x2a0: {  	v9 =	vld.idx.msk [tilespmem:v2+s29+$0xFFFFFFE0 ss:$0x1], $0xffff  }
0x2a1: {  	v10 =	vld.idx.msk [tilespmem:v2+s29+$0xFFFFFFF0 ss:$0x1], $0xffff  }
0x2a2: {  	v11 =	vld.idx.msk [tilespmem:v2+s29+$0x20 ss:$0x1], $0xffff;
	v5 =	vsub.f32 v5, v4  }
0x2a3: {  	v12 =	vld.idx.msk [tilespmem:v2+s29+$0x30 ss:$0x1], $0xffff;
	v6 =	vsub.f32 v6, v4;
	v7 =	vsub.f32 v7, v4  }
0x2a4: {  	s30 =	simm.s32 $0x400;
	v8 =	vsub.f32 v8, v4;
	v5 =	vmul.f32 $1.442695020e+00, v5  }
0x2a5: {  	v13 =	vld.idx.msk [tilespmem:v2+s30+$0x0 ss:$0x1], $0xffff;
	v9 =	vsub.f32 v9, v4;
	v6 =	vmul.f32 $1.442695020e+00, v6;
	v7 =	vmul.f32 $1.442695020e+00, v7  }
0x2a6: {  	v14 =	vld.idx.msk [tilespmem:v2+s30+$0x10 ss:$0x1], $0xffff;
	v8 =	vmul.f32 $1.442695020e+00, v8;
	(erf) = vpow2.f32 v5  }
0x2a7: {  	v10 =	vsub.f32 v10, v4;
	v9 =	vmul.f32 $1.442695020e+00, v9;
	v5 =	vld.idx.msk [tilespmem:v2+s30+$0x20 ss:$0x1], $0xffff;
	(erf) = vpow2.f32 v6  }
0x2a8: {  	v6 =	vsub.f32 v11, v4;
	(erf) = vpow2.f32 v7;
	v7 =	vsub.f32 v12, v4;
	v12 =	vld.idx.msk [tilespmem:v2+s30+$0xFFFFFFC0 ss:$0x1], $0xffff  }
0x2a9: {  	v15 =	vld.idx.msk [tilespmem:v2+s30+$0xFFFFFFE0 ss:$0x1], $0xffff;
	v10 =	vmul.f32 $1.442695020e+00, v10;
	(erf) = vpow2.f32 v8  }
0x2aa: {  	v6 =	vmul.f32 $1.442695020e+00, v6;
	v8 =	vld.idx.msk [tilespmem:v2+s30+$0xFFFFFFD0 ss:$0x1], $0xffff;
	(erf) = vpow2.f32 v9  }
0x2ab: {  	v11 =	vld.idx.msk [tilespmem:v2+s30+$0x30 ss:$0x1], $0xffff;
	v7 =	vmul.f32 $1.442695020e+00, v7;
	v9 =	vsub.f32 v13, v4;
	(erf) = vpow2.f32 v10  }
0x2ac: {  	v10 =	vld.idx.msk [tilespmem:v2+s30+$0xFFFFFFF0 ss:$0x1], $0xffff;
	v13 =	vsub.f32 v5, v4;
	(erf) = vpow2.f32 v6;
	v6 =	vsub.f32 v14, v4  }
0x2ad: {  	s31 =	simm.s32 $0x800;
	v14 =	vmul.f32 $1.442695020e+00, v9;
	(erf) = vpow2.f32 v7;
	v12 =	vsub.f32 v12, v4  }
0x2ae: {  	v15 =	vsub.f32 v15, v4;
	v7 =	vld.idx.msk [tilespmem:v2+s31+$0x0 ss:$0x1], $0xffff;
	v6 =	vmul.f32 $1.442695020e+00, v6  }
0x2af: {  	v19 =	vld.idx.msk [tilespmem:v2+s31+$0xFFFFFFE0 ss:$0x1], $0xffff;
	v9 =	vmul.f32 $1.442695020e+00, v13;
	v17 =	vsub.f32 v8, v4;
	v21 =	vpop (erf);
	v13 =	vmul.f32 $1.442695020e+00, v12  }
0x2b0: {  	v23 =	vmul.f32 $1.442695020e+00, v15;
	v15 =	vld.idx.msk [tilespmem:v2+s31+$0xFFFFFFC0 ss:$0x1], $0xffff;
	v16 =	vsub.f32 v11, v4;
	v22 =	vpop (erf)  }
0x2b1: {  	v5 =	vld [tilespmem:s23+$0x14000];
	(erf) = vpow2.f32 v14;
	v17 =	vmul.f32 $1.442695020e+00, v17;
	v18 =	vsub.f32 v10, v4;
	v14 =	vpop (erf)  }
0x2b2: {  	v20 =	vimm.f32 $0.0e+00;
	v11 =	vld.idx.msk [tilespmem:v2+s31+$0x10 ss:$0x1], $0xffff;
	v12 =	vmul.f32 $1.442695020e+00, v16;
	(erf) = vpow2.f32 v6;
	v6 =	vpop (erf)  }
0x2b3: {  	v8 =	vld.idx.msk [tilespmem:v2+s31+$0x20 ss:$0x1], $0xffff;
	v16 =	vsub.f32 v7, v4;
	v7 =	vmul.f32 $1.442695020e+00, v18;
	(erf) = vpow2.f32 v13;
	v13 =	vpop (erf)  }
0x2b4: {  	v10 =	vld.idx.msk [tilespmem:v2+s31+$0x30 ss:$0x1], $0xffff;
	v24 =	vadd.f32 v14, v20;
	(erf) = vpow2.f32 v17;
	v25 =	vadd.f32 v6, v20;
	v6 =	vpop (erf)  }
0x2b5: {  	v18 =	vld.idx.msk [tilespmem:v2+s31+$0xFFFFFFD0 ss:$0x1], $0xffff;
	(erf) = vpow2.f32 v23;
	v13 =	vadd.f32 v13, v20;
	v14 =	vadd.f32 v6, v20;
	v17 =	vpop (erf)  }
0x2b6: {  	s24 =	simm.s32 $0x3000;
	v20 =	vld.idx.msk [tilespmem:v2+s31+$0xFFFFFFF0 ss:$0x1], $0xffff;
	(erf) = vpow2.f32 v7;
	v6 =	vadd.f32 v21, v24;
	v7 =	vadd.f32 v22, v25;
	v21 =	vpop (erf)  }
.LBB2_35:
0x2b7: {  	s25 =	sshra.s32 s24, $0x2;
	p0 =	sne.s32 s24, $0x26000;
	(erf) = vpow2.f32 v9;
	v13 =	vadd.f32 v17, v13;
	v14 =	vadd.f32 v21, v14  }
0x2b8: {  	v9 =	vsub.f32 v11, v4;
	v8 =	vsub.f32 v8, v4;
	v17 =	vld.idx.msk [tilespmem:v2+s25+$0x0 ss:$0x1], $0xffff;
	(erf) = vpow2.f32 v12  }
0x2b9: {  	v10 =	vsub.f32 v10, v4;
	v12 =	vsub.f32 v15, v4;
	v15 =	vmul.f32 $1.442695020e+00, v16  }
0x2ba: {  	v16 =	vsub.f32 v18, v4;
	v18 =	vmul.f32 $1.442695020e+00, v9;
	v9 =	vmul.f32 $1.442695020e+00, v8;
	v21 =	vpop (erf)  }
0x2bb: {  	v22 =	vmul.f32 $1.442695020e+00, v12;
	v27 =	vsub.f32 v19, v4;
	v12 =	vmul.f32 $1.442695020e+00, v10;
	v11 =	vld.idx.msk [tilespmem:v2+s25+$0x10 ss:$0x1], $0xffff;
	v23 =	vpop (erf)  }
0x2bc: {  	v24 =	vmul.f32 $1.442695020e+00, v16;
	v28 =	vsub.f32 v20, v4;
	v8 =	vld.idx.msk [tilespmem:v2+s25+$0x20 ss:$0x1], $0xffff;
	(erf) = vpow2.f32 v15;
	v25 =	vpop (erf)  }
.Ltmp16:
0x2bd: {  	v26 =	vmul.f32 $1.442695020e+00, v27;
	v10 =	vld.idx.msk [tilespmem:v2+s25+$0x30 ss:$0x1], $0xffff;
	(erf) = vpow2.f32 v18;
	v19 =	vpop (erf);
	(pc) =	sbr.rel @p0 .LBB2_35-.Ltmp16, $4  }
0x2be: {  	v16 =	vsub.f32 v17, v4;
	v27 =	vmul.f32 $1.442695020e+00, v28;
	v15 =	vld.idx.msk [tilespmem:v2+s25+$0xFFFFFFC0 ss:$0x1], $0xffff;
	(erf) = vpow2.f32 v22;
	v17 =	vpop (erf)  }
0x2bf: {  	v6 =	vadd.f32 v25, v6;
	v7 =	vadd.f32 v19, v7;
	v18 =	vld.idx.msk [tilespmem:v2+s25+$0xFFFFFFD0 ss:$0x1], $0xffff;
	(erf) = vpow2.f32 v24;
	v20 =	vpop (erf)  }
0x2c0: {  	v13 =	vadd.f32 v17, v13;
	v19 =	vld.idx.msk [tilespmem:v2+s25+$0xFFFFFFE0 ss:$0x1], $0xffff;
	(erf) = vpow2.f32 v26;
	v14 =	vadd.f32 v20, v14;
	v17 =	vpop (erf)  }
0x2c1: {  	s24 =	sadd.s32 $0x1000, s24;
	v6 =	vadd.f32 v21, v6;
	v7 =	vadd.f32 v23, v7;
	v20 =	vld.idx.msk [tilespmem:v2+s25+$0xFFFFFFF0 ss:$0x1], $0xffff;
	(erf) = vpow2.f32 v27;
	v21 =	vpop (erf)  }
0x2c2: {  	v2 =	vsub.f32 v11, v4  }
0x2c3: {  	(erf) = vpow2.f32 v9;
	v41 =	vmul.f32 $1.442695020e+00, v16;
	v40 =	vsub.f32 v15, v4  }
0x2c4: {  	(erf) = vpow2.f32 v12;
	v42 =	vsub.f32 v18, v4;
	v2 =	vmul.f32 $1.442695020e+00, v2  }
0x2c5: {  	(erf) = vpow2.f32 v41;
	v9 =	vmul.f32 $1.442695020e+00, v40;
	v43 =	vsub.f32 v19, v4  }
0x2c6: {  	v44 =	vpop (erf);
	v12 =	vmul.f32 $1.442695020e+00, v42;
	v45 =	vsub.f32 v20, v4;
	(erf) = vpow2.f32 v2  }
0x2c7: {  	v2 =	vsub.f32 v8, v4;
	v46 =	vpop (erf);
	v15 =	vmul.f32 $1.442695020e+00, v43;
	(erf) = vpow2.f32 v9  }
0x2c8: {  	v47 =	vsub.f32 v10, v4;
	v48 =	vpop (erf);
	v16 =	vmul.f32 $1.442695020e+00, v45;
	(erf) = vpow2.f32 v12  }
0x2c9: {  	v3 =	vsub.f32 v3, v4;
	v2 =	vmul.f32 $1.442695020e+00, v2;
	v49 =	vpop (erf);
	(erf) = vpow2.f32 v15  }
0x2ca: {  	v50 =	vmul.f32 $1.442695020e+00, v47;
	v51 =	vpop (erf);
	(erf) = vpow2.f32 v16  }
0x2cb: {  	v52 =	vpop (erf);
	(erf) = vpow2.f32 v2;
	v2 =	vmul.f32 $1.442695020e+00, v3;
	_ =	sdelay $0x1  }
0x2cc: {  	v3 =	vpop (erf);
	(erf) = vpow2.f32 v50  }
0x2cd: {  	v53 =	vpop (erf);
	(erf) = vpow2.f32 v2  }
0x2ce: {  	v13 =	vadd.f32 v17, v13;
	v6 =	vadd.f32 v48, v6;
	v2 =	vpop (erf)  }
0x2cf: {  	v14 =	vadd.f32 v21, v14;
	v7 =	vadd.f32 v49, v7;
	v54 =	vpop (erf)  }
0x2d0: {  	v9 =	vadd.f32 v51, v13;
	v6 =	vadd.f32 v44, v6;
	v56 =	vpop (erf)  }
0x2d1: {  	v55 =	vadd.f32 v52, v14;
	v7 =	vadd.f32 v46, v7;
	v57 =	vpop (erf)  }
0x2d2: {  	v3 =	vadd.f32 v3, v9;
	v6 =	vadd.f32 v56, v6;
	v58 =	vpop (erf)  }
0x2d3: {  	v4 =	vadd.f32 v53, v55;
	v7 =	vadd.f32 v57, v7;
	v59 =	vpop (erf)  }
0x2d4: {  	v3 =	vadd.f32 v58, v3;
	v2 =	vadd.f32 v2, v6;
	v60 =	vpop (erf)  }
0x2d5: {  	v4 =	vadd.f32 v59, v4;
	v61 =	vadd.f32 v54, v7;
	v62 =	vpop (erf)  }
0x2d6: {  	v3 =	vadd.f32 v60, v3;
	v63 =	vpop (erf)  }
0x2d7: {  	s21 =	sadd.s32 $0x1, s21;
	v4 =	vadd.f32 v62, v4;
	v2 =	vadd.f32 v61, v2;
	v5 =	vmul.f32 v63, v5  }
0x2d8: {  	p0 =	sne.s32 s21, $0x8  }
.Ltmp17:
0x2d9: {  	v3 =	vadd.f32 v4, v3;
	v2 =	vadd.f32 v2, v5;
	(pc) =	sbr.rel @p0 .LBB2_32-.Ltmp17, $3  }
0x2da: {  	_ = 	snop  }
0x2db: {  	v2 =	vadd.f32 v3, v2;
	_ =	sdelay $0x1  }
0x2dc: {  	s22 =	sadd.s32 $0x80, s22;
	[tilespmem:s23+$0x14000] =	vst v2  }
0x2dd: {  	_ =	swait.ge [sflag:s3], $0x9C00  }
0x2de: {  	[sflag:s3] =	ssyncset.done $0x0  }
0x2df: {  	s21 =	simm.s32 $0x0;
	s22 =	simm.s32 $0x40;
	[sflag:s3] =	ssyncadd.s32 $0xFFFF6400  }
0x2e0: {  	[tilespmem:s16], [sflag:$0x2] =	stream.linear.gather [hbm4b:s11+s21], $0x9C00, $0x38;
	[tilespmem:$0x14800] =	vst v63  }
.LBB2_38:
0x2e1: {  	v2 =	vmov s22;
	_ =	sdelay $0x3  }
0x2e2: {  	s25 =	simm.s32 $0x0  }
0x2e3: {  	v5 =	vld.idx.msk [tilespmem:v2+s25+$0x20 ss:$0x1], $0xffff  }
0x2e4: {  	v3 =	vld.idx.msk [tilespmem:v2+s25+$0x30 ss:$0x1], $0xffff  }
0x2e5: {  	v16 =	vld.idx.msk [tilespmem:v2+s25+$0xFFFFFFF0 ss:$0x1], $0xffff  }
0x2e6: {  	v15 =	vld.idx.msk [tilespmem:v2+s25+$0xFFFFFFE0 ss:$0x1], $0xffff  }
0x2e7: {  	v12 =	vld.idx.msk [tilespmem:v2+s25+$0xFFFFFFC0 ss:$0x1], $0xffff  }
0x2e8: {  	v14 =	vimm.f32 $-1.000000020e+30;
	v11 =	vimm.f32 $-1.000000020e+30;
	v8 =	vld.idx.msk [tilespmem:v2+s25+$0xFFFFFFD0 ss:$0x1], $0xffff  }
0x2e9: {  	v18 =	vimm.f32 $-1.000000020e+30;
	v17 =	vimm.f32 $-1.000000020e+30;
	v10 =	vimm.f32 $-1.000000020e+30;
	v7 =	vld.idx.msk [tilespmem:v2+s25+$0x10 ss:$0x1], $0xffff  }
0x2ea: {  	s24 =	simm.s32 $0x1000;
	s23 =	simm.s32 $0x2000;
	v9 =	vimm.f32 $-1.000000020e+30;
	v13 =	vimm.f32 $-1.000000020e+30;
	v6 =	vimm.f32 $-1.000000020e+30;
	v4 =	vld.idx.msk [tilespmem:v2+s25+$0x0 ss:$0x1], $0xffff  }
.LBB2_39:
0x2eb: {  	p0 =	sne.s32 s23, $0x26000  }
0x2ec: {  	s25 =	sshra.s32 s24, $0x2;
	v19 =	vmin.f32 v14, v16;
	v20 =	vmax.f32 v14, v16;
	s24 =	smov.u32 s23;
	s23 =	sadd.s32 $0x1000, s23  }
0x2ed: {  	v22 =	vmin.f32 v11, v15;
	v23 =	vmax.f32 v11, v15;
	v21 =	vld.idx.msk [tilespmem:v2+s25+$0x20 ss:$0x1], $0xffff;
	v14 =	vmax.f32 v20, v3  }
0x2ee: {  	v15 =	vmin.f32 v18, v12;
	v18 =	vmax.f32 v18, v12;
	v11 =	vmax.f32 v23, v5;
	v24 =	vld.idx.msk [tilespmem:v2+s25+$0x30 ss:$0x1], $0xffff  }
0x2ef: {  	v17 =	vmax.f32 v17, v15;
	v12 =	vmin.f32 v10, v8;
	v8 =	vmax.f32 v10, v8;
	v16 =	vld.idx.msk [tilespmem:v2+s25+$0xFFFFFFF0 ss:$0x1], $0xffff  }
.Ltmp18:
0x2f0: {  	v13 =	vmax.f32 v13, v22;
	v9 =	vmax.f32 v9, v12;
	v10 =	vmin.f32 v8, v7;
	v15 =	vld.idx.msk [tilespmem:v2+s25+$0xFFFFFFE0 ss:$0x1], $0xffff;
	(pc) =	sbr.rel @p0 .LBB2_39-.Ltmp18, $4  }
0x2f1: {  	v5 =	vmin.f32 v23, v5;
	v9 =	vmax.f32 v9, v10;
	v10 =	vmax.f32 v8, v7;
	v12 =	vld.idx.msk [tilespmem:v2+s25+$0xFFFFFFC0 ss:$0x1], $0xffff  }
0x2f2: {  	v20 =	vmin.f32 v20, v3;
	v13 =	vmax.f32 v13, v5;
	v22 =	vmin.f32 v18, v4;
	v8 =	vld.idx.msk [tilespmem:v2+s25+$0xFFFFFFD0 ss:$0x1], $0xffff  }
0x2f3: {  	v19 =	vmax.f32 v6, v19;
	v18 =	vmax.f32 v18, v4;
	v17 =	vmax.f32 v17, v22;
	v7 =	vld.idx.msk [tilespmem:v2+s25+$0x10 ss:$0x1], $0xffff  }
0x2f4: {  	v6 =	vmax.f32 v19, v20;
	v5 =	vmov v21;
	v3 =	vmov v24;
	v4 =	vld.idx.msk [tilespmem:v2+s25+$0x0 ss:$0x1], $0xffff  }
0x2f5: {  	_ =	sdelay $0x2  }
0x2f6: {  	s23 =	sshra.s32 s24, $0x2;
	v19 =	vmin.f32 v14, v16;
	v14 =	vmax.f32 v14, v16  }
0x2f7: {  	v20 =	vmin.f32 v11, v15;
	v11 =	vmax.f32 v11, v15;
	v16 =	vld.idx.msk [tilespmem:v2+s23+$0x20 ss:$0x1], $0xffff;
	v15 =	vmax.f32 v14, v3  }
0x2f8: {  	v21 =	vld.idx.msk [tilespmem:v2+s23+$0x30 ss:$0x1], $0xffff;
	v22 =	vmin.f32 v18, v12;
	v12 =	vmax.f32 v18, v12;
	v18 =	vmax.f32 v11, v5  }
0x2f9: {  	v23 =	vld.idx.msk [tilespmem:v2+s23+$0xFFFFFFF0 ss:$0x1], $0xffff;
	v13 =	vmax.f32 v13, v20;
	v5 =	vmin.f32 v11, v5;
	v3 =	vmin.f32 v14, v3  }
0x2fa: {  	v17 =	vmax.f32 v17, v22;
	v22 =	vmin.f32 v10, v8;
	v8 =	vmax.f32 v10, v8;
	v10 =	vld.idx.msk [tilespmem:v2+s23+$0xFFFFFFE0 ss:$0x1], $0xffff  }
0x2fb: {  	v6 =	vmax.f32 v6, v19;
	v5 =	vmax.f32 v13, v5;
	v9 =	vmax.f32 v9, v22;
	v22 =	vld.idx.msk [tilespmem:v2+s23+$0xFFFFFFC0 ss:$0x1], $0xffff  }
0x2fc: {  	v6 =	vmax.f32 v6, v3;
	v20 =	vmin.f32 v8, v7;
	v7 =	vmax.f32 v8, v7;
	v8 =	vld.idx.msk [tilespmem:v2+s23+$0xFFFFFFD0 ss:$0x1], $0xffff  }
0x2fd: {  	v13 =	vld.idx.msk [tilespmem:v2+s23+$0x10 ss:$0x1], $0xffff;
	v9 =	vmax.f32 v9, v20;
	v11 =	vmin.f32 v12, v4;
	v4 =	vmax.f32 v12, v4  }
0x2fe: {  	v11 =	vmax.f32 v17, v11;
	v12 =	vmin.f32 v15, v23;
	v3 =	vmax.f32 v15, v23  }
0x2ff: {  	v14 =	vld.idx.msk [tilespmem:v2+s23+$0x0 ss:$0x1], $0xffff;
	v15 =	vmin.f32 v18, v10;
	v10 =	vmax.f32 v18, v10;
	v17 =	vmax.f32 v3, v21  }
0x300: {  	v18 =	vmin.f32 v4, v22;
	v4 =	vmax.f32 v4, v22;
	v19 =	vmax.f32 v10, v16  }
0x301: {  	v11 =	vmax.f32 v11, v18;
	v18 =	vmin.f32 v7, v8;
	v7 =	vmax.f32 v7, v8  }
0x302: {  	v5 =	vmax.f32 v5, v15;
	v8 =	vmax.f32 v9, v18;
	v9 =	vmin.f32 v7, v13  }
0x303: {  	v7 =	vmax.f32 v7, v13;
	v8 =	vmax.f32 v8, v9;
	v9 =	vmin.f32 v10, v16  }
0x304: {  	v10 =	vmin.f32 v4, v14;
	v4 =	vmax.f32 v4, v14;
	v5 =	vmax.f32 v5, v9  }
0x305: {  	s23 =	sshll.u32 s21, $0x7;
	v9 =	vmin.f32 v3, v21;
	v3 =	vmax.f32 v11, v10;
	vm3 =	vge.f32 v4, v7  }
0x306: {  	v10 =	vmax.f32 v4, v7;
	v4 =	vmin.f32 v4, v7;
	v7 =	vsel vm3, v3, v8;
	v3 =	vld [tilespmem:s23+$0x13800]  }
0x307: {  	v6 =	vmax.f32 v6, v12;
	vm3 =	vge.f32 v10, v19;
	v4 =	vmax.f32 v4, v7;
	v7 =	vld [tilespmem:s23+$0x13C00]  }
0x308: {  	v8 =	vmax.f32 v10, v19;
	v10 =	vmin.f32 v10, v19;
	v4 =	vsel vm3, v4, v5  }
0x309: {  	v5 =	vmax.f32 v6, v9;
	vm3 =	vge.f32 v8, v17;
	v4 =	vmax.f32 v10, v4  }
0x30a: {  	v6 =	vmax.f32 v8, v17;
	v8 =	vmin.f32 v8, v17;
	v4 =	vsel vm3, v4, v5  }
0x30b: {  	v5 =	vmax.f32 v8, v4;
	vm3 =	vge.f32 v3, v6  }
0x30c: {  	v4 =	vmax.f32 v3, v6;
	v6 =	vmin.f32 v3, v6;
	v5 =	vsel vm3, v7, v5  }
0x30d: {  	[tilespmem:s23+$0x13800] =	vst v4;
	v5 =	vmax.f32 v6, v5  }
0x30e: {  	s29 =	simm.s32 $0x0;
	[tilespmem:s23+$0x13C00] =	vst v5  }
0x30f: {  	v5 =	vld.idx.msk [tilespmem:v2+s29+$0x0 ss:$0x1], $0xffff  }
0x310: {  	v6 =	vld.idx.msk [tilespmem:v2+s29+$0x10 ss:$0x1], $0xffff  }
0x311: {  	v7 =	vld.idx.msk [tilespmem:v2+s29+$0xFFFFFFC0 ss:$0x1], $0xffff  }
0x312: {  	v8 =	vld.idx.msk [tilespmem:v2+s29+$0xFFFFFFD0 ss:$0x1], $0xffff  }
0x313: {  	v9 =	vld.idx.msk [tilespmem:v2+s29+$0xFFFFFFE0 ss:$0x1], $0xffff  }
0x314: {  	v10 =	vld.idx.msk [tilespmem:v2+s29+$0xFFFFFFF0 ss:$0x1], $0xffff  }
0x315: {  	v11 =	vld.idx.msk [tilespmem:v2+s29+$0x20 ss:$0x1], $0xffff;
	v5 =	vsub.f32 v5, v4  }
0x316: {  	v12 =	vld.idx.msk [tilespmem:v2+s29+$0x30 ss:$0x1], $0xffff;
	v6 =	vsub.f32 v6, v4;
	v7 =	vsub.f32 v7, v4  }
0x317: {  	s30 =	simm.s32 $0x400;
	v8 =	vsub.f32 v8, v4;
	v5 =	vmul.f32 $1.442695020e+00, v5  }
0x318: {  	v13 =	vld.idx.msk [tilespmem:v2+s30+$0x0 ss:$0x1], $0xffff;
	v9 =	vsub.f32 v9, v4;
	v6 =	vmul.f32 $1.442695020e+00, v6;
	v7 =	vmul.f32 $1.442695020e+00, v7  }
0x319: {  	v14 =	vld.idx.msk [tilespmem:v2+s30+$0x10 ss:$0x1], $0xffff;
	v8 =	vmul.f32 $1.442695020e+00, v8;
	(erf) = vpow2.f32 v5  }
0x31a: {  	v10 =	vsub.f32 v10, v4;
	v9 =	vmul.f32 $1.442695020e+00, v9;
	v5 =	vld.idx.msk [tilespmem:v2+s30+$0x20 ss:$0x1], $0xffff;
	(erf) = vpow2.f32 v6  }
0x31b: {  	v6 =	vsub.f32 v11, v4;
	(erf) = vpow2.f32 v7;
	v7 =	vsub.f32 v12, v4;
	v12 =	vld.idx.msk [tilespmem:v2+s30+$0xFFFFFFC0 ss:$0x1], $0xffff  }
0x31c: {  	v15 =	vld.idx.msk [tilespmem:v2+s30+$0xFFFFFFE0 ss:$0x1], $0xffff;
	v10 =	vmul.f32 $1.442695020e+00, v10;
	(erf) = vpow2.f32 v8  }
0x31d: {  	v6 =	vmul.f32 $1.442695020e+00, v6;
	v8 =	vld.idx.msk [tilespmem:v2+s30+$0xFFFFFFD0 ss:$0x1], $0xffff;
	(erf) = vpow2.f32 v9  }
0x31e: {  	v11 =	vld.idx.msk [tilespmem:v2+s30+$0x30 ss:$0x1], $0xffff;
	v7 =	vmul.f32 $1.442695020e+00, v7;
	v9 =	vsub.f32 v13, v4;
	(erf) = vpow2.f32 v10  }
0x31f: {  	v10 =	vld.idx.msk [tilespmem:v2+s30+$0xFFFFFFF0 ss:$0x1], $0xffff;
	v13 =	vsub.f32 v5, v4;
	(erf) = vpow2.f32 v6;
	v6 =	vsub.f32 v14, v4  }
0x320: {  	s31 =	simm.s32 $0x800;
	v14 =	vmul.f32 $1.442695020e+00, v9;
	(erf) = vpow2.f32 v7;
	v12 =	vsub.f32 v12, v4  }
0x321: {  	v15 =	vsub.f32 v15, v4;
	v7 =	vld.idx.msk [tilespmem:v2+s31+$0x0 ss:$0x1], $0xffff;
	v6 =	vmul.f32 $1.442695020e+00, v6  }
0x322: {  	v19 =	vld.idx.msk [tilespmem:v2+s31+$0xFFFFFFE0 ss:$0x1], $0xffff;
	v9 =	vmul.f32 $1.442695020e+00, v13;
	v17 =	vsub.f32 v8, v4;
	v21 =	vpop (erf);
	v13 =	vmul.f32 $1.442695020e+00, v12  }
0x323: {  	v23 =	vmul.f32 $1.442695020e+00, v15;
	v15 =	vld.idx.msk [tilespmem:v2+s31+$0xFFFFFFC0 ss:$0x1], $0xffff;
	v16 =	vsub.f32 v11, v4;
	v22 =	vpop (erf)  }
0x324: {  	v5 =	vld [tilespmem:s23+$0x14000];
	(erf) = vpow2.f32 v14;
	v17 =	vmul.f32 $1.442695020e+00, v17;
	v18 =	vsub.f32 v10, v4;
	v14 =	vpop (erf)  }
0x325: {  	v20 =	vimm.f32 $0.0e+00;
	v11 =	vld.idx.msk [tilespmem:v2+s31+$0x10 ss:$0x1], $0xffff;
	v12 =	vmul.f32 $1.442695020e+00, v16;
	(erf) = vpow2.f32 v6;
	v6 =	vpop (erf)  }
0x326: {  	v8 =	vld.idx.msk [tilespmem:v2+s31+$0x20 ss:$0x1], $0xffff;
	v16 =	vsub.f32 v7, v4;
	v7 =	vmul.f32 $1.442695020e+00, v18;
	(erf) = vpow2.f32 v13;
	v13 =	vpop (erf)  }
0x327: {  	v10 =	vld.idx.msk [tilespmem:v2+s31+$0x30 ss:$0x1], $0xffff;
	v24 =	vadd.f32 v14, v20;
	(erf) = vpow2.f32 v17;
	v25 =	vadd.f32 v6, v20;
	v6 =	vpop (erf)  }
0x328: {  	v18 =	vld.idx.msk [tilespmem:v2+s31+$0xFFFFFFD0 ss:$0x1], $0xffff;
	(erf) = vpow2.f32 v23;
	v13 =	vadd.f32 v13, v20;
	v14 =	vadd.f32 v6, v20;
	v17 =	vpop (erf)  }
0x329: {  	s24 =	simm.s32 $0x3000;
	v20 =	vld.idx.msk [tilespmem:v2+s31+$0xFFFFFFF0 ss:$0x1], $0xffff;
	(erf) = vpow2.f32 v7;
	v6 =	vadd.f32 v21, v24;
	v7 =	vadd.f32 v22, v25;
	v21 =	vpop (erf)  }
.LBB2_41:
0x32a: {  	s25 =	sshra.s32 s24, $0x2;
	p0 =	sne.s32 s24, $0x26000;
	(erf) = vpow2.f32 v9;
	v13 =	vadd.f32 v17, v13;
	v14 =	vadd.f32 v21, v14  }
0x32b: {  	v9 =	vsub.f32 v11, v4;
	v8 =	vsub.f32 v8, v4;
	v17 =	vld.idx.msk [tilespmem:v2+s25+$0x0 ss:$0x1], $0xffff;
	(erf) = vpow2.f32 v12  }
0x32c: {  	v10 =	vsub.f32 v10, v4;
	v12 =	vsub.f32 v15, v4;
	v15 =	vmul.f32 $1.442695020e+00, v16  }
0x32d: {  	v16 =	vsub.f32 v18, v4;
	v18 =	vmul.f32 $1.442695020e+00, v9;
	v9 =	vmul.f32 $1.442695020e+00, v8;
	v21 =	vpop (erf)  }
0x32e: {  	v22 =	vmul.f32 $1.442695020e+00, v12;
	v27 =	vsub.f32 v19, v4;
	v12 =	vmul.f32 $1.442695020e+00, v10;
	v11 =	vld.idx.msk [tilespmem:v2+s25+$0x10 ss:$0x1], $0xffff;
	v23 =	vpop (erf)  }
0x32f: {  	v24 =	vmul.f32 $1.442695020e+00, v16;
	v28 =	vsub.f32 v20, v4;
	v8 =	vld.idx.msk [tilespmem:v2+s25+$0x20 ss:$0x1], $0xffff;
	(erf) = vpow2.f32 v15;
	v25 =	vpop (erf)  }
.Ltmp19:
0x330: {  	v26 =	vmul.f32 $1.442695020e+00, v27;
	v10 =	vld.idx.msk [tilespmem:v2+s25+$0x30 ss:$0x1], $0xffff;
	(erf) = vpow2.f32 v18;
	v19 =	vpop (erf);
	(pc) =	sbr.rel @p0 .LBB2_41-.Ltmp19, $4  }
0x331: {  	v16 =	vsub.f32 v17, v4;
	v27 =	vmul.f32 $1.442695020e+00, v28;
	v15 =	vld.idx.msk [tilespmem:v2+s25+$0xFFFFFFC0 ss:$0x1], $0xffff;
	(erf) = vpow2.f32 v22;
	v17 =	vpop (erf)  }
0x332: {  	v6 =	vadd.f32 v25, v6;
	v7 =	vadd.f32 v19, v7;
	v18 =	vld.idx.msk [tilespmem:v2+s25+$0xFFFFFFD0 ss:$0x1], $0xffff;
	(erf) = vpow2.f32 v24;
	v20 =	vpop (erf)  }
0x333: {  	v13 =	vadd.f32 v17, v13;
	v19 =	vld.idx.msk [tilespmem:v2+s25+$0xFFFFFFE0 ss:$0x1], $0xffff;
	(erf) = vpow2.f32 v26;
	v14 =	vadd.f32 v20, v14;
	v17 =	vpop (erf)  }
0x334: {  	s24 =	sadd.s32 $0x1000, s24;
	v6 =	vadd.f32 v21, v6;
	v7 =	vadd.f32 v23, v7;
	v20 =	vld.idx.msk [tilespmem:v2+s25+$0xFFFFFFF0 ss:$0x1], $0xffff;
	(erf) = vpow2.f32 v27;
	v21 =	vpop (erf)  }
0x335: {  	v2 =	vsub.f32 v11, v4  }
0x336: {  	(erf) = vpow2.f32 v9;
	v41 =	vmul.f32 $1.442695020e+00, v16;
	v40 =	vsub.f32 v15, v4  }
0x337: {  	(erf) = vpow2.f32 v12;
	v42 =	vsub.f32 v18, v4;
	v2 =	vmul.f32 $1.442695020e+00, v2  }
0x338: {  	(erf) = vpow2.f32 v41;
	v9 =	vmul.f32 $1.442695020e+00, v40;
	v43 =	vsub.f32 v19, v4  }
0x339: {  	v44 =	vpop (erf);
	v12 =	vmul.f32 $1.442695020e+00, v42;
	v45 =	vsub.f32 v20, v4;
	(erf) = vpow2.f32 v2  }
0x33a: {  	v2 =	vsub.f32 v8, v4;
	v46 =	vpop (erf);
	v15 =	vmul.f32 $1.442695020e+00, v43;
	(erf) = vpow2.f32 v9  }
0x33b: {  	v47 =	vsub.f32 v10, v4;
	v48 =	vpop (erf);
	v16 =	vmul.f32 $1.442695020e+00, v45;
	(erf) = vpow2.f32 v12  }
0x33c: {  	v3 =	vsub.f32 v3, v4;
	v2 =	vmul.f32 $1.442695020e+00, v2;
	v49 =	vpop (erf);
	(erf) = vpow2.f32 v15  }
0x33d: {  	v50 =	vmul.f32 $1.442695020e+00, v47;
	v51 =	vpop (erf);
	(erf) = vpow2.f32 v16  }
0x33e: {  	v52 =	vpop (erf);
	(erf) = vpow2.f32 v2;
	v2 =	vmul.f32 $1.442695020e+00, v3;
	_ =	sdelay $0x1  }
0x33f: {  	v3 =	vpop (erf);
	(erf) = vpow2.f32 v50  }
0x340: {  	v53 =	vpop (erf);
	(erf) = vpow2.f32 v2  }
0x341: {  	v13 =	vadd.f32 v17, v13;
	v6 =	vadd.f32 v48, v6;
	v2 =	vpop (erf)  }
0x342: {  	v14 =	vadd.f32 v21, v14;
	v7 =	vadd.f32 v49, v7;
	v54 =	vpop (erf)  }
0x343: {  	v9 =	vadd.f32 v51, v13;
	v6 =	vadd.f32 v44, v6;
	v56 =	vpop (erf)  }
0x344: {  	v55 =	vadd.f32 v52, v14;
	v7 =	vadd.f32 v46, v7;
	v57 =	vpop (erf)  }
0x345: {  	v3 =	vadd.f32 v3, v9;
	v6 =	vadd.f32 v56, v6;
	v58 =	vpop (erf)  }
0x346: {  	v4 =	vadd.f32 v53, v55;
	v7 =	vadd.f32 v57, v7;
	v59 =	vpop (erf)  }
0x347: {  	v3 =	vadd.f32 v58, v3;
	v2 =	vadd.f32 v2, v6;
	v60 =	vpop (erf)  }
0x348: {  	v4 =	vadd.f32 v59, v4;
	v61 =	vadd.f32 v54, v7;
	v62 =	vpop (erf)  }
0x349: {  	v3 =	vadd.f32 v60, v3;
	v63 =	vpop (erf)  }
0x34a: {  	s21 =	sadd.s32 $0x1, s21;
	v4 =	vadd.f32 v62, v4;
	v2 =	vadd.f32 v61, v2;
	v5 =	vmul.f32 v63, v5  }
0x34b: {  	p0 =	sne.s32 s21, $0x8  }
.Ltmp20:
0x34c: {  	v3 =	vadd.f32 v4, v3;
	v2 =	vadd.f32 v2, v5;
	(pc) =	sbr.rel @p0 .LBB2_38-.Ltmp20, $3  }
0x34d: {  	_ = 	snop  }
0x34e: {  	v2 =	vadd.f32 v3, v2;
	_ =	sdelay $0x1  }
0x34f: {  	s22 =	sadd.s32 $0x80, s22;
	[tilespmem:s23+$0x14000] =	vst v2  }
0x350: {  	_ =	swait.ge [sflag:s17], $0x9C00  }
0x351: {  	[sflag:s17] =	ssyncset.done $0x0  }
0x352: {  	s21 =	simm.s32 $0x0;
	s22 =	simm.s32 $0x9C40;
	[sflag:s17] =	ssyncadd.s32 $0xFFFF6400  }
0x353: {  	[tilespmem:s21], [sflag:$0x1] =	stream.linear.gather [hbm4b:s12+s21], $0x9C00, $0x38;
	[tilespmem:$0x14800] =	vst v63  }
.LBB2_44:
0x354: {  	v2 =	vmov s22;
	_ =	sdelay $0x3  }
0x355: {  	s25 =	simm.s32 $0x0  }
0x356: {  	v5 =	vld.idx.msk [tilespmem:v2+s25+$0x20 ss:$0x1], $0xffff  }
0x357: {  	v3 =	vld.idx.msk [tilespmem:v2+s25+$0x30 ss:$0x1], $0xffff  }
0x358: {  	v16 =	vld.idx.msk [tilespmem:v2+s25+$0xFFFFFFF0 ss:$0x1], $0xffff  }
0x359: {  	v15 =	vld.idx.msk [tilespmem:v2+s25+$0xFFFFFFE0 ss:$0x1], $0xffff  }
0x35a: {  	v12 =	vld.idx.msk [tilespmem:v2+s25+$0xFFFFFFC0 ss:$0x1], $0xffff  }
0x35b: {  	v14 =	vimm.f32 $-1.000000020e+30;
	v11 =	vimm.f32 $-1.000000020e+30;
	v8 =	vld.idx.msk [tilespmem:v2+s25+$0xFFFFFFD0 ss:$0x1], $0xffff  }
0x35c: {  	v18 =	vimm.f32 $-1.000000020e+30;
	v17 =	vimm.f32 $-1.000000020e+30;
	v10 =	vimm.f32 $-1.000000020e+30;
	v7 =	vld.idx.msk [tilespmem:v2+s25+$0x10 ss:$0x1], $0xffff  }
0x35d: {  	s24 =	simm.s32 $0x1000;
	s23 =	simm.s32 $0x2000;
	v9 =	vimm.f32 $-1.000000020e+30;
	v13 =	vimm.f32 $-1.000000020e+30;
	v6 =	vimm.f32 $-1.000000020e+30;
	v4 =	vld.idx.msk [tilespmem:v2+s25+$0x0 ss:$0x1], $0xffff  }
.LBB2_45:
0x35e: {  	p0 =	sne.s32 s23, $0x26000  }
0x35f: {  	s25 =	sshra.s32 s24, $0x2;
	v19 =	vmin.f32 v14, v16;
	v20 =	vmax.f32 v14, v16;
	s24 =	smov.u32 s23;
	s23 =	sadd.s32 $0x1000, s23  }
0x360: {  	v22 =	vmin.f32 v11, v15;
	v23 =	vmax.f32 v11, v15;
	v21 =	vld.idx.msk [tilespmem:v2+s25+$0x20 ss:$0x1], $0xffff;
	v14 =	vmax.f32 v20, v3  }
0x361: {  	v15 =	vmin.f32 v18, v12;
	v18 =	vmax.f32 v18, v12;
	v11 =	vmax.f32 v23, v5;
	v24 =	vld.idx.msk [tilespmem:v2+s25+$0x30 ss:$0x1], $0xffff  }
0x362: {  	v17 =	vmax.f32 v17, v15;
	v12 =	vmin.f32 v10, v8;
	v8 =	vmax.f32 v10, v8;
	v16 =	vld.idx.msk [tilespmem:v2+s25+$0xFFFFFFF0 ss:$0x1], $0xffff  }
.Ltmp21:
0x363: {  	v13 =	vmax.f32 v13, v22;
	v9 =	vmax.f32 v9, v12;
	v10 =	vmin.f32 v8, v7;
	v15 =	vld.idx.msk [tilespmem:v2+s25+$0xFFFFFFE0 ss:$0x1], $0xffff;
	(pc) =	sbr.rel @p0 .LBB2_45-.Ltmp21, $4  }
0x364: {  	v5 =	vmin.f32 v23, v5;
	v9 =	vmax.f32 v9, v10;
	v10 =	vmax.f32 v8, v7;
	v12 =	vld.idx.msk [tilespmem:v2+s25+$0xFFFFFFC0 ss:$0x1], $0xffff  }
0x365: {  	v20 =	vmin.f32 v20, v3;
	v13 =	vmax.f32 v13, v5;
	v22 =	vmin.f32 v18, v4;
	v8 =	vld.idx.msk [tilespmem:v2+s25+$0xFFFFFFD0 ss:$0x1], $0xffff  }
0x366: {  	v19 =	vmax.f32 v6, v19;
	v18 =	vmax.f32 v18, v4;
	v17 =	vmax.f32 v17, v22;
	v7 =	vld.idx.msk [tilespmem:v2+s25+$0x10 ss:$0x1], $0xffff  }
0x367: {  	v6 =	vmax.f32 v19, v20;
	v5 =	vmov v21;
	v3 =	vmov v24;
	v4 =	vld.idx.msk [tilespmem:v2+s25+$0x0 ss:$0x1], $0xffff  }
0x368: {  	_ =	sdelay $0x2  }
0x369: {  	s23 =	sshra.s32 s24, $0x2;
	v19 =	vmin.f32 v14, v16;
	v14 =	vmax.f32 v14, v16  }
0x36a: {  	v20 =	vmin.f32 v11, v15;
	v11 =	vmax.f32 v11, v15;
	v16 =	vld.idx.msk [tilespmem:v2+s23+$0x20 ss:$0x1], $0xffff;
	v15 =	vmax.f32 v14, v3  }
0x36b: {  	v21 =	vld.idx.msk [tilespmem:v2+s23+$0x30 ss:$0x1], $0xffff;
	v22 =	vmin.f32 v18, v12;
	v12 =	vmax.f32 v18, v12;
	v18 =	vmax.f32 v11, v5  }
0x36c: {  	v23 =	vld.idx.msk [tilespmem:v2+s23+$0xFFFFFFF0 ss:$0x1], $0xffff;
	v13 =	vmax.f32 v13, v20;
	v5 =	vmin.f32 v11, v5;
	v3 =	vmin.f32 v14, v3  }
0x36d: {  	v17 =	vmax.f32 v17, v22;
	v22 =	vmin.f32 v10, v8;
	v8 =	vmax.f32 v10, v8;
	v10 =	vld.idx.msk [tilespmem:v2+s23+$0xFFFFFFE0 ss:$0x1], $0xffff  }
0x36e: {  	v6 =	vmax.f32 v6, v19;
	v5 =	vmax.f32 v13, v5;
	v9 =	vmax.f32 v9, v22;
	v22 =	vld.idx.msk [tilespmem:v2+s23+$0xFFFFFFC0 ss:$0x1], $0xffff  }
0x36f: {  	v6 =	vmax.f32 v6, v3;
	v20 =	vmin.f32 v8, v7;
	v7 =	vmax.f32 v8, v7;
	v8 =	vld.idx.msk [tilespmem:v2+s23+$0xFFFFFFD0 ss:$0x1], $0xffff  }
0x370: {  	v13 =	vld.idx.msk [tilespmem:v2+s23+$0x10 ss:$0x1], $0xffff;
	v9 =	vmax.f32 v9, v20;
	v11 =	vmin.f32 v12, v4;
	v4 =	vmax.f32 v12, v4  }
0x371: {  	v11 =	vmax.f32 v17, v11;
	v12 =	vmin.f32 v15, v23;
	v3 =	vmax.f32 v15, v23  }
0x372: {  	v14 =	vld.idx.msk [tilespmem:v2+s23+$0x0 ss:$0x1], $0xffff;
	v15 =	vmin.f32 v18, v10;
	v10 =	vmax.f32 v18, v10;
	v17 =	vmax.f32 v3, v21  }
0x373: {  	v18 =	vmin.f32 v4, v22;
	v4 =	vmax.f32 v4, v22;
	v19 =	vmax.f32 v10, v16  }
0x374: {  	v11 =	vmax.f32 v11, v18;
	v18 =	vmin.f32 v7, v8;
	v7 =	vmax.f32 v7, v8  }
0x375: {  	v5 =	vmax.f32 v5, v15;
	v8 =	vmax.f32 v9, v18;
	v9 =	vmin.f32 v7, v13  }
0x376: {  	v7 =	vmax.f32 v7, v13;
	v8 =	vmax.f32 v8, v9;
	v9 =	vmin.f32 v10, v16  }
0x377: {  	v10 =	vmin.f32 v4, v14;
	v4 =	vmax.f32 v4, v14;
	v5 =	vmax.f32 v5, v9  }
0x378: {  	s23 =	sshll.u32 s21, $0x7;
	v9 =	vmin.f32 v3, v21;
	v3 =	vmax.f32 v11, v10;
	vm3 =	vge.f32 v4, v7  }
0x379: {  	v10 =	vmax.f32 v4, v7;
	v4 =	vmin.f32 v4, v7;
	v7 =	vsel vm3, v3, v8;
	v3 =	vld [tilespmem:s23+$0x13800]  }
0x37a: {  	v6 =	vmax.f32 v6, v12;
	vm3 =	vge.f32 v10, v19;
	v4 =	vmax.f32 v4, v7;
	v7 =	vld [tilespmem:s23+$0x13C00]  }
0x37b: {  	v8 =	vmax.f32 v10, v19;
	v10 =	vmin.f32 v10, v19;
	v4 =	vsel vm3, v4, v5  }
0x37c: {  	v5 =	vmax.f32 v6, v9;
	vm3 =	vge.f32 v8, v17;
	v4 =	vmax.f32 v10, v4  }
0x37d: {  	v6 =	vmax.f32 v8, v17;
	v8 =	vmin.f32 v8, v17;
	v4 =	vsel vm3, v4, v5  }
0x37e: {  	v5 =	vmax.f32 v8, v4;
	vm3 =	vge.f32 v3, v6  }
0x37f: {  	v4 =	vmax.f32 v3, v6;
	v6 =	vmin.f32 v3, v6;
	v5 =	vsel vm3, v7, v5  }
0x380: {  	[tilespmem:s23+$0x13800] =	vst v4;
	v5 =	vmax.f32 v6, v5  }
0x381: {  	s29 =	simm.s32 $0x0;
	[tilespmem:s23+$0x13C00] =	vst v5  }
0x382: {  	v5 =	vld.idx.msk [tilespmem:v2+s29+$0x0 ss:$0x1], $0xffff  }
0x383: {  	v6 =	vld.idx.msk [tilespmem:v2+s29+$0x10 ss:$0x1], $0xffff  }
0x384: {  	v7 =	vld.idx.msk [tilespmem:v2+s29+$0xFFFFFFC0 ss:$0x1], $0xffff  }
0x385: {  	v8 =	vld.idx.msk [tilespmem:v2+s29+$0xFFFFFFD0 ss:$0x1], $0xffff  }
0x386: {  	v9 =	vld.idx.msk [tilespmem:v2+s29+$0xFFFFFFE0 ss:$0x1], $0xffff  }
0x387: {  	v10 =	vld.idx.msk [tilespmem:v2+s29+$0xFFFFFFF0 ss:$0x1], $0xffff  }
0x388: {  	v11 =	vld.idx.msk [tilespmem:v2+s29+$0x20 ss:$0x1], $0xffff;
	v5 =	vsub.f32 v5, v4  }
0x389: {  	v12 =	vld.idx.msk [tilespmem:v2+s29+$0x30 ss:$0x1], $0xffff;
	v6 =	vsub.f32 v6, v4;
	v7 =	vsub.f32 v7, v4  }
0x38a: {  	s30 =	simm.s32 $0x400;
	v8 =	vsub.f32 v8, v4;
	v5 =	vmul.f32 $1.442695020e+00, v5  }
0x38b: {  	v13 =	vld.idx.msk [tilespmem:v2+s30+$0x0 ss:$0x1], $0xffff;
	v9 =	vsub.f32 v9, v4;
	v6 =	vmul.f32 $1.442695020e+00, v6;
	v7 =	vmul.f32 $1.442695020e+00, v7  }
0x38c: {  	v14 =	vld.idx.msk [tilespmem:v2+s30+$0x10 ss:$0x1], $0xffff;
	v8 =	vmul.f32 $1.442695020e+00, v8;
	(erf) = vpow2.f32 v5  }
0x38d: {  	v10 =	vsub.f32 v10, v4;
	v9 =	vmul.f32 $1.442695020e+00, v9;
	v5 =	vld.idx.msk [tilespmem:v2+s30+$0x20 ss:$0x1], $0xffff;
	(erf) = vpow2.f32 v6  }
0x38e: {  	v6 =	vsub.f32 v11, v4;
	(erf) = vpow2.f32 v7;
	v7 =	vsub.f32 v12, v4;
	v12 =	vld.idx.msk [tilespmem:v2+s30+$0xFFFFFFC0 ss:$0x1], $0xffff  }
0x38f: {  	v15 =	vld.idx.msk [tilespmem:v2+s30+$0xFFFFFFE0 ss:$0x1], $0xffff;
	v10 =	vmul.f32 $1.442695020e+00, v10;
	(erf) = vpow2.f32 v8  }
0x390: {  	v6 =	vmul.f32 $1.442695020e+00, v6;
	v8 =	vld.idx.msk [tilespmem:v2+s30+$0xFFFFFFD0 ss:$0x1], $0xffff;
	(erf) = vpow2.f32 v9  }
0x391: {  	v11 =	vld.idx.msk [tilespmem:v2+s30+$0x30 ss:$0x1], $0xffff;
	v7 =	vmul.f32 $1.442695020e+00, v7;
	v9 =	vsub.f32 v13, v4;
	(erf) = vpow2.f32 v10  }
0x392: {  	v10 =	vld.idx.msk [tilespmem:v2+s30+$0xFFFFFFF0 ss:$0x1], $0xffff;
	v13 =	vsub.f32 v5, v4;
	(erf) = vpow2.f32 v6;
	v6 =	vsub.f32 v14, v4  }
0x393: {  	s31 =	simm.s32 $0x800;
	v14 =	vmul.f32 $1.442695020e+00, v9;
	(erf) = vpow2.f32 v7;
	v12 =	vsub.f32 v12, v4  }
0x394: {  	v15 =	vsub.f32 v15, v4;
	v7 =	vld.idx.msk [tilespmem:v2+s31+$0x0 ss:$0x1], $0xffff;
	v6 =	vmul.f32 $1.442695020e+00, v6  }
0x395: {  	v19 =	vld.idx.msk [tilespmem:v2+s31+$0xFFFFFFE0 ss:$0x1], $0xffff;
	v9 =	vmul.f32 $1.442695020e+00, v13;
	v17 =	vsub.f32 v8, v4;
	v21 =	vpop (erf);
	v13 =	vmul.f32 $1.442695020e+00, v12  }
0x396: {  	v23 =	vmul.f32 $1.442695020e+00, v15;
	v15 =	vld.idx.msk [tilespmem:v2+s31+$0xFFFFFFC0 ss:$0x1], $0xffff;
	v16 =	vsub.f32 v11, v4;
	v22 =	vpop (erf)  }
0x397: {  	v5 =	vld [tilespmem:s23+$0x14000];
	(erf) = vpow2.f32 v14;
	v17 =	vmul.f32 $1.442695020e+00, v17;
	v18 =	vsub.f32 v10, v4;
	v14 =	vpop (erf)  }
0x398: {  	v20 =	vimm.f32 $0.0e+00;
	v11 =	vld.idx.msk [tilespmem:v2+s31+$0x10 ss:$0x1], $0xffff;
	v12 =	vmul.f32 $1.442695020e+00, v16;
	(erf) = vpow2.f32 v6;
	v6 =	vpop (erf)  }
0x399: {  	v8 =	vld.idx.msk [tilespmem:v2+s31+$0x20 ss:$0x1], $0xffff;
	v16 =	vsub.f32 v7, v4;
	v7 =	vmul.f32 $1.442695020e+00, v18;
	(erf) = vpow2.f32 v13;
	v13 =	vpop (erf)  }
0x39a: {  	v10 =	vld.idx.msk [tilespmem:v2+s31+$0x30 ss:$0x1], $0xffff;
	v24 =	vadd.f32 v14, v20;
	(erf) = vpow2.f32 v17;
	v25 =	vadd.f32 v6, v20;
	v6 =	vpop (erf)  }
0x39b: {  	v18 =	vld.idx.msk [tilespmem:v2+s31+$0xFFFFFFD0 ss:$0x1], $0xffff;
	(erf) = vpow2.f32 v23;
	v13 =	vadd.f32 v13, v20;
	v14 =	vadd.f32 v6, v20;
	v17 =	vpop (erf)  }
0x39c: {  	s24 =	simm.s32 $0x3000;
	v20 =	vld.idx.msk [tilespmem:v2+s31+$0xFFFFFFF0 ss:$0x1], $0xffff;
	(erf) = vpow2.f32 v7;
	v6 =	vadd.f32 v21, v24;
	v7 =	vadd.f32 v22, v25;
	v21 =	vpop (erf)  }
.LBB2_47:
0x39d: {  	s25 =	sshra.s32 s24, $0x2;
	p0 =	sne.s32 s24, $0x26000;
	(erf) = vpow2.f32 v9;
	v13 =	vadd.f32 v17, v13;
	v14 =	vadd.f32 v21, v14  }
0x39e: {  	v9 =	vsub.f32 v11, v4;
	v8 =	vsub.f32 v8, v4;
	v17 =	vld.idx.msk [tilespmem:v2+s25+$0x0 ss:$0x1], $0xffff;
	(erf) = vpow2.f32 v12  }
0x39f: {  	v10 =	vsub.f32 v10, v4;
	v12 =	vsub.f32 v15, v4;
	v15 =	vmul.f32 $1.442695020e+00, v16  }
0x3a0: {  	v16 =	vsub.f32 v18, v4;
	v18 =	vmul.f32 $1.442695020e+00, v9;
	v9 =	vmul.f32 $1.442695020e+00, v8;
	v21 =	vpop (erf)  }
0x3a1: {  	v22 =	vmul.f32 $1.442695020e+00, v12;
	v27 =	vsub.f32 v19, v4;
	v12 =	vmul.f32 $1.442695020e+00, v10;
	v11 =	vld.idx.msk [tilespmem:v2+s25+$0x10 ss:$0x1], $0xffff;
	v23 =	vpop (erf)  }
0x3a2: {  	v24 =	vmul.f32 $1.442695020e+00, v16;
	v28 =	vsub.f32 v20, v4;
	v8 =	vld.idx.msk [tilespmem:v2+s25+$0x20 ss:$0x1], $0xffff;
	(erf) = vpow2.f32 v15;
	v25 =	vpop (erf)  }
.Ltmp22:
0x3a3: {  	v26 =	vmul.f32 $1.442695020e+00, v27;
	v10 =	vld.idx.msk [tilespmem:v2+s25+$0x30 ss:$0x1], $0xffff;
	(erf) = vpow2.f32 v18;
	v19 =	vpop (erf);
	(pc) =	sbr.rel @p0 .LBB2_47-.Ltmp22, $4  }
0x3a4: {  	v16 =	vsub.f32 v17, v4;
	v27 =	vmul.f32 $1.442695020e+00, v28;
	v15 =	vld.idx.msk [tilespmem:v2+s25+$0xFFFFFFC0 ss:$0x1], $0xffff;
	(erf) = vpow2.f32 v22;
	v17 =	vpop (erf)  }
0x3a5: {  	v6 =	vadd.f32 v25, v6;
	v7 =	vadd.f32 v19, v7;
	v18 =	vld.idx.msk [tilespmem:v2+s25+$0xFFFFFFD0 ss:$0x1], $0xffff;
	(erf) = vpow2.f32 v24;
	v20 =	vpop (erf)  }
0x3a6: {  	v13 =	vadd.f32 v17, v13;
	v19 =	vld.idx.msk [tilespmem:v2+s25+$0xFFFFFFE0 ss:$0x1], $0xffff;
	(erf) = vpow2.f32 v26;
	v14 =	vadd.f32 v20, v14;
	v17 =	vpop (erf)  }
0x3a7: {  	s24 =	sadd.s32 $0x1000, s24;
	v6 =	vadd.f32 v21, v6;
	v7 =	vadd.f32 v23, v7;
	v20 =	vld.idx.msk [tilespmem:v2+s25+$0xFFFFFFF0 ss:$0x1], $0xffff;
	(erf) = vpow2.f32 v27;
	v21 =	vpop (erf)  }
0x3a8: {  	v2 =	vsub.f32 v11, v4  }
0x3a9: {  	(erf) = vpow2.f32 v9;
	v41 =	vmul.f32 $1.442695020e+00, v16;
	v40 =	vsub.f32 v15, v4  }
0x3aa: {  	(erf) = vpow2.f32 v12;
	v42 =	vsub.f32 v18, v4;
	v2 =	vmul.f32 $1.442695020e+00, v2  }
0x3ab: {  	(erf) = vpow2.f32 v41;
	v9 =	vmul.f32 $1.442695020e+00, v40;
	v43 =	vsub.f32 v19, v4  }
0x3ac: {  	v44 =	vpop (erf);
	v12 =	vmul.f32 $1.442695020e+00, v42;
	v45 =	vsub.f32 v20, v4;
	(erf) = vpow2.f32 v2  }
0x3ad: {  	v2 =	vsub.f32 v8, v4;
	v46 =	vpop (erf);
	v15 =	vmul.f32 $1.442695020e+00, v43;
	(erf) = vpow2.f32 v9  }
0x3ae: {  	v47 =	vsub.f32 v10, v4;
	v48 =	vpop (erf);
	v16 =	vmul.f32 $1.442695020e+00, v45;
	(erf) = vpow2.f32 v12  }
0x3af: {  	v3 =	vsub.f32 v3, v4;
	v2 =	vmul.f32 $1.442695020e+00, v2;
	v49 =	vpop (erf);
	(erf) = vpow2.f32 v15  }
0x3b0: {  	v50 =	vmul.f32 $1.442695020e+00, v47;
	v51 =	vpop (erf);
	(erf) = vpow2.f32 v16  }
0x3b1: {  	v52 =	vpop (erf);
	(erf) = vpow2.f32 v2;
	v2 =	vmul.f32 $1.442695020e+00, v3;
	_ =	sdelay $0x1  }
0x3b2: {  	v3 =	vpop (erf);
	(erf) = vpow2.f32 v50  }
0x3b3: {  	v53 =	vpop (erf);
	(erf) = vpow2.f32 v2  }
0x3b4: {  	v13 =	vadd.f32 v17, v13;
	v6 =	vadd.f32 v48, v6;
	v2 =	vpop (erf)  }
0x3b5: {  	v14 =	vadd.f32 v21, v14;
	v7 =	vadd.f32 v49, v7;
	v54 =	vpop (erf)  }
0x3b6: {  	v9 =	vadd.f32 v51, v13;
	v6 =	vadd.f32 v44, v6;
	v56 =	vpop (erf)  }
0x3b7: {  	v55 =	vadd.f32 v52, v14;
	v7 =	vadd.f32 v46, v7;
	v57 =	vpop (erf)  }
0x3b8: {  	v3 =	vadd.f32 v3, v9;
	v6 =	vadd.f32 v56, v6;
	v58 =	vpop (erf)  }
0x3b9: {  	v4 =	vadd.f32 v53, v55;
	v7 =	vadd.f32 v57, v7;
	v59 =	vpop (erf)  }
0x3ba: {  	v3 =	vadd.f32 v58, v3;
	v2 =	vadd.f32 v2, v6;
	v60 =	vpop (erf)  }
0x3bb: {  	v4 =	vadd.f32 v59, v4;
	v61 =	vadd.f32 v54, v7;
	v62 =	vpop (erf)  }
0x3bc: {  	v3 =	vadd.f32 v60, v3;
	v63 =	vpop (erf)  }
0x3bd: {  	s21 =	sadd.s32 $0x1, s21;
	v4 =	vadd.f32 v62, v4;
	v2 =	vadd.f32 v61, v2;
	v5 =	vmul.f32 v63, v5  }
0x3be: {  	p0 =	sne.s32 s21, $0x8  }
.Ltmp23:
0x3bf: {  	v3 =	vadd.f32 v4, v3;
	v2 =	vadd.f32 v2, v5;
	(pc) =	sbr.rel @p0 .LBB2_44-.Ltmp23, $3  }
0x3c0: {  	_ = 	snop  }
0x3c1: {  	v2 =	vadd.f32 v3, v2;
	_ =	sdelay $0x1  }
0x3c2: {  	s22 =	sadd.s32 $0x80, s22;
	[tilespmem:s23+$0x14000] =	vst v2  }
0x3c3: {  	_ =	swait.ge [sflag:s3], $0x9C00  }
0x3c4: {  	[sflag:s3] =	ssyncset.done $0x0  }
0x3c5: {  	s21 =	simm.s32 $0x0;
	s22 =	simm.s32 $0x40;
	[sflag:s3] =	ssyncadd.s32 $0xFFFF6400  }
0x3c6: {  	[tilespmem:s16], [sflag:$0x2] =	stream.linear.gather [hbm4b:s13+s21], $0x9C00, $0x38;
	[tilespmem:$0x14800] =	vst v63  }
.LBB2_50:
0x3c7: {  	v2 =	vmov s22;
	_ =	sdelay $0x3  }
0x3c8: {  	s25 =	simm.s32 $0x0  }
0x3c9: {  	v5 =	vld.idx.msk [tilespmem:v2+s25+$0x20 ss:$0x1], $0xffff  }
0x3ca: {  	v3 =	vld.idx.msk [tilespmem:v2+s25+$0x30 ss:$0x1], $0xffff  }
0x3cb: {  	v16 =	vld.idx.msk [tilespmem:v2+s25+$0xFFFFFFF0 ss:$0x1], $0xffff  }
0x3cc: {  	v15 =	vld.idx.msk [tilespmem:v2+s25+$0xFFFFFFE0 ss:$0x1], $0xffff  }
0x3cd: {  	v12 =	vld.idx.msk [tilespmem:v2+s25+$0xFFFFFFC0 ss:$0x1], $0xffff  }
0x3ce: {  	v14 =	vimm.f32 $-1.000000020e+30;
	v11 =	vimm.f32 $-1.000000020e+30;
	v8 =	vld.idx.msk [tilespmem:v2+s25+$0xFFFFFFD0 ss:$0x1], $0xffff  }
0x3cf: {  	v18 =	vimm.f32 $-1.000000020e+30;
	v17 =	vimm.f32 $-1.000000020e+30;
	v10 =	vimm.f32 $-1.000000020e+30;
	v7 =	vld.idx.msk [tilespmem:v2+s25+$0x10 ss:$0x1], $0xffff  }
0x3d0: {  	s24 =	simm.s32 $0x1000;
	s23 =	simm.s32 $0x2000;
	v9 =	vimm.f32 $-1.000000020e+30;
	v13 =	vimm.f32 $-1.000000020e+30;
	v6 =	vimm.f32 $-1.000000020e+30;
	v4 =	vld.idx.msk [tilespmem:v2+s25+$0x0 ss:$0x1], $0xffff  }
.LBB2_51:
0x3d1: {  	p0 =	sne.s32 s23, $0x26000  }
0x3d2: {  	s25 =	sshra.s32 s24, $0x2;
	v19 =	vmin.f32 v14, v16;
	v20 =	vmax.f32 v14, v16;
	s24 =	smov.u32 s23;
	s23 =	sadd.s32 $0x1000, s23  }
0x3d3: {  	v22 =	vmin.f32 v11, v15;
	v23 =	vmax.f32 v11, v15;
	v21 =	vld.idx.msk [tilespmem:v2+s25+$0x20 ss:$0x1], $0xffff;
	v14 =	vmax.f32 v20, v3  }
0x3d4: {  	v15 =	vmin.f32 v18, v12;
	v18 =	vmax.f32 v18, v12;
	v11 =	vmax.f32 v23, v5;
	v24 =	vld.idx.msk [tilespmem:v2+s25+$0x30 ss:$0x1], $0xffff  }
0x3d5: {  	v17 =	vmax.f32 v17, v15;
	v12 =	vmin.f32 v10, v8;
	v8 =	vmax.f32 v10, v8;
	v16 =	vld.idx.msk [tilespmem:v2+s25+$0xFFFFFFF0 ss:$0x1], $0xffff  }
.Ltmp24:
0x3d6: {  	v13 =	vmax.f32 v13, v22;
	v9 =	vmax.f32 v9, v12;
	v10 =	vmin.f32 v8, v7;
	v15 =	vld.idx.msk [tilespmem:v2+s25+$0xFFFFFFE0 ss:$0x1], $0xffff;
	(pc) =	sbr.rel @p0 .LBB2_51-.Ltmp24, $4  }
0x3d7: {  	v5 =	vmin.f32 v23, v5;
	v9 =	vmax.f32 v9, v10;
	v10 =	vmax.f32 v8, v7;
	v12 =	vld.idx.msk [tilespmem:v2+s25+$0xFFFFFFC0 ss:$0x1], $0xffff  }
0x3d8: {  	v20 =	vmin.f32 v20, v3;
	v13 =	vmax.f32 v13, v5;
	v22 =	vmin.f32 v18, v4;
	v8 =	vld.idx.msk [tilespmem:v2+s25+$0xFFFFFFD0 ss:$0x1], $0xffff  }
0x3d9: {  	v19 =	vmax.f32 v6, v19;
	v18 =	vmax.f32 v18, v4;
	v17 =	vmax.f32 v17, v22;
	v7 =	vld.idx.msk [tilespmem:v2+s25+$0x10 ss:$0x1], $0xffff  }
0x3da: {  	v6 =	vmax.f32 v19, v20;
	v5 =	vmov v21;
	v3 =	vmov v24;
	v4 =	vld.idx.msk [tilespmem:v2+s25+$0x0 ss:$0x1], $0xffff  }
0x3db: {  	_ =	sdelay $0x2  }
0x3dc: {  	s23 =	sshra.s32 s24, $0x2;
	v19 =	vmin.f32 v14, v16;
	v14 =	vmax.f32 v14, v16  }
0x3dd: {  	v20 =	vmin.f32 v11, v15;
	v11 =	vmax.f32 v11, v15;
	v16 =	vld.idx.msk [tilespmem:v2+s23+$0x20 ss:$0x1], $0xffff;
	v15 =	vmax.f32 v14, v3  }
0x3de: {  	v21 =	vld.idx.msk [tilespmem:v2+s23+$0x30 ss:$0x1], $0xffff;
	v22 =	vmin.f32 v18, v12;
	v12 =	vmax.f32 v18, v12;
	v18 =	vmax.f32 v11, v5  }
0x3df: {  	v23 =	vld.idx.msk [tilespmem:v2+s23+$0xFFFFFFF0 ss:$0x1], $0xffff;
	v13 =	vmax.f32 v13, v20;
	v5 =	vmin.f32 v11, v5;
	v3 =	vmin.f32 v14, v3  }
0x3e0: {  	v17 =	vmax.f32 v17, v22;
	v22 =	vmin.f32 v10, v8;
	v8 =	vmax.f32 v10, v8;
	v10 =	vld.idx.msk [tilespmem:v2+s23+$0xFFFFFFE0 ss:$0x1], $0xffff  }
0x3e1: {  	v6 =	vmax.f32 v6, v19;
	v5 =	vmax.f32 v13, v5;
	v9 =	vmax.f32 v9, v22;
	v22 =	vld.idx.msk [tilespmem:v2+s23+$0xFFFFFFC0 ss:$0x1], $0xffff  }
0x3e2: {  	v6 =	vmax.f32 v6, v3;
	v20 =	vmin.f32 v8, v7;
	v7 =	vmax.f32 v8, v7;
	v8 =	vld.idx.msk [tilespmem:v2+s23+$0xFFFFFFD0 ss:$0x1], $0xffff  }
0x3e3: {  	v13 =	vld.idx.msk [tilespmem:v2+s23+$0x10 ss:$0x1], $0xffff;
	v9 =	vmax.f32 v9, v20;
	v11 =	vmin.f32 v12, v4;
	v4 =	vmax.f32 v12, v4  }
0x3e4: {  	v11 =	vmax.f32 v17, v11;
	v12 =	vmin.f32 v15, v23;
	v3 =	vmax.f32 v15, v23  }
0x3e5: {  	v14 =	vld.idx.msk [tilespmem:v2+s23+$0x0 ss:$0x1], $0xffff;
	v15 =	vmin.f32 v18, v10;
	v10 =	vmax.f32 v18, v10;
	v17 =	vmax.f32 v3, v21  }
0x3e6: {  	v18 =	vmin.f32 v4, v22;
	v4 =	vmax.f32 v4, v22;
	v19 =	vmax.f32 v10, v16  }
0x3e7: {  	v11 =	vmax.f32 v11, v18;
	v18 =	vmin.f32 v7, v8;
	v7 =	vmax.f32 v7, v8  }
0x3e8: {  	v5 =	vmax.f32 v5, v15;
	v8 =	vmax.f32 v9, v18;
	v9 =	vmin.f32 v7, v13  }
0x3e9: {  	v7 =	vmax.f32 v7, v13;
	v8 =	vmax.f32 v8, v9;
	v9 =	vmin.f32 v10, v16  }
0x3ea: {  	v10 =	vmin.f32 v4, v14;
	v4 =	vmax.f32 v4, v14;
	v5 =	vmax.f32 v5, v9  }
0x3eb: {  	s23 =	sshll.u32 s21, $0x7;
	v9 =	vmin.f32 v3, v21;
	v3 =	vmax.f32 v11, v10;
	vm3 =	vge.f32 v4, v7  }
0x3ec: {  	v10 =	vmax.f32 v4, v7;
	v4 =	vmin.f32 v4, v7;
	v7 =	vsel vm3, v3, v8;
	v3 =	vld [tilespmem:s23+$0x13800]  }
0x3ed: {  	v6 =	vmax.f32 v6, v12;
	vm3 =	vge.f32 v10, v19;
	v4 =	vmax.f32 v4, v7;
	v7 =	vld [tilespmem:s23+$0x13C00]  }
0x3ee: {  	v8 =	vmax.f32 v10, v19;
	v10 =	vmin.f32 v10, v19;
	v4 =	vsel vm3, v4, v5  }
0x3ef: {  	v5 =	vmax.f32 v6, v9;
	vm3 =	vge.f32 v8, v17;
	v4 =	vmax.f32 v10, v4  }
0x3f0: {  	v6 =	vmax.f32 v8, v17;
	v8 =	vmin.f32 v8, v17;
	v4 =	vsel vm3, v4, v5  }
0x3f1: {  	v5 =	vmax.f32 v8, v4;
	vm3 =	vge.f32 v3, v6  }
0x3f2: {  	v4 =	vmax.f32 v3, v6;
	v6 =	vmin.f32 v3, v6;
	v5 =	vsel vm3, v7, v5  }
0x3f3: {  	[tilespmem:s23+$0x13800] =	vst v4;
	v5 =	vmax.f32 v6, v5  }
0x3f4: {  	s29 =	simm.s32 $0x0;
	[tilespmem:s23+$0x13C00] =	vst v5  }
0x3f5: {  	v5 =	vld.idx.msk [tilespmem:v2+s29+$0x0 ss:$0x1], $0xffff  }
0x3f6: {  	v6 =	vld.idx.msk [tilespmem:v2+s29+$0x10 ss:$0x1], $0xffff  }
0x3f7: {  	v7 =	vld.idx.msk [tilespmem:v2+s29+$0xFFFFFFC0 ss:$0x1], $0xffff  }
0x3f8: {  	v8 =	vld.idx.msk [tilespmem:v2+s29+$0xFFFFFFD0 ss:$0x1], $0xffff  }
0x3f9: {  	v9 =	vld.idx.msk [tilespmem:v2+s29+$0xFFFFFFE0 ss:$0x1], $0xffff  }
0x3fa: {  	v10 =	vld.idx.msk [tilespmem:v2+s29+$0xFFFFFFF0 ss:$0x1], $0xffff  }
0x3fb: {  	v11 =	vld.idx.msk [tilespmem:v2+s29+$0x20 ss:$0x1], $0xffff;
	v5 =	vsub.f32 v5, v4  }
0x3fc: {  	v12 =	vld.idx.msk [tilespmem:v2+s29+$0x30 ss:$0x1], $0xffff;
	v6 =	vsub.f32 v6, v4;
	v7 =	vsub.f32 v7, v4  }
0x3fd: {  	s30 =	simm.s32 $0x400;
	v8 =	vsub.f32 v8, v4;
	v5 =	vmul.f32 $1.442695020e+00, v5  }
0x3fe: {  	v13 =	vld.idx.msk [tilespmem:v2+s30+$0x0 ss:$0x1], $0xffff;
	v9 =	vsub.f32 v9, v4;
	v6 =	vmul.f32 $1.442695020e+00, v6;
	v7 =	vmul.f32 $1.442695020e+00, v7  }
0x3ff: {  	v14 =	vld.idx.msk [tilespmem:v2+s30+$0x10 ss:$0x1], $0xffff;
	v8 =	vmul.f32 $1.442695020e+00, v8;
	(erf) = vpow2.f32 v5  }
0x400: {  	v10 =	vsub.f32 v10, v4;
	v9 =	vmul.f32 $1.442695020e+00, v9;
	v5 =	vld.idx.msk [tilespmem:v2+s30+$0x20 ss:$0x1], $0xffff;
	(erf) = vpow2.f32 v6  }
0x401: {  	v6 =	vsub.f32 v11, v4;
	(erf) = vpow2.f32 v7;
	v7 =	vsub.f32 v12, v4;
	v12 =	vld.idx.msk [tilespmem:v2+s30+$0xFFFFFFC0 ss:$0x1], $0xffff  }
0x402: {  	v15 =	vld.idx.msk [tilespmem:v2+s30+$0xFFFFFFE0 ss:$0x1], $0xffff;
	v10 =	vmul.f32 $1.442695020e+00, v10;
	(erf) = vpow2.f32 v8  }
0x403: {  	v6 =	vmul.f32 $1.442695020e+00, v6;
	v8 =	vld.idx.msk [tilespmem:v2+s30+$0xFFFFFFD0 ss:$0x1], $0xffff;
	(erf) = vpow2.f32 v9  }
0x404: {  	v11 =	vld.idx.msk [tilespmem:v2+s30+$0x30 ss:$0x1], $0xffff;
	v7 =	vmul.f32 $1.442695020e+00, v7;
	v9 =	vsub.f32 v13, v4;
	(erf) = vpow2.f32 v10  }
0x405: {  	v10 =	vld.idx.msk [tilespmem:v2+s30+$0xFFFFFFF0 ss:$0x1], $0xffff;
	v13 =	vsub.f32 v5, v4;
	(erf) = vpow2.f32 v6;
	v6 =	vsub.f32 v14, v4  }
0x406: {  	s31 =	simm.s32 $0x800;
	v14 =	vmul.f32 $1.442695020e+00, v9;
	(erf) = vpow2.f32 v7;
	v12 =	vsub.f32 v12, v4  }
0x407: {  	v15 =	vsub.f32 v15, v4;
	v7 =	vld.idx.msk [tilespmem:v2+s31+$0x0 ss:$0x1], $0xffff;
	v6 =	vmul.f32 $1.442695020e+00, v6  }
0x408: {  	v19 =	vld.idx.msk [tilespmem:v2+s31+$0xFFFFFFE0 ss:$0x1], $0xffff;
	v9 =	vmul.f32 $1.442695020e+00, v13;
	v17 =	vsub.f32 v8, v4;
	v21 =	vpop (erf);
	v13 =	vmul.f32 $1.442695020e+00, v12  }
0x409: {  	v23 =	vmul.f32 $1.442695020e+00, v15;
	v15 =	vld.idx.msk [tilespmem:v2+s31+$0xFFFFFFC0 ss:$0x1], $0xffff;
	v16 =	vsub.f32 v11, v4;
	v22 =	vpop (erf)  }
0x40a: {  	v5 =	vld [tilespmem:s23+$0x14000];
	(erf) = vpow2.f32 v14;
	v17 =	vmul.f32 $1.442695020e+00, v17;
	v18 =	vsub.f32 v10, v4;
	v14 =	vpop (erf)  }
0x40b: {  	v20 =	vimm.f32 $0.0e+00;
	v11 =	vld.idx.msk [tilespmem:v2+s31+$0x10 ss:$0x1], $0xffff;
	v12 =	vmul.f32 $1.442695020e+00, v16;
	(erf) = vpow2.f32 v6;
	v6 =	vpop (erf)  }
0x40c: {  	v8 =	vld.idx.msk [tilespmem:v2+s31+$0x20 ss:$0x1], $0xffff;
	v16 =	vsub.f32 v7, v4;
	v7 =	vmul.f32 $1.442695020e+00, v18;
	(erf) = vpow2.f32 v13;
	v13 =	vpop (erf)  }
0x40d: {  	v10 =	vld.idx.msk [tilespmem:v2+s31+$0x30 ss:$0x1], $0xffff;
	v24 =	vadd.f32 v14, v20;
	(erf) = vpow2.f32 v17;
	v25 =	vadd.f32 v6, v20;
	v6 =	vpop (erf)  }
0x40e: {  	v18 =	vld.idx.msk [tilespmem:v2+s31+$0xFFFFFFD0 ss:$0x1], $0xffff;
	(erf) = vpow2.f32 v23;
	v13 =	vadd.f32 v13, v20;
	v14 =	vadd.f32 v6, v20;
	v17 =	vpop (erf)  }
0x40f: {  	s24 =	simm.s32 $0x3000;
	v20 =	vld.idx.msk [tilespmem:v2+s31+$0xFFFFFFF0 ss:$0x1], $0xffff;
	(erf) = vpow2.f32 v7;
	v6 =	vadd.f32 v21, v24;
	v7 =	vadd.f32 v22, v25;
	v21 =	vpop (erf)  }
.LBB2_53:
0x410: {  	s25 =	sshra.s32 s24, $0x2;
	p0 =	sne.s32 s24, $0x26000;
	(erf) = vpow2.f32 v9;
	v13 =	vadd.f32 v17, v13;
	v14 =	vadd.f32 v21, v14  }
0x411: {  	v9 =	vsub.f32 v11, v4;
	v8 =	vsub.f32 v8, v4;
	v17 =	vld.idx.msk [tilespmem:v2+s25+$0x0 ss:$0x1], $0xffff;
	(erf) = vpow2.f32 v12  }
0x412: {  	v10 =	vsub.f32 v10, v4;
	v12 =	vsub.f32 v15, v4;
	v15 =	vmul.f32 $1.442695020e+00, v16  }
0x413: {  	v16 =	vsub.f32 v18, v4;
	v18 =	vmul.f32 $1.442695020e+00, v9;
	v9 =	vmul.f32 $1.442695020e+00, v8;
	v21 =	vpop (erf)  }
0x414: {  	v22 =	vmul.f32 $1.442695020e+00, v12;
	v27 =	vsub.f32 v19, v4;
	v12 =	vmul.f32 $1.442695020e+00, v10;
	v11 =	vld.idx.msk [tilespmem:v2+s25+$0x10 ss:$0x1], $0xffff;
	v23 =	vpop (erf)  }
0x415: {  	v24 =	vmul.f32 $1.442695020e+00, v16;
	v28 =	vsub.f32 v20, v4;
	v8 =	vld.idx.msk [tilespmem:v2+s25+$0x20 ss:$0x1], $0xffff;
	(erf) = vpow2.f32 v15;
	v25 =	vpop (erf)  }
.Ltmp25:
0x416: {  	v26 =	vmul.f32 $1.442695020e+00, v27;
	v10 =	vld.idx.msk [tilespmem:v2+s25+$0x30 ss:$0x1], $0xffff;
	(erf) = vpow2.f32 v18;
	v19 =	vpop (erf);
	(pc) =	sbr.rel @p0 .LBB2_53-.Ltmp25, $4  }
0x417: {  	v16 =	vsub.f32 v17, v4;
	v27 =	vmul.f32 $1.442695020e+00, v28;
	v15 =	vld.idx.msk [tilespmem:v2+s25+$0xFFFFFFC0 ss:$0x1], $0xffff;
	(erf) = vpow2.f32 v22;
	v17 =	vpop (erf)  }
0x418: {  	v6 =	vadd.f32 v25, v6;
	v7 =	vadd.f32 v19, v7;
	v18 =	vld.idx.msk [tilespmem:v2+s25+$0xFFFFFFD0 ss:$0x1], $0xffff;
	(erf) = vpow2.f32 v24;
	v20 =	vpop (erf)  }
0x419: {  	v13 =	vadd.f32 v17, v13;
	v19 =	vld.idx.msk [tilespmem:v2+s25+$0xFFFFFFE0 ss:$0x1], $0xffff;
	(erf) = vpow2.f32 v26;
	v14 =	vadd.f32 v20, v14;
	v17 =	vpop (erf)  }
0x41a: {  	s24 =	sadd.s32 $0x1000, s24;
	v6 =	vadd.f32 v21, v6;
	v7 =	vadd.f32 v23, v7;
	v20 =	vld.idx.msk [tilespmem:v2+s25+$0xFFFFFFF0 ss:$0x1], $0xffff;
	(erf) = vpow2.f32 v27;
	v21 =	vpop (erf)  }
0x41b: {  	v2 =	vsub.f32 v11, v4  }
0x41c: {  	(erf) = vpow2.f32 v9;
	v41 =	vmul.f32 $1.442695020e+00, v16;
	v40 =	vsub.f32 v15, v4  }
0x41d: {  	(erf) = vpow2.f32 v12;
	v42 =	vsub.f32 v18, v4;
	v2 =	vmul.f32 $1.442695020e+00, v2  }
0x41e: {  	(erf) = vpow2.f32 v41;
	v9 =	vmul.f32 $1.442695020e+00, v40;
	v43 =	vsub.f32 v19, v4  }
0x41f: {  	v44 =	vpop (erf);
	v12 =	vmul.f32 $1.442695020e+00, v42;
	v45 =	vsub.f32 v20, v4;
	(erf) = vpow2.f32 v2  }
0x420: {  	v2 =	vsub.f32 v8, v4;
	v46 =	vpop (erf);
	v15 =	vmul.f32 $1.442695020e+00, v43;
	(erf) = vpow2.f32 v9  }
0x421: {  	v47 =	vsub.f32 v10, v4;
	v48 =	vpop (erf);
	v16 =	vmul.f32 $1.442695020e+00, v45;
	(erf) = vpow2.f32 v12  }
0x422: {  	v3 =	vsub.f32 v3, v4;
	v2 =	vmul.f32 $1.442695020e+00, v2;
	v49 =	vpop (erf);
	(erf) = vpow2.f32 v15  }
0x423: {  	v50 =	vmul.f32 $1.442695020e+00, v47;
	v51 =	vpop (erf);
	(erf) = vpow2.f32 v16  }
0x424: {  	v52 =	vpop (erf);
	(erf) = vpow2.f32 v2;
	v2 =	vmul.f32 $1.442695020e+00, v3;
	_ =	sdelay $0x1  }
0x425: {  	v3 =	vpop (erf);
	(erf) = vpow2.f32 v50  }
0x426: {  	v53 =	vpop (erf);
	(erf) = vpow2.f32 v2  }
0x427: {  	v13 =	vadd.f32 v17, v13;
	v6 =	vadd.f32 v48, v6;
	v2 =	vpop (erf)  }
0x428: {  	v14 =	vadd.f32 v21, v14;
	v7 =	vadd.f32 v49, v7;
	v54 =	vpop (erf)  }
0x429: {  	v9 =	vadd.f32 v51, v13;
	v6 =	vadd.f32 v44, v6;
	v56 =	vpop (erf)  }
0x42a: {  	v55 =	vadd.f32 v52, v14;
	v7 =	vadd.f32 v46, v7;
	v57 =	vpop (erf)  }
0x42b: {  	v3 =	vadd.f32 v3, v9;
	v6 =	vadd.f32 v56, v6;
	v58 =	vpop (erf)  }
0x42c: {  	v4 =	vadd.f32 v53, v55;
	v7 =	vadd.f32 v57, v7;
	v59 =	vpop (erf)  }
0x42d: {  	v3 =	vadd.f32 v58, v3;
	v2 =	vadd.f32 v2, v6;
	v60 =	vpop (erf)  }
0x42e: {  	v4 =	vadd.f32 v59, v4;
	v61 =	vadd.f32 v54, v7;
	v62 =	vpop (erf)  }
0x42f: {  	v3 =	vadd.f32 v60, v3;
	v63 =	vpop (erf)  }
0x430: {  	s21 =	sadd.s32 $0x1, s21;
	v4 =	vadd.f32 v62, v4;
	v2 =	vadd.f32 v61, v2;
	v5 =	vmul.f32 v63, v5  }
0x431: {  	p0 =	sne.s32 s21, $0x8  }
.Ltmp26:
0x432: {  	v3 =	vadd.f32 v4, v3;
	v2 =	vadd.f32 v2, v5;
	(pc) =	sbr.rel @p0 .LBB2_50-.Ltmp26, $3  }
0x433: {  	_ = 	snop  }
0x434: {  	v2 =	vadd.f32 v3, v2;
	_ =	sdelay $0x1  }
0x435: {  	s22 =	sadd.s32 $0x80, s22;
	[tilespmem:s23+$0x14000] =	vst v2  }
0x436: {  	_ =	swait.ge [sflag:s17], $0x9C00  }
0x437: {  	[sflag:s17] =	ssyncset.done $0x0  }
0x438: {  	s21 =	simm.s32 $0x0;
	s22 =	simm.s32 $0x9C40;
	[sflag:s17] =	ssyncadd.s32 $0xFFFF6400  }
.LBB2_56:
0x439: {  	v2 =	vmov s22;
	_ =	sdelay $0x3  }
0x43a: {  	s25 =	simm.s32 $0x0  }
0x43b: {  	v5 =	vld.idx.msk [tilespmem:v2+s25+$0x20 ss:$0x1], $0xffff  }
0x43c: {  	v3 =	vld.idx.msk [tilespmem:v2+s25+$0x30 ss:$0x1], $0xffff  }
0x43d: {  	v16 =	vld.idx.msk [tilespmem:v2+s25+$0xFFFFFFF0 ss:$0x1], $0xffff  }
0x43e: {  	v15 =	vld.idx.msk [tilespmem:v2+s25+$0xFFFFFFE0 ss:$0x1], $0xffff  }
0x43f: {  	v12 =	vld.idx.msk [tilespmem:v2+s25+$0xFFFFFFC0 ss:$0x1], $0xffff  }
0x440: {  	v14 =	vimm.f32 $-1.000000020e+30;
	v11 =	vimm.f32 $-1.000000020e+30;
	v8 =	vld.idx.msk [tilespmem:v2+s25+$0xFFFFFFD0 ss:$0x1], $0xffff  }
0x441: {  	v18 =	vimm.f32 $-1.000000020e+30;
	v17 =	vimm.f32 $-1.000000020e+30;
	v10 =	vimm.f32 $-1.000000020e+30;
	v7 =	vld.idx.msk [tilespmem:v2+s25+$0x10 ss:$0x1], $0xffff  }
0x442: {  	s24 =	simm.s32 $0x1000;
	s23 =	simm.s32 $0x2000;
	v9 =	vimm.f32 $-1.000000020e+30;
	v13 =	vimm.f32 $-1.000000020e+30;
	v6 =	vimm.f32 $-1.000000020e+30;
	v4 =	vld.idx.msk [tilespmem:v2+s25+$0x0 ss:$0x1], $0xffff  }
.LBB2_57:
0x443: {  	p0 =	sne.s32 s23, $0x26000  }
0x444: {  	s25 =	sshra.s32 s24, $0x2;
	v19 =	vmin.f32 v14, v16;
	v20 =	vmax.f32 v14, v16;
	s24 =	smov.u32 s23;
	s23 =	sadd.s32 $0x1000, s23  }
0x445: {  	v22 =	vmin.f32 v11, v15;
	v23 =	vmax.f32 v11, v15;
	v21 =	vld.idx.msk [tilespmem:v2+s25+$0x20 ss:$0x1], $0xffff;
	v14 =	vmax.f32 v20, v3  }
0x446: {  	v15 =	vmin.f32 v18, v12;
	v18 =	vmax.f32 v18, v12;
	v11 =	vmax.f32 v23, v5;
	v24 =	vld.idx.msk [tilespmem:v2+s25+$0x30 ss:$0x1], $0xffff  }
0x447: {  	v17 =	vmax.f32 v17, v15;
	v12 =	vmin.f32 v10, v8;
	v8 =	vmax.f32 v10, v8;
	v16 =	vld.idx.msk [tilespmem:v2+s25+$0xFFFFFFF0 ss:$0x1], $0xffff  }
.Ltmp27:
0x448: {  	v13 =	vmax.f32 v13, v22;
	v9 =	vmax.f32 v9, v12;
	v10 =	vmin.f32 v8, v7;
	v15 =	vld.idx.msk [tilespmem:v2+s25+$0xFFFFFFE0 ss:$0x1], $0xffff;
	(pc) =	sbr.rel @p0 .LBB2_57-.Ltmp27, $4  }
0x449: {  	v5 =	vmin.f32 v23, v5;
	v9 =	vmax.f32 v9, v10;
	v10 =	vmax.f32 v8, v7;
	v12 =	vld.idx.msk [tilespmem:v2+s25+$0xFFFFFFC0 ss:$0x1], $0xffff  }
0x44a: {  	v20 =	vmin.f32 v20, v3;
	v13 =	vmax.f32 v13, v5;
	v22 =	vmin.f32 v18, v4;
	v8 =	vld.idx.msk [tilespmem:v2+s25+$0xFFFFFFD0 ss:$0x1], $0xffff  }
0x44b: {  	v19 =	vmax.f32 v6, v19;
	v18 =	vmax.f32 v18, v4;
	v17 =	vmax.f32 v17, v22;
	v7 =	vld.idx.msk [tilespmem:v2+s25+$0x10 ss:$0x1], $0xffff  }
0x44c: {  	v6 =	vmax.f32 v19, v20;
	v5 =	vmov v21;
	v3 =	vmov v24;
	v4 =	vld.idx.msk [tilespmem:v2+s25+$0x0 ss:$0x1], $0xffff  }
0x44d: {  	_ =	sdelay $0x2  }
0x44e: {  	s23 =	sshra.s32 s24, $0x2;
	v19 =	vmin.f32 v14, v16;
	v14 =	vmax.f32 v14, v16  }
0x44f: {  	v20 =	vmin.f32 v11, v15;
	v11 =	vmax.f32 v11, v15;
	v16 =	vld.idx.msk [tilespmem:v2+s23+$0x20 ss:$0x1], $0xffff;
	v15 =	vmax.f32 v14, v3  }
0x450: {  	v21 =	vld.idx.msk [tilespmem:v2+s23+$0x30 ss:$0x1], $0xffff;
	v22 =	vmin.f32 v18, v12;
	v12 =	vmax.f32 v18, v12;
	v18 =	vmax.f32 v11, v5  }
0x451: {  	v23 =	vld.idx.msk [tilespmem:v2+s23+$0xFFFFFFF0 ss:$0x1], $0xffff;
	v13 =	vmax.f32 v13, v20;
	v5 =	vmin.f32 v11, v5;
	v3 =	vmin.f32 v14, v3  }
0x452: {  	v17 =	vmax.f32 v17, v22;
	v22 =	vmin.f32 v10, v8;
	v8 =	vmax.f32 v10, v8;
	v10 =	vld.idx.msk [tilespmem:v2+s23+$0xFFFFFFE0 ss:$0x1], $0xffff  }
0x453: {  	v6 =	vmax.f32 v6, v19;
	v5 =	vmax.f32 v13, v5;
	v9 =	vmax.f32 v9, v22;
	v22 =	vld.idx.msk [tilespmem:v2+s23+$0xFFFFFFC0 ss:$0x1], $0xffff  }
0x454: {  	v6 =	vmax.f32 v6, v3;
	v20 =	vmin.f32 v8, v7;
	v7 =	vmax.f32 v8, v7;
	v8 =	vld.idx.msk [tilespmem:v2+s23+$0xFFFFFFD0 ss:$0x1], $0xffff  }
0x455: {  	v13 =	vld.idx.msk [tilespmem:v2+s23+$0x10 ss:$0x1], $0xffff;
	v9 =	vmax.f32 v9, v20;
	v11 =	vmin.f32 v12, v4;
	v4 =	vmax.f32 v12, v4  }
0x456: {  	v11 =	vmax.f32 v17, v11;
	v12 =	vmin.f32 v15, v23;
	v3 =	vmax.f32 v15, v23  }
0x457: {  	v14 =	vld.idx.msk [tilespmem:v2+s23+$0x0 ss:$0x1], $0xffff;
	v15 =	vmin.f32 v18, v10;
	v10 =	vmax.f32 v18, v10;
	v17 =	vmax.f32 v3, v21  }
0x458: {  	v18 =	vmin.f32 v4, v22;
	v4 =	vmax.f32 v4, v22;
	v19 =	vmax.f32 v10, v16  }
0x459: {  	v11 =	vmax.f32 v11, v18;
	v18 =	vmin.f32 v7, v8;
	v7 =	vmax.f32 v7, v8  }
0x45a: {  	v5 =	vmax.f32 v5, v15;
	v8 =	vmax.f32 v9, v18;
	v9 =	vmin.f32 v7, v13  }
0x45b: {  	v7 =	vmax.f32 v7, v13;
	v8 =	vmax.f32 v8, v9;
	v9 =	vmin.f32 v10, v16  }
0x45c: {  	v10 =	vmin.f32 v4, v14;
	v4 =	vmax.f32 v4, v14;
	v5 =	vmax.f32 v5, v9  }
0x45d: {  	s23 =	sshll.u32 s21, $0x7;
	v9 =	vmin.f32 v3, v21;
	v3 =	vmax.f32 v11, v10;
	vm3 =	vge.f32 v4, v7  }
0x45e: {  	v10 =	vmax.f32 v4, v7;
	v4 =	vmin.f32 v4, v7;
	v7 =	vsel vm3, v3, v8;
	v3 =	vld [tilespmem:s23+$0x13800]  }
0x45f: {  	v6 =	vmax.f32 v6, v12;
	vm3 =	vge.f32 v10, v19;
	v4 =	vmax.f32 v4, v7;
	v7 =	vld [tilespmem:s23+$0x13C00]  }
0x460: {  	v8 =	vmax.f32 v10, v19;
	v10 =	vmin.f32 v10, v19;
	v4 =	vsel vm3, v4, v5  }
0x461: {  	v5 =	vmax.f32 v6, v9;
	vm3 =	vge.f32 v8, v17;
	v4 =	vmax.f32 v10, v4  }
0x462: {  	v6 =	vmax.f32 v8, v17;
	v8 =	vmin.f32 v8, v17;
	v4 =	vsel vm3, v4, v5  }
0x463: {  	v5 =	vmax.f32 v8, v4;
	vm3 =	vge.f32 v3, v6  }
0x464: {  	v4 =	vmax.f32 v3, v6;
	v6 =	vmin.f32 v3, v6;
	v5 =	vsel vm3, v7, v5  }
0x465: {  	[tilespmem:s23+$0x13800] =	vst v4;
	v5 =	vmax.f32 v6, v5  }
0x466: {  	s29 =	simm.s32 $0x0;
	[tilespmem:s23+$0x13C00] =	vst v5  }
0x467: {  	v5 =	vld.idx.msk [tilespmem:v2+s29+$0x0 ss:$0x1], $0xffff  }
0x468: {  	v6 =	vld.idx.msk [tilespmem:v2+s29+$0x10 ss:$0x1], $0xffff  }
0x469: {  	v7 =	vld.idx.msk [tilespmem:v2+s29+$0xFFFFFFC0 ss:$0x1], $0xffff  }
0x46a: {  	v8 =	vld.idx.msk [tilespmem:v2+s29+$0xFFFFFFD0 ss:$0x1], $0xffff  }
0x46b: {  	v9 =	vld.idx.msk [tilespmem:v2+s29+$0xFFFFFFE0 ss:$0x1], $0xffff  }
0x46c: {  	v10 =	vld.idx.msk [tilespmem:v2+s29+$0xFFFFFFF0 ss:$0x1], $0xffff  }
0x46d: {  	v11 =	vld.idx.msk [tilespmem:v2+s29+$0x20 ss:$0x1], $0xffff;
	v5 =	vsub.f32 v5, v4  }
0x46e: {  	v12 =	vld.idx.msk [tilespmem:v2+s29+$0x30 ss:$0x1], $0xffff;
	v6 =	vsub.f32 v6, v4;
	v7 =	vsub.f32 v7, v4  }
0x46f: {  	s30 =	simm.s32 $0x400;
	v8 =	vsub.f32 v8, v4;
	v5 =	vmul.f32 $1.442695020e+00, v5  }
0x470: {  	v13 =	vld.idx.msk [tilespmem:v2+s30+$0x0 ss:$0x1], $0xffff;
	v9 =	vsub.f32 v9, v4;
	v6 =	vmul.f32 $1.442695020e+00, v6;
	v7 =	vmul.f32 $1.442695020e+00, v7  }
0x471: {  	v14 =	vld.idx.msk [tilespmem:v2+s30+$0x10 ss:$0x1], $0xffff;
	v8 =	vmul.f32 $1.442695020e+00, v8;
	(erf) = vpow2.f32 v5  }
0x472: {  	v10 =	vsub.f32 v10, v4;
	v9 =	vmul.f32 $1.442695020e+00, v9;
	v5 =	vld.idx.msk [tilespmem:v2+s30+$0x20 ss:$0x1], $0xffff;
	(erf) = vpow2.f32 v6  }
0x473: {  	v6 =	vsub.f32 v11, v4;
	(erf) = vpow2.f32 v7;
	v7 =	vsub.f32 v12, v4;
	v12 =	vld.idx.msk [tilespmem:v2+s30+$0xFFFFFFC0 ss:$0x1], $0xffff  }
0x474: {  	v15 =	vld.idx.msk [tilespmem:v2+s30+$0xFFFFFFE0 ss:$0x1], $0xffff;
	v10 =	vmul.f32 $1.442695020e+00, v10;
	(erf) = vpow2.f32 v8  }
0x475: {  	v6 =	vmul.f32 $1.442695020e+00, v6;
	v8 =	vld.idx.msk [tilespmem:v2+s30+$0xFFFFFFD0 ss:$0x1], $0xffff;
	(erf) = vpow2.f32 v9  }
0x476: {  	v11 =	vld.idx.msk [tilespmem:v2+s30+$0x30 ss:$0x1], $0xffff;
	v7 =	vmul.f32 $1.442695020e+00, v7;
	v9 =	vsub.f32 v13, v4;
	(erf) = vpow2.f32 v10  }
0x477: {  	v10 =	vld.idx.msk [tilespmem:v2+s30+$0xFFFFFFF0 ss:$0x1], $0xffff;
	v13 =	vsub.f32 v5, v4;
	(erf) = vpow2.f32 v6;
	v6 =	vsub.f32 v14, v4  }
0x478: {  	s31 =	simm.s32 $0x800;
	v14 =	vmul.f32 $1.442695020e+00, v9;
	(erf) = vpow2.f32 v7;
	v12 =	vsub.f32 v12, v4  }
0x479: {  	v15 =	vsub.f32 v15, v4;
	v7 =	vld.idx.msk [tilespmem:v2+s31+$0x0 ss:$0x1], $0xffff;
	v6 =	vmul.f32 $1.442695020e+00, v6  }
0x47a: {  	v19 =	vld.idx.msk [tilespmem:v2+s31+$0xFFFFFFE0 ss:$0x1], $0xffff;
	v9 =	vmul.f32 $1.442695020e+00, v13;
	v17 =	vsub.f32 v8, v4;
	v21 =	vpop (erf);
	v13 =	vmul.f32 $1.442695020e+00, v12  }
0x47b: {  	v23 =	vmul.f32 $1.442695020e+00, v15;
	v15 =	vld.idx.msk [tilespmem:v2+s31+$0xFFFFFFC0 ss:$0x1], $0xffff;
	v16 =	vsub.f32 v11, v4;
	v22 =	vpop (erf)  }
0x47c: {  	v5 =	vld [tilespmem:s23+$0x14000];
	(erf) = vpow2.f32 v14;
	v17 =	vmul.f32 $1.442695020e+00, v17;
	v18 =	vsub.f32 v10, v4;
	v14 =	vpop (erf)  }
0x47d: {  	v20 =	vimm.f32 $0.0e+00;
	v11 =	vld.idx.msk [tilespmem:v2+s31+$0x10 ss:$0x1], $0xffff;
	v12 =	vmul.f32 $1.442695020e+00, v16;
	(erf) = vpow2.f32 v6;
	v6 =	vpop (erf)  }
0x47e: {  	v8 =	vld.idx.msk [tilespmem:v2+s31+$0x20 ss:$0x1], $0xffff;
	v16 =	vsub.f32 v7, v4;
	v7 =	vmul.f32 $1.442695020e+00, v18;
	(erf) = vpow2.f32 v13;
	v13 =	vpop (erf)  }
0x47f: {  	v10 =	vld.idx.msk [tilespmem:v2+s31+$0x30 ss:$0x1], $0xffff;
	v24 =	vadd.f32 v14, v20;
	(erf) = vpow2.f32 v17;
	v25 =	vadd.f32 v6, v20;
	v6 =	vpop (erf)  }
0x480: {  	v18 =	vld.idx.msk [tilespmem:v2+s31+$0xFFFFFFD0 ss:$0x1], $0xffff;
	(erf) = vpow2.f32 v23;
	v13 =	vadd.f32 v13, v20;
	v14 =	vadd.f32 v6, v20;
	v17 =	vpop (erf)  }
0x481: {  	s24 =	simm.s32 $0x3000;
	v20 =	vld.idx.msk [tilespmem:v2+s31+$0xFFFFFFF0 ss:$0x1], $0xffff;
	(erf) = vpow2.f32 v7;
	v6 =	vadd.f32 v21, v24;
	v7 =	vadd.f32 v22, v25;
	v21 =	vpop (erf)  }
.LBB2_59:
0x482: {  	s25 =	sshra.s32 s24, $0x2;
	p0 =	sne.s32 s24, $0x26000;
	(erf) = vpow2.f32 v9;
	v13 =	vadd.f32 v17, v13;
	v14 =	vadd.f32 v21, v14  }
0x483: {  	v9 =	vsub.f32 v11, v4;
	v8 =	vsub.f32 v8, v4;
	v17 =	vld.idx.msk [tilespmem:v2+s25+$0x0 ss:$0x1], $0xffff;
	(erf) = vpow2.f32 v12  }
0x484: {  	v10 =	vsub.f32 v10, v4;
	v12 =	vsub.f32 v15, v4;
	v15 =	vmul.f32 $1.442695020e+00, v16  }
0x485: {  	v16 =	vsub.f32 v18, v4;
	v18 =	vmul.f32 $1.442695020e+00, v9;
	v9 =	vmul.f32 $1.442695020e+00, v8;
	v21 =	vpop (erf)  }
0x486: {  	v22 =	vmul.f32 $1.442695020e+00, v12;
	v27 =	vsub.f32 v19, v4;
	v12 =	vmul.f32 $1.442695020e+00, v10;
	v11 =	vld.idx.msk [tilespmem:v2+s25+$0x10 ss:$0x1], $0xffff;
	v23 =	vpop (erf)  }
0x487: {  	v24 =	vmul.f32 $1.442695020e+00, v16;
	v28 =	vsub.f32 v20, v4;
	v8 =	vld.idx.msk [tilespmem:v2+s25+$0x20 ss:$0x1], $0xffff;
	(erf) = vpow2.f32 v15;
	v25 =	vpop (erf)  }
.Ltmp28:
0x488: {  	v26 =	vmul.f32 $1.442695020e+00, v27;
	v10 =	vld.idx.msk [tilespmem:v2+s25+$0x30 ss:$0x1], $0xffff;
	(erf) = vpow2.f32 v18;
	v19 =	vpop (erf);
	(pc) =	sbr.rel @p0 .LBB2_59-.Ltmp28, $4  }
0x489: {  	v16 =	vsub.f32 v17, v4;
	v27 =	vmul.f32 $1.442695020e+00, v28;
	v15 =	vld.idx.msk [tilespmem:v2+s25+$0xFFFFFFC0 ss:$0x1], $0xffff;
	(erf) = vpow2.f32 v22;
	v17 =	vpop (erf)  }
0x48a: {  	v6 =	vadd.f32 v25, v6;
	v7 =	vadd.f32 v19, v7;
	v18 =	vld.idx.msk [tilespmem:v2+s25+$0xFFFFFFD0 ss:$0x1], $0xffff;
	(erf) = vpow2.f32 v24;
	v20 =	vpop (erf)  }
0x48b: {  	v13 =	vadd.f32 v17, v13;
	v19 =	vld.idx.msk [tilespmem:v2+s25+$0xFFFFFFE0 ss:$0x1], $0xffff;
	(erf) = vpow2.f32 v26;
	v14 =	vadd.f32 v20, v14;
	v17 =	vpop (erf)  }
0x48c: {  	s24 =	sadd.s32 $0x1000, s24;
	v6 =	vadd.f32 v21, v6;
	v7 =	vadd.f32 v23, v7;
	v20 =	vld.idx.msk [tilespmem:v2+s25+$0xFFFFFFF0 ss:$0x1], $0xffff;
	(erf) = vpow2.f32 v27;
	v21 =	vpop (erf)  }
0x48d: {  	v2 =	vsub.f32 v11, v4  }
0x48e: {  	(erf) = vpow2.f32 v9;
	v41 =	vmul.f32 $1.442695020e+00, v16;
	v40 =	vsub.f32 v15, v4  }
0x48f: {  	(erf) = vpow2.f32 v12;
	v42 =	vsub.f32 v18, v4;
	v2 =	vmul.f32 $1.442695020e+00, v2  }
0x490: {  	(erf) = vpow2.f32 v41;
	v9 =	vmul.f32 $1.442695020e+00, v40;
	v43 =	vsub.f32 v19, v4  }
0x491: {  	v44 =	vpop (erf);
	v12 =	vmul.f32 $1.442695020e+00, v42;
	v45 =	vsub.f32 v20, v4;
	(erf) = vpow2.f32 v2  }
0x492: {  	v2 =	vsub.f32 v8, v4;
	v46 =	vpop (erf);
	v15 =	vmul.f32 $1.442695020e+00, v43;
	(erf) = vpow2.f32 v9  }
0x493: {  	v47 =	vsub.f32 v10, v4;
	v48 =	vpop (erf);
	v16 =	vmul.f32 $1.442695020e+00, v45;
	(erf) = vpow2.f32 v12  }
0x494: {  	v3 =	vsub.f32 v3, v4;
	v2 =	vmul.f32 $1.442695020e+00, v2;
	v49 =	vpop (erf);
	(erf) = vpow2.f32 v15  }
0x495: {  	v50 =	vmul.f32 $1.442695020e+00, v47;
	v51 =	vpop (erf);
	(erf) = vpow2.f32 v16  }
0x496: {  	v52 =	vpop (erf);
	(erf) = vpow2.f32 v2;
	v2 =	vmul.f32 $1.442695020e+00, v3;
	_ =	sdelay $0x1  }
0x497: {  	v3 =	vpop (erf);
	(erf) = vpow2.f32 v50  }
0x498: {  	v53 =	vpop (erf);
	(erf) = vpow2.f32 v2  }
0x499: {  	v13 =	vadd.f32 v17, v13;
	v6 =	vadd.f32 v48, v6;
	v2 =	vpop (erf)  }
0x49a: {  	v14 =	vadd.f32 v21, v14;
	v7 =	vadd.f32 v49, v7;
	v54 =	vpop (erf)  }
0x49b: {  	v9 =	vadd.f32 v51, v13;
	v6 =	vadd.f32 v44, v6;
	v56 =	vpop (erf)  }
0x49c: {  	v55 =	vadd.f32 v52, v14;
	v7 =	vadd.f32 v46, v7;
	v57 =	vpop (erf)  }
0x49d: {  	v3 =	vadd.f32 v3, v9;
	v6 =	vadd.f32 v56, v6;
	v58 =	vpop (erf)  }
0x49e: {  	v4 =	vadd.f32 v53, v55;
	v7 =	vadd.f32 v57, v7;
	v59 =	vpop (erf)  }
0x49f: {  	v3 =	vadd.f32 v58, v3;
	v2 =	vadd.f32 v2, v6;
	v60 =	vpop (erf)  }
0x4a0: {  	v4 =	vadd.f32 v59, v4;
	v61 =	vadd.f32 v54, v7;
	v62 =	vpop (erf)  }
0x4a1: {  	v3 =	vadd.f32 v60, v3;
	v63 =	vpop (erf)  }
0x4a2: {  	s21 =	sadd.s32 $0x1, s21;
	v4 =	vadd.f32 v62, v4;
	v2 =	vadd.f32 v61, v2;
	v5 =	vmul.f32 v63, v5  }
0x4a3: {  	p0 =	sne.s32 s21, $0x8  }
.Ltmp29:
0x4a4: {  	v3 =	vadd.f32 v4, v3;
	v2 =	vadd.f32 v2, v5;
	(pc) =	sbr.rel @p0 .LBB2_56-.Ltmp29, $3  }
0x4a5: {  	_ = 	snop  }
0x4a6: {  	v2 =	vadd.f32 v3, v2;
	_ =	sdelay $0x1  }
0x4a7: {  	s22 =	sadd.s32 $0x80, s22;
	[tilespmem:s23+$0x14000] =	vst v2  }
0x4a8: {  	s26 =	simm.s32 $0x0  }
0x4a9: {  	v2 =	vld [tilespmem:s26+$0x13800];
	_ =	sdelay $0x3  }
0x4aa: {  	s24 =	simm.s32 $0x80  }
0x4ab: {  	v3 =	vld [tilespmem:s24+$0x13800];
	(xrf0) =	vmax.scan.msk.f32 $0xffff, v2;
	_ =	sdelay $0x4  }
0x4ac: {  	(xrf0) =	vmax.scan.msk.f32 $0xffff, v3  }
0x4ad: {  	v4, _, _ =	vpop (xrf0)  }
0x4ae: {  	v5 =	vbroadcast v4, $0xF  }
0x4af: {  	v6 =	vld [tilespmem:s26+$0x13C00]  }
0x4b0: {  	s21 =	simm.s32 $0x100;
	v4 =	vsub.f32 v2, v5  }
0x4b1: {  	v7 =	vld [tilespmem:s21+$0x13800]  }
0x4b2: {  	v8, _, _ =	vpop (xrf0);
	v9 =	vmul.f32 $1.442695020e+00, v4  }
0x4b3: {  	vm3 =	veq.f32 v2, v5;
	v4 =	vbroadcast v8, $0xF;
	v8 =	vld [tilespmem:s24+$0x13C00]  }
0x4b4: {  	(xrf0) =	vmax.scan.msk.f32 $0xffff, v6;
	v2 =	vsel vm3, $0xF149F2CA, v2;
	(erf) = vpow2.f32 v9  }
0x4b5: {  	(xrf0) =	vmax.scan.msk.f32 $0xffff, v2  }
0x4b6: {  	s22 =	simm.s32 $0x180;
	(xrf0) =	vmax.scan.msk.f32 $0xffff, v7;
	v6 =	vsub.f32 v3, v4  }
0x4b7: {  	v9 =	vld [tilespmem:s22+$0x13800];
	vm4 =	veq.f32 v3, v4  }
0x4b8: {  	v3 =	vsel vm4, $0xF149F2CA, v3;
	v2 =	vmul.f32 $1.442695020e+00, v6;
	(xrf0) =	vmax.scan.msk.f32 $0xffff, v8;
	v8 =	vld [tilespmem:s26+$0x14000]  }
0x4b9: {  	(xrf0) =	vmax.scan.msk.f32 $0xffff, v3;
	v3 =	vld [tilespmem:s21+$0x13C00]  }
0x4ba: {  	v10, _, _ =	vpop (xrf0)  }
0x4bb: {  	(v2sf) =	vpush v10, $0xF;
	(erf) = vpow2.f32 v2;
	v11, _, _ =	vpop (xrf0)  }
0x4bc: {  	(v2sf) =	vpush v11, $0xF;
	v2, _, _ =	vpop (xrf0)  }
0x4bd: {  	(xrf0) =	vmax.scan.msk.f32 $0xffff, v9;
	v12 =	vpop (erf)  }
0x4be: {  	v2 =	vbroadcast v2, $0xF;
	(xrf0) =	vmax.scan.msk.f32 $0xffff, v3;
	v3 =	vmul.f32 v12, v8;
	_ =	sdelay $0x1  }
0x4bf: {  	s23 =	simm.s32 $0x200;
	v13 =	vld [tilespmem:s24+$0x14000];
	v14, _, _ =	vpop (xrf0);
	v8 =	vsub.f32 v7, v2;
	(xrf2) =	vadd.scan.msk.f32 $0xffff, v3  }
0x4c0: {  	v6 =	vld [tilespmem:s23+$0x13800];
	v12, _, _ =	vpop (xrf0);
	(v2sf) =	vpush v14, $0xF  }
0x4c1: {  	(v2sf) =	vpush v12, $0xF;
	v8 =	vmul.f32 $1.442695020e+00, v8  }
0x4c2: {  	vm5 =	veq.f32 v7, v2  }
0x4c3: {  	v3 =	vsel vm5, $0xF149F2CA, v7;
	v7 =	vpop (erf);
	(erf) = vpow2.f32 v8  }
0x4c4: {  	v11, _, _ =	vpop (xrf0);
	(xrf0) =	vmax.scan.msk.f32 $0xffff, v3;
	v13 =	vmul.f32 v7, v13  }
0x4c5: {  	v10 =	vld [tilespmem:s22+$0x13C00];
	v3 =	vbroadcast v11, $0xF;
	(xrf0) =	vmax.scan.msk.f32 $0xffff, v6  }
0x4c6: {  	vm3 =	vmmov vm3;
	(xrf2) =	vadd.scan.msk.f32 $0xffff, v13  }
0x4c7: {  	s25 =	simm.s32 $0x280;
	vm3 =	vmmov vm3;
	vm4 =	vmmov vm4;
	v7 =	vld [tilespmem:s21+$0x14000];
	v11 =	vsub.f32 v9, v3  }
0x4c8: {  	s28 =	simm.s32 $0xC00;
	vm6 =	vmmov vm3;
	vm4 =	vmmov vm4;
	vm3 =	vmmov vm5;
	v8 =	vld [tilespmem:s25+$0x13800];
	v12, _, _ =	vpop (xrf0)  }
.LBB2_62:
0x4c9: {  	p0 =	sne.s32 s28, $0xE00;
	vm5 =	veq.f32 v9, v3;
	v15 =	vmul.f32 $1.442695020e+00, v11;
	v13 =	vmpcnt.ones.xlane vm6;
	s29 =	spop (v2sf);
	v14, _, _ =	vpop (xrf2);
	s30 =	smov.u32 s23  }
0x4ca: {  	s23 =	smov.u32 s25;
	v16 =	vsel vm5, $0xF149F2CA, v9;
	(xrf0) =	vmax.scan.msk.f32 $0xffff, v10;
	v10, _, _ =	vpop (xrf0);
	(v2sf) =	vpush v12, $0xF;
	v12 =	vbroadcast v14, $0xF;
	s31 =	spop (v2sf)  }
0x4cb: {  	v14, _, _ =	vpop (xrf0);
	(erf) = vpow2.f32 v15;
	(v2sf) =	vpush v10, $0xF;
	vm6 =	vgt.s32 v13, $0x1;
	s25 =	smax.f32 s31, s29  }
.Ltmp30:
0x4cc: {  	v9 =	vmov v6;
	(xrf0) =	vmax.scan.msk.f32 $0xffff, v16;
	v11 =	vpop (erf);
	v13 =	vnsel vm6, s25, v5;
	v12 =	vnsel vm0, $0x0, v12;
	(pc) =	sbr.rel @p0 .LBB2_62-.Ltmp30, $4  }
0x4cd: {  	v14 =	vbroadcast v14, $0xF;
	(xrf0) =	vmax.scan.msk.f32 $0xffff, v8;
	v10 =	vld [tilespmem:s30+$0x13C00];
	v15 =	vmul.f32 v11, v7;
	v7 =	vsel vm1, v12, v13;
	v6 =	vmovc v8  }
0x4ce: {  	vm6 =	vmmov vm4;
	v8 =	vsel vm2, v7, v5;
	v5 =	vmovc v4;
	v4 =	vmovc v2;
	v2 =	vmov v3  }
0x4cf: {  	s25 =	sshra.s32 s28, $0x2;
	vm4 =	vmmov vm3;
	v11 =	vsub.f32 v9, v14;
	v3 =	vmovc v14;
	v7 =	vld [tilespmem:s22+$0x14000];
	(xrf2) =	vadd.scan.msk.f32 $0xffff, v15;
	[tilespmem:s26+$0x14400] =	vst v8;
	s26 =	smov.u32 s24;
	s24 =	smov.u32 s21  }
0x4d0: {  	s28 =	sadd.s32 $0x200, s28;
	vm3 =	vmmov vm5;
	s21 =	smov.u32 s22;
	s22 =	smov.u32 s30;
	v8 =	vld [tilespmem:s25+$0x13800];
	v12, _, _ =	vpop (xrf0)  }
0x4d1: {  	_ = 	snop  }
0x4d2: {  	vm5 =	veq.f32 v9, v3  }
0x4d3: {  	v9 =	vsel vm5, $0xF149F2CA, v9;
	(xrf0) =	vmax.scan.msk.f32 $0xffff, v10  }
0x4d4: {  	(xrf0) =	vmax.scan.msk.f32 $0xffff, v9  }
0x4d5: {  	(xrf0) =	vmax.scan.msk.f32 $0xffff, v8  }
0x4d6: {  	v29 =	vmpcnt.ones.xlane vm6;
	s28 =	spop (v2sf);
	v30, _, _ =	vpop (xrf2)  }
0x4d7: {  	v13, _, _ =	vpop (xrf0);
	v10 =	vbroadcast v30, $0xF;
	s29 =	spop (v2sf)  }
0x4d8: {  	v14, _, _ =	vpop (xrf0);
	vm6 =	vgt.s32 v29, $0x1;
	s28 =	smax.f32 s29, s28  }
0x4d9: {  	v9 =	vnsel vm6, s28, v5;
	v10 =	vnsel vm0, $0x0, v10;
	v15, _, _ =	vpop (xrf0)  }
0x4da: {  	v16 =	vld [tilespmem:s23+$0x13C00];
	v9 =	vsel vm1, v10, v9;
	v31, _, _ =	vpop (xrf0)  }
0x4db: {  	v11 =	vmul.f32 $1.442695020e+00, v11;
	v14 =	vbroadcast v14, $0xF;
	v32 =	vsel vm2, v9, v5;
	v17, _, _ =	vpop (xrf0)  }
0x4dc: {  	v33 =	vld [tilespmem:s22+$0x14000];
	[tilespmem:s26+$0x14400] =	vst v32;
	v34 =	vbroadcast v17, $0xF  }
0x4dd: {  	(erf) = vpow2.f32 v11;
	v35 =	vsub.f32 v6, v14;
	v36 =	vld [tilespmem:s25+$0x13C00]  }
0x4de: {  	(v2sf) =	vpush v12, $0xF;
	vm10 =	vmmov vm4;
	v37 =	vsub.f32 v8, v34  }
0x4df: {  	v38 =	vmpcnt.ones.xlane vm10;
	vm11 =	veq.f32 v6, v14;
	(xrf0) =	vmax.scan.msk.f32 $0xffff, v16;
	v11 =	vmul.f32 $1.442695020e+00, v35  }
0x4e0: {  	(v2sf) =	vpush v13, $0xF;
	v6 =	vsel vm11, $0xF149F2CA, v6;
	s31 =	spop (v2sf);
	v39, _, _ =	vpop (xrf2);
	v13 =	vmul.f32 $1.442695020e+00, v37  }
0x4e1: {  	(xrf0) =	vmax.scan.msk.f32 $0xffff, v6;
	(erf) = vpow2.f32 v11;
	v40 =	vbroadcast v39, $0xF;
	s29 =	spop (v2sf);
	vm12 =	veq.f32 v8, v34  }
0x4e2: {  	v41 =	vpop (erf);
	vm7 =	vgt.s32 v38, $0x1;
	s26 =	smax.f32 s29, s31;
	(xrf0) =	vmax.scan.msk.f32 $0xffff, v36;
	v8 =	vsel vm12, $0xF149F2CA, v8;
	(erf) = vpow2.f32 v13  }
0x4e3: {  	v42 =	vnsel vm7, s26, v4;
	v6 =	vnsel vm0, $0x0, v40;
	(xrf0) =	vmax.scan.msk.f32 $0xffff, v8  }
0x4e4: {  	v6 =	vsel vm1, v6, v42  }
0x4e5: {  	(v2sf) =	vpush v15, $0xF;
	v43, _, _ =	vpop (xrf0);
	v44 =	vsel vm2, v6, v4  }
0x4e6: {  	v45 =	vld [tilespmem:s23+$0x14000];
	(v2sf) =	vpush v31, $0xF;
	v46 =	vpop (erf);
	[tilespmem:s24+$0x14400] =	vst v44  }
0x4e7: {  	v7 =	vmul.f32 v41, v7;
	(v2sf) =	vpush v43, $0xF;
	v47, _, _ =	vpop (xrf0);
	v48 =	vld [tilespmem:s25+$0x14000]  }
0x4e8: {  	(v2sf) =	vpush v47, $0xF;
	v49, _, _ =	vpop (xrf0)  }
0x4e9: {  	(xrf2) =	vadd.scan.msk.f32 $0xffff, v7;
	v7 =	vmul.f32 v46, v33;
	(v2sf) =	vpush v49, $0xF;
	v50, _, _ =	vpop (xrf0)  }
0x4ea: {  	v51 =	vpop (erf);
	(v2sf) =	vpush v50, $0xF  }
0x4eb: {  	(xrf2) =	vadd.scan.msk.f32 $0xffff, v7;
	v4 =	vmul.f32 v51, v45;
	v52 =	vpop (erf)  }
0x4ec: {  	v6 =	vmul.f32 v52, v48  }
0x4ed: {  	vm3 =	vmmov vm3;
	(xrf2) =	vadd.scan.msk.f32 $0xffff, v4  }
0x4ee: {  	vm3 =	vmmov vm3;
	(xrf2) =	vadd.scan.msk.f32 $0xffff, v6  }
0x4ef: {  	v54 =	vmpcnt.ones.xlane vm3;
	vm3 =	vmmov vm5  }
0x4f0: {  	vm3 =	vmmov vm3  }
0x4f1: {  	vm3 =	vmmov vm3;
	vm4 =	vmmov vm11  }
0x4f2: {  	v55 =	vmpcnt.ones.xlane vm3;
	vm3 =	vmmov vm4;
	vm14 =	vmmov vm12;
	s30 =	spop (v2sf)  }
0x4f3: {  	vm3 =	vmmov vm3;
	vm4 =	vmmov vm14;
	v53, _, _ =	vpop (xrf2);
	s31 =	spop (v2sf)  }
0x4f4: {  	v57 =	vmpcnt.ones.xlane vm3;
	vm3 =	vmmov vm4;
	v4 =	vbroadcast v53, $0xF;
	s28 =	spop (v2sf)  }
0x4f5: {  	vm13 =	vgt.s32 v54, $0x1;
	vm15 =	vgt.s32 v55, $0x1;
	v60 =	vmpcnt.ones.xlane vm3;
	s24 =	smax.f32 s31, s30;
	v7, _, _ =	vpop (xrf2);
	s29 =	spop (v2sf)  }
0x4f6: {  	v4 =	vnsel vm0, $0x0, v4;
	v56 =	vbroadcast v7, $0xF;
	s30 =	spop (v2sf);
	v6 =	vnsel vm13, s24, v2;
	s24 =	smax.f32 s29, s28  }
0x4f7: {  	vm3 =	vgt.s32 v57, $0x1;
	s31 =	spop (v2sf);
	v4 =	vsel vm1, v4, v6;
	v6 =	vnsel vm15, s24, v3;
	v58, _, _ =	vpop (xrf2)  }
0x4f8: {  	s24 =	smax.f32 s31, s30;
	v2 =	vsel vm2, v4, v2;
	v4 =	vnsel vm0, $0x0, v56;
	v59 =	vbroadcast v58, $0xF;
	s29 =	spop (v2sf);
	v61, _, _ =	vpop (xrf2)  }
0x4f9: {  	v7 =	vnsel vm3, s24, v14;
	v4 =	vsel vm1, v4, v6;
	s30 =	spop (v2sf);
	v62 =	vbroadcast v61, $0xF  }
0x4fa: {  	vm3 =	vgt.s32 v60, $0x1;
	v3 =	vsel vm2, v4, v3;
	v6 =	vnsel vm0, $0x0, v59;
	s31 =	smax.f32 s30, s29  }
0x4fb: {  	[tilespmem:s21+$0x14400] =	vst v2;
	v2 =	vsel vm1, v6, v7;
	v63 =	vnsel vm3, s31, v34;
	v4 =	vnsel vm0, $0x0, v62  }
0x4fc: {  	s20 =	sadd.s32 $0x1, s20;
	[tilespmem:s22+$0x14400] =	vst v3;
	v2 =	vsel vm2, v2, v14;
	v3 =	vsel vm1, v4, v63  }
0x4fd: {  	p0 =	sne.s32 s20, s15;
	[tilespmem:s23+$0x14400] =	vst v2;
	v2 =	vsel vm2, v3, v34  }
.Ltmp31:
0x4fe: {  	[tilespmem:s25+$0x14400] =	vst v2;
	(pc) =	sbr.rel @p0 .LBB2_1-.Ltmp31, $4  }
0x4ff: {  	[hbm4b:s14+s2] =	stream.linear.scatter [tilespmem:s18], [sflag:$0x3], $0x400, $0x38;
	[tilespmem:$0x14800] =	vst v63  }
0x500: {  	_ =	swait.ge [sflag:s19], $0x400  }
0x501: {  	[sflag:s19] =	ssyncset.done $0x0  }
0x502: {  	[sflag:s19] =	ssyncadd.s32 $0xFFFFFC00  }
0x503: {  	_ =	sfence.sel $0x180000  }
0x504: {  	[bflag:$0x0] =	sbarrier.arrive $0xFFFF  }
0x505: {  	p0 =	sne.s32 s0, $0x0;
	_ =	strace $0x90000047  }
0x506: {  	s0 =	sadd.s32 @!p0 $0x100000, s1;
	[bflag:$0x2] =	sbarrier.arrive $0xFFFF  }
0x507: {  	[sflag:s0] =	ssyncadd.tile.s32 @!p0 $0x1;
	_ =	shalt  }
.Lfunc_end2:
_tile_overlayer_lowered:
.L_overlay_start_2:
0x508: {  	(tag) =	ssettag $0x2  }
0x509: {  	s0 =	rddreg [dreg:$0x0];
	s2 =	stileid.u32  }
0x50a: {  	s1 =	rddreg [dreg:$0x1];
	p0 =	sne.s32 s2, $0x0  }
0x50b: {  	s3 =	rddreg [dreg:$0x2];
	[bflag:$0x3] =	sbarrier.arrive $0xFFFF;
	s2 =	simm.s32 @!p0 $0x1C03  }
0x50c: {  	[timem:s3], [sflag:s2] =	dma.local @!p0 [hbm:s0], s1  }
0x50d: {  	s0 =	simm.s32 @!p0 $0x3  }
0x50e: {  	_ =	swait.ge @!p0 [sflag:s0], s1  }
0x50f: {  	s1 =	ssub.s32 @!p0 $0x0, s1;
	[sflag:s0] =	ssyncset.done @!p0 $0x0  }
0x510: {  	[sflag:s0] =	ssyncadd.s32 @!p0 s1  }
0x511: {  	[bflag:$0x3] =	sbarrier.arrive $0xFFFF  }
0x512: {  	_ =	shalt  }

</sc_bundles>
